<compile_context>
chip_gen: v7x
topology: tpu7x:2x2x1
jax: 0.10.2.dev20260603
libtpu: 0.0.44.dev20260713+nightly
codegen_flags: <defaults>
</compile_context>

<pallas_src>
import functools

import jax
import jax.numpy as jnp
from jax import lax
from jax.experimental import pallas as pl
from jax.experimental.pallas import tpu as pltpu
from jax.experimental.pallas import tpu_sc as plsc

NUM_NEURONS = 8
N_BITS = 10
RAM_SIZE = 1 << N_BITS
TOTAL_BITS = 32

NC = 2
NS = 16
NPC = NUM_NEURONS // NC
QN = NS // NPC
SCTAB = NPC * RAM_SIZE



def _tc_addr_body(w_ref, ctx_ref, out_ref):
    x = ctx_ref[...].astype(jnp.float32)
    y = jnp.dot(w_ref[...], x, preferred_element_type=jnp.float32)
    row = lax.broadcasted_iota(jnp.int32, y.shape, 0)
    out_ref[...] = y.astype(jnp.int32) + row * RAM_SIZE


def _tc_addresses(wt, ctx_t, b_sz, cb):
    grid = (b_sz // cb,)
    return pl.pallas_call(
        _tc_addr_body,
        grid=grid,
        in_specs=[
            pl.BlockSpec((NUM_NEURONS, TOTAL_BITS), lambda i: (0, 0)),
            pl.BlockSpec((TOTAL_BITS, cb), lambda i: (0, i)),
        ],
        out_specs=pl.BlockSpec((NUM_NEURONS, cb), lambda i: (0, i)),
        out_shape=jax.ShapeDtypeStruct((NUM_NEURONS, b_sz), jnp.int32),
    )(wt, ctx_t)



def _sc_fused_kernel(b_sz, win_e):
    chunk = b_sz // QN
    n_win = chunk // win_e
    iters = win_e // 16
    e_mask = b_sz - 1
    e_shift = b_sz.bit_length() - 1
    mesh = plsc.VectorSubcoreMesh(core_axis_name="c", subcore_axis_name="s")

    @functools.partial(
        pl.kernel,
        out_type=jax.ShapeDtypeStruct((NUM_NEURONS, b_sz), jnp.float32),
        mesh=mesh,
        scratch_types=[
            pltpu.VMEM((2, win_e), jnp.int32),
            pltpu.VMEM((2, win_e), jnp.float32),
            pltpu.VMEM((RAM_SIZE,), jnp.int32),
            pltpu.VMEM((QN, 256), jnp.int32),
            pltpu.VMEM((2, 128), jnp.int32),
            pltpu.VMEM((2, 128), jnp.float32),
            pltpu.VMEM((SCTAB,), jnp.float32),
            pltpu.VMEM_SHARED((NS, RAM_SIZE), jnp.int32),
            pltpu.VMEM_SHARED((SCTAB,), jnp.float32),
            pltpu.SemaphoreType.DMA,
            pltpu.SemaphoreType.DMA,
            pltpu.SemaphoreType.DMA,
            pltpu.SemaphoreType.DMA,
            pltpu.SemaphoreType.DMA,
        ],
        compiler_params=pltpu.CompilerParams(needs_layout_passes=False),
    )
    def k(addr_hbm, tvp_hbm, out_hbm,
          awin, owin, tab, tloc, gidx, gval, vtab, stabs, svtab,
          si0, si1, so0, so1, sg):
        c = lax.axis_index("c")
        s = lax.axis_index("s")
        neuron = NPC * c + s // QN
        b0 = (s % QN) * chunk
        ebase = neuron * b_sz + b0
        cell0 = neuron * RAM_SIZE
        io16 = lax.iota(jnp.int32, 16)
        isems = (si0, si1)
        osems = (so0, so1)

        def init(i, cr):
            tab[pl.ds(i * 16, 16)] = jnp.full((16,), -1, jnp.int32)
            return cr

        lax.fori_loop(0, RAM_SIZE // 16, init, 0)

        descs = [None, None]
        descs[0] = pltpu.async_copy(
            addr_hbm.at[neuron, pl.ds(b0, win_e)], awin.at[0], isems[0])
        for w in range(n_win):
            cur = w & 1
            if w + 1 < n_win:
                nxt = (w + 1) & 1
                descs[nxt] = pltpu.async_copy(
                    addr_hbm.at[neuron, pl.ds(b0 + (w + 1) * win_e, win_e)],
                    awin.at[nxt], isems[nxt])
            descs[cur].wait()
            wbase = ebase + w * win_e

            def body(i, cr, wbase=wbase, cur=cur):
                offs = [i * 128 + u * 16 for u in range(8)]
                idxv = [awin[cur, pl.ds(o, 16)] - cell0 for o in offs]
                evs = [wbase + o + io16 for o in offs]
                for u in range(8):
                    plsc.store_scatter(tab, [idxv[u]], evs[u])
                return cr

            lax.fori_loop(0, iters // 8, body, 0)

        pltpu.sync_copy(tab, stabs.at[s])
        plsc.subcore_barrier()

        nl = s // QN
        col0 = (s % QN) * 256
        pltpu.sync_copy(
            stabs.at[pl.ds(nl * QN, QN), pl.ds(col0, 256)], tloc)
        for p in range(2):
            for g in range(8):
                o = p * 128 + g * 16
                m = tloc[0, pl.ds(o, 16)]
                for r in range(1, QN):
                    m = jnp.maximum(m, tloc[r, pl.ds(o, 16)])
                b = m & e_mask
                n = lax.shift_right_logical(m, e_shift)
                f = (lax.shift_right_logical(b, 7) * 1024
                     + n * 128 + (b & 127))
                gidx[p, pl.ds(g * 16, 16)] = jnp.where(m < 0, 0, f)
            pltpu.async_copy(tvp_hbm.at[gidx.at[p]], gval.at[p], sg).wait()
            pltpu.sync_copy(
                gval.at[p],
                svtab.at[pl.ds(nl * RAM_SIZE + col0 + p * 128, 128)])
        plsc.subcore_barrier()

        pltpu.sync_copy(svtab, vtab)
        sc_cell0 = c * SCTAB
        idescs = [None, None]
        odescs = [None, None]
        idescs[0] = pltpu.async_copy(
            addr_hbm.at[neuron, pl.ds(b0, win_e)], awin.at[0], isems[0])
        for w in range(n_win):
            cur = w & 1
            if w + 1 < n_win:
                nxt = (w + 1) & 1
                idescs[nxt] = pltpu.async_copy(
                    addr_hbm.at[neuron, pl.ds(b0 + (w + 1) * win_e, win_e)],
                    awin.at[nxt], isems[nxt])
            idescs[cur].wait()
            if odescs[cur] is not None:
                odescs[cur].wait()

            def body(i, cr, cur=cur):
                offs = [i * 128 + u * 16 for u in range(8)]
                idxv = [awin[cur, pl.ds(o, 16)] - sc_cell0 for o in offs]
                vals = [plsc.load_gather(vtab, [iv]) for iv in idxv]
                for o, v in zip(offs, vals):
                    owin[cur, pl.ds(o, 16)] = v
                return cr

            lax.fori_loop(0, iters // 8, body, 0)
            odescs[cur] = pltpu.async_copy(
                owin.at[cur],
                out_hbm.at[neuron, pl.ds(b0 + w * win_e, win_e)],
                osems[cur])
        for d in odescs:
            if d is not None:
                d.wait()

    return k


def kernel(ctx_bits, mapping, target_vals, ram):
    del ram
    b_sz = ctx_bits.shape[0]

    powers = (1 << jnp.arange(N_BITS, dtype=jnp.int32))
    wt = jnp.sum(
        (mapping[:, :, None] == jnp.arange(TOTAL_BITS, dtype=jnp.int32)[None, None, :])
        * powers[None, :, None],
        axis=1,
    ).astype(jnp.float32)

    addr2 = _tc_addresses(wt, ctx_bits.T, b_sz, 16384)

    tvp = target_vals.reshape(b_sz // 128, 128, NUM_NEURONS)
    tvp = tvp.transpose(0, 2, 1).reshape(-1)

    out2 = _sc_fused_kernel(b_sz, 16384)(addr2, tvp)
    return out2.T

# --- scband reference (transcript-rebuilt; emitter-appended) ---
"""Pipeline reference for scband-backoff-ngram-77283641524452 (READ-ONLY COPY).

The authoritative reference and input builder live on the scoring server;
editing this copy changes nothing except your own understanding.
"""

import jax, jax.numpy as jnp
import numpy as np

B = 524288
NUM_NEURONS = 8
N_BITS = 10
RAM_SIZE = 1 << N_BITS
TOTAL_BITS = 32


def setup_inputs(seed: int = 0) -> dict:
    key = jax.random.key(seed)
    k1, k2, k3 = jax.random.split(key, 3)
    ctx_bits = jax.random.randint(k1, (B, TOTAL_BITS), 0, 2, dtype=jnp.int32)
    mapping = jax.random.randint(k2, (NUM_NEURONS, N_BITS), 0, TOTAL_BITS, dtype=jnp.int32)
    target_vals = jax.random.uniform(k3, (B, NUM_NEURONS), dtype=jnp.float32)
    ram = jnp.zeros((NUM_NEURONS, RAM_SIZE), dtype=jnp.float32)
    return {"ctx_bits": ctx_bits, "mapping": mapping, "target_vals": target_vals, "ram": ram}


def _addresses(ctx_bits, mapping):
    # Each RAM neuron reads n_bits_per_neuron bits of the context encoding
    # (WiSARD-style weightless layer, as used by BackoffNGram's RAMLayer).
    gathered = ctx_bits[:, mapping]  # gather: [B, NUM_NEURONS, N_BITS]
    weights = (1 << jnp.arange(N_BITS, dtype=jnp.int32))
    addr = jnp.sum(gathered * weights, axis=-1)  # [B, NUM_NEURONS], each < RAM_SIZE
    return addr


def reference(ctx_bits, mapping, target_vals, ram):
    # Batched equivalent of BackoffNGram.train_on_text commit (scatter-overwrite
    # of target bits into per-neuron RAM cells addressed by context bits)
    # followed by predict_next lookup (gather from the same addresses).
    addr = _addresses(ctx_bits, mapping)  # [B, NUM_NEURONS]
    neuron_ids = jnp.arange(NUM_NEURONS, dtype=jnp.int32)[None, :]
    flat_idx = (neuron_ids * RAM_SIZE + addr).reshape(-1)  # [B*NUM_NEURONS]
    flat_ram = ram.reshape(-1)
    # commit: scatter-overwrite target values into memory
    flat_ram = flat_ram.at[flat_idx].set(target_vals.reshape(-1))
    # predict: gather back the stored values at the same addresses
    out = flat_ram[flat_idx].reshape(B, NUM_NEURONS)
    return out

if __name__ == "__main__":
    import jax
    _d = setup_inputs()
    print(jax.jit(kernel)(*tuple(_d.values())))

</pallas_src>

<mosaic_0001>
#map = affine_map<(d0, d1) -> (0, 0)>
#map1 = affine_map<(d0, d1) -> (0)>
module attributes {stable_mosaic.version = 14 : i64} {
  func.func @k(%arg0: i32, %arg1: i32, %arg2: memref<8x524288xi32, #tpu.memory_space<hbm>>, %arg3: memref<4194304xf32, #tpu.memory_space<hbm>>, %arg4: memref<8x524288xf32, #tpu.memory_space<hbm>>, %arg5: memref<2x16384xi32, #tpu.memory_space<vmem>>, %arg6: memref<2x16384xf32, #tpu.memory_space<vmem>>, %arg7: memref<1024xi32, #tpu.memory_space<vmem>>, %arg8: memref<4x256xi32, #tpu.memory_space<vmem>>, %arg9: memref<2x128xi32, #tpu.memory_space<vmem>>, %arg10: memref<2x128xf32, #tpu.memory_space<vmem>>, %arg11: memref<4096xf32, #tpu.memory_space<vmem>>, %arg12: memref<16x1024xi32, #tpu.memory_space<vmem_shared>>, %arg13: memref<4096xf32, #tpu.memory_space<vmem_shared>>, %arg14: memref<!tpu.dma_semaphore, #tpu.memory_space<semaphore_mem>>, %arg15: memref<!tpu.dma_semaphore, #tpu.memory_space<semaphore_mem>>, %arg16: memref<!tpu.dma_semaphore, #tpu.memory_space<semaphore_mem>>, %arg17: memref<!tpu.dma_semaphore, #tpu.memory_space<semaphore_mem>>, %arg18: memref<!tpu.dma_semaphore, #tpu.memory_space<semaphore_mem>>) attributes {dimension_semantics = [#tpu.dimension_semantics<core_parallel>, #tpu.dimension_semantics<subcore_parallel>], iteration_bounds = array<i64: 2, 16>, scalar_prefetch = 0 : i64, scratch_operands = 14 : i64, tpu.core_type = #tpu.core_type<sc_vector_subcore>, window_params = [{transform_indices = #map}, {transform_indices = #map1}, {transform_indices = #map}]} {
    %mul3A = arith.constant 4 : i32
    %mul3A_0 = arith.muli %mul3A, %arg0 : i32
    %jit3A = arith.constant 4 : i32
    %div3A = arith.divsi %arg1, %jit3A : i32
    %sign3A = arith.constant 0 : i32
    %sign3A_1 = arith.cmpi sgt, %arg1, %sign3A : i32
    %sign3A_2 = arith.extui %sign3A_1 : i1 to i32
    %sign3A_3 = arith.constant 0 : i32
    %sign3A_4 = arith.cmpi slt, %arg1, %sign3A_3 : i32
    %sign3A_5 = arith.extui %sign3A_4 : i1 to i32
    %sign3A_6 = arith.subi %sign3A_2, %sign3A_5 : i32
    %sign3A_7 = arith.constant 0 : i32
    %sign3A_8 = arith.cmpi sgt, %jit3A, %sign3A_7 : i32
    %sign3A_9 = arith.extui %sign3A_8 : i1 to i32
    %sign3A_10 = arith.constant 0 : i32
    %sign3A_11 = arith.cmpi slt, %jit3A, %sign3A_10 : i32
    %sign3A_12 = arith.extui %sign3A_11 : i1 to i32
    %sign3A_13 = arith.subi %sign3A_9, %sign3A_12 : i32
    %ne3A = arith.cmpi ne, %sign3A_6, %sign3A_13 : i32
    %rem3A = arith.remsi %arg1, %jit3A : i32
    %ne3A_14 = arith.constant 0 : i32
    %ne3A_15 = arith.cmpi ne, %rem3A, %ne3A_14 : i32
    %and3A = arith.andi %ne3A, %ne3A_15 : i1
    %sub3A = arith.constant 1 : i32
    %sub3A_16 = arith.subi %div3A, %sub3A : i32
    %select_n3A = arith.select %and3A, %sub3A_16, %div3A : i32
    %add3A = arith.addi %mul3A_0, %select_n3A : i32
    %jit3A_17 = arith.constant 4 : i32
    %eq3A = arith.constant 0 : i32
    %eq3A_18 = arith.cmpi eq, %jit3A_17, %eq3A : i32
    %jit3A_19 = arith.constant 1 : i32
    %select_n3A_20 = arith.select %eq3A_18, %jit3A_19, %jit3A_17 : i32
    %rem3A_21 = arith.remsi %arg1, %select_n3A_20 : i32
    %ne3A_22 = arith.constant 0 : i32
    %ne3A_23 = arith.cmpi ne, %rem3A_21, %ne3A_22 : i32
    %lt3A = arith.constant 0 : i32
    %lt3A_24 = arith.cmpi slt, %rem3A_21, %lt3A : i32
    %lt3A_25 = arith.constant 0 : i32
    %lt3A_26 = arith.cmpi slt, %select_n3A_20, %lt3A_25 : i32
    %ne3A_27 = arith.xori %lt3A_24, %lt3A_26 : i1
    %and3A_28 = arith.andi %ne3A_27, %ne3A_23 : i1
    %add3A_29 = arith.addi %rem3A_21, %select_n3A_20 : i32
    %select_n3A_30 = arith.select %and3A_28, %add3A_29, %rem3A_21 : i32
    %mul3A_31 = arith.constant 131072 : i32
    %mul3A_32 = arith.muli %select_n3A_30, %mul3A_31 : i32
    %mul3A_33 = arith.constant 524288 : i32
    %mul3A_34 = arith.muli %add3A, %mul3A_33 : i32
    %add3A_35 = arith.addi %mul3A_34, %mul3A_32 : i32
    %mul3A_36 = arith.constant 1024 : i32
    %mul3A_37 = arith.muli %add3A, %mul3A_36 : i32
    %iota3A = tpu.iota {dimensions = array<i32: 0>} : vector<16xi32>
    %scan3A = arith.constant 0 : i32
    %scan3A_38 = arith.constant 0 : i32
    %scan3A_39 = arith.constant 64 : i32
    %scan3A_40 = arith.addi %scan3A_38, %scan3A_39 : i32
    %scan3A_41 = arith.constant 1 : i32
    scf.for %scan3A_1602 = %scan3A_38 to %scan3A_40 step %scan3A_41  : i32 {
      %broadcast_in_dim3A_1603 = arith.constant -1 : i32
      %broadcast_in_dim3A_1604 = vector.broadcast %broadcast_in_dim3A_1603 : i32 to vector<16xi32>
      %mul3A_1605 = arith.constant 16 : i32
      %mul3A_1606 = arith.muli %scan3A_1602, %mul3A_1605 : i32
      %swap3A_1607 = arith.index_cast %mul3A_1606 : i32 to index
      %swap3A_1608 = tpu.vector_load %arg7[%swap3A_1607] {strides = array<i32>} : memref<1024xi32, #tpu.memory_space<vmem>>, vector<16xi32>,
      tpu.vector_store %arg7[%swap3A_1607], %broadcast_in_dim3A_1604 {strides = array<i32>} : memref<1024xi32, #tpu.memory_space<vmem>>, vector<16xi32>,
    }
    %scan3A_42 = arith.constant 64 : i32
    %dma_start3A = arith.constant 0 : i32
    %dma_start3A_43 = arith.constant 0 : i32
    %dma_start3A_44 = tpu.memref_slice %arg5[%dma_start3A, %dma_start3A_43] : memref<2x16384xi32, #tpu.memory_space<vmem>> -> memref<1x16384xi32, #tpu.memory_space<vmem>>
    %dma_start3A_45 = tpu.memref_squeeze %dma_start3A_44 : memref<1x16384xi32, #tpu.memory_space<vmem>> -> memref<16384xi32, #tpu.memory_space<vmem>>
    %dma_start3A_46 = tpu.memref_slice %arg2[%add3A, %mul3A_32] : memref<8x524288xi32, #tpu.memory_space<hbm>> -> memref<1x16384xi32, #tpu.memory_space<hbm>>
    %dma_start3A_47 = tpu.memref_squeeze %dma_start3A_46 : memref<1x16384xi32, #tpu.memory_space<hbm>> -> memref<16384xi32, #tpu.memory_space<hbm>>
    %dma_start3A_48 = arith.constant 0 : i32
    %dma_start3A_49 = tpu.memref_slice %arg5[%dma_start3A, %dma_start3A_48] : memref<2x16384xi32, #tpu.memory_space<vmem>> -> memref<1x16384xi32, #tpu.memory_space<vmem>>
    %dma_start3A_50 = tpu.memref_squeeze %dma_start3A_49 : memref<1x16384xi32, #tpu.memory_space<vmem>> -> memref<16384xi32, #tpu.memory_space<vmem>>
    %dma_start3A_51 = tpu.memref_slice %arg2[%add3A, %mul3A_32] : memref<8x524288xi32, #tpu.memory_space<hbm>> -> memref<1x16384xi32, #tpu.memory_space<hbm>>
    %dma_start3A_52 = tpu.memref_squeeze %dma_start3A_51 : memref<1x16384xi32, #tpu.memory_space<hbm>> -> memref<16384xi32, #tpu.memory_space<hbm>>
    tpu.enqueue_dma source(%dma_start3A_52 : memref<16384xi32, #tpu.memory_space<hbm>>) target(%dma_start3A_50 : memref<16384xi32, #tpu.memory_space<vmem>>) target_semaphore(%arg14 : memref<!tpu.dma_semaphore, #tpu.memory_space<semaphore_mem>>)
    %add3A_53 = arith.constant 16384 : i32
    %add3A_54 = arith.addi %mul3A_32, %add3A_53 : i32
    %dma_start3A_55 = arith.constant 1 : i32
    %dma_start3A_56 = arith.constant 0 : i32
    %dma_start3A_57 = tpu.memref_slice %arg5[%dma_start3A_55, %dma_start3A_56] : memref<2x16384xi32, #tpu.memory_space<vmem>> -> memref<1x16384xi32, #tpu.memory_space<vmem>>
    %dma_start3A_58 = tpu.memref_squeeze %dma_start3A_57 : memref<1x16384xi32, #tpu.memory_space<vmem>> -> memref<16384xi32, #tpu.memory_space<vmem>>
    %dma_start3A_59 = tpu.memref_slice %arg2[%add3A, %add3A_54] : memref<8x524288xi32, #tpu.memory_space<hbm>> -> memref<1x16384xi32, #tpu.memory_space<hbm>>
    %dma_start3A_60 = tpu.memref_squeeze %dma_start3A_59 : memref<1x16384xi32, #tpu.memory_space<hbm>> -> memref<16384xi32, #tpu.memory_space<hbm>>
    %dma_start3A_61 = arith.constant 0 : i32
    %dma_start3A_62 = tpu.memref_slice %arg5[%dma_start3A_55, %dma_start3A_61] : memref<2x16384xi32, #tpu.memory_space<vmem>> -> memref<1x16384xi32, #tpu.memory_space<vmem>>
    %dma_start3A_63 = tpu.memref_squeeze %dma_start3A_62 : memref<1x16384xi32, #tpu.memory_space<vmem>> -> memref<16384xi32, #tpu.memory_space<vmem>>
    %dma_start3A_64 = tpu.memref_slice %arg2[%add3A, %add3A_54] : memref<8x524288xi32, #tpu.memory_space<hbm>> -> memref<1x16384xi32, #tpu.memory_space<hbm>>
    %dma_start3A_65 = tpu.memref_squeeze %dma_start3A_64 : memref<1x16384xi32, #tpu.memory_space<hbm>> -> memref<16384xi32, #tpu.memory_space<hbm>>
    tpu.enqueue_dma source(%dma_start3A_65 : memref<16384xi32, #tpu.memory_space<hbm>>) target(%dma_start3A_63 : memref<16384xi32, #tpu.memory_space<vmem>>) target_semaphore(%arg15 : memref<!tpu.dma_semaphore, #tpu.memory_space<semaphore_mem>>)
    %dma_wait3A = arith.constant 0 : i32
    %dma_wait3A_66 = arith.constant 0 : i32
    %dma_wait3A_67 = tpu.memref_slice %arg5[%dma_wait3A, %dma_wait3A_66] : memref<2x16384xi32, #tpu.memory_space<vmem>> -> memref<1x16384xi32, #tpu.memory_space<vmem>>
    %dma_wait3A_68 = tpu.memref_squeeze %dma_wait3A_67 : memref<1x16384xi32, #tpu.memory_space<vmem>> -> memref<16384xi32, #tpu.memory_space<vmem>>
    %dma_wait3A_69 = tpu.memref_slice %arg2[%add3A, %mul3A_32] : memref<8x524288xi32, #tpu.memory_space<hbm>> -> memref<1x16384xi32, #tpu.memory_space<hbm>>
    %dma_wait3A_70 = tpu.memref_squeeze %dma_wait3A_69 : memref<1x16384xi32, #tpu.memory_space<hbm>> -> memref<16384xi32, #tpu.memory_space<hbm>>
    %dma_wait3A_71 = arith.constant 0 : i32
    %dma_wait3A_72 = tpu.memref_slice %arg5[%dma_wait3A, %dma_wait3A_71] : memref<2x16384xi32, #tpu.memory_space<vmem>> -> memref<1x16384xi32, #tpu.memory_space<vmem>>
    %dma_wait3A_73 = tpu.memref_squeeze %dma_wait3A_72 : memref<1x16384xi32, #tpu.memory_space<vmem>> -> memref<16384xi32, #tpu.memory_space<vmem>>
    %dma_wait3A_74 = tpu.memref_slice %arg2[%add3A, %mul3A_32] : memref<8x524288xi32, #tpu.memory_space<hbm>> -> memref<1x16384xi32, #tpu.memory_space<hbm>>
    %dma_wait3A_75 = tpu.memref_squeeze %dma_wait3A_74 : memref<1x16384xi32, #tpu.memory_space<hbm>> -> memref<16384xi32, #tpu.memory_space<hbm>>
    tpu.wait_dma2 semaphore(%arg14 : memref<!tpu.dma_semaphore, #tpu.memory_space<semaphore_mem>>) src(%dma_wait3A_75 : memref<16384xi32, #tpu.memory_space<hbm>>) dst(%dma_wait3A_73 : memref<16384xi32, #tpu.memory_space<vmem>>)
    %add3A_76 = arith.constant 0 : i32
    %add3A_77 = arith.addi %add3A_35, %add3A_76 : i32
    %scan3A_78 = arith.constant 0 : i32
    %scan3A_79 = arith.constant 0 : i32
    %scan3A_80 = arith.constant 128 : i32
    %scan3A_81 = arith.addi %scan3A_79, %scan3A_80 : i32
    %scan3A_82 = arith.constant 1 : i32
    scf.for %scan3A_1602 = %scan3A_79 to %scan3A_81 step %scan3A_82  : i32 {
      %mul3A_1603 = arith.constant 128 : i32
      %mul3A_1604 = arith.muli %scan3A_1602, %mul3A_1603 : i32
      %add3A_1605 = arith.constant 0 : i32
      %add3A_1606 = arith.addi %mul3A_1604, %add3A_1605 : i32
      %mul3A_1607 = arith.constant 128 : i32
      %mul3A_1608 = arith.muli %scan3A_1602, %mul3A_1607 : i32
      %add3A_1609 = arith.constant 16 : i32
      %add3A_1610 = arith.addi %mul3A_1608, %add3A_1609 : i32
      %mul3A_1611 = arith.constant 128 : i32
      %mul3A_1612 = arith.muli %scan3A_1602, %mul3A_1611 : i32
      %add3A_1613 = arith.constant 32 : i32
      %add3A_1614 = arith.addi %mul3A_1612, %add3A_1613 : i32
      %mul3A_1615 = arith.constant 128 : i32
      %mul3A_1616 = arith.muli %scan3A_1602, %mul3A_1615 : i32
      %add3A_1617 = arith.constant 48 : i32
      %add3A_1618 = arith.addi %mul3A_1616, %add3A_1617 : i32
      %mul3A_1619 = arith.constant 128 : i32
      %mul3A_1620 = arith.muli %scan3A_1602, %mul3A_1619 : i32
      %add3A_1621 = arith.constant 64 : i32
      %add3A_1622 = arith.addi %mul3A_1620, %add3A_1621 : i32
      %mul3A_1623 = arith.constant 128 : i32
      %mul3A_1624 = arith.muli %scan3A_1602, %mul3A_1623 : i32
      %add3A_1625 = arith.constant 80 : i32
      %add3A_1626 = arith.addi %mul3A_1624, %add3A_1625 : i32
      %mul3A_1627 = arith.constant 128 : i32
      %mul3A_1628 = arith.muli %scan3A_1602, %mul3A_1627 : i32
      %add3A_1629 = arith.constant 96 : i32
      %add3A_1630 = arith.addi %mul3A_1628, %add3A_1629 : i32
      %mul3A_1631 = arith.constant 128 : i32
      %mul3A_1632 = arith.muli %scan3A_1602, %mul3A_1631 : i32
      %add3A_1633 = arith.constant 112 : i32
      %add3A_1634 = arith.addi %mul3A_1632, %add3A_1633 : i32
      %get3A_1635 = arith.constant 0 : i32
      %get3A_1636 = arith.index_cast %get3A_1635 : i32 to index
      %get3A_1637 = arith.index_cast %add3A_1606 : i32 to index
      %get3A_1638 = tpu.vector_load %arg5[%get3A_1636, %get3A_1637] {strides = array<i32>} : memref<2x16384xi32, #tpu.memory_space<vmem>>, vector<16xi32>,
      %sub3A_1639 = vector.broadcast %mul3A_37 : i32 to vector<16xi32>
      %sub3A_1640 = arith.subi %get3A_1638, %sub3A_1639 : vector<16xi32>
      %get3A_1641 = arith.constant 0 : i32
      %get3A_1642 = arith.index_cast %get3A_1641 : i32 to index
      %get3A_1643 = arith.index_cast %add3A_1610 : i32 to index
      %get3A_1644 = tpu.vector_load %arg5[%get3A_1642, %get3A_1643] {strides = array<i32>} : memref<2x16384xi32, #tpu.memory_space<vmem>>, vector<16xi32>,
      %sub3A_1645 = vector.broadcast %mul3A_37 : i32 to vector<16xi32>
      %sub3A_1646 = arith.subi %get3A_1644, %sub3A_1645 : vector<16xi32>
      %get3A_1647 = arith.constant 0 : i32
      %get3A_1648 = arith.index_cast %get3A_1647 : i32 to index
      %get3A_1649 = arith.index_cast %add3A_1614 : i32 to index
      %get3A_1650 = tpu.vector_load %arg5[%get3A_1648, %get3A_1649] {strides = array<i32>} : memref<2x16384xi32, #tpu.memory_space<vmem>>, vector<16xi32>,
      %sub3A_1651 = vector.broadcast %mul3A_37 : i32 to vector<16xi32>
      %sub3A_1652 = arith.subi %get3A_1650, %sub3A_1651 : vector<16xi32>
      %get3A_1653 = arith.constant 0 : i32
      %get3A_1654 = arith.index_cast %get3A_1653 : i32 to index
      %get3A_1655 = arith.index_cast %add3A_1618 : i32 to index
      %get3A_1656 = tpu.vector_load %arg5[%get3A_1654, %get3A_1655] {strides = array<i32>} : memref<2x16384xi32, #tpu.memory_space<vmem>>, vector<16xi32>,
      %sub3A_1657 = vector.broadcast %mul3A_37 : i32 to vector<16xi32>
      %sub3A_1658 = arith.subi %get3A_1656, %sub3A_1657 : vector<16xi32>
      %get3A_1659 = arith.constant 0 : i32
      %get3A_1660 = arith.index_cast %get3A_1659 : i32 to index
      %get3A_1661 = arith.index_cast %add3A_1622 : i32 to index
      %get3A_1662 = tpu.vector_load %arg5[%get3A_1660, %get3A_1661] {strides = array<i32>} : memref<2x16384xi32, #tpu.memory_space<vmem>>, vector<16xi32>,
      %sub3A_1663 = vector.broadcast %mul3A_37 : i32 to vector<16xi32>
      %sub3A_1664 = arith.subi %get3A_1662, %sub3A_1663 : vector<16xi32>
      %get3A_1665 = arith.constant 0 : i32
      %get3A_1666 = arith.index_cast %get3A_1665 : i32 to index
      %get3A_1667 = arith.index_cast %add3A_1626 : i32 to index
      %get3A_1668 = tpu.vector_load %arg5[%get3A_1666, %get3A_1667] {strides = array<i32>} : memref<2x16384xi32, #tpu.memory_space<vmem>>, vector<16xi32>,
      %sub3A_1669 = vector.broadcast %mul3A_37 : i32 to vector<16xi32>
      %sub3A_1670 = arith.subi %get3A_1668, %sub3A_1669 : vector<16xi32>
      %get3A_1671 = arith.constant 0 : i32
      %get3A_1672 = arith.index_cast %get3A_1671 : i32 to index
      %get3A_1673 = arith.index_cast %add3A_1630 : i32 to index
      %get3A_1674 = tpu.vector_load %arg5[%get3A_1672, %get3A_1673] {strides = array<i32>} : memref<2x16384xi32, #tpu.memory_space<vmem>>, vector<16xi32>,
      %sub3A_1675 = vector.broadcast %mul3A_37 : i32 to vector<16xi32>
      %sub3A_1676 = arith.subi %get3A_1674, %sub3A_1675 : vector<16xi32>
      %get3A_1677 = arith.constant 0 : i32
      %get3A_1678 = arith.index_cast %get3A_1677 : i32 to index
      %get3A_1679 = arith.index_cast %add3A_1634 : i32 to index
      %get3A_1680 = tpu.vector_load %arg5[%get3A_1678, %get3A_1679] {strides = array<i32>} : memref<2x16384xi32, #tpu.memory_space<vmem>>, vector<16xi32>,
      %sub3A_1681 = vector.broadcast %mul3A_37 : i32 to vector<16xi32>
      %sub3A_1682 = arith.subi %get3A_1680, %sub3A_1681 : vector<16xi32>
      %add3A_1683 = arith.addi %add3A_77, %add3A_1606 : i32
      %add3A_1684 = vector.broadcast %add3A_1683 : i32 to vector<16xi32>
      %add3A_1685 = arith.addi %add3A_1684, %iota3A : vector<16xi32>
      %add3A_1686 = arith.addi %add3A_77, %add3A_1610 : i32
      %add3A_1687 = vector.broadcast %add3A_1686 : i32 to vector<16xi32>
      %add3A_1688 = arith.addi %add3A_1687, %iota3A : vector<16xi32>
      %add3A_1689 = arith.addi %add3A_77, %add3A_1614 : i32
      %add3A_1690 = vector.broadcast %add3A_1689 : i32 to vector<16xi32>
      %add3A_1691 = arith.addi %add3A_1690, %iota3A : vector<16xi32>
      %add3A_1692 = arith.addi %add3A_77, %add3A_1618 : i32
      %add3A_1693 = vector.broadcast %add3A_1692 : i32 to vector<16xi32>
      %add3A_1694 = arith.addi %add3A_1693, %iota3A : vector<16xi32>
      %add3A_1695 = arith.addi %add3A_77, %add3A_1622 : i32
      %add3A_1696 = vector.broadcast %add3A_1695 : i32 to vector<16xi32>
      %add3A_1697 = arith.addi %add3A_1696, %iota3A : vector<16xi32>
      %add3A_1698 = arith.addi %add3A_77, %add3A_1626 : i32
      %add3A_1699 = vector.broadcast %add3A_1698 : i32 to vector<16xi32>
      %add3A_1700 = arith.addi %add3A_1699, %iota3A : vector<16xi32>
      %add3A_1701 = arith.addi %add3A_77, %add3A_1630 : i32
      %add3A_1702 = vector.broadcast %add3A_1701 : i32 to vector<16xi32>
      %add3A_1703 = arith.addi %add3A_1702, %iota3A : vector<16xi32>
      %add3A_1704 = arith.addi %add3A_77, %add3A_1634 : i32
      %add3A_1705 = vector.broadcast %add3A_1704 : i32 to vector<16xi32>
      %add3A_1706 = arith.addi %add3A_1705, %iota3A : vector<16xi32>
      tpu.vector_store_idx %arg7[%sub3A_1640], %add3A_1685 : memref<1024xi32, #tpu.memory_space<vmem>>[vector<16xi32>], vector<16xi32>,
      tpu.vector_store_idx %arg7[%sub3A_1646], %add3A_1688 : memref<1024xi32, #tpu.memory_space<vmem>>[vector<16xi32>], vector<16xi32>,
      tpu.vector_store_idx %arg7[%sub3A_1652], %add3A_1691 : memref<1024xi32, #tpu.memory_space<vmem>>[vector<16xi32>], vector<16xi32>,
      tpu.vector_store_idx %arg7[%sub3A_1658], %add3A_1694 : memref<1024xi32, #tpu.memory_space<vmem>>[vector<16xi32>], vector<16xi32>,
      tpu.vector_store_idx %arg7[%sub3A_1664], %add3A_1697 : memref<1024xi32, #tpu.memory_space<vmem>>[vector<16xi32>], vector<16xi32>,
      tpu.vector_store_idx %arg7[%sub3A_1670], %add3A_1700 : memref<1024xi32, #tpu.memory_space<vmem>>[vector<16xi32>], vector<16xi32>,
      tpu.vector_store_idx %arg7[%sub3A_1676], %add3A_1703 : memref<1024xi32, #tpu.memory_space<vmem>>[vector<16xi32>], vector<16xi32>,
      tpu.vector_store_idx %arg7[%sub3A_1682], %add3A_1706 : memref<1024xi32, #tpu.memory_space<vmem>>[vector<16xi32>], vector<16xi32>,
    }
    %scan3A_83 = arith.constant 128 : i32
    %add3A_84 = arith.constant 32768 : i32
    %add3A_85 = arith.addi %mul3A_32, %add3A_84 : i32
    %dma_start3A_86 = arith.constant 0 : i32
    %dma_start3A_87 = arith.constant 0 : i32
    %dma_start3A_88 = tpu.memref_slice %arg5[%dma_start3A_86, %dma_start3A_87] : memref<2x16384xi32, #tpu.memory_space<vmem>> -> memref<1x16384xi32, #tpu.memory_space<vmem>>
    %dma_start3A_89 = tpu.memref_squeeze %dma_start3A_88 : memref<1x16384xi32, #tpu.memory_space<vmem>> -> memref<16384xi32, #tpu.memory_space<vmem>>
    %dma_start3A_90 = tpu.memref_slice %arg2[%add3A, %add3A_85] : memref<8x524288xi32, #tpu.memory_space<hbm>> -> memref<1x16384xi32, #tpu.memory_space<hbm>>
    %dma_start3A_91 = tpu.memref_squeeze %dma_start3A_90 : memref<1x16384xi32, #tpu.memory_space<hbm>> -> memref<16384xi32, #tpu.memory_space<hbm>>
    %dma_start3A_92 = arith.constant 0 : i32
    %dma_start3A_93 = tpu.memref_slice %arg5[%dma_start3A_86, %dma_start3A_92] : memref<2x16384xi32, #tpu.memory_space<vmem>> -> memref<1x16384xi32, #tpu.memory_space<vmem>>
    %dma_start3A_94 = tpu.memref_squeeze %dma_start3A_93 : memref<1x16384xi32, #tpu.memory_space<vmem>> -> memref<16384xi32, #tpu.memory_space<vmem>>
    %dma_start3A_95 = tpu.memref_slice %arg2[%add3A, %add3A_85] : memref<8x524288xi32, #tpu.memory_space<hbm>> -> memref<1x16384xi32, #tpu.memory_space<hbm>>
    %dma_start3A_96 = tpu.memref_squeeze %dma_start3A_95 : memref<1x16384xi32, #tpu.memory_space<hbm>> -> memref<16384xi32, #tpu.memory_space<hbm>>
    tpu.enqueue_dma source(%dma_start3A_96 : memref<16384xi32, #tpu.memory_space<hbm>>) target(%dma_start3A_94 : memref<16384xi32, #tpu.memory_space<vmem>>) target_semaphore(%arg14 : memref<!tpu.dma_semaphore, #tpu.memory_space<semaphore_mem>>)
    %dma_wait3A_97 = arith.constant 1 : i32
    %dma_wait3A_98 = arith.constant 0 : i32
    %dma_wait3A_99 = tpu.memref_slice %arg5[%dma_wait3A_97, %dma_wait3A_98] : memref<2x16384xi32, #tpu.memory_space<vmem>> -> memref<1x16384xi32, #tpu.memory_space<vmem>>
    %dma_wait3A_100 = tpu.memref_squeeze %dma_wait3A_99 : memref<1x16384xi32, #tpu.memory_space<vmem>> -> memref<16384xi32, #tpu.memory_space<vmem>>
    %dma_wait3A_101 = tpu.memref_slice %arg2[%add3A, %add3A_54] : memref<8x524288xi32, #tpu.memory_space<hbm>> -> memref<1x16384xi32, #tpu.memory_space<hbm>>
    %dma_wait3A_102 = tpu.memref_squeeze %dma_wait3A_101 : memref<1x16384xi32, #tpu.memory_space<hbm>> -> memref<16384xi32, #tpu.memory_space<hbm>>
    %dma_wait3A_103 = arith.constant 0 : i32
    %dma_wait3A_104 = tpu.memref_slice %arg5[%dma_wait3A_97, %dma_wait3A_103] : memref<2x16384xi32, #tpu.memory_space<vmem>> -> memref<1x16384xi32, #tpu.memory_space<vmem>>
    %dma_wait3A_105 = tpu.memref_squeeze %dma_wait3A_104 : memref<1x16384xi32, #tpu.memory_space<vmem>> -> memref<16384xi32, #tpu.memory_space<vmem>>
    %dma_wait3A_106 = tpu.memref_slice %arg2[%add3A, %add3A_54] : memref<8x524288xi32, #tpu.memory_space<hbm>> -> memref<1x16384xi32, #tpu.memory_space<hbm>>
    %dma_wait3A_107 = tpu.memref_squeeze %dma_wait3A_106 : memref<1x16384xi32, #tpu.memory_space<hbm>> -> memref<16384xi32, #tpu.memory_space<hbm>>
    tpu.wait_dma2 semaphore(%arg15 : memref<!tpu.dma_semaphore, #tpu.memory_space<semaphore_mem>>) src(%dma_wait3A_107 : memref<16384xi32, #tpu.memory_space<hbm>>) dst(%dma_wait3A_105 : memref<16384xi32, #tpu.memory_space<vmem>>)
    %add3A_108 = arith.constant 16384 : i32
    %add3A_109 = arith.addi %add3A_35, %add3A_108 : i32
    %scan3A_110 = arith.constant 0 : i32
    %scan3A_111 = arith.constant 0 : i32
    %scan3A_112 = arith.constant 128 : i32
    %scan3A_113 = arith.addi %scan3A_111, %scan3A_112 : i32
    %scan3A_114 = arith.constant 1 : i32
    scf.for %scan3A_1602 = %scan3A_111 to %scan3A_113 step %scan3A_114  : i32 {
      %mul3A_1603 = arith.constant 128 : i32
      %mul3A_1604 = arith.muli %scan3A_1602, %mul3A_1603 : i32
      %add3A_1605 = arith.constant 0 : i32
      %add3A_1606 = arith.addi %mul3A_1604, %add3A_1605 : i32
      %mul3A_1607 = arith.constant 128 : i32
      %mul3A_1608 = arith.muli %scan3A_1602, %mul3A_1607 : i32
      %add3A_1609 = arith.constant 16 : i32
      %add3A_1610 = arith.addi %mul3A_1608, %add3A_1609 : i32
      %mul3A_1611 = arith.constant 128 : i32
      %mul3A_1612 = arith.muli %scan3A_1602, %mul3A_1611 : i32
      %add3A_1613 = arith.constant 32 : i32
      %add3A_1614 = arith.addi %mul3A_1612, %add3A_1613 : i32
      %mul3A_1615 = arith.constant 128 : i32
      %mul3A_1616 = arith.muli %scan3A_1602, %mul3A_1615 : i32
      %add3A_1617 = arith.constant 48 : i32
      %add3A_1618 = arith.addi %mul3A_1616, %add3A_1617 : i32
      %mul3A_1619 = arith.constant 128 : i32
      %mul3A_1620 = arith.muli %scan3A_1602, %mul3A_1619 : i32
      %add3A_1621 = arith.constant 64 : i32
      %add3A_1622 = arith.addi %mul3A_1620, %add3A_1621 : i32
      %mul3A_1623 = arith.constant 128 : i32
      %mul3A_1624 = arith.muli %scan3A_1602, %mul3A_1623 : i32
      %add3A_1625 = arith.constant 80 : i32
      %add3A_1626 = arith.addi %mul3A_1624, %add3A_1625 : i32
      %mul3A_1627 = arith.constant 128 : i32
      %mul3A_1628 = arith.muli %scan3A_1602, %mul3A_1627 : i32
      %add3A_1629 = arith.constant 96 : i32
      %add3A_1630 = arith.addi %mul3A_1628, %add3A_1629 : i32
      %mul3A_1631 = arith.constant 128 : i32
      %mul3A_1632 = arith.muli %scan3A_1602, %mul3A_1631 : i32
      %add3A_1633 = arith.constant 112 : i32
      %add3A_1634 = arith.addi %mul3A_1632, %add3A_1633 : i32
      %get3A_1635 = arith.constant 1 : i32
      %get3A_1636 = arith.index_cast %get3A_1635 : i32 to index
      %get3A_1637 = arith.index_cast %add3A_1606 : i32 to index
      %get3A_1638 = tpu.vector_load %arg5[%get3A_1636, %get3A_1637] {strides = array<i32>} : memref<2x16384xi32, #tpu.memory_space<vmem>>, vector<16xi32>,
      %sub3A_1639 = vector.broadcast %mul3A_37 : i32 to vector<16xi32>
      %sub3A_1640 = arith.subi %get3A_1638, %sub3A_1639 : vector<16xi32>
      %get3A_1641 = arith.constant 1 : i32
      %get3A_1642 = arith.index_cast %get3A_1641 : i32 to index
      %get3A_1643 = arith.index_cast %add3A_1610 : i32 to index
      %get3A_1644 = tpu.vector_load %arg5[%get3A_1642, %get3A_1643] {strides = array<i32>} : memref<2x16384xi32, #tpu.memory_space<vmem>>, vector<16xi32>,
      %sub3A_1645 = vector.broadcast %mul3A_37 : i32 to vector<16xi32>
      %sub3A_1646 = arith.subi %get3A_1644, %sub3A_1645 : vector<16xi32>
      %get3A_1647 = arith.constant 1 : i32
      %get3A_1648 = arith.index_cast %get3A_1647 : i32 to index
      %get3A_1649 = arith.index_cast %add3A_1614 : i32 to index
      %get3A_1650 = tpu.vector_load %arg5[%get3A_1648, %get3A_1649] {strides = array<i32>} : memref<2x16384xi32, #tpu.memory_space<vmem>>, vector<16xi32>,
      %sub3A_1651 = vector.broadcast %mul3A_37 : i32 to vector<16xi32>
      %sub3A_1652 = arith.subi %get3A_1650, %sub3A_1651 : vector<16xi32>
      %get3A_1653 = arith.constant 1 : i32
      %get3A_1654 = arith.index_cast %get3A_1653 : i32 to index
      %get3A_1655 = arith.index_cast %add3A_1618 : i32 to index
      %get3A_1656 = tpu.vector_load %arg5[%get3A_1654, %get3A_1655] {strides = array<i32>} : memref<2x16384xi32, #tpu.memory_space<vmem>>, vector<16xi32>,
      %sub3A_1657 = vector.broadcast %mul3A_37 : i32 to vector<16xi32>
      %sub3A_1658 = arith.subi %get3A_1656, %sub3A_1657 : vector<16xi32>
      %get3A_1659 = arith.constant 1 : i32
      %get3A_1660 = arith.index_cast %get3A_1659 : i32 to index
      %get3A_1661 = arith.index_cast %add3A_1622 : i32 to index
      %get3A_1662 = tpu.vector_load %arg5[%get3A_1660, %get3A_1661] {strides = array<i32>} : memref<2x16384xi32, #tpu.memory_space<vmem>>, vector<16xi32>,
      %sub3A_1663 = vector.broadcast %mul3A_37 : i32 to vector<16xi32>
      %sub3A_1664 = arith.subi %get3A_1662, %sub3A_1663 : vector<16xi32>
      %get3A_1665 = arith.constant 1 : i32
      %get3A_1666 = arith.index_cast %get3A_1665 : i32 to index
      %get3A_1667 = arith.index_cast %add3A_1626 : i32 to index
      %get3A_1668 = tpu.vector_load %arg5[%get3A_1666, %get3A_1667] {strides = array<i32>} : memref<2x16384xi32, #tpu.memory_space<vmem>>, vector<16xi32>,
      %sub3A_1669 = vector.broadcast %mul3A_37 : i32 to vector<16xi32>
      %sub3A_1670 = arith.subi %get3A_1668, %sub3A_1669 : vector<16xi32>
      %get3A_1671 = arith.constant 1 : i32
      %get3A_1672 = arith.index_cast %get3A_1671 : i32 to index
      %get3A_1673 = arith.index_cast %add3A_1630 : i32 to index
      %get3A_1674 = tpu.vector_load %arg5[%get3A_1672, %get3A_1673] {strides = array<i32>} : memref<2x16384xi32, #tpu.memory_space<vmem>>, vector<16xi32>,
      %sub3A_1675 = vector.broadcast %mul3A_37 : i32 to vector<16xi32>
      %sub3A_1676 = arith.subi %get3A_1674, %sub3A_1675 : vector<16xi32>
      %get3A_1677 = arith.constant 1 : i32
      %get3A_1678 = arith.index_cast %get3A_1677 : i32 to index
      %get3A_1679 = arith.index_cast %add3A_1634 : i32 to index
      %get3A_1680 = tpu.vector_load %arg5[%get3A_1678, %get3A_1679] {strides = array<i32>} : memref<2x16384xi32, #tpu.memory_space<vmem>>, vector<16xi32>,
      %sub3A_1681 = vector.broadcast %mul3A_37 : i32 to vector<16xi32>
      %sub3A_1682 = arith.subi %get3A_1680, %sub3A_1681 : vector<16xi32>
      %add3A_1683 = arith.addi %add3A_109, %add3A_1606 : i32
      %add3A_1684 = vector.broadcast %add3A_1683 : i32 to vector<16xi32>
      %add3A_1685 = arith.addi %add3A_1684, %iota3A : vector<16xi32>
      %add3A_1686 = arith.addi %add3A_109, %add3A_1610 : i32
      %add3A_1687 = vector.broadcast %add3A_1686 : i32 to vector<16xi32>
      %add3A_1688 = arith.addi %add3A_1687, %iota3A : vector<16xi32>
      %add3A_1689 = arith.addi %add3A_109, %add3A_1614 : i32
      %add3A_1690 = vector.broadcast %add3A_1689 : i32 to vector<16xi32>
      %add3A_1691 = arith.addi %add3A_1690, %iota3A : vector<16xi32>
      %add3A_1692 = arith.addi %add3A_109, %add3A_1618 : i32
      %add3A_1693 = vector.broadcast %add3A_1692 : i32 to vector<16xi32>
      %add3A_1694 = arith.addi %add3A_1693, %iota3A : vector<16xi32>
      %add3A_1695 = arith.addi %add3A_109, %add3A_1622 : i32
      %add3A_1696 = vector.broadcast %add3A_1695 : i32 to vector<16xi32>
      %add3A_1697 = arith.addi %add3A_1696, %iota3A : vector<16xi32>
      %add3A_1698 = arith.addi %add3A_109, %add3A_1626 : i32
      %add3A_1699 = vector.broadcast %add3A_1698 : i32 to vector<16xi32>
      %add3A_1700 = arith.addi %add3A_1699, %iota3A : vector<16xi32>
      %add3A_1701 = arith.addi %add3A_109, %add3A_1630 : i32
      %add3A_1702 = vector.broadcast %add3A_1701 : i32 to vector<16xi32>
      %add3A_1703 = arith.addi %add3A_1702, %iota3A : vector<16xi32>
      %add3A_1704 = arith.addi %add3A_109, %add3A_1634 : i32
      %add3A_1705 = vector.broadcast %add3A_1704 : i32 to vector<16xi32>
      %add3A_1706 = arith.addi %add3A_1705, %iota3A : vector<16xi32>
      tpu.vector_store_idx %arg7[%sub3A_1640], %add3A_1685 : memref<1024xi32, #tpu.memory_space<vmem>>[vector<16xi32>], vector<16xi32>,
      tpu.vector_store_idx %arg7[%sub3A_1646], %add3A_1688 : memref<1024xi32, #tpu.memory_space<vmem>>[vector<16xi32>], vector<16xi32>,
      tpu.vector_store_idx %arg7[%sub3A_1652], %add3A_1691 : memref<1024xi32, #tpu.memory_space<vmem>>[vector<16xi32>], vector<16xi32>,
      tpu.vector_store_idx %arg7[%sub3A_1658], %add3A_1694 : memref<1024xi32, #tpu.memory_space<vmem>>[vector<16xi32>], vector<16xi32>,
      tpu.vector_store_idx %arg7[%sub3A_1664], %add3A_1697 : memref<1024xi32, #tpu.memory_space<vmem>>[vector<16xi32>], vector<16xi32>,
      tpu.vector_store_idx %arg7[%sub3A_1670], %add3A_1700 : memref<1024xi32, #tpu.memory_space<vmem>>[vector<16xi32>], vector<16xi32>,
      tpu.vector_store_idx %arg7[%sub3A_1676], %add3A_1703 : memref<1024xi32, #tpu.memory_space<vmem>>[vector<16xi32>], vector<16xi32>,
      tpu.vector_store_idx %arg7[%sub3A_1682], %add3A_1706 : memref<1024xi32, #tpu.memory_space<vmem>>[vector<16xi32>], vector<16xi32>,
    }
    %scan3A_115 = arith.constant 128 : i32
    %add3A_116 = arith.constant 49152 : i32
    %add3A_117 = arith.addi %mul3A_32, %add3A_116 : i32
    %dma_start3A_118 = arith.constant 1 : i32
    %dma_start3A_119 = arith.constant 0 : i32
    %dma_start3A_120 = tpu.memref_slice %arg5[%dma_start3A_118, %dma_start3A_119] : memref<2x16384xi32, #tpu.memory_space<vmem>> -> memref<1x16384xi32, #tpu.memory_space<vmem>>
    %dma_start3A_121 = tpu.memref_squeeze %dma_start3A_120 : memref<1x16384xi32, #tpu.memory_space<vmem>> -> memref<16384xi32, #tpu.memory_space<vmem>>
    %dma_start3A_122 = tpu.memref_slice %arg2[%add3A, %add3A_117] : memref<8x524288xi32, #tpu.memory_space<hbm>> -> memref<1x16384xi32, #tpu.memory_space<hbm>>
    %dma_start3A_123 = tpu.memref_squeeze %dma_start3A_122 : memref<1x16384xi32, #tpu.memory_space<hbm>> -> memref<16384xi32, #tpu.memory_space<hbm>>
    %dma_start3A_124 = arith.constant 0 : i32
    %dma_start3A_125 = tpu.memref_slice %arg5[%dma_start3A_118, %dma_start3A_124] : memref<2x16384xi32, #tpu.memory_space<vmem>> -> memref<1x16384xi32, #tpu.memory_space<vmem>>
    %dma_start3A_126 = tpu.memref_squeeze %dma_start3A_125 : memref<1x16384xi32, #tpu.memory_space<vmem>> -> memref<16384xi32, #tpu.memory_space<vmem>>
    %dma_start3A_127 = tpu.memref_slice %arg2[%add3A, %add3A_117] : memref<8x524288xi32, #tpu.memory_space<hbm>> -> memref<1x16384xi32, #tpu.memory_space<hbm>>
    %dma_start3A_128 = tpu.memref_squeeze %dma_start3A_127 : memref<1x16384xi32, #tpu.memory_space<hbm>> -> memref<16384xi32, #tpu.memory_space<hbm>>
    tpu.enqueue_dma source(%dma_start3A_128 : memref<16384xi32, #tpu.memory_space<hbm>>) target(%dma_start3A_126 : memref<16384xi32, #tpu.memory_space<vmem>>) target_semaphore(%arg15 : memref<!tpu.dma_semaphore, #tpu.memory_space<semaphore_mem>>)
    %dma_wait3A_129 = arith.constant 0 : i32
    %dma_wait3A_130 = arith.constant 0 : i32
    %dma_wait3A_131 = tpu.memref_slice %arg5[%dma_wait3A_129, %dma_wait3A_130] : memref<2x16384xi32, #tpu.memory_space<vmem>> -> memref<1x16384xi32, #tpu.memory_space<vmem>>
    %dma_wait3A_132 = tpu.memref_squeeze %dma_wait3A_131 : memref<1x16384xi32, #tpu.memory_space<vmem>> -> memref<16384xi32, #tpu.memory_space<vmem>>
    %dma_wait3A_133 = tpu.memref_slice %arg2[%add3A, %add3A_85] : memref<8x524288xi32, #tpu.memory_space<hbm>> -> memref<1x16384xi32, #tpu.memory_space<hbm>>
    %dma_wait3A_134 = tpu.memref_squeeze %dma_wait3A_133 : memref<1x16384xi32, #tpu.memory_space<hbm>> -> memref<16384xi32, #tpu.memory_space<hbm>>
    %dma_wait3A_135 = arith.constant 0 : i32
    %dma_wait3A_136 = tpu.memref_slice %arg5[%dma_wait3A_129, %dma_wait3A_135] : memref<2x16384xi32, #tpu.memory_space<vmem>> -> memref<1x16384xi32, #tpu.memory_space<vmem>>
    %dma_wait3A_137 = tpu.memref_squeeze %dma_wait3A_136 : memref<1x16384xi32, #tpu.memory_space<vmem>> -> memref<16384xi32, #tpu.memory_space<vmem>>
    %dma_wait3A_138 = tpu.memref_slice %arg2[%add3A, %add3A_85] : memref<8x524288xi32, #tpu.memory_space<hbm>> -> memref<1x16384xi32, #tpu.memory_space<hbm>>
    %dma_wait3A_139 = tpu.memref_squeeze %dma_wait3A_138 : memref<1x16384xi32, #tpu.memory_space<hbm>> -> memref<16384xi32, #tpu.memory_space<hbm>>
    tpu.wait_dma2 semaphore(%arg14 : memref<!tpu.dma_semaphore, #tpu.memory_space<semaphore_mem>>) src(%dma_wait3A_139 : memref<16384xi32, #tpu.memory_space<hbm>>) dst(%dma_wait3A_137 : memref<16384xi32, #tpu.memory_space<vmem>>)
    %add3A_140 = arith.constant 32768 : i32
    %add3A_141 = arith.addi %add3A_35, %add3A_140 : i32
    %scan3A_142 = arith.constant 0 : i32
    %scan3A_143 = arith.constant 0 : i32
    %scan3A_144 = arith.constant 128 : i32
    %scan3A_145 = arith.addi %scan3A_143, %scan3A_144 : i32
    %scan3A_146 = arith.constant 1 : i32
    scf.for %scan3A_1602 = %scan3A_143 to %scan3A_145 step %scan3A_146  : i32 {
      %mul3A_1603 = arith.constant 128 : i32
      %mul3A_1604 = arith.muli %scan3A_1602, %mul3A_1603 : i32
      %add3A_1605 = arith.constant 0 : i32
      %add3A_1606 = arith.addi %mul3A_1604, %add3A_1605 : i32
      %mul3A_1607 = arith.constant 128 : i32
      %mul3A_1608 = arith.muli %scan3A_1602, %mul3A_1607 : i32
      %add3A_1609 = arith.constant 16 : i32
      %add3A_1610 = arith.addi %mul3A_1608, %add3A_1609 : i32
      %mul3A_1611 = arith.constant 128 : i32
      %mul3A_1612 = arith.muli %scan3A_1602, %mul3A_1611 : i32
      %add3A_1613 = arith.constant 32 : i32
      %add3A_1614 = arith.addi %mul3A_1612, %add3A_1613 : i32
      %mul3A_1615 = arith.constant 128 : i32
      %mul3A_1616 = arith.muli %scan3A_1602, %mul3A_1615 : i32
      %add3A_1617 = arith.constant 48 : i32
      %add3A_1618 = arith.addi %mul3A_1616, %add3A_1617 : i32
      %mul3A_1619 = arith.constant 128 : i32
      %mul3A_1620 = arith.muli %scan3A_1602, %mul3A_1619 : i32
      %add3A_1621 = arith.constant 64 : i32
      %add3A_1622 = arith.addi %mul3A_1620, %add3A_1621 : i32
      %mul3A_1623 = arith.constant 128 : i32
      %mul3A_1624 = arith.muli %scan3A_1602, %mul3A_1623 : i32
      %add3A_1625 = arith.constant 80 : i32
      %add3A_1626 = arith.addi %mul3A_1624, %add3A_1625 : i32
      %mul3A_1627 = arith.constant 128 : i32
      %mul3A_1628 = arith.muli %scan3A_1602, %mul3A_1627 : i32
      %add3A_1629 = arith.constant 96 : i32
      %add3A_1630 = arith.addi %mul3A_1628, %add3A_1629 : i32
      %mul3A_1631 = arith.constant 128 : i32
      %mul3A_1632 = arith.muli %scan3A_1602, %mul3A_1631 : i32
      %add3A_1633 = arith.constant 112 : i32
      %add3A_1634 = arith.addi %mul3A_1632, %add3A_1633 : i32
      %get3A_1635 = arith.constant 0 : i32
      %get3A_1636 = arith.index_cast %get3A_1635 : i32 to index
      %get3A_1637 = arith.index_cast %add3A_1606 : i32 to index
      %get3A_1638 = tpu.vector_load %arg5[%get3A_1636, %get3A_1637] {strides = array<i32>} : memref<2x16384xi32, #tpu.memory_space<vmem>>, vector<16xi32>,
      %sub3A_1639 = vector.broadcast %mul3A_37 : i32 to vector<16xi32>
      %sub3A_1640 = arith.subi %get3A_1638, %sub3A_1639 : vector<16xi32>
      %get3A_1641 = arith.constant 0 : i32
      %get3A_1642 = arith.index_cast %get3A_1641 : i32 to index
      %get3A_1643 = arith.index_cast %add3A_1610 : i32 to index
      %get3A_1644 = tpu.vector_load %arg5[%get3A_1642, %get3A_1643] {strides = array<i32>} : memref<2x16384xi32, #tpu.memory_space<vmem>>, vector<16xi32>,
      %sub3A_1645 = vector.broadcast %mul3A_37 : i32 to vector<16xi32>
      %sub3A_1646 = arith.subi %get3A_1644, %sub3A_1645 : vector<16xi32>
      %get3A_1647 = arith.constant 0 : i32
      %get3A_1648 = arith.index_cast %get3A_1647 : i32 to index
      %get3A_1649 = arith.index_cast %add3A_1614 : i32 to index
      %get3A_1650 = tpu.vector_load %arg5[%get3A_1648, %get3A_1649] {strides = array<i32>} : memref<2x16384xi32, #tpu.memory_space<vmem>>, vector<16xi32>,
      %sub3A_1651 = vector.broadcast %mul3A_37 : i32 to vector<16xi32>
      %sub3A_1652 = arith.subi %get3A_1650, %sub3A_1651 : vector<16xi32>
      %get3A_1653 = arith.constant 0 : i32
      %get3A_1654 = arith.index_cast %get3A_1653 : i32 to index
      %get3A_1655 = arith.index_cast %add3A_1618 : i32 to index
      %get3A_1656 = tpu.vector_load %arg5[%get3A_1654, %get3A_1655] {strides = array<i32>} : memref<2x16384xi32, #tpu.memory_space<vmem>>, vector<16xi32>,
      %sub3A_1657 = vector.broadcast %mul3A_37 : i32 to vector<16xi32>
      %sub3A_1658 = arith.subi %get3A_1656, %sub3A_1657 : vector<16xi32>
      %get3A_1659 = arith.constant 0 : i32
      %get3A_1660 = arith.index_cast %get3A_1659 : i32 to index
      %get3A_1661 = arith.index_cast %add3A_1622 : i32 to index
      %get3A_1662 = tpu.vector_load %arg5[%get3A_1660, %get3A_1661] {strides = array<i32>} : memref<2x16384xi32, #tpu.memory_space<vmem>>, vector<16xi32>,
      %sub3A_1663 = vector.broadcast %mul3A_37 : i32 to vector<16xi32>
      %sub3A_1664 = arith.subi %get3A_1662, %sub3A_1663 : vector<16xi32>
      %get3A_1665 = arith.constant 0 : i32
      %get3A_1666 = arith.index_cast %get3A_1665 : i32 to index
      %get3A_1667 = arith.index_cast %add3A_1626 : i32 to index
      %get3A_1668 = tpu.vector_load %arg5[%get3A_1666, %get3A_1667] {strides = array<i32>} : memref<2x16384xi32, #tpu.memory_space<vmem>>, vector<16xi32>,
      %sub3A_1669 = vector.broadcast %mul3A_37 : i32 to vector<16xi32>
      %sub3A_1670 = arith.subi %get3A_1668, %sub3A_1669 : vector<16xi32>
      %get3A_1671 = arith.constant 0 : i32
      %get3A_1672 = arith.index_cast %get3A_1671 : i32 to index
      %get3A_1673 = arith.index_cast %add3A_1630 : i32 to index
      %get3A_1674 = tpu.vector_load %arg5[%get3A_1672, %get3A_1673] {strides = array<i32>} : memref<2x16384xi32, #tpu.memory_space<vmem>>, vector<16xi32>,
      %sub3A_1675 = vector.broadcast %mul3A_37 : i32 to vector<16xi32>
      %sub3A_1676 = arith.subi %get3A_1674, %sub3A_1675 : vector<16xi32>
      %get3A_1677 = arith.constant 0 : i32
      %get3A_1678 = arith.index_cast %get3A_1677 : i32 to index
      %get3A_1679 = arith.index_cast %add3A_1634 : i32 to index
      %get3A_1680 = tpu.vector_load %arg5[%get3A_1678, %get3A_1679] {strides = array<i32>} : memref<2x16384xi32, #tpu.memory_space<vmem>>, vector<16xi32>,
      %sub3A_1681 = vector.broadcast %mul3A_37 : i32 to vector<16xi32>
      %sub3A_1682 = arith.subi %get3A_1680, %sub3A_1681 : vector<16xi32>
      %add3A_1683 = arith.addi %add3A_141, %add3A_1606 : i32
      %add3A_1684 = vector.broadcast %add3A_1683 : i32 to vector<16xi32>
      %add3A_1685 = arith.addi %add3A_1684, %iota3A : vector<16xi32>
      %add3A_1686 = arith.addi %add3A_141, %add3A_1610 : i32
      %add3A_1687 = vector.broadcast %add3A_1686 : i32 to vector<16xi32>
      %add3A_1688 = arith.addi %add3A_1687, %iota3A : vector<16xi32>
      %add3A_1689 = arith.addi %add3A_141, %add3A_1614 : i32
      %add3A_1690 = vector.broadcast %add3A_1689 : i32 to vector<16xi32>
      %add3A_1691 = arith.addi %add3A_1690, %iota3A : vector<16xi32>
      %add3A_1692 = arith.addi %add3A_141, %add3A_1618 : i32
      %add3A_1693 = vector.broadcast %add3A_1692 : i32 to vector<16xi32>
      %add3A_1694 = arith.addi %add3A_1693, %iota3A : vector<16xi32>
      %add3A_1695 = arith.addi %add3A_141, %add3A_1622 : i32
      %add3A_1696 = vector.broadcast %add3A_1695 : i32 to vector<16xi32>
      %add3A_1697 = arith.addi %add3A_1696, %iota3A : vector<16xi32>
      %add3A_1698 = arith.addi %add3A_141, %add3A_1626 : i32
      %add3A_1699 = vector.broadcast %add3A_1698 : i32 to vector<16xi32>
      %add3A_1700 = arith.addi %add3A_1699, %iota3A : vector<16xi32>
      %add3A_1701 = arith.addi %add3A_141, %add3A_1630 : i32
      %add3A_1702 = vector.broadcast %add3A_1701 : i32 to vector<16xi32>
      %add3A_1703 = arith.addi %add3A_1702, %iota3A : vector<16xi32>
      %add3A_1704 = arith.addi %add3A_141, %add3A_1634 : i32
      %add3A_1705 = vector.broadcast %add3A_1704 : i32 to vector<16xi32>
      %add3A_1706 = arith.addi %add3A_1705, %iota3A : vector<16xi32>
      tpu.vector_store_idx %arg7[%sub3A_1640], %add3A_1685 : memref<1024xi32, #tpu.memory_space<vmem>>[vector<16xi32>], vector<16xi32>,
      tpu.vector_store_idx %arg7[%sub3A_1646], %add3A_1688 : memref<1024xi32, #tpu.memory_space<vmem>>[vector<16xi32>], vector<16xi32>,
      tpu.vector_store_idx %arg7[%sub3A_1652], %add3A_1691 : memref<1024xi32, #tpu.memory_space<vmem>>[vector<16xi32>], vector<16xi32>,
      tpu.vector_store_idx %arg7[%sub3A_1658], %add3A_1694 : memref<1024xi32, #tpu.memory_space<vmem>>[vector<16xi32>], vector<16xi32>,
      tpu.vector_store_idx %arg7[%sub3A_1664], %add3A_1697 : memref<1024xi32, #tpu.memory_space<vmem>>[vector<16xi32>], vector<16xi32>,
      tpu.vector_store_idx %arg7[%sub3A_1670], %add3A_1700 : memref<1024xi32, #tpu.memory_space<vmem>>[vector<16xi32>], vector<16xi32>,
      tpu.vector_store_idx %arg7[%sub3A_1676], %add3A_1703 : memref<1024xi32, #tpu.memory_space<vmem>>[vector<16xi32>], vector<16xi32>,
      tpu.vector_store_idx %arg7[%sub3A_1682], %add3A_1706 : memref<1024xi32, #tpu.memory_space<vmem>>[vector<16xi32>], vector<16xi32>,
    }
    %scan3A_147 = arith.constant 128 : i32
    %add3A_148 = arith.constant 65536 : i32
    %add3A_149 = arith.addi %mul3A_32, %add3A_148 : i32
    %dma_start3A_150 = arith.constant 0 : i32
    %dma_start3A_151 = arith.constant 0 : i32
    %dma_start3A_152 = tpu.memref_slice %arg5[%dma_start3A_150, %dma_start3A_151] : memref<2x16384xi32, #tpu.memory_space<vmem>> -> memref<1x16384xi32, #tpu.memory_space<vmem>>
    %dma_start3A_153 = tpu.memref_squeeze %dma_start3A_152 : memref<1x16384xi32, #tpu.memory_space<vmem>> -> memref<16384xi32, #tpu.memory_space<vmem>>
    %dma_start3A_154 = tpu.memref_slice %arg2[%add3A, %add3A_149] : memref<8x524288xi32, #tpu.memory_space<hbm>> -> memref<1x16384xi32, #tpu.memory_space<hbm>>
    %dma_start3A_155 = tpu.memref_squeeze %dma_start3A_154 : memref<1x16384xi32, #tpu.memory_space<hbm>> -> memref<16384xi32, #tpu.memory_space<hbm>>
    %dma_start3A_156 = arith.constant 0 : i32
    %dma_start3A_157 = tpu.memref_slice %arg5[%dma_start3A_150, %dma_start3A_156] : memref<2x16384xi32, #tpu.memory_space<vmem>> -> memref<1x16384xi32, #tpu.memory_space<vmem>>
    %dma_start3A_158 = tpu.memref_squeeze %dma_start3A_157 : memref<1x16384xi32, #tpu.memory_space<vmem>> -> memref<16384xi32, #tpu.memory_space<vmem>>
    %dma_start3A_159 = tpu.memref_slice %arg2[%add3A, %add3A_149] : memref<8x524288xi32, #tpu.memory_space<hbm>> -> memref<1x16384xi32, #tpu.memory_space<hbm>>
    %dma_start3A_160 = tpu.memref_squeeze %dma_start3A_159 : memref<1x16384xi32, #tpu.memory_space<hbm>> -> memref<16384xi32, #tpu.memory_space<hbm>>
    tpu.enqueue_dma source(%dma_start3A_160 : memref<16384xi32, #tpu.memory_space<hbm>>) target(%dma_start3A_158 : memref<16384xi32, #tpu.memory_space<vmem>>) target_semaphore(%arg14 : memref<!tpu.dma_semaphore, #tpu.memory_space<semaphore_mem>>)
    %dma_wait3A_161 = arith.constant 1 : i32
    %dma_wait3A_162 = arith.constant 0 : i32
    %dma_wait3A_163 = tpu.memref_slice %arg5[%dma_wait3A_161, %dma_wait3A_162] : memref<2x16384xi32, #tpu.memory_space<vmem>> -> memref<1x16384xi32, #tpu.memory_space<vmem>>
    %dma_wait3A_164 = tpu.memref_squeeze %dma_wait3A_163 : memref<1x16384xi32, #tpu.memory_space<vmem>> -> memref<16384xi32, #tpu.memory_space<vmem>>
    %dma_wait3A_165 = tpu.memref_slice %arg2[%add3A, %add3A_117] : memref<8x524288xi32, #tpu.memory_space<hbm>> -> memref<1x16384xi32, #tpu.memory_space<hbm>>
    %dma_wait3A_166 = tpu.memref_squeeze %dma_wait3A_165 : memref<1x16384xi32, #tpu.memory_space<hbm>> -> memref<16384xi32, #tpu.memory_space<hbm>>
    %dma_wait3A_167 = arith.constant 0 : i32
    %dma_wait3A_168 = tpu.memref_slice %arg5[%dma_wait3A_161, %dma_wait3A_167] : memref<2x16384xi32, #tpu.memory_space<vmem>> -> memref<1x16384xi32, #tpu.memory_space<vmem>>
    %dma_wait3A_169 = tpu.memref_squeeze %dma_wait3A_168 : memref<1x16384xi32, #tpu.memory_space<vmem>> -> memref<16384xi32, #tpu.memory_space<vmem>>
    %dma_wait3A_170 = tpu.memref_slice %arg2[%add3A, %add3A_117] : memref<8x524288xi32, #tpu.memory_space<hbm>> -> memref<1x16384xi32, #tpu.memory_space<hbm>>
    %dma_wait3A_171 = tpu.memref_squeeze %dma_wait3A_170 : memref<1x16384xi32, #tpu.memory_space<hbm>> -> memref<16384xi32, #tpu.memory_space<hbm>>
    tpu.wait_dma2 semaphore(%arg15 : memref<!tpu.dma_semaphore, #tpu.memory_space<semaphore_mem>>) src(%dma_wait3A_171 : memref<16384xi32, #tpu.memory_space<hbm>>) dst(%dma_wait3A_169 : memref<16384xi32, #tpu.memory_space<vmem>>)
    %add3A_172 = arith.constant 49152 : i32
    %add3A_173 = arith.addi %add3A_35, %add3A_172 : i32
    %scan3A_174 = arith.constant 0 : i32
    %scan3A_175 = arith.constant 0 : i32
    %scan3A_176 = arith.constant 128 : i32
    %scan3A_177 = arith.addi %scan3A_175, %scan3A_176 : i32
    %scan3A_178 = arith.constant 1 : i32
    scf.for %scan3A_1602 = %scan3A_175 to %scan3A_177 step %scan3A_178  : i32 {
      %mul3A_1603 = arith.constant 128 : i32
      %mul3A_1604 = arith.muli %scan3A_1602, %mul3A_1603 : i32
      %add3A_1605 = arith.constant 0 : i32
      %add3A_1606 = arith.addi %mul3A_1604, %add3A_1605 : i32
      %mul3A_1607 = arith.constant 128 : i32
      %mul3A_1608 = arith.muli %scan3A_1602, %mul3A_1607 : i32
      %add3A_1609 = arith.constant 16 : i32
      %add3A_1610 = arith.addi %mul3A_1608, %add3A_1609 : i32
      %mul3A_1611 = arith.constant 128 : i32
      %mul3A_1612 = arith.muli %scan3A_1602, %mul3A_1611 : i32
      %add3A_1613 = arith.constant 32 : i32
      %add3A_1614 = arith.addi %mul3A_1612, %add3A_1613 : i32
      %mul3A_1615 = arith.constant 128 : i32
      %mul3A_1616 = arith.muli %scan3A_1602, %mul3A_1615 : i32
      %add3A_1617 = arith.constant 48 : i32
      %add3A_1618 = arith.addi %mul3A_1616, %add3A_1617 : i32
      %mul3A_1619 = arith.constant 128 : i32
      %mul3A_1620 = arith.muli %scan3A_1602, %mul3A_1619 : i32
      %add3A_1621 = arith.constant 64 : i32
      %add3A_1622 = arith.addi %mul3A_1620, %add3A_1621 : i32
      %mul3A_1623 = arith.constant 128 : i32
      %mul3A_1624 = arith.muli %scan3A_1602, %mul3A_1623 : i32
      %add3A_1625 = arith.constant 80 : i32
      %add3A_1626 = arith.addi %mul3A_1624, %add3A_1625 : i32
      %mul3A_1627 = arith.constant 128 : i32
      %mul3A_1628 = arith.muli %scan3A_1602, %mul3A_1627 : i32
      %add3A_1629 = arith.constant 96 : i32
      %add3A_1630 = arith.addi %mul3A_1628, %add3A_1629 : i32
      %mul3A_1631 = arith.constant 128 : i32
      %mul3A_1632 = arith.muli %scan3A_1602, %mul3A_1631 : i32
      %add3A_1633 = arith.constant 112 : i32
      %add3A_1634 = arith.addi %mul3A_1632, %add3A_1633 : i32
      %get3A_1635 = arith.constant 1 : i32
      %get3A_1636 = arith.index_cast %get3A_1635 : i32 to index
      %get3A_1637 = arith.index_cast %add3A_1606 : i32 to index
      %get3A_1638 = tpu.vector_load %arg5[%get3A_1636, %get3A_1637] {strides = array<i32>} : memref<2x16384xi32, #tpu.memory_space<vmem>>, vector<16xi32>,
      %sub3A_1639 = vector.broadcast %mul3A_37 : i32 to vector<16xi32>
      %sub3A_1640 = arith.subi %get3A_1638, %sub3A_1639 : vector<16xi32>
      %get3A_1641 = arith.constant 1 : i32
      %get3A_1642 = arith.index_cast %get3A_1641 : i32 to index
      %get3A_1643 = arith.index_cast %add3A_1610 : i32 to index
      %get3A_1644 = tpu.vector_load %arg5[%get3A_1642, %get3A_1643] {strides = array<i32>} : memref<2x16384xi32, #tpu.memory_space<vmem>>, vector<16xi32>,
      %sub3A_1645 = vector.broadcast %mul3A_37 : i32 to vector<16xi32>
      %sub3A_1646 = arith.subi %get3A_1644, %sub3A_1645 : vector<16xi32>
      %get3A_1647 = arith.constant 1 : i32
      %get3A_1648 = arith.index_cast %get3A_1647 : i32 to index
      %get3A_1649 = arith.index_cast %add3A_1614 : i32 to index
      %get3A_1650 = tpu.vector_load %arg5[%get3A_1648, %get3A_1649] {strides = array<i32>} : memref<2x16384xi32, #tpu.memory_space<vmem>>, vector<16xi32>,
      %sub3A_1651 = vector.broadcast %mul3A_37 : i32 to vector<16xi32>
      %sub3A_1652 = arith.subi %get3A_1650, %sub3A_1651 : vector<16xi32>
      %get3A_1653 = arith.constant 1 : i32
      %get3A_1654 = arith.index_cast %get3A_1653 : i32 to index
      %get3A_1655 = arith.index_cast %add3A_1618 : i32 to index
      %get3A_1656 = tpu.vector_load %arg5[%get3A_1654, %get3A_1655] {strides = array<i32>} : memref<2x16384xi32, #tpu.memory_space<vmem>>, vector<16xi32>,
      %sub3A_1657 = vector.broadcast %mul3A_37 : i32 to vector<16xi32>
      %sub3A_1658 = arith.subi %get3A_1656, %sub3A_1657 : vector<16xi32>
      %get3A_1659 = arith.constant 1 : i32
      %get3A_1660 = arith.index_cast %get3A_1659 : i32 to index
      %get3A_1661 = arith.index_cast %add3A_1622 : i32 to index
      %get3A_1662 = tpu.vector_load %arg5[%get3A_1660, %get3A_1661] {strides = array<i32>} : memref<2x16384xi32, #tpu.memory_space<vmem>>, vector<16xi32>,
      %sub3A_1663 = vector.broadcast %mul3A_37 : i32 to vector<16xi32>
      %sub3A_1664 = arith.subi %get3A_1662, %sub3A_1663 : vector<16xi32>
      %get3A_1665 = arith.constant 1 : i32
      %get3A_1666 = arith.index_cast %get3A_1665 : i32 to index
      %get3A_1667 = arith.index_cast %add3A_1626 : i32 to index
      %get3A_1668 = tpu.vector_load %arg5[%get3A_1666, %get3A_1667] {strides = array<i32>} : memref<2x16384xi32, #tpu.memory_space<vmem>>, vector<16xi32>,
      %sub3A_1669 = vector.broadcast %mul3A_37 : i32 to vector<16xi32>
      %sub3A_1670 = arith.subi %get3A_1668, %sub3A_1669 : vector<16xi32>
      %get3A_1671 = arith.constant 1 : i32
      %get3A_1672 = arith.index_cast %get3A_1671 : i32 to index
      %get3A_1673 = arith.index_cast %add3A_1630 : i32 to index
      %get3A_1674 = tpu.vector_load %arg5[%get3A_1672, %get3A_1673] {strides = array<i32>} : memref<2x16384xi32, #tpu.memory_space<vmem>>, vector<16xi32>,
      %sub3A_1675 = vector.broadcast %mul3A_37 : i32 to vector<16xi32>
      %sub3A_1676 = arith.subi %get3A_1674, %sub3A_1675 : vector<16xi32>
      %get3A_1677 = arith.constant 1 : i32
      %get3A_1678 = arith.index_cast %get3A_1677 : i32 to index
      %get3A_1679 = arith.index_cast %add3A_1634 : i32 to index
      %get3A_1680 = tpu.vector_load %arg5[%get3A_1678, %get3A_1679] {strides = array<i32>} : memref<2x16384xi32, #tpu.memory_space<vmem>>, vector<16xi32>,
      %sub3A_1681 = vector.broadcast %mul3A_37 : i32 to vector<16xi32>
      %sub3A_1682 = arith.subi %get3A_1680, %sub3A_1681 : vector<16xi32>
      %add3A_1683 = arith.addi %add3A_173, %add3A_1606 : i32
      %add3A_1684 = vector.broadcast %add3A_1683 : i32 to vector<16xi32>
      %add3A_1685 = arith.addi %add3A_1684, %iota3A : vector<16xi32>
      %add3A_1686 = arith.addi %add3A_173, %add3A_1610 : i32
      %add3A_1687 = vector.broadcast %add3A_1686 : i32 to vector<16xi32>
      %add3A_1688 = arith.addi %add3A_1687, %iota3A : vector<16xi32>
      %add3A_1689 = arith.addi %add3A_173, %add3A_1614 : i32
      %add3A_1690 = vector.broadcast %add3A_1689 : i32 to vector<16xi32>
      %add3A_1691 = arith.addi %add3A_1690, %iota3A : vector<16xi32>
      %add3A_1692 = arith.addi %add3A_173, %add3A_1618 : i32
      %add3A_1693 = vector.broadcast %add3A_1692 : i32 to vector<16xi32>
      %add3A_1694 = arith.addi %add3A_1693, %iota3A : vector<16xi32>
      %add3A_1695 = arith.addi %add3A_173, %add3A_1622 : i32
      %add3A_1696 = vector.broadcast %add3A_1695 : i32 to vector<16xi32>
      %add3A_1697 = arith.addi %add3A_1696, %iota3A : vector<16xi32>
      %add3A_1698 = arith.addi %add3A_173, %add3A_1626 : i32
      %add3A_1699 = vector.broadcast %add3A_1698 : i32 to vector<16xi32>
      %add3A_1700 = arith.addi %add3A_1699, %iota3A : vector<16xi32>
      %add3A_1701 = arith.addi %add3A_173, %add3A_1630 : i32
      %add3A_1702 = vector.broadcast %add3A_1701 : i32 to vector<16xi32>
      %add3A_1703 = arith.addi %add3A_1702, %iota3A : vector<16xi32>
      %add3A_1704 = arith.addi %add3A_173, %add3A_1634 : i32
      %add3A_1705 = vector.broadcast %add3A_1704 : i32 to vector<16xi32>
      %add3A_1706 = arith.addi %add3A_1705, %iota3A : vector<16xi32>
      tpu.vector_store_idx %arg7[%sub3A_1640], %add3A_1685 : memref<1024xi32, #tpu.memory_space<vmem>>[vector<16xi32>], vector<16xi32>,
      tpu.vector_store_idx %arg7[%sub3A_1646], %add3A_1688 : memref<1024xi32, #tpu.memory_space<vmem>>[vector<16xi32>], vector<16xi32>,
      tpu.vector_store_idx %arg7[%sub3A_1652], %add3A_1691 : memref<1024xi32, #tpu.memory_space<vmem>>[vector<16xi32>], vector<16xi32>,
      tpu.vector_store_idx %arg7[%sub3A_1658], %add3A_1694 : memref<1024xi32, #tpu.memory_space<vmem>>[vector<16xi32>], vector<16xi32>,
      tpu.vector_store_idx %arg7[%sub3A_1664], %add3A_1697 : memref<1024xi32, #tpu.memory_space<vmem>>[vector<16xi32>], vector<16xi32>,
      tpu.vector_store_idx %arg7[%sub3A_1670], %add3A_1700 : memref<1024xi32, #tpu.memory_space<vmem>>[vector<16xi32>], vector<16xi32>,
      tpu.vector_store_idx %arg7[%sub3A_1676], %add3A_1703 : memref<1024xi32, #tpu.memory_space<vmem>>[vector<16xi32>], vector<16xi32>,
      tpu.vector_store_idx %arg7[%sub3A_1682], %add3A_1706 : memref<1024xi32, #tpu.memory_space<vmem>>[vector<16xi32>], vector<16xi32>,
    }
    %scan3A_179 = arith.constant 128 : i32
    %add3A_180 = arith.constant 81920 : i32
    %add3A_181 = arith.addi %mul3A_32, %add3A_180 : i32
    %dma_start3A_182 = arith.constant 1 : i32
    %dma_start3A_183 = arith.constant 0 : i32
    %dma_start3A_184 = tpu.memref_slice %arg5[%dma_start3A_182, %dma_start3A_183] : memref<2x16384xi32, #tpu.memory_space<vmem>> -> memref<1x16384xi32, #tpu.memory_space<vmem>>
    %dma_start3A_185 = tpu.memref_squeeze %dma_start3A_184 : memref<1x16384xi32, #tpu.memory_space<vmem>> -> memref<16384xi32, #tpu.memory_space<vmem>>
    %dma_start3A_186 = tpu.memref_slice %arg2[%add3A, %add3A_181] : memref<8x524288xi32, #tpu.memory_space<hbm>> -> memref<1x16384xi32, #tpu.memory_space<hbm>>
    %dma_start3A_187 = tpu.memref_squeeze %dma_start3A_186 : memref<1x16384xi32, #tpu.memory_space<hbm>> -> memref<16384xi32, #tpu.memory_space<hbm>>
    %dma_start3A_188 = arith.constant 0 : i32
    %dma_start3A_189 = tpu.memref_slice %arg5[%dma_start3A_182, %dma_start3A_188] : memref<2x16384xi32, #tpu.memory_space<vmem>> -> memref<1x16384xi32, #tpu.memory_space<vmem>>
    %dma_start3A_190 = tpu.memref_squeeze %dma_start3A_189 : memref<1x16384xi32, #tpu.memory_space<vmem>> -> memref<16384xi32, #tpu.memory_space<vmem>>
    %dma_start3A_191 = tpu.memref_slice %arg2[%add3A, %add3A_181] : memref<8x524288xi32, #tpu.memory_space<hbm>> -> memref<1x16384xi32, #tpu.memory_space<hbm>>
    %dma_start3A_192 = tpu.memref_squeeze %dma_start3A_191 : memref<1x16384xi32, #tpu.memory_space<hbm>> -> memref<16384xi32, #tpu.memory_space<hbm>>
    tpu.enqueue_dma source(%dma_start3A_192 : memref<16384xi32, #tpu.memory_space<hbm>>) target(%dma_start3A_190 : memref<16384xi32, #tpu.memory_space<vmem>>) target_semaphore(%arg15 : memref<!tpu.dma_semaphore, #tpu.memory_space<semaphore_mem>>)
    %dma_wait3A_193 = arith.constant 0 : i32
    %dma_wait3A_194 = arith.constant 0 : i32
    %dma_wait3A_195 = tpu.memref_slice %arg5[%dma_wait3A_193, %dma_wait3A_194] : memref<2x16384xi32, #tpu.memory_space<vmem>> -> memref<1x16384xi32, #tpu.memory_space<vmem>>
    %dma_wait3A_196 = tpu.memref_squeeze %dma_wait3A_195 : memref<1x16384xi32, #tpu.memory_space<vmem>> -> memref<16384xi32, #tpu.memory_space<vmem>>
    %dma_wait3A_197 = tpu.memref_slice %arg2[%add3A, %add3A_149] : memref<8x524288xi32, #tpu.memory_space<hbm>> -> memref<1x16384xi32, #tpu.memory_space<hbm>>
    %dma_wait3A_198 = tpu.memref_squeeze %dma_wait3A_197 : memref<1x16384xi32, #tpu.memory_space<hbm>> -> memref<16384xi32, #tpu.memory_space<hbm>>
    %dma_wait3A_199 = arith.constant 0 : i32
    %dma_wait3A_200 = tpu.memref_slice %arg5[%dma_wait3A_193, %dma_wait3A_199] : memref<2x16384xi32, #tpu.memory_space<vmem>> -> memref<1x16384xi32, #tpu.memory_space<vmem>>
    %dma_wait3A_201 = tpu.memref_squeeze %dma_wait3A_200 : memref<1x16384xi32, #tpu.memory_space<vmem>> -> memref<16384xi32, #tpu.memory_space<vmem>>
    %dma_wait3A_202 = tpu.memref_slice %arg2[%add3A, %add3A_149] : memref<8x524288xi32, #tpu.memory_space<hbm>> -> memref<1x16384xi32, #tpu.memory_space<hbm>>
    %dma_wait3A_203 = tpu.memref_squeeze %dma_wait3A_202 : memref<1x16384xi32, #tpu.memory_space<hbm>> -> memref<16384xi32, #tpu.memory_space<hbm>>
    tpu.wait_dma2 semaphore(%arg14 : memref<!tpu.dma_semaphore, #tpu.memory_space<semaphore_mem>>) src(%dma_wait3A_203 : memref<16384xi32, #tpu.memory_space<hbm>>) dst(%dma_wait3A_201 : memref<16384xi32, #tpu.memory_space<vmem>>)
    %add3A_204 = arith.constant 65536 : i32
    %add3A_205 = arith.addi %add3A_35, %add3A_204 : i32
    %scan3A_206 = arith.constant 0 : i32
    %scan3A_207 = arith.constant 0 : i32
    %scan3A_208 = arith.constant 128 : i32
    %scan3A_209 = arith.addi %scan3A_207, %scan3A_208 : i32
    %scan3A_210 = arith.constant 1 : i32
    scf.for %scan3A_1602 = %scan3A_207 to %scan3A_209 step %scan3A_210  : i32 {
      %mul3A_1603 = arith.constant 128 : i32
      %mul3A_1604 = arith.muli %scan3A_1602, %mul3A_1603 : i32
      %add3A_1605 = arith.constant 0 : i32
      %add3A_1606 = arith.addi %mul3A_1604, %add3A_1605 : i32
      %mul3A_1607 = arith.constant 128 : i32
      %mul3A_1608 = arith.muli %scan3A_1602, %mul3A_1607 : i32
      %add3A_1609 = arith.constant 16 : i32
      %add3A_1610 = arith.addi %mul3A_1608, %add3A_1609 : i32
      %mul3A_1611 = arith.constant 128 : i32
      %mul3A_1612 = arith.muli %scan3A_1602, %mul3A_1611 : i32
      %add3A_1613 = arith.constant 32 : i32
      %add3A_1614 = arith.addi %mul3A_1612, %add3A_1613 : i32
      %mul3A_1615 = arith.constant 128 : i32
      %mul3A_1616 = arith.muli %scan3A_1602, %mul3A_1615 : i32
      %add3A_1617 = arith.constant 48 : i32
      %add3A_1618 = arith.addi %mul3A_1616, %add3A_1617 : i32
      %mul3A_1619 = arith.constant 128 : i32
      %mul3A_1620 = arith.muli %scan3A_1602, %mul3A_1619 : i32
      %add3A_1621 = arith.constant 64 : i32
      %add3A_1622 = arith.addi %mul3A_1620, %add3A_1621 : i32
      %mul3A_1623 = arith.constant 128 : i32
      %mul3A_1624 = arith.muli %scan3A_1602, %mul3A_1623 : i32
      %add3A_1625 = arith.constant 80 : i32
      %add3A_1626 = arith.addi %mul3A_1624, %add3A_1625 : i32
      %mul3A_1627 = arith.constant 128 : i32
      %mul3A_1628 = arith.muli %scan3A_1602, %mul3A_1627 : i32
      %add3A_1629 = arith.constant 96 : i32
      %add3A_1630 = arith.addi %mul3A_1628, %add3A_1629 : i32
      %mul3A_1631 = arith.constant 128 : i32
      %mul3A_1632 = arith.muli %scan3A_1602, %mul3A_1631 : i32
      %add3A_1633 = arith.constant 112 : i32
      %add3A_1634 = arith.addi %mul3A_1632, %add3A_1633 : i32
      %get3A_1635 = arith.constant 0 : i32
      %get3A_1636 = arith.index_cast %get3A_1635 : i32 to index
      %get3A_1637 = arith.index_cast %add3A_1606 : i32 to index
      %get3A_1638 = tpu.vector_load %arg5[%get3A_1636, %get3A_1637] {strides = array<i32>} : memref<2x16384xi32, #tpu.memory_space<vmem>>, vector<16xi32>,
      %sub3A_1639 = vector.broadcast %mul3A_37 : i32 to vector<16xi32>
      %sub3A_1640 = arith.subi %get3A_1638, %sub3A_1639 : vector<16xi32>
      %get3A_1641 = arith.constant 0 : i32
      %get3A_1642 = arith.index_cast %get3A_1641 : i32 to index
      %get3A_1643 = arith.index_cast %add3A_1610 : i32 to index
      %get3A_1644 = tpu.vector_load %arg5[%get3A_1642, %get3A_1643] {strides = array<i32>} : memref<2x16384xi32, #tpu.memory_space<vmem>>, vector<16xi32>,
      %sub3A_1645 = vector.broadcast %mul3A_37 : i32 to vector<16xi32>
      %sub3A_1646 = arith.subi %get3A_1644, %sub3A_1645 : vector<16xi32>
      %get3A_1647 = arith.constant 0 : i32
      %get3A_1648 = arith.index_cast %get3A_1647 : i32 to index
      %get3A_1649 = arith.index_cast %add3A_1614 : i32 to index
      %get3A_1650 = tpu.vector_load %arg5[%get3A_1648, %get3A_1649] {strides = array<i32>} : memref<2x16384xi32, #tpu.memory_space<vmem>>, vector<16xi32>,
      %sub3A_1651 = vector.broadcast %mul3A_37 : i32 to vector<16xi32>
      %sub3A_1652 = arith.subi %get3A_1650, %sub3A_1651 : vector<16xi32>
      %get3A_1653 = arith.constant 0 : i32
      %get3A_1654 = arith.index_cast %get3A_1653 : i32 to index
      %get3A_1655 = arith.index_cast %add3A_1618 : i32 to index
      %get3A_1656 = tpu.vector_load %arg5[%get3A_1654, %get3A_1655] {strides = array<i32>} : memref<2x16384xi32, #tpu.memory_space<vmem>>, vector<16xi32>,
      %sub3A_1657 = vector.broadcast %mul3A_37 : i32 to vector<16xi32>
      %sub3A_1658 = arith.subi %get3A_1656, %sub3A_1657 : vector<16xi32>
      %get3A_1659 = arith.constant 0 : i32
      %get3A_1660 = arith.index_cast %get3A_1659 : i32 to index
      %get3A_1661 = arith.index_cast %add3A_1622 : i32 to index
      %get3A_1662 = tpu.vector_load %arg5[%get3A_1660, %get3A_1661] {strides = array<i32>} : memref<2x16384xi32, #tpu.memory_space<vmem>>, vector<16xi32>,
      %sub3A_1663 = vector.broadcast %mul3A_37 : i32 to vector<16xi32>
      %sub3A_1664 = arith.subi %get3A_1662, %sub3A_1663 : vector<16xi32>
      %get3A_1665 = arith.constant 0 : i32
      %get3A_1666 = arith.index_cast %get3A_1665 : i32 to index
      %get3A_1667 = arith.index_cast %add3A_1626 : i32 to index
      %get3A_1668 = tpu.vector_load %arg5[%get3A_1666, %get3A_1667] {strides = array<i32>} : memref<2x16384xi32, #tpu.memory_space<vmem>>, vector<16xi32>,
      %sub3A_1669 = vector.broadcast %mul3A_37 : i32 to vector<16xi32>
      %sub3A_1670 = arith.subi %get3A_1668, %sub3A_1669 : vector<16xi32>
      %get3A_1671 = arith.constant 0 : i32
      %get3A_1672 = arith.index_cast %get3A_1671 : i32 to index
      %get3A_1673 = arith.index_cast %add3A_1630 : i32 to index
      %get3A_1674 = tpu.vector_load %arg5[%get3A_1672, %get3A_1673] {strides = array<i32>} : memref<2x16384xi32, #tpu.memory_space<vmem>>, vector<16xi32>,
      %sub3A_1675 = vector.broadcast %mul3A_37 : i32 to vector<16xi32>
      %sub3A_1676 = arith.subi %get3A_1674, %sub3A_1675 : vector<16xi32>
      %get3A_1677 = arith.constant 0 : i32
      %get3A_1678 = arith.index_cast %get3A_1677 : i32 to index
      %get3A_1679 = arith.index_cast %add3A_1634 : i32 to index
      %get3A_1680 = tpu.vector_load %arg5[%get3A_1678, %get3A_1679] {strides = array<i32>} : memref<2x16384xi32, #tpu.memory_space<vmem>>, vector<16xi32>,
      %sub3A_1681 = vector.broadcast %mul3A_37 : i32 to vector<16xi32>
      %sub3A_1682 = arith.subi %get3A_1680, %sub3A_1681 : vector<16xi32>
      %add3A_1683 = arith.addi %add3A_205, %add3A_1606 : i32
      %add3A_1684 = vector.broadcast %add3A_1683 : i32 to vector<16xi32>
      %add3A_1685 = arith.addi %add3A_1684, %iota3A : vector<16xi32>
      %add3A_1686 = arith.addi %add3A_205, %add3A_1610 : i32
      %add3A_1687 = vector.broadcast %add3A_1686 : i32 to vector<16xi32>
      %add3A_1688 = arith.addi %add3A_1687, %iota3A : vector<16xi32>
      %add3A_1689 = arith.addi %add3A_205, %add3A_1614 : i32
      %add3A_1690 = vector.broadcast %add3A_1689 : i32 to vector<16xi32>
      %add3A_1691 = arith.addi %add3A_1690, %iota3A : vector<16xi32>
      %add3A_1692 = arith.addi %add3A_205, %add3A_1618 : i32
      %add3A_1693 = vector.broadcast %add3A_1692 : i32 to vector<16xi32>
      %add3A_1694 = arith.addi %add3A_1693, %iota3A : vector<16xi32>
      %add3A_1695 = arith.addi %add3A_205, %add3A_1622 : i32
      %add3A_1696 = vector.broadcast %add3A_1695 : i32 to vector<16xi32>
      %add3A_1697 = arith.addi %add3A_1696, %iota3A : vector<16xi32>
      %add3A_1698 = arith.addi %add3A_205, %add3A_1626 : i32
      %add3A_1699 = vector.broadcast %add3A_1698 : i32 to vector<16xi32>
      %add3A_1700 = arith.addi %add3A_1699, %iota3A : vector<16xi32>
      %add3A_1701 = arith.addi %add3A_205, %add3A_1630 : i32
      %add3A_1702 = vector.broadcast %add3A_1701 : i32 to vector<16xi32>
      %add3A_1703 = arith.addi %add3A_1702, %iota3A : vector<16xi32>
      %add3A_1704 = arith.addi %add3A_205, %add3A_1634 : i32
      %add3A_1705 = vector.broadcast %add3A_1704 : i32 to vector<16xi32>
      %add3A_1706 = arith.addi %add3A_1705, %iota3A : vector<16xi32>
      tpu.vector_store_idx %arg7[%sub3A_1640], %add3A_1685 : memref<1024xi32, #tpu.memory_space<vmem>>[vector<16xi32>], vector<16xi32>,
      tpu.vector_store_idx %arg7[%sub3A_1646], %add3A_1688 : memref<1024xi32, #tpu.memory_space<vmem>>[vector<16xi32>], vector<16xi32>,
      tpu.vector_store_idx %arg7[%sub3A_1652], %add3A_1691 : memref<1024xi32, #tpu.memory_space<vmem>>[vector<16xi32>], vector<16xi32>,
      tpu.vector_store_idx %arg7[%sub3A_1658], %add3A_1694 : memref<1024xi32, #tpu.memory_space<vmem>>[vector<16xi32>], vector<16xi32>,
      tpu.vector_store_idx %arg7[%sub3A_1664], %add3A_1697 : memref<1024xi32, #tpu.memory_space<vmem>>[vector<16xi32>], vector<16xi32>,
      tpu.vector_store_idx %arg7[%sub3A_1670], %add3A_1700 : memref<1024xi32, #tpu.memory_space<vmem>>[vector<16xi32>], vector<16xi32>,
      tpu.vector_store_idx %arg7[%sub3A_1676], %add3A_1703 : memref<1024xi32, #tpu.memory_space<vmem>>[vector<16xi32>], vector<16xi32>,
      tpu.vector_store_idx %arg7[%sub3A_1682], %add3A_1706 : memref<1024xi32, #tpu.memory_space<vmem>>[vector<16xi32>], vector<16xi32>,
    }
    %scan3A_211 = arith.constant 128 : i32
    %add3A_212 = arith.constant 98304 : i32
    %add3A_213 = arith.addi %mul3A_32, %add3A_212 : i32
    %dma_start3A_214 = arith.constant 0 : i32
    %dma_start3A_215 = arith.constant 0 : i32
    %dma_start3A_216 = tpu.memref_slice %arg5[%dma_start3A_214, %dma_start3A_215] : memref<2x16384xi32, #tpu.memory_space<vmem>> -> memref<1x16384xi32, #tpu.memory_space<vmem>>
    %dma_start3A_217 = tpu.memref_squeeze %dma_start3A_216 : memref<1x16384xi32, #tpu.memory_space<vmem>> -> memref<16384xi32, #tpu.memory_space<vmem>>
    %dma_start3A_218 = tpu.memref_slice %arg2[%add3A, %add3A_213] : memref<8x524288xi32, #tpu.memory_space<hbm>> -> memref<1x16384xi32, #tpu.memory_space<hbm>>
    %dma_start3A_219 = tpu.memref_squeeze %dma_start3A_218 : memref<1x16384xi32, #tpu.memory_space<hbm>> -> memref<16384xi32, #tpu.memory_space<hbm>>
    %dma_start3A_220 = arith.constant 0 : i32
    %dma_start3A_221 = tpu.memref_slice %arg5[%dma_start3A_214, %dma_start3A_220] : memref<2x16384xi32, #tpu.memory_space<vmem>> -> memref<1x16384xi32, #tpu.memory_space<vmem>>
    %dma_start3A_222 = tpu.memref_squeeze %dma_start3A_221 : memref<1x16384xi32, #tpu.memory_space<vmem>> -> memref<16384xi32, #tpu.memory_space<vmem>>
    %dma_start3A_223 = tpu.memref_slice %arg2[%add3A, %add3A_213] : memref<8x524288xi32, #tpu.memory_space<hbm>> -> memref<1x16384xi32, #tpu.memory_space<hbm>>
    %dma_start3A_224 = tpu.memref_squeeze %dma_start3A_223 : memref<1x16384xi32, #tpu.memory_space<hbm>> -> memref<16384xi32, #tpu.memory_space<hbm>>
    tpu.enqueue_dma source(%dma_start3A_224 : memref<16384xi32, #tpu.memory_space<hbm>>) target(%dma_start3A_222 : memref<16384xi32, #tpu.memory_space<vmem>>) target_semaphore(%arg14 : memref<!tpu.dma_semaphore, #tpu.memory_space<semaphore_mem>>)
    %dma_wait3A_225 = arith.constant 1 : i32
    %dma_wait3A_226 = arith.constant 0 : i32
    %dma_wait3A_227 = tpu.memref_slice %arg5[%dma_wait3A_225, %dma_wait3A_226] : memref<2x16384xi32, #tpu.memory_space<vmem>> -> memref<1x16384xi32, #tpu.memory_space<vmem>>
    %dma_wait3A_228 = tpu.memref_squeeze %dma_wait3A_227 : memref<1x16384xi32, #tpu.memory_space<vmem>> -> memref<16384xi32, #tpu.memory_space<vmem>>
    %dma_wait3A_229 = tpu.memref_slice %arg2[%add3A, %add3A_181] : memref<8x524288xi32, #tpu.memory_space<hbm>> -> memref<1x16384xi32, #tpu.memory_space<hbm>>
    %dma_wait3A_230 = tpu.memref_squeeze %dma_wait3A_229 : memref<1x16384xi32, #tpu.memory_space<hbm>> -> memref<16384xi32, #tpu.memory_space<hbm>>
    %dma_wait3A_231 = arith.constant 0 : i32
    %dma_wait3A_232 = tpu.memref_slice %arg5[%dma_wait3A_225, %dma_wait3A_231] : memref<2x16384xi32, #tpu.memory_space<vmem>> -> memref<1x16384xi32, #tpu.memory_space<vmem>>
    %dma_wait3A_233 = tpu.memref_squeeze %dma_wait3A_232 : memref<1x16384xi32, #tpu.memory_space<vmem>> -> memref<16384xi32, #tpu.memory_space<vmem>>
    %dma_wait3A_234 = tpu.memref_slice %arg2[%add3A, %add3A_181] : memref<8x524288xi32, #tpu.memory_space<hbm>> -> memref<1x16384xi32, #tpu.memory_space<hbm>>
    %dma_wait3A_235 = tpu.memref_squeeze %dma_wait3A_234 : memref<1x16384xi32, #tpu.memory_space<hbm>> -> memref<16384xi32, #tpu.memory_space<hbm>>
    tpu.wait_dma2 semaphore(%arg15 : memref<!tpu.dma_semaphore, #tpu.memory_space<semaphore_mem>>) src(%dma_wait3A_235 : memref<16384xi32, #tpu.memory_space<hbm>>) dst(%dma_wait3A_233 : memref<16384xi32, #tpu.memory_space<vmem>>)
    %add3A_236 = arith.constant 81920 : i32
    %add3A_237 = arith.addi %add3A_35, %add3A_236 : i32
    %scan3A_238 = arith.constant 0 : i32
    %scan3A_239 = arith.constant 0 : i32
    %scan3A_240 = arith.constant 128 : i32
    %scan3A_241 = arith.addi %scan3A_239, %scan3A_240 : i32
    %scan3A_242 = arith.constant 1 : i32
    scf.for %scan3A_1602 = %scan3A_239 to %scan3A_241 step %scan3A_242  : i32 {
      %mul3A_1603 = arith.constant 128 : i32
      %mul3A_1604 = arith.muli %scan3A_1602, %mul3A_1603 : i32
      %add3A_1605 = arith.constant 0 : i32
      %add3A_1606 = arith.addi %mul3A_1604, %add3A_1605 : i32
      %mul3A_1607 = arith.constant 128 : i32
      %mul3A_1608 = arith.muli %scan3A_1602, %mul3A_1607 : i32
      %add3A_1609 = arith.constant 16 : i32
      %add3A_1610 = arith.addi %mul3A_1608, %add3A_1609 : i32
      %mul3A_1611 = arith.constant 128 : i32
      %mul3A_1612 = arith.muli %scan3A_1602, %mul3A_1611 : i32
      %add3A_1613 = arith.constant 32 : i32
      %add3A_1614 = arith.addi %mul3A_1612, %add3A_1613 : i32
      %mul3A_1615 = arith.constant 128 : i32
      %mul3A_1616 = arith.muli %scan3A_1602, %mul3A_1615 : i32
      %add3A_1617 = arith.constant 48 : i32
      %add3A_1618 = arith.addi %mul3A_1616, %add3A_1617 : i32
      %mul3A_1619 = arith.constant 128 : i32
      %mul3A_1620 = arith.muli %scan3A_1602, %mul3A_1619 : i32
      %add3A_1621 = arith.constant 64 : i32
      %add3A_1622 = arith.addi %mul3A_1620, %add3A_1621 : i32
      %mul3A_1623 = arith.constant 128 : i32
      %mul3A_1624 = arith.muli %scan3A_1602, %mul3A_1623 : i32
      %add3A_1625 = arith.constant 80 : i32
      %add3A_1626 = arith.addi %mul3A_1624, %add3A_1625 : i32
      %mul3A_1627 = arith.constant 128 : i32
      %mul3A_1628 = arith.muli %scan3A_1602, %mul3A_1627 : i32
      %add3A_1629 = arith.constant 96 : i32
      %add3A_1630 = arith.addi %mul3A_1628, %add3A_1629 : i32
      %mul3A_1631 = arith.constant 128 : i32
      %mul3A_1632 = arith.muli %scan3A_1602, %mul3A_1631 : i32
      %add3A_1633 = arith.constant 112 : i32
      %add3A_1634 = arith.addi %mul3A_1632, %add3A_1633 : i32
      %get3A_1635 = arith.constant 1 : i32
      %get3A_1636 = arith.index_cast %get3A_1635 : i32 to index
      %get3A_1637 = arith.index_cast %add3A_1606 : i32 to index
      %get3A_1638 = tpu.vector_load %arg5[%get3A_1636, %get3A_1637] {strides = array<i32>} : memref<2x16384xi32, #tpu.memory_space<vmem>>, vector<16xi32>,
      %sub3A_1639 = vector.broadcast %mul3A_37 : i32 to vector<16xi32>
      %sub3A_1640 = arith.subi %get3A_1638, %sub3A_1639 : vector<16xi32>
      %get3A_1641 = arith.constant 1 : i32
      %get3A_1642 = arith.index_cast %get3A_1641 : i32 to index
      %get3A_1643 = arith.index_cast %add3A_1610 : i32 to index
      %get3A_1644 = tpu.vector_load %arg5[%get3A_1642, %get3A_1643] {strides = array<i32>} : memref<2x16384xi32, #tpu.memory_space<vmem>>, vector<16xi32>,
      %sub3A_1645 = vector.broadcast %mul3A_37 : i32 to vector<16xi32>
      %sub3A_1646 = arith.subi %get3A_1644, %sub3A_1645 : vector<16xi32>
      %get3A_1647 = arith.constant 1 : i32
      %get3A_1648 = arith.index_cast %get3A_1647 : i32 to index
      %get3A_1649 = arith.index_cast %add3A_1614 : i32 to index
      %get3A_1650 = tpu.vector_load %arg5[%get3A_1648, %get3A_1649] {strides = array<i32>} : memref<2x16384xi32, #tpu.memory_space<vmem>>, vector<16xi32>,
      %sub3A_1651 = vector.broadcast %mul3A_37 : i32 to vector<16xi32>
      %sub3A_1652 = arith.subi %get3A_1650, %sub3A_1651 : vector<16xi32>
      %get3A_1653 = arith.constant 1 : i32
      %get3A_1654 = arith.index_cast %get3A_1653 : i32 to index
      %get3A_1655 = arith.index_cast %add3A_1618 : i32 to index
      %get3A_1656 = tpu.vector_load %arg5[%get3A_1654, %get3A_1655] {strides = array<i32>} : memref<2x16384xi32, #tpu.memory_space<vmem>>, vector<16xi32>,
      %sub3A_1657 = vector.broadcast %mul3A_37 : i32 to vector<16xi32>
      %sub3A_1658 = arith.subi %get3A_1656, %sub3A_1657 : vector<16xi32>
      %get3A_1659 = arith.constant 1 : i32
      %get3A_1660 = arith.index_cast %get3A_1659 : i32 to index
      %get3A_1661 = arith.index_cast %add3A_1622 : i32 to index
      %get3A_1662 = tpu.vector_load %arg5[%get3A_1660, %get3A_1661] {strides = array<i32>} : memref<2x16384xi32, #tpu.memory_space<vmem>>, vector<16xi32>,
      %sub3A_1663 = vector.broadcast %mul3A_37 : i32 to vector<16xi32>
      %sub3A_1664 = arith.subi %get3A_1662, %sub3A_1663 : vector<16xi32>
      %get3A_1665 = arith.constant 1 : i32
      %get3A_1666 = arith.index_cast %get3A_1665 : i32 to index
      %get3A_1667 = arith.index_cast %add3A_1626 : i32 to index
      %get3A_1668 = tpu.vector_load %arg5[%get3A_1666, %get3A_1667] {strides = array<i32>} : memref<2x16384xi32, #tpu.memory_space<vmem>>, vector<16xi32>,
      %sub3A_1669 = vector.broadcast %mul3A_37 : i32 to vector<16xi32>
      %sub3A_1670 = arith.subi %get3A_1668, %sub3A_1669 : vector<16xi32>
      %get3A_1671 = arith.constant 1 : i32
      %get3A_1672 = arith.index_cast %get3A_1671 : i32 to index
      %get3A_1673 = arith.index_cast %add3A_1630 : i32 to index
      %get3A_1674 = tpu.vector_load %arg5[%get3A_1672, %get3A_1673] {strides = array<i32>} : memref<2x16384xi32, #tpu.memory_space<vmem>>, vector<16xi32>,
      %sub3A_1675 = vector.broadcast %mul3A_37 : i32 to vector<16xi32>
      %sub3A_1676 = arith.subi %get3A_1674, %sub3A_1675 : vector<16xi32>
      %get3A_1677 = arith.constant 1 : i32
      %get3A_1678 = arith.index_cast %get3A_1677 : i32 to index
      %get3A_1679 = arith.index_cast %add3A_1634 : i32 to index
      %get3A_1680 = tpu.vector_load %arg5[%get3A_1678, %get3A_1679] {strides = array<i32>} : memref<2x16384xi32, #tpu.memory_space<vmem>>, vector<16xi32>,
      %sub3A_1681 = vector.broadcast %mul3A_37 : i32 to vector<16xi32>
      %sub3A_1682 = arith.subi %get3A_1680, %sub3A_1681 : vector<16xi32>
      %add3A_1683 = arith.addi %add3A_237, %add3A_1606 : i32
      %add3A_1684 = vector.broadcast %add3A_1683 : i32 to vector<16xi32>
      %add3A_1685 = arith.addi %add3A_1684, %iota3A : vector<16xi32>
      %add3A_1686 = arith.addi %add3A_237, %add3A_1610 : i32
      %add3A_1687 = vector.broadcast %add3A_1686 : i32 to vector<16xi32>
      %add3A_1688 = arith.addi %add3A_1687, %iota3A : vector<16xi32>
      %add3A_1689 = arith.addi %add3A_237, %add3A_1614 : i32
      %add3A_1690 = vector.broadcast %add3A_1689 : i32 to vector<16xi32>
      %add3A_1691 = arith.addi %add3A_1690, %iota3A : vector<16xi32>
      %add3A_1692 = arith.addi %add3A_237, %add3A_1618 : i32
      %add3A_1693 = vector.broadcast %add3A_1692 : i32 to vector<16xi32>
      %add3A_1694 = arith.addi %add3A_1693, %iota3A : vector<16xi32>
      %add3A_1695 = arith.addi %add3A_237, %add3A_1622 : i32
      %add3A_1696 = vector.broadcast %add3A_1695 : i32 to vector<16xi32>
      %add3A_1697 = arith.addi %add3A_1696, %iota3A : vector<16xi32>
      %add3A_1698 = arith.addi %add3A_237, %add3A_1626 : i32
      %add3A_1699 = vector.broadcast %add3A_1698 : i32 to vector<16xi32>
      %add3A_1700 = arith.addi %add3A_1699, %iota3A : vector<16xi32>
      %add3A_1701 = arith.addi %add3A_237, %add3A_1630 : i32
      %add3A_1702 = vector.broadcast %add3A_1701 : i32 to vector<16xi32>
      %add3A_1703 = arith.addi %add3A_1702, %iota3A : vector<16xi32>
      %add3A_1704 = arith.addi %add3A_237, %add3A_1634 : i32
      %add3A_1705 = vector.broadcast %add3A_1704 : i32 to vector<16xi32>
      %add3A_1706 = arith.addi %add3A_1705, %iota3A : vector<16xi32>
      tpu.vector_store_idx %arg7[%sub3A_1640], %add3A_1685 : memref<1024xi32, #tpu.memory_space<vmem>>[vector<16xi32>], vector<16xi32>,
      tpu.vector_store_idx %arg7[%sub3A_1646], %add3A_1688 : memref<1024xi32, #tpu.memory_space<vmem>>[vector<16xi32>], vector<16xi32>,
      tpu.vector_store_idx %arg7[%sub3A_1652], %add3A_1691 : memref<1024xi32, #tpu.memory_space<vmem>>[vector<16xi32>], vector<16xi32>,
      tpu.vector_store_idx %arg7[%sub3A_1658], %add3A_1694 : memref<1024xi32, #tpu.memory_space<vmem>>[vector<16xi32>], vector<16xi32>,
      tpu.vector_store_idx %arg7[%sub3A_1664], %add3A_1697 : memref<1024xi32, #tpu.memory_space<vmem>>[vector<16xi32>], vector<16xi32>,
      tpu.vector_store_idx %arg7[%sub3A_1670], %add3A_1700 : memref<1024xi32, #tpu.memory_space<vmem>>[vector<16xi32>], vector<16xi32>,
      tpu.vector_store_idx %arg7[%sub3A_1676], %add3A_1703 : memref<1024xi32, #tpu.memory_space<vmem>>[vector<16xi32>], vector<16xi32>,
      tpu.vector_store_idx %arg7[%sub3A_1682], %add3A_1706 : memref<1024xi32, #tpu.memory_space<vmem>>[vector<16xi32>], vector<16xi32>,
    }
    %scan3A_243 = arith.constant 128 : i32
    %add3A_244 = arith.constant 114688 : i32
    %add3A_245 = arith.addi %mul3A_32, %add3A_244 : i32
    %dma_start3A_246 = arith.constant 1 : i32
    %dma_start3A_247 = arith.constant 0 : i32
    %dma_start3A_248 = tpu.memref_slice %arg5[%dma_start3A_246, %dma_start3A_247] : memref<2x16384xi32, #tpu.memory_space<vmem>> -> memref<1x16384xi32, #tpu.memory_space<vmem>>
    %dma_start3A_249 = tpu.memref_squeeze %dma_start3A_248 : memref<1x16384xi32, #tpu.memory_space<vmem>> -> memref<16384xi32, #tpu.memory_space<vmem>>
    %dma_start3A_250 = tpu.memref_slice %arg2[%add3A, %add3A_245] : memref<8x524288xi32, #tpu.memory_space<hbm>> -> memref<1x16384xi32, #tpu.memory_space<hbm>>
    %dma_start3A_251 = tpu.memref_squeeze %dma_start3A_250 : memref<1x16384xi32, #tpu.memory_space<hbm>> -> memref<16384xi32, #tpu.memory_space<hbm>>
    %dma_start3A_252 = arith.constant 0 : i32
    %dma_start3A_253 = tpu.memref_slice %arg5[%dma_start3A_246, %dma_start3A_252] : memref<2x16384xi32, #tpu.memory_space<vmem>> -> memref<1x16384xi32, #tpu.memory_space<vmem>>
    %dma_start3A_254 = tpu.memref_squeeze %dma_start3A_253 : memref<1x16384xi32, #tpu.memory_space<vmem>> -> memref<16384xi32, #tpu.memory_space<vmem>>
    %dma_start3A_255 = tpu.memref_slice %arg2[%add3A, %add3A_245] : memref<8x524288xi32, #tpu.memory_space<hbm>> -> memref<1x16384xi32, #tpu.memory_space<hbm>>
    %dma_start3A_256 = tpu.memref_squeeze %dma_start3A_255 : memref<1x16384xi32, #tpu.memory_space<hbm>> -> memref<16384xi32, #tpu.memory_space<hbm>>
    tpu.enqueue_dma source(%dma_start3A_256 : memref<16384xi32, #tpu.memory_space<hbm>>) target(%dma_start3A_254 : memref<16384xi32, #tpu.memory_space<vmem>>) target_semaphore(%arg15 : memref<!tpu.dma_semaphore, #tpu.memory_space<semaphore_mem>>)
    %dma_wait3A_257 = arith.constant 0 : i32
    %dma_wait3A_258 = arith.constant 0 : i32
    %dma_wait3A_259 = tpu.memref_slice %arg5[%dma_wait3A_257, %dma_wait3A_258] : memref<2x16384xi32, #tpu.memory_space<vmem>> -> memref<1x16384xi32, #tpu.memory_space<vmem>>
    %dma_wait3A_260 = tpu.memref_squeeze %dma_wait3A_259 : memref<1x16384xi32, #tpu.memory_space<vmem>> -> memref<16384xi32, #tpu.memory_space<vmem>>
    %dma_wait3A_261 = tpu.memref_slice %arg2[%add3A, %add3A_213] : memref<8x524288xi32, #tpu.memory_space<hbm>> -> memref<1x16384xi32, #tpu.memory_space<hbm>>
    %dma_wait3A_262 = tpu.memref_squeeze %dma_wait3A_261 : memref<1x16384xi32, #tpu.memory_space<hbm>> -> memref<16384xi32, #tpu.memory_space<hbm>>
    %dma_wait3A_263 = arith.constant 0 : i32
    %dma_wait3A_264 = tpu.memref_slice %arg5[%dma_wait3A_257, %dma_wait3A_263] : memref<2x16384xi32, #tpu.memory_space<vmem>> -> memref<1x16384xi32, #tpu.memory_space<vmem>>
    %dma_wait3A_265 = tpu.memref_squeeze %dma_wait3A_264 : memref<1x16384xi32, #tpu.memory_space<vmem>> -> memref<16384xi32, #tpu.memory_space<vmem>>
    %dma_wait3A_266 = tpu.memref_slice %arg2[%add3A, %add3A_213] : memref<8x524288xi32, #tpu.memory_space<hbm>> -> memref<1x16384xi32, #tpu.memory_space<hbm>>
    %dma_wait3A_267 = tpu.memref_squeeze %dma_wait3A_266 : memref<1x16384xi32, #tpu.memory_space<hbm>> -> memref<16384xi32, #tpu.memory_space<hbm>>
    tpu.wait_dma2 semaphore(%arg14 : memref<!tpu.dma_semaphore, #tpu.memory_space<semaphore_mem>>) src(%dma_wait3A_267 : memref<16384xi32, #tpu.memory_space<hbm>>) dst(%dma_wait3A_265 : memref<16384xi32, #tpu.memory_space<vmem>>)
    %add3A_268 = arith.constant 98304 : i32
    %add3A_269 = arith.addi %add3A_35, %add3A_268 : i32
    %scan3A_270 = arith.constant 0 : i32
    %scan3A_271 = arith.constant 0 : i32
    %scan3A_272 = arith.constant 128 : i32
    %scan3A_273 = arith.addi %scan3A_271, %scan3A_272 : i32
    %scan3A_274 = arith.constant 1 : i32
    scf.for %scan3A_1602 = %scan3A_271 to %scan3A_273 step %scan3A_274  : i32 {
      %mul3A_1603 = arith.constant 128 : i32
      %mul3A_1604 = arith.muli %scan3A_1602, %mul3A_1603 : i32
      %add3A_1605 = arith.constant 0 : i32
      %add3A_1606 = arith.addi %mul3A_1604, %add3A_1605 : i32
      %mul3A_1607 = arith.constant 128 : i32
      %mul3A_1608 = arith.muli %scan3A_1602, %mul3A_1607 : i32
      %add3A_1609 = arith.constant 16 : i32
      %add3A_1610 = arith.addi %mul3A_1608, %add3A_1609 : i32
      %mul3A_1611 = arith.constant 128 : i32
      %mul3A_1612 = arith.muli %scan3A_1602, %mul3A_1611 : i32
      %add3A_1613 = arith.constant 32 : i32
      %add3A_1614 = arith.addi %mul3A_1612, %add3A_1613 : i32
      %mul3A_1615 = arith.constant 128 : i32
      %mul3A_1616 = arith.muli %scan3A_1602, %mul3A_1615 : i32
      %add3A_1617 = arith.constant 48 : i32
      %add3A_1618 = arith.addi %mul3A_1616, %add3A_1617 : i32
      %mul3A_1619 = arith.constant 128 : i32
      %mul3A_1620 = arith.muli %scan3A_1602, %mul3A_1619 : i32
      %add3A_1621 = arith.constant 64 : i32
      %add3A_1622 = arith.addi %mul3A_1620, %add3A_1621 : i32
      %mul3A_1623 = arith.constant 128 : i32
      %mul3A_1624 = arith.muli %scan3A_1602, %mul3A_1623 : i32
      %add3A_1625 = arith.constant 80 : i32
      %add3A_1626 = arith.addi %mul3A_1624, %add3A_1625 : i32
      %mul3A_1627 = arith.constant 128 : i32
      %mul3A_1628 = arith.muli %scan3A_1602, %mul3A_1627 : i32
      %add3A_1629 = arith.constant 96 : i32
      %add3A_1630 = arith.addi %mul3A_1628, %add3A_1629 : i32
      %mul3A_1631 = arith.constant 128 : i32
      %mul3A_1632 = arith.muli %scan3A_1602, %mul3A_1631 : i32
      %add3A_1633 = arith.constant 112 : i32
      %add3A_1634 = arith.addi %mul3A_1632, %add3A_1633 : i32
      %get3A_1635 = arith.constant 0 : i32
      %get3A_1636 = arith.index_cast %get3A_1635 : i32 to index
      %get3A_1637 = arith.index_cast %add3A_1606 : i32 to index
      %get3A_1638 = tpu.vector_load %arg5[%get3A_1636, %get3A_1637] {strides = array<i32>} : memref<2x16384xi32, #tpu.memory_space<vmem>>, vector<16xi32>,
      %sub3A_1639 = vector.broadcast %mul3A_37 : i32 to vector<16xi32>
      %sub3A_1640 = arith.subi %get3A_1638, %sub3A_1639 : vector<16xi32>
      %get3A_1641 = arith.constant 0 : i32
      %get3A_1642 = arith.index_cast %get3A_1641 : i32 to index
      %get3A_1643 = arith.index_cast %add3A_1610 : i32 to index
      %get3A_1644 = tpu.vector_load %arg5[%get3A_1642, %get3A_1643] {strides = array<i32>} : memref<2x16384xi32, #tpu.memory_space<vmem>>, vector<16xi32>,
      %sub3A_1645 = vector.broadcast %mul3A_37 : i32 to vector<16xi32>
      %sub3A_1646 = arith.subi %get3A_1644, %sub3A_1645 : vector<16xi32>
      %get3A_1647 = arith.constant 0 : i32
      %get3A_1648 = arith.index_cast %get3A_1647 : i32 to index
      %get3A_1649 = arith.index_cast %add3A_1614 : i32 to index
      %get3A_1650 = tpu.vector_load %arg5[%get3A_1648, %get3A_1649] {strides = array<i32>} : memref<2x16384xi32, #tpu.memory_space<vmem>>, vector<16xi32>,
      %sub3A_1651 = vector.broadcast %mul3A_37 : i32 to vector<16xi32>
      %sub3A_1652 = arith.subi %get3A_1650, %sub3A_1651 : vector<16xi32>
      %get3A_1653 = arith.constant 0 : i32
      %get3A_1654 = arith.index_cast %get3A_1653 : i32 to index
      %get3A_1655 = arith.index_cast %add3A_1618 : i32 to index
      %get3A_1656 = tpu.vector_load %arg5[%get3A_1654, %get3A_1655] {strides = array<i32>} : memref<2x16384xi32, #tpu.memory_space<vmem>>, vector<16xi32>,
      %sub3A_1657 = vector.broadcast %mul3A_37 : i32 to vector<16xi32>
      %sub3A_1658 = arith.subi %get3A_1656, %sub3A_1657 : vector<16xi32>
      %get3A_1659 = arith.constant 0 : i32
      %get3A_1660 = arith.index_cast %get3A_1659 : i32 to index
      %get3A_1661 = arith.index_cast %add3A_1622 : i32 to index
      %get3A_1662 = tpu.vector_load %arg5[%get3A_1660, %get3A_1661] {strides = array<i32>} : memref<2x16384xi32, #tpu.memory_space<vmem>>, vector<16xi32>,
      %sub3A_1663 = vector.broadcast %mul3A_37 : i32 to vector<16xi32>
      %sub3A_1664 = arith.subi %get3A_1662, %sub3A_1663 : vector<16xi32>
      %get3A_1665 = arith.constant 0 : i32
      %get3A_1666 = arith.index_cast %get3A_1665 : i32 to index
      %get3A_1667 = arith.index_cast %add3A_1626 : i32 to index
      %get3A_1668 = tpu.vector_load %arg5[%get3A_1666, %get3A_1667] {strides = array<i32>} : memref<2x16384xi32, #tpu.memory_space<vmem>>, vector<16xi32>,
      %sub3A_1669 = vector.broadcast %mul3A_37 : i32 to vector<16xi32>
      %sub3A_1670 = arith.subi %get3A_1668, %sub3A_1669 : vector<16xi32>
      %get3A_1671 = arith.constant 0 : i32
      %get3A_1672 = arith.index_cast %get3A_1671 : i32 to index
      %get3A_1673 = arith.index_cast %add3A_1630 : i32 to index
      %get3A_1674 = tpu.vector_load %arg5[%get3A_1672, %get3A_1673] {strides = array<i32>} : memref<2x16384xi32, #tpu.memory_space<vmem>>, vector<16xi32>,
      %sub3A_1675 = vector.broadcast %mul3A_37 : i32 to vector<16xi32>
      %sub3A_1676 = arith.subi %get3A_1674, %sub3A_1675 : vector<16xi32>
      %get3A_1677 = arith.constant 0 : i32
      %get3A_1678 = arith.index_cast %get3A_1677 : i32 to index
      %get3A_1679 = arith.index_cast %add3A_1634 : i32 to index
      %get3A_1680 = tpu.vector_load %arg5[%get3A_1678, %get3A_1679] {strides = array<i32>} : memref<2x16384xi32, #tpu.memory_space<vmem>>, vector<16xi32>,
      %sub3A_1681 = vector.broadcast %mul3A_37 : i32 to vector<16xi32>
      %sub3A_1682 = arith.subi %get3A_1680, %sub3A_1681 : vector<16xi32>
      %add3A_1683 = arith.addi %add3A_269, %add3A_1606 : i32
      %add3A_1684 = vector.broadcast %add3A_1683 : i32 to vector<16xi32>
      %add3A_1685 = arith.addi %add3A_1684, %iota3A : vector<16xi32>
      %add3A_1686 = arith.addi %add3A_269, %add3A_1610 : i32
      %add3A_1687 = vector.broadcast %add3A_1686 : i32 to vector<16xi32>
      %add3A_1688 = arith.addi %add3A_1687, %iota3A : vector<16xi32>
      %add3A_1689 = arith.addi %add3A_269, %add3A_1614 : i32
      %add3A_1690 = vector.broadcast %add3A_1689 : i32 to vector<16xi32>
      %add3A_1691 = arith.addi %add3A_1690, %iota3A : vector<16xi32>
      %add3A_1692 = arith.addi %add3A_269, %add3A_1618 : i32
      %add3A_1693 = vector.broadcast %add3A_1692 : i32 to vector<16xi32>
      %add3A_1694 = arith.addi %add3A_1693, %iota3A : vector<16xi32>
      %add3A_1695 = arith.addi %add3A_269, %add3A_1622 : i32
      %add3A_1696 = vector.broadcast %add3A_1695 : i32 to vector<16xi32>
      %add3A_1697 = arith.addi %add3A_1696, %iota3A : vector<16xi32>
      %add3A_1698 = arith.addi %add3A_269, %add3A_1626 : i32
      %add3A_1699 = vector.broadcast %add3A_1698 : i32 to vector<16xi32>
      %add3A_1700 = arith.addi %add3A_1699, %iota3A : vector<16xi32>
      %add3A_1701 = arith.addi %add3A_269, %add3A_1630 : i32
      %add3A_1702 = vector.broadcast %add3A_1701 : i32 to vector<16xi32>
      %add3A_1703 = arith.addi %add3A_1702, %iota3A : vector<16xi32>
      %add3A_1704 = arith.addi %add3A_269, %add3A_1634 : i32
      %add3A_1705 = vector.broadcast %add3A_1704 : i32 to vector<16xi32>
      %add3A_1706 = arith.addi %add3A_1705, %iota3A : vector<16xi32>
      tpu.vector_store_idx %arg7[%sub3A_1640], %add3A_1685 : memref<1024xi32, #tpu.memory_space<vmem>>[vector<16xi32>], vector<16xi32>,
      tpu.vector_store_idx %arg7[%sub3A_1646], %add3A_1688 : memref<1024xi32, #tpu.memory_space<vmem>>[vector<16xi32>], vector<16xi32>,
      tpu.vector_store_idx %arg7[%sub3A_1652], %add3A_1691 : memref<1024xi32, #tpu.memory_space<vmem>>[vector<16xi32>], vector<16xi32>,
      tpu.vector_store_idx %arg7[%sub3A_1658], %add3A_1694 : memref<1024xi32, #tpu.memory_space<vmem>>[vector<16xi32>], vector<16xi32>,
      tpu.vector_store_idx %arg7[%sub3A_1664], %add3A_1697 : memref<1024xi32, #tpu.memory_space<vmem>>[vector<16xi32>], vector<16xi32>,
      tpu.vector_store_idx %arg7[%sub3A_1670], %add3A_1700 : memref<1024xi32, #tpu.memory_space<vmem>>[vector<16xi32>], vector<16xi32>,
      tpu.vector_store_idx %arg7[%sub3A_1676], %add3A_1703 : memref<1024xi32, #tpu.memory_space<vmem>>[vector<16xi32>], vector<16xi32>,
      tpu.vector_store_idx %arg7[%sub3A_1682], %add3A_1706 : memref<1024xi32, #tpu.memory_space<vmem>>[vector<16xi32>], vector<16xi32>,
    }
    %scan3A_275 = arith.constant 128 : i32
    %dma_wait3A_276 = arith.constant 1 : i32
    %dma_wait3A_277 = arith.constant 0 : i32
    %dma_wait3A_278 = tpu.memref_slice %arg5[%dma_wait3A_276, %dma_wait3A_277] : memref<2x16384xi32, #tpu.memory_space<vmem>> -> memref<1x16384xi32, #tpu.memory_space<vmem>>
    %dma_wait3A_279 = tpu.memref_squeeze %dma_wait3A_278 : memref<1x16384xi32, #tpu.memory_space<vmem>> -> memref<16384xi32, #tpu.memory_space<vmem>>
    %dma_wait3A_280 = tpu.memref_slice %arg2[%add3A, %add3A_245] : memref<8x524288xi32, #tpu.memory_space<hbm>> -> memref<1x16384xi32, #tpu.memory_space<hbm>>
    %dma_wait3A_281 = tpu.memref_squeeze %dma_wait3A_280 : memref<1x16384xi32, #tpu.memory_space<hbm>> -> memref<16384xi32, #tpu.memory_space<hbm>>
    %dma_wait3A_282 = arith.constant 0 : i32
    %dma_wait3A_283 = tpu.memref_slice %arg5[%dma_wait3A_276, %dma_wait3A_282] : memref<2x16384xi32, #tpu.memory_space<vmem>> -> memref<1x16384xi32, #tpu.memory_space<vmem>>
    %dma_wait3A_284 = tpu.memref_squeeze %dma_wait3A_283 : memref<1x16384xi32, #tpu.memory_space<vmem>> -> memref<16384xi32, #tpu.memory_space<vmem>>
    %dma_wait3A_285 = tpu.memref_slice %arg2[%add3A, %add3A_245] : memref<8x524288xi32, #tpu.memory_space<hbm>> -> memref<1x16384xi32, #tpu.memory_space<hbm>>
    %dma_wait3A_286 = tpu.memref_squeeze %dma_wait3A_285 : memref<1x16384xi32, #tpu.memory_space<hbm>> -> memref<16384xi32, #tpu.memory_space<hbm>>
    tpu.wait_dma2 semaphore(%arg15 : memref<!tpu.dma_semaphore, #tpu.memory_space<semaphore_mem>>) src(%dma_wait3A_286 : memref<16384xi32, #tpu.memory_space<hbm>>) dst(%dma_wait3A_284 : memref<16384xi32, #tpu.memory_space<vmem>>)
    %add3A_287 = arith.constant 114688 : i32
    %add3A_288 = arith.addi %add3A_35, %add3A_287 : i32
    %scan3A_289 = arith.constant 0 : i32
    %scan3A_290 = arith.constant 0 : i32
    %scan3A_291 = arith.constant 128 : i32
    %scan3A_292 = arith.addi %scan3A_290, %scan3A_291 : i32
    %scan3A_293 = arith.constant 1 : i32
    scf.for %scan3A_1602 = %scan3A_290 to %scan3A_292 step %scan3A_293  : i32 {
      %mul3A_1603 = arith.constant 128 : i32
      %mul3A_1604 = arith.muli %scan3A_1602, %mul3A_1603 : i32
      %add3A_1605 = arith.constant 0 : i32
      %add3A_1606 = arith.addi %mul3A_1604, %add3A_1605 : i32
      %mul3A_1607 = arith.constant 128 : i32
      %mul3A_1608 = arith.muli %scan3A_1602, %mul3A_1607 : i32
      %add3A_1609 = arith.constant 16 : i32
      %add3A_1610 = arith.addi %mul3A_1608, %add3A_1609 : i32
      %mul3A_1611 = arith.constant 128 : i32
      %mul3A_1612 = arith.muli %scan3A_1602, %mul3A_1611 : i32
      %add3A_1613 = arith.constant 32 : i32
      %add3A_1614 = arith.addi %mul3A_1612, %add3A_1613 : i32
      %mul3A_1615 = arith.constant 128 : i32
      %mul3A_1616 = arith.muli %scan3A_1602, %mul3A_1615 : i32
      %add3A_1617 = arith.constant 48 : i32
      %add3A_1618 = arith.addi %mul3A_1616, %add3A_1617 : i32
      %mul3A_1619 = arith.constant 128 : i32
      %mul3A_1620 = arith.muli %scan3A_1602, %mul3A_1619 : i32
      %add3A_1621 = arith.constant 64 : i32
      %add3A_1622 = arith.addi %mul3A_1620, %add3A_1621 : i32
      %mul3A_1623 = arith.constant 128 : i32
      %mul3A_1624 = arith.muli %scan3A_1602, %mul3A_1623 : i32
      %add3A_1625 = arith.constant 80 : i32
      %add3A_1626 = arith.addi %mul3A_1624, %add3A_1625 : i32
      %mul3A_1627 = arith.constant 128 : i32
      %mul3A_1628 = arith.muli %scan3A_1602, %mul3A_1627 : i32
      %add3A_1629 = arith.constant 96 : i32
      %add3A_1630 = arith.addi %mul3A_1628, %add3A_1629 : i32
      %mul3A_1631 = arith.constant 128 : i32
      %mul3A_1632 = arith.muli %scan3A_1602, %mul3A_1631 : i32
      %add3A_1633 = arith.constant 112 : i32
      %add3A_1634 = arith.addi %mul3A_1632, %add3A_1633 : i32
      %get3A_1635 = arith.constant 1 : i32
      %get3A_1636 = arith.index_cast %get3A_1635 : i32 to index
      %get3A_1637 = arith.index_cast %add3A_1606 : i32 to index
      %get3A_1638 = tpu.vector_load %arg5[%get3A_1636, %get3A_1637] {strides = array<i32>} : memref<2x16384xi32, #tpu.memory_space<vmem>>, vector<16xi32>,
      %sub3A_1639 = vector.broadcast %mul3A_37 : i32 to vector<16xi32>
      %sub3A_1640 = arith.subi %get3A_1638, %sub3A_1639 : vector<16xi32>
      %get3A_1641 = arith.constant 1 : i32
      %get3A_1642 = arith.index_cast %get3A_1641 : i32 to index
      %get3A_1643 = arith.index_cast %add3A_1610 : i32 to index
      %get3A_1644 = tpu.vector_load %arg5[%get3A_1642, %get3A_1643] {strides = array<i32>} : memref<2x16384xi32, #tpu.memory_space<vmem>>, vector<16xi32>,
      %sub3A_1645 = vector.broadcast %mul3A_37 : i32 to vector<16xi32>
      %sub3A_1646 = arith.subi %get3A_1644, %sub3A_1645 : vector<16xi32>
      %get3A_1647 = arith.constant 1 : i32
      %get3A_1648 = arith.index_cast %get3A_1647 : i32 to index
      %get3A_1649 = arith.index_cast %add3A_1614 : i32 to index
      %get3A_1650 = tpu.vector_load %arg5[%get3A_1648, %get3A_1649] {strides = array<i32>} : memref<2x16384xi32, #tpu.memory_space<vmem>>, vector<16xi32>,
      %sub3A_1651 = vector.broadcast %mul3A_37 : i32 to vector<16xi32>
      %sub3A_1652 = arith.subi %get3A_1650, %sub3A_1651 : vector<16xi32>
      %get3A_1653 = arith.constant 1 : i32
      %get3A_1654 = arith.index_cast %get3A_1653 : i32 to index
      %get3A_1655 = arith.index_cast %add3A_1618 : i32 to index
      %get3A_1656 = tpu.vector_load %arg5[%get3A_1654, %get3A_1655] {strides = array<i32>} : memref<2x16384xi32, #tpu.memory_space<vmem>>, vector<16xi32>,
      %sub3A_1657 = vector.broadcast %mul3A_37 : i32 to vector<16xi32>
      %sub3A_1658 = arith.subi %get3A_1656, %sub3A_1657 : vector<16xi32>
      %get3A_1659 = arith.constant 1 : i32
      %get3A_1660 = arith.index_cast %get3A_1659 : i32 to index
      %get3A_1661 = arith.index_cast %add3A_1622 : i32 to index
      %get3A_1662 = tpu.vector_load %arg5[%get3A_1660, %get3A_1661] {strides = array<i32>} : memref<2x16384xi32, #tpu.memory_space<vmem>>, vector<16xi32>,
      %sub3A_1663 = vector.broadcast %mul3A_37 : i32 to vector<16xi32>
      %sub3A_1664 = arith.subi %get3A_1662, %sub3A_1663 : vector<16xi32>
      %get3A_1665 = arith.constant 1 : i32
      %get3A_1666 = arith.index_cast %get3A_1665 : i32 to index
      %get3A_1667 = arith.index_cast %add3A_1626 : i32 to index
      %get3A_1668 = tpu.vector_load %arg5[%get3A_1666, %get3A_1667] {strides = array<i32>} : memref<2x16384xi32, #tpu.memory_space<vmem>>, vector<16xi32>,
      %sub3A_1669 = vector.broadcast %mul3A_37 : i32 to vector<16xi32>
      %sub3A_1670 = arith.subi %get3A_1668, %sub3A_1669 : vector<16xi32>
      %get3A_1671 = arith.constant 1 : i32
      %get3A_1672 = arith.index_cast %get3A_1671 : i32 to index
      %get3A_1673 = arith.index_cast %add3A_1630 : i32 to index
      %get3A_1674 = tpu.vector_load %arg5[%get3A_1672, %get3A_1673] {strides = array<i32>} : memref<2x16384xi32, #tpu.memory_space<vmem>>, vector<16xi32>,
      %sub3A_1675 = vector.broadcast %mul3A_37 : i32 to vector<16xi32>
      %sub3A_1676 = arith.subi %get3A_1674, %sub3A_1675 : vector<16xi32>
      %get3A_1677 = arith.constant 1 : i32
      %get3A_1678 = arith.index_cast %get3A_1677 : i32 to index
      %get3A_1679 = arith.index_cast %add3A_1634 : i32 to index
      %get3A_1680 = tpu.vector_load %arg5[%get3A_1678, %get3A_1679] {strides = array<i32>} : memref<2x16384xi32, #tpu.memory_space<vmem>>, vector<16xi32>,
      %sub3A_1681 = vector.broadcast %mul3A_37 : i32 to vector<16xi32>
      %sub3A_1682 = arith.subi %get3A_1680, %sub3A_1681 : vector<16xi32>
      %add3A_1683 = arith.addi %add3A_288, %add3A_1606 : i32
      %add3A_1684 = vector.broadcast %add3A_1683 : i32 to vector<16xi32>
      %add3A_1685 = arith.addi %add3A_1684, %iota3A : vector<16xi32>
      %add3A_1686 = arith.addi %add3A_288, %add3A_1610 : i32
      %add3A_1687 = vector.broadcast %add3A_1686 : i32 to vector<16xi32>
      %add3A_1688 = arith.addi %add3A_1687, %iota3A : vector<16xi32>
      %add3A_1689 = arith.addi %add3A_288, %add3A_1614 : i32
      %add3A_1690 = vector.broadcast %add3A_1689 : i32 to vector<16xi32>
      %add3A_1691 = arith.addi %add3A_1690, %iota3A : vector<16xi32>
      %add3A_1692 = arith.addi %add3A_288, %add3A_1618 : i32
      %add3A_1693 = vector.broadcast %add3A_1692 : i32 to vector<16xi32>
      %add3A_1694 = arith.addi %add3A_1693, %iota3A : vector<16xi32>
      %add3A_1695 = arith.addi %add3A_288, %add3A_1622 : i32
      %add3A_1696 = vector.broadcast %add3A_1695 : i32 to vector<16xi32>
      %add3A_1697 = arith.addi %add3A_1696, %iota3A : vector<16xi32>
      %add3A_1698 = arith.addi %add3A_288, %add3A_1626 : i32
      %add3A_1699 = vector.broadcast %add3A_1698 : i32 to vector<16xi32>
      %add3A_1700 = arith.addi %add3A_1699, %iota3A : vector<16xi32>
      %add3A_1701 = arith.addi %add3A_288, %add3A_1630 : i32
      %add3A_1702 = vector.broadcast %add3A_1701 : i32 to vector<16xi32>
      %add3A_1703 = arith.addi %add3A_1702, %iota3A : vector<16xi32>
      %add3A_1704 = arith.addi %add3A_288, %add3A_1634 : i32
      %add3A_1705 = vector.broadcast %add3A_1704 : i32 to vector<16xi32>
      %add3A_1706 = arith.addi %add3A_1705, %iota3A : vector<16xi32>
      tpu.vector_store_idx %arg7[%sub3A_1640], %add3A_1685 : memref<1024xi32, #tpu.memory_space<vmem>>[vector<16xi32>], vector<16xi32>,
      tpu.vector_store_idx %arg7[%sub3A_1646], %add3A_1688 : memref<1024xi32, #tpu.memory_space<vmem>>[vector<16xi32>], vector<16xi32>,
      tpu.vector_store_idx %arg7[%sub3A_1652], %add3A_1691 : memref<1024xi32, #tpu.memory_space<vmem>>[vector<16xi32>], vector<16xi32>,
      tpu.vector_store_idx %arg7[%sub3A_1658], %add3A_1694 : memref<1024xi32, #tpu.memory_space<vmem>>[vector<16xi32>], vector<16xi32>,
      tpu.vector_store_idx %arg7[%sub3A_1664], %add3A_1697 : memref<1024xi32, #tpu.memory_space<vmem>>[vector<16xi32>], vector<16xi32>,
      tpu.vector_store_idx %arg7[%sub3A_1670], %add3A_1700 : memref<1024xi32, #tpu.memory_space<vmem>>[vector<16xi32>], vector<16xi32>,
      tpu.vector_store_idx %arg7[%sub3A_1676], %add3A_1703 : memref<1024xi32, #tpu.memory_space<vmem>>[vector<16xi32>], vector<16xi32>,
      tpu.vector_store_idx %arg7[%sub3A_1682], %add3A_1706 : memref<1024xi32, #tpu.memory_space<vmem>>[vector<16xi32>], vector<16xi32>,
    }
    %scan3A_294 = arith.constant 128 : i32
    "tpu.region"() ({
      %run_scoped3A_1602 = tpu.sem_alloc : memref<!tpu.dma_semaphore, #tpu.memory_space<semaphore_mem>>
      %dma_start3A_1603 = arith.constant 0 : i32
      %dma_start3A_1604 = tpu.memref_slice %arg12[%arg1, %dma_start3A_1603] : memref<16x1024xi32, #tpu.memory_space<vmem_shared>> -> memref<1x1024xi32, #tpu.memory_space<vmem_shared>>
      %dma_start3A_1605 = tpu.memref_squeeze %dma_start3A_1604 : memref<1x1024xi32, #tpu.memory_space<vmem_shared>> -> memref<1024xi32, #tpu.memory_space<vmem_shared>>
      %dma_start3A_1606 = arith.constant 0 : i32
      %dma_start3A_1607 = tpu.memref_slice %arg12[%arg1, %dma_start3A_1606] : memref<16x1024xi32, #tpu.memory_space<vmem_shared>> -> memref<1x1024xi32, #tpu.memory_space<vmem_shared>>
      %dma_start3A_1608 = tpu.memref_squeeze %dma_start3A_1607 : memref<1x1024xi32, #tpu.memory_space<vmem_shared>> -> memref<1024xi32, #tpu.memory_space<vmem_shared>>
      tpu.enqueue_dma source(%arg7 : memref<1024xi32, #tpu.memory_space<vmem>>) target(%dma_start3A_1608 : memref<1024xi32, #tpu.memory_space<vmem_shared>>) target_semaphore(%run_scoped3A_1602 : memref<!tpu.dma_semaphore, #tpu.memory_space<semaphore_mem>>)
      %dma_wait3A_1609 = arith.constant 0 : i32
      %dma_wait3A_1610 = tpu.memref_slice %arg12[%arg1, %dma_wait3A_1609] : memref<16x1024xi32, #tpu.memory_space<vmem_shared>> -> memref<1x1024xi32, #tpu.memory_space<vmem_shared>>
      %dma_wait3A_1611 = tpu.memref_squeeze %dma_wait3A_1610 : memref<1x1024xi32, #tpu.memory_space<vmem_shared>> -> memref<1024xi32, #tpu.memory_space<vmem_shared>>
      %dma_wait3A_1612 = arith.constant 0 : i32
      %dma_wait3A_1613 = tpu.memref_slice %arg12[%arg1, %dma_wait3A_1612] : memref<16x1024xi32, #tpu.memory_space<vmem_shared>> -> memref<1x1024xi32, #tpu.memory_space<vmem_shared>>
      %dma_wait3A_1614 = tpu.memref_squeeze %dma_wait3A_1613 : memref<1x1024xi32, #tpu.memory_space<vmem_shared>> -> memref<1024xi32, #tpu.memory_space<vmem_shared>>
      tpu.wait_dma2 semaphore(%run_scoped3A_1602 : memref<!tpu.dma_semaphore, #tpu.memory_space<semaphore_mem>>) src(%arg7 : memref<1024xi32, #tpu.memory_space<vmem>>) dst(%dma_wait3A_1614 : memref<1024xi32, #tpu.memory_space<vmem_shared>>)
      tpu.yield
    }) : () -> ()
    %barrier3A = arith.constant 0 : index
    tpu.barrier barrier_id(%barrier3A)
    %jit3A_295 = arith.constant 4 : i32
    %div3A_296 = arith.divsi %arg1, %jit3A_295 : i32
    %sign3A_297 = arith.constant 0 : i32
    %sign3A_298 = arith.cmpi sgt, %arg1, %sign3A_297 : i32
    %sign3A_299 = arith.extui %sign3A_298 : i1 to i32
    %sign3A_300 = arith.constant 0 : i32
    %sign3A_301 = arith.cmpi slt, %arg1, %sign3A_300 : i32
    %sign3A_302 = arith.extui %sign3A_301 : i1 to i32
    %sign3A_303 = arith.subi %sign3A_299, %sign3A_302 : i32
    %sign3A_304 = arith.constant 0 : i32
    %sign3A_305 = arith.cmpi sgt, %jit3A_295, %sign3A_304 : i32
    %sign3A_306 = arith.extui %sign3A_305 : i1 to i32
    %sign3A_307 = arith.constant 0 : i32
    %sign3A_308 = arith.cmpi slt, %jit3A_295, %sign3A_307 : i32
    %sign3A_309 = arith.extui %sign3A_308 : i1 to i32
    %sign3A_310 = arith.subi %sign3A_306, %sign3A_309 : i32
    %ne3A_311 = arith.cmpi ne, %sign3A_303, %sign3A_310 : i32
    %rem3A_312 = arith.remsi %arg1, %jit3A_295 : i32
    %ne3A_313 = arith.constant 0 : i32
    %ne3A_314 = arith.cmpi ne, %rem3A_312, %ne3A_313 : i32
    %and3A_315 = arith.andi %ne3A_311, %ne3A_314 : i1
    %sub3A_316 = arith.constant 1 : i32
    %sub3A_317 = arith.subi %div3A_296, %sub3A_316 : i32
    %select_n3A_318 = arith.select %and3A_315, %sub3A_317, %div3A_296 : i32
    %jit3A_319 = arith.constant 4 : i32
    %eq3A_320 = arith.constant 0 : i32
    %eq3A_321 = arith.cmpi eq, %jit3A_319, %eq3A_320 : i32
    %jit3A_322 = arith.constant 1 : i32
    %select_n3A_323 = arith.select %eq3A_321, %jit3A_322, %jit3A_319 : i32
    %rem3A_324 = arith.remsi %arg1, %select_n3A_323 : i32
    %ne3A_325 = arith.constant 0 : i32
    %ne3A_326 = arith.cmpi ne, %rem3A_324, %ne3A_325 : i32
    %lt3A_327 = arith.constant 0 : i32
    %lt3A_328 = arith.cmpi slt, %rem3A_324, %lt3A_327 : i32
    %lt3A_329 = arith.constant 0 : i32
    %lt3A_330 = arith.cmpi slt, %select_n3A_323, %lt3A_329 : i32
    %ne3A_331 = arith.xori %lt3A_328, %lt3A_330 : i1
    %and3A_332 = arith.andi %ne3A_331, %ne3A_326 : i1
    %add3A_333 = arith.addi %rem3A_324, %select_n3A_323 : i32
    %select_n3A_334 = arith.select %and3A_332, %add3A_333, %rem3A_324 : i32
    %mul3A_335 = arith.constant 256 : i32
    %mul3A_336 = arith.muli %select_n3A_334, %mul3A_335 : i32
    %mul3A_337 = arith.constant 4 : i32
    %mul3A_338 = arith.muli %select_n3A_318, %mul3A_337 : i32
    "tpu.region"() ({
      %run_scoped3A_1602 = tpu.sem_alloc : memref<!tpu.dma_semaphore, #tpu.memory_space<semaphore_mem>>
      %dma_start3A_1603 = tpu.memref_slice %arg12[%mul3A_338, %mul3A_336] : memref<16x1024xi32, #tpu.memory_space<vmem_shared>> -> memref<4x256xi32, #tpu.memory_space<vmem_shared>>
      %dma_start3A_1604 = tpu.memref_slice %arg12[%mul3A_338, %mul3A_336] : memref<16x1024xi32, #tpu.memory_space<vmem_shared>> -> memref<4x256xi32, #tpu.memory_space<vmem_shared>>
      tpu.enqueue_dma source(%dma_start3A_1604 : memref<4x256xi32, #tpu.memory_space<vmem_shared>>) target(%arg8 : memref<4x256xi32, #tpu.memory_space<vmem>>) target_semaphore(%run_scoped3A_1602 : memref<!tpu.dma_semaphore, #tpu.memory_space<semaphore_mem>>)
      %dma_wait3A_1605 = tpu.memref_slice %arg12[%mul3A_338, %mul3A_336] : memref<16x1024xi32, #tpu.memory_space<vmem_shared>> -> memref<4x256xi32, #tpu.memory_space<vmem_shared>>
      %dma_wait3A_1606 = tpu.memref_slice %arg12[%mul3A_338, %mul3A_336] : memref<16x1024xi32, #tpu.memory_space<vmem_shared>> -> memref<4x256xi32, #tpu.memory_space<vmem_shared>>
      tpu.wait_dma2 semaphore(%run_scoped3A_1602 : memref<!tpu.dma_semaphore, #tpu.memory_space<semaphore_mem>>) src(%dma_wait3A_1606 : memref<4x256xi32, #tpu.memory_space<vmem_shared>>) dst(%arg8 : memref<4x256xi32, #tpu.memory_space<vmem>>)
      tpu.yield
    }) : () -> ()
    %get3A = arith.constant 0 : i32
    %get3A_339 = arith.index_cast %get3A : i32 to index
    %get3A_340 = arith.constant 0 : index
    %get3A_341 = tpu.vector_load %arg8[%get3A_339, %get3A_340] {strides = array<i32>} : memref<4x256xi32, #tpu.memory_space<vmem>>, vector<16xi32>,
    %get3A_342 = arith.constant 1 : i32
    %get3A_343 = arith.index_cast %get3A_342 : i32 to index
    %get3A_344 = arith.constant 0 : index
    %get3A_345 = tpu.vector_load %arg8[%get3A_343, %get3A_344] {strides = array<i32>} : memref<4x256xi32, #tpu.memory_space<vmem>>, vector<16xi32>,
    %max3A = arith.maxsi %get3A_341, %get3A_345 : vector<16xi32>
    %get3A_346 = arith.constant 2 : i32
    %get3A_347 = arith.index_cast %get3A_346 : i32 to index
    %get3A_348 = arith.constant 0 : index
    %get3A_349 = tpu.vector_load %arg8[%get3A_347, %get3A_348] {strides = array<i32>} : memref<4x256xi32, #tpu.memory_space<vmem>>, vector<16xi32>,
    %max3A_350 = arith.maxsi %max3A, %get3A_349 : vector<16xi32>
    %get3A_351 = arith.constant 3 : i32
    %get3A_352 = arith.index_cast %get3A_351 : i32 to index
    %get3A_353 = arith.constant 0 : index
    %get3A_354 = tpu.vector_load %arg8[%get3A_352, %get3A_353] {strides = array<i32>} : memref<4x256xi32, #tpu.memory_space<vmem>>, vector<16xi32>,
    %max3A_355 = arith.maxsi %max3A_350, %get3A_354 : vector<16xi32>
    %and3A_356 = arith.constant 524287 : i32
    %and3A_357 = vector.broadcast %and3A_356 : i32 to vector<16xi32>
    %and3A_358 = arith.andi %max3A_355, %and3A_357 : vector<16xi32>
    %shift_right_logical3A = arith.constant 19 : i32
    %shift_right_logical3A_359 = vector.broadcast %shift_right_logical3A : i32 to vector<16xi32>
    %shift_right_logical3A_360 = arith.shrui %max3A_355, %shift_right_logical3A_359 : vector<16xi32>
    %shift_right_logical3A_361 = arith.constant 7 : i32
    %shift_right_logical3A_362 = vector.broadcast %shift_right_logical3A_361 : i32 to vector<16xi32>
    %shift_right_logical3A_363 = arith.shrui %and3A_358, %shift_right_logical3A_362 : vector<16xi32>
    %mul3A_364 = arith.constant 1024 : i32
    %mul3A_365 = vector.broadcast %mul3A_364 : i32 to vector<16xi32>
    %mul3A_366 = arith.muli %shift_right_logical3A_363, %mul3A_365 : vector<16xi32>
    %mul3A_367 = arith.constant 128 : i32
    %mul3A_368 = vector.broadcast %mul3A_367 : i32 to vector<16xi32>
    %mul3A_369 = arith.muli %shift_right_logical3A_360, %mul3A_368 : vector<16xi32>
    %add3A_370 = arith.addi %mul3A_366, %mul3A_369 : vector<16xi32>
    %and3A_371 = arith.constant 127 : i32
    %and3A_372 = vector.broadcast %and3A_371 : i32 to vector<16xi32>
    %and3A_373 = arith.andi %and3A_358, %and3A_372 : vector<16xi32>
    %add3A_374 = arith.addi %add3A_370, %and3A_373 : vector<16xi32>
    %lt3A_375 = arith.constant 0 : i32
    %lt3A_376 = vector.broadcast %lt3A_375 : i32 to vector<16xi32>
    %lt3A_377 = arith.cmpi slt, %max3A_355, %lt3A_376 : vector<16xi32>
    %jit3A_378 = arith.constant 0 : i32
    %broadcast_in_dim3A = vector.broadcast %jit3A_378 : i32 to vector<16xi32>
    %select_n3A_379 = arith.select %lt3A_377, %broadcast_in_dim3A, %add3A_374 : vector<16xi1>, vector<16xi32>
    %swap3A = arith.constant 0 : i32
    %swap3A_380 = arith.index_cast %swap3A : i32 to index
    %swap3A_381 = arith.constant 0 : index
    %swap3A_382 = tpu.vector_load %arg9[%swap3A_380, %swap3A_381] {strides = array<i32>} : memref<2x128xi32, #tpu.memory_space<vmem>>, vector<16xi32>,
    tpu.vector_store %arg9[%swap3A_380, %swap3A_381], %select_n3A_379 {strides = array<i32>} : memref<2x128xi32, #tpu.memory_space<vmem>>, vector<16xi32>,
    %get3A_383 = arith.constant 0 : i32
    %get3A_384 = arith.index_cast %get3A_383 : i32 to index
    %get3A_385 = arith.constant 16 : index
    %get3A_386 = tpu.vector_load %arg8[%get3A_384, %get3A_385] {strides = array<i32>} : memref<4x256xi32, #tpu.memory_space<vmem>>, vector<16xi32>,
    %get3A_387 = arith.constant 1 : i32
    %get3A_388 = arith.index_cast %get3A_387 : i32 to index
    %get3A_389 = arith.constant 16 : index
    %get3A_390 = tpu.vector_load %arg8[%get3A_388, %get3A_389] {strides = array<i32>} : memref<4x256xi32, #tpu.memory_space<vmem>>, vector<16xi32>,
    %max3A_391 = arith.maxsi %get3A_386, %get3A_390 : vector<16xi32>
    %get3A_392 = arith.constant 2 : i32
    %get3A_393 = arith.index_cast %get3A_392 : i32 to index
    %get3A_394 = arith.constant 16 : index
    %get3A_395 = tpu.vector_load %arg8[%get3A_393, %get3A_394] {strides = array<i32>} : memref<4x256xi32, #tpu.memory_space<vmem>>, vector<16xi32>,
    %max3A_396 = arith.maxsi %max3A_391, %get3A_395 : vector<16xi32>
    %get3A_397 = arith.constant 3 : i32
    %get3A_398 = arith.index_cast %get3A_397 : i32 to index
    %get3A_399 = arith.constant 16 : index
    %get3A_400 = tpu.vector_load %arg8[%get3A_398, %get3A_399] {strides = array<i32>} : memref<4x256xi32, #tpu.memory_space<vmem>>, vector<16xi32>,
    %max3A_401 = arith.maxsi %max3A_396, %get3A_400 : vector<16xi32>
    %and3A_402 = arith.constant 524287 : i32
    %and3A_403 = vector.broadcast %and3A_402 : i32 to vector<16xi32>
    %and3A_404 = arith.andi %max3A_401, %and3A_403 : vector<16xi32>
    %shift_right_logical3A_405 = arith.constant 19 : i32
    %shift_right_logical3A_406 = vector.broadcast %shift_right_logical3A_405 : i32 to vector<16xi32>
    %shift_right_logical3A_407 = arith.shrui %max3A_401, %shift_right_logical3A_406 : vector<16xi32>
    %shift_right_logical3A_408 = arith.constant 7 : i32
    %shift_right_logical3A_409 = vector.broadcast %shift_right_logical3A_408 : i32 to vector<16xi32>
    %shift_right_logical3A_410 = arith.shrui %and3A_404, %shift_right_logical3A_409 : vector<16xi32>
    %mul3A_411 = arith.constant 1024 : i32
    %mul3A_412 = vector.broadcast %mul3A_411 : i32 to vector<16xi32>
    %mul3A_413 = arith.muli %shift_right_logical3A_410, %mul3A_412 : vector<16xi32>
    %mul3A_414 = arith.constant 128 : i32
    %mul3A_415 = vector.broadcast %mul3A_414 : i32 to vector<16xi32>
    %mul3A_416 = arith.muli %shift_right_logical3A_407, %mul3A_415 : vector<16xi32>
    %add3A_417 = arith.addi %mul3A_413, %mul3A_416 : vector<16xi32>
    %and3A_418 = arith.constant 127 : i32
    %and3A_419 = vector.broadcast %and3A_418 : i32 to vector<16xi32>
    %and3A_420 = arith.andi %and3A_404, %and3A_419 : vector<16xi32>
    %add3A_421 = arith.addi %add3A_417, %and3A_420 : vector<16xi32>
    %lt3A_422 = arith.constant 0 : i32
    %lt3A_423 = vector.broadcast %lt3A_422 : i32 to vector<16xi32>
    %lt3A_424 = arith.cmpi slt, %max3A_401, %lt3A_423 : vector<16xi32>
    %jit3A_425 = arith.constant 0 : i32
    %broadcast_in_dim3A_426 = vector.broadcast %jit3A_425 : i32 to vector<16xi32>
    %select_n3A_427 = arith.select %lt3A_424, %broadcast_in_dim3A_426, %add3A_421 : vector<16xi1>, vector<16xi32>
    %swap3A_428 = arith.constant 0 : i32
    %swap3A_429 = arith.index_cast %swap3A_428 : i32 to index
    %swap3A_430 = arith.constant 16 : index
    %swap3A_431 = tpu.vector_load %arg9[%swap3A_429, %swap3A_430] {strides = array<i32>} : memref<2x128xi32, #tpu.memory_space<vmem>>, vector<16xi32>,
    tpu.vector_store %arg9[%swap3A_429, %swap3A_430], %select_n3A_427 {strides = array<i32>} : memref<2x128xi32, #tpu.memory_space<vmem>>, vector<16xi32>,
    %get3A_432 = arith.constant 0 : i32
    %get3A_433 = arith.index_cast %get3A_432 : i32 to index
    %get3A_434 = arith.constant 32 : index
    %get3A_435 = tpu.vector_load %arg8[%get3A_433, %get3A_434] {strides = array<i32>} : memref<4x256xi32, #tpu.memory_space<vmem>>, vector<16xi32>,
    %get3A_436 = arith.constant 1 : i32
    %get3A_437 = arith.index_cast %get3A_436 : i32 to index
    %get3A_438 = arith.constant 32 : index
    %get3A_439 = tpu.vector_load %arg8[%get3A_437, %get3A_438] {strides = array<i32>} : memref<4x256xi32, #tpu.memory_space<vmem>>, vector<16xi32>,
    %max3A_440 = arith.maxsi %get3A_435, %get3A_439 : vector<16xi32>
    %get3A_441 = arith.constant 2 : i32
    %get3A_442 = arith.index_cast %get3A_441 : i32 to index
    %get3A_443 = arith.constant 32 : index
    %get3A_444 = tpu.vector_load %arg8[%get3A_442, %get3A_443] {strides = array<i32>} : memref<4x256xi32, #tpu.memory_space<vmem>>, vector<16xi32>,
    %max3A_445 = arith.maxsi %max3A_440, %get3A_444 : vector<16xi32>
    %get3A_446 = arith.constant 3 : i32
    %get3A_447 = arith.index_cast %get3A_446 : i32 to index
    %get3A_448 = arith.constant 32 : index
    %get3A_449 = tpu.vector_load %arg8[%get3A_447, %get3A_448] {strides = array<i32>} : memref<4x256xi32, #tpu.memory_space<vmem>>, vector<16xi32>,
    %max3A_450 = arith.maxsi %max3A_445, %get3A_449 : vector<16xi32>
    %and3A_451 = arith.constant 524287 : i32
    %and3A_452 = vector.broadcast %and3A_451 : i32 to vector<16xi32>
    %and3A_453 = arith.andi %max3A_450, %and3A_452 : vector<16xi32>
    %shift_right_logical3A_454 = arith.constant 19 : i32
    %shift_right_logical3A_455 = vector.broadcast %shift_right_logical3A_454 : i32 to vector<16xi32>
    %shift_right_logical3A_456 = arith.shrui %max3A_450, %shift_right_logical3A_455 : vector<16xi32>
    %shift_right_logical3A_457 = arith.constant 7 : i32
    %shift_right_logical3A_458 = vector.broadcast %shift_right_logical3A_457 : i32 to vector<16xi32>
    %shift_right_logical3A_459 = arith.shrui %and3A_453, %shift_right_logical3A_458 : vector<16xi32>
    %mul3A_460 = arith.constant 1024 : i32
    %mul3A_461 = vector.broadcast %mul3A_460 : i32 to vector<16xi32>
    %mul3A_462 = arith.muli %shift_right_logical3A_459, %mul3A_461 : vector<16xi32>
    %mul3A_463 = arith.constant 128 : i32
    %mul3A_464 = vector.broadcast %mul3A_463 : i32 to vector<16xi32>
    %mul3A_465 = arith.muli %shift_right_logical3A_456, %mul3A_464 : vector<16xi32>
    %add3A_466 = arith.addi %mul3A_462, %mul3A_465 : vector<16xi32>
    %and3A_467 = arith.constant 127 : i32
    %and3A_468 = vector.broadcast %and3A_467 : i32 to vector<16xi32>
    %and3A_469 = arith.andi %and3A_453, %and3A_468 : vector<16xi32>
    %add3A_470 = arith.addi %add3A_466, %and3A_469 : vector<16xi32>
    %lt3A_471 = arith.constant 0 : i32
    %lt3A_472 = vector.broadcast %lt3A_471 : i32 to vector<16xi32>
    %lt3A_473 = arith.cmpi slt, %max3A_450, %lt3A_472 : vector<16xi32>
    %jit3A_474 = arith.constant 0 : i32
    %broadcast_in_dim3A_475 = vector.broadcast %jit3A_474 : i32 to vector<16xi32>
    %select_n3A_476 = arith.select %lt3A_473, %broadcast_in_dim3A_475, %add3A_470 : vector<16xi1>, vector<16xi32>
    %swap3A_477 = arith.constant 0 : i32
    %swap3A_478 = arith.index_cast %swap3A_477 : i32 to index
    %swap3A_479 = arith.constant 32 : index
    %swap3A_480 = tpu.vector_load %arg9[%swap3A_478, %swap3A_479] {strides = array<i32>} : memref<2x128xi32, #tpu.memory_space<vmem>>, vector<16xi32>,
    tpu.vector_store %arg9[%swap3A_478, %swap3A_479], %select_n3A_476 {strides = array<i32>} : memref<2x128xi32, #tpu.memory_space<vmem>>, vector<16xi32>,
    %get3A_481 = arith.constant 0 : i32
    %get3A_482 = arith.index_cast %get3A_481 : i32 to index
    %get3A_483 = arith.constant 48 : index
    %get3A_484 = tpu.vector_load %arg8[%get3A_482, %get3A_483] {strides = array<i32>} : memref<4x256xi32, #tpu.memory_space<vmem>>, vector<16xi32>,
    %get3A_485 = arith.constant 1 : i32
    %get3A_486 = arith.index_cast %get3A_485 : i32 to index
    %get3A_487 = arith.constant 48 : index
    %get3A_488 = tpu.vector_load %arg8[%get3A_486, %get3A_487] {strides = array<i32>} : memref<4x256xi32, #tpu.memory_space<vmem>>, vector<16xi32>,
    %max3A_489 = arith.maxsi %get3A_484, %get3A_488 : vector<16xi32>
    %get3A_490 = arith.constant 2 : i32
    %get3A_491 = arith.index_cast %get3A_490 : i32 to index
    %get3A_492 = arith.constant 48 : index
    %get3A_493 = tpu.vector_load %arg8[%get3A_491, %get3A_492] {strides = array<i32>} : memref<4x256xi32, #tpu.memory_space<vmem>>, vector<16xi32>,
    %max3A_494 = arith.maxsi %max3A_489, %get3A_493 : vector<16xi32>
    %get3A_495 = arith.constant 3 : i32
    %get3A_496 = arith.index_cast %get3A_495 : i32 to index
    %get3A_497 = arith.constant 48 : index
    %get3A_498 = tpu.vector_load %arg8[%get3A_496, %get3A_497] {strides = array<i32>} : memref<4x256xi32, #tpu.memory_space<vmem>>, vector<16xi32>,
    %max3A_499 = arith.maxsi %max3A_494, %get3A_498 : vector<16xi32>
    %and3A_500 = arith.constant 524287 : i32
    %and3A_501 = vector.broadcast %and3A_500 : i32 to vector<16xi32>
    %and3A_502 = arith.andi %max3A_499, %and3A_501 : vector<16xi32>
    %shift_right_logical3A_503 = arith.constant 19 : i32
    %shift_right_logical3A_504 = vector.broadcast %shift_right_logical3A_503 : i32 to vector<16xi32>
    %shift_right_logical3A_505 = arith.shrui %max3A_499, %shift_right_logical3A_504 : vector<16xi32>
    %shift_right_logical3A_506 = arith.constant 7 : i32
    %shift_right_logical3A_507 = vector.broadcast %shift_right_logical3A_506 : i32 to vector<16xi32>
    %shift_right_logical3A_508 = arith.shrui %and3A_502, %shift_right_logical3A_507 : vector<16xi32>
    %mul3A_509 = arith.constant 1024 : i32
    %mul3A_510 = vector.broadcast %mul3A_509 : i32 to vector<16xi32>
    %mul3A_511 = arith.muli %shift_right_logical3A_508, %mul3A_510 : vector<16xi32>
    %mul3A_512 = arith.constant 128 : i32
    %mul3A_513 = vector.broadcast %mul3A_512 : i32 to vector<16xi32>
    %mul3A_514 = arith.muli %shift_right_logical3A_505, %mul3A_513 : vector<16xi32>
    %add3A_515 = arith.addi %mul3A_511, %mul3A_514 : vector<16xi32>
    %and3A_516 = arith.constant 127 : i32
    %and3A_517 = vector.broadcast %and3A_516 : i32 to vector<16xi32>
    %and3A_518 = arith.andi %and3A_502, %and3A_517 : vector<16xi32>
    %add3A_519 = arith.addi %add3A_515, %and3A_518 : vector<16xi32>
    %lt3A_520 = arith.constant 0 : i32
    %lt3A_521 = vector.broadcast %lt3A_520 : i32 to vector<16xi32>
    %lt3A_522 = arith.cmpi slt, %max3A_499, %lt3A_521 : vector<16xi32>
    %jit3A_523 = arith.constant 0 : i32
    %broadcast_in_dim3A_524 = vector.broadcast %jit3A_523 : i32 to vector<16xi32>
    %select_n3A_525 = arith.select %lt3A_522, %broadcast_in_dim3A_524, %add3A_519 : vector<16xi1>, vector<16xi32>
    %swap3A_526 = arith.constant 0 : i32
    %swap3A_527 = arith.index_cast %swap3A_526 : i32 to index
    %swap3A_528 = arith.constant 48 : index
    %swap3A_529 = tpu.vector_load %arg9[%swap3A_527, %swap3A_528] {strides = array<i32>} : memref<2x128xi32, #tpu.memory_space<vmem>>, vector<16xi32>,
    tpu.vector_store %arg9[%swap3A_527, %swap3A_528], %select_n3A_525 {strides = array<i32>} : memref<2x128xi32, #tpu.memory_space<vmem>>, vector<16xi32>,
    %get3A_530 = arith.constant 0 : i32
    %get3A_531 = arith.index_cast %get3A_530 : i32 to index
    %get3A_532 = arith.constant 64 : index
    %get3A_533 = tpu.vector_load %arg8[%get3A_531, %get3A_532] {strides = array<i32>} : memref<4x256xi32, #tpu.memory_space<vmem>>, vector<16xi32>,
    %get3A_534 = arith.constant 1 : i32
    %get3A_535 = arith.index_cast %get3A_534 : i32 to index
    %get3A_536 = arith.constant 64 : index
    %get3A_537 = tpu.vector_load %arg8[%get3A_535, %get3A_536] {strides = array<i32>} : memref<4x256xi32, #tpu.memory_space<vmem>>, vector<16xi32>,
    %max3A_538 = arith.maxsi %get3A_533, %get3A_537 : vector<16xi32>
    %get3A_539 = arith.constant 2 : i32
    %get3A_540 = arith.index_cast %get3A_539 : i32 to index
    %get3A_541 = arith.constant 64 : index
    %get3A_542 = tpu.vector_load %arg8[%get3A_540, %get3A_541] {strides = array<i32>} : memref<4x256xi32, #tpu.memory_space<vmem>>, vector<16xi32>,
    %max3A_543 = arith.maxsi %max3A_538, %get3A_542 : vector<16xi32>
    %get3A_544 = arith.constant 3 : i32
    %get3A_545 = arith.index_cast %get3A_544 : i32 to index
    %get3A_546 = arith.constant 64 : index
    %get3A_547 = tpu.vector_load %arg8[%get3A_545, %get3A_546] {strides = array<i32>} : memref<4x256xi32, #tpu.memory_space<vmem>>, vector<16xi32>,
    %max3A_548 = arith.maxsi %max3A_543, %get3A_547 : vector<16xi32>
    %and3A_549 = arith.constant 524287 : i32
    %and3A_550 = vector.broadcast %and3A_549 : i32 to vector<16xi32>
    %and3A_551 = arith.andi %max3A_548, %and3A_550 : vector<16xi32>
    %shift_right_logical3A_552 = arith.constant 19 : i32
    %shift_right_logical3A_553 = vector.broadcast %shift_right_logical3A_552 : i32 to vector<16xi32>
    %shift_right_logical3A_554 = arith.shrui %max3A_548, %shift_right_logical3A_553 : vector<16xi32>
    %shift_right_logical3A_555 = arith.constant 7 : i32
    %shift_right_logical3A_556 = vector.broadcast %shift_right_logical3A_555 : i32 to vector<16xi32>
    %shift_right_logical3A_557 = arith.shrui %and3A_551, %shift_right_logical3A_556 : vector<16xi32>
    %mul3A_558 = arith.constant 1024 : i32
    %mul3A_559 = vector.broadcast %mul3A_558 : i32 to vector<16xi32>
    %mul3A_560 = arith.muli %shift_right_logical3A_557, %mul3A_559 : vector<16xi32>
    %mul3A_561 = arith.constant 128 : i32
    %mul3A_562 = vector.broadcast %mul3A_561 : i32 to vector<16xi32>
    %mul3A_563 = arith.muli %shift_right_logical3A_554, %mul3A_562 : vector<16xi32>
    %add3A_564 = arith.addi %mul3A_560, %mul3A_563 : vector<16xi32>
    %and3A_565 = arith.constant 127 : i32
    %and3A_566 = vector.broadcast %and3A_565 : i32 to vector<16xi32>
    %and3A_567 = arith.andi %and3A_551, %and3A_566 : vector<16xi32>
    %add3A_568 = arith.addi %add3A_564, %and3A_567 : vector<16xi32>
    %lt3A_569 = arith.constant 0 : i32
    %lt3A_570 = vector.broadcast %lt3A_569 : i32 to vector<16xi32>
    %lt3A_571 = arith.cmpi slt, %max3A_548, %lt3A_570 : vector<16xi32>
    %jit3A_572 = arith.constant 0 : i32
    %broadcast_in_dim3A_573 = vector.broadcast %jit3A_572 : i32 to vector<16xi32>
    %select_n3A_574 = arith.select %lt3A_571, %broadcast_in_dim3A_573, %add3A_568 : vector<16xi1>, vector<16xi32>
    %swap3A_575 = arith.constant 0 : i32
    %swap3A_576 = arith.index_cast %swap3A_575 : i32 to index
    %swap3A_577 = arith.constant 64 : index
    %swap3A_578 = tpu.vector_load %arg9[%swap3A_576, %swap3A_577] {strides = array<i32>} : memref<2x128xi32, #tpu.memory_space<vmem>>, vector<16xi32>,
    tpu.vector_store %arg9[%swap3A_576, %swap3A_577], %select_n3A_574 {strides = array<i32>} : memref<2x128xi32, #tpu.memory_space<vmem>>, vector<16xi32>,
    %get3A_579 = arith.constant 0 : i32
    %get3A_580 = arith.index_cast %get3A_579 : i32 to index
    %get3A_581 = arith.constant 80 : index
    %get3A_582 = tpu.vector_load %arg8[%get3A_580, %get3A_581] {strides = array<i32>} : memref<4x256xi32, #tpu.memory_space<vmem>>, vector<16xi32>,
    %get3A_583 = arith.constant 1 : i32
    %get3A_584 = arith.index_cast %get3A_583 : i32 to index
    %get3A_585 = arith.constant 80 : index
    %get3A_586 = tpu.vector_load %arg8[%get3A_584, %get3A_585] {strides = array<i32>} : memref<4x256xi32, #tpu.memory_space<vmem>>, vector<16xi32>,
    %max3A_587 = arith.maxsi %get3A_582, %get3A_586 : vector<16xi32>
    %get3A_588 = arith.constant 2 : i32
    %get3A_589 = arith.index_cast %get3A_588 : i32 to index
    %get3A_590 = arith.constant 80 : index
    %get3A_591 = tpu.vector_load %arg8[%get3A_589, %get3A_590] {strides = array<i32>} : memref<4x256xi32, #tpu.memory_space<vmem>>, vector<16xi32>,
    %max3A_592 = arith.maxsi %max3A_587, %get3A_591 : vector<16xi32>
    %get3A_593 = arith.constant 3 : i32
    %get3A_594 = arith.index_cast %get3A_593 : i32 to index
    %get3A_595 = arith.constant 80 : index
    %get3A_596 = tpu.vector_load %arg8[%get3A_594, %get3A_595] {strides = array<i32>} : memref<4x256xi32, #tpu.memory_space<vmem>>, vector<16xi32>,
    %max3A_597 = arith.maxsi %max3A_592, %get3A_596 : vector<16xi32>
    %and3A_598 = arith.constant 524287 : i32
    %and3A_599 = vector.broadcast %and3A_598 : i32 to vector<16xi32>
    %and3A_600 = arith.andi %max3A_597, %and3A_599 : vector<16xi32>
    %shift_right_logical3A_601 = arith.constant 19 : i32
    %shift_right_logical3A_602 = vector.broadcast %shift_right_logical3A_601 : i32 to vector<16xi32>
    %shift_right_logical3A_603 = arith.shrui %max3A_597, %shift_right_logical3A_602 : vector<16xi32>
    %shift_right_logical3A_604 = arith.constant 7 : i32
    %shift_right_logical3A_605 = vector.broadcast %shift_right_logical3A_604 : i32 to vector<16xi32>
    %shift_right_logical3A_606 = arith.shrui %and3A_600, %shift_right_logical3A_605 : vector<16xi32>
    %mul3A_607 = arith.constant 1024 : i32
    %mul3A_608 = vector.broadcast %mul3A_607 : i32 to vector<16xi32>
    %mul3A_609 = arith.muli %shift_right_logical3A_606, %mul3A_608 : vector<16xi32>
    %mul3A_610 = arith.constant 128 : i32
    %mul3A_611 = vector.broadcast %mul3A_610 : i32 to vector<16xi32>
    %mul3A_612 = arith.muli %shift_right_logical3A_603, %mul3A_611 : vector<16xi32>
    %add3A_613 = arith.addi %mul3A_609, %mul3A_612 : vector<16xi32>
    %and3A_614 = arith.constant 127 : i32
    %and3A_615 = vector.broadcast %and3A_614 : i32 to vector<16xi32>
    %and3A_616 = arith.andi %and3A_600, %and3A_615 : vector<16xi32>
    %add3A_617 = arith.addi %add3A_613, %and3A_616 : vector<16xi32>
    %lt3A_618 = arith.constant 0 : i32
    %lt3A_619 = vector.broadcast %lt3A_618 : i32 to vector<16xi32>
    %lt3A_620 = arith.cmpi slt, %max3A_597, %lt3A_619 : vector<16xi32>
    %jit3A_621 = arith.constant 0 : i32
    %broadcast_in_dim3A_622 = vector.broadcast %jit3A_621 : i32 to vector<16xi32>
    %select_n3A_623 = arith.select %lt3A_620, %broadcast_in_dim3A_622, %add3A_617 : vector<16xi1>, vector<16xi32>
    %swap3A_624 = arith.constant 0 : i32
    %swap3A_625 = arith.index_cast %swap3A_624 : i32 to index
    %swap3A_626 = arith.constant 80 : index
    %swap3A_627 = tpu.vector_load %arg9[%swap3A_625, %swap3A_626] {strides = array<i32>} : memref<2x128xi32, #tpu.memory_space<vmem>>, vector<16xi32>,
    tpu.vector_store %arg9[%swap3A_625, %swap3A_626], %select_n3A_623 {strides = array<i32>} : memref<2x128xi32, #tpu.memory_space<vmem>>, vector<16xi32>,
    %get3A_628 = arith.constant 0 : i32
    %get3A_629 = arith.index_cast %get3A_628 : i32 to index
    %get3A_630 = arith.constant 96 : index
    %get3A_631 = tpu.vector_load %arg8[%get3A_629, %get3A_630] {strides = array<i32>} : memref<4x256xi32, #tpu.memory_space<vmem>>, vector<16xi32>,
    %get3A_632 = arith.constant 1 : i32
    %get3A_633 = arith.index_cast %get3A_632 : i32 to index
    %get3A_634 = arith.constant 96 : index
    %get3A_635 = tpu.vector_load %arg8[%get3A_633, %get3A_634] {strides = array<i32>} : memref<4x256xi32, #tpu.memory_space<vmem>>, vector<16xi32>,
    %max3A_636 = arith.maxsi %get3A_631, %get3A_635 : vector<16xi32>
    %get3A_637 = arith.constant 2 : i32
    %get3A_638 = arith.index_cast %get3A_637 : i32 to index
    %get3A_639 = arith.constant 96 : index
    %get3A_640 = tpu.vector_load %arg8[%get3A_638, %get3A_639] {strides = array<i32>} : memref<4x256xi32, #tpu.memory_space<vmem>>, vector<16xi32>,
    %max3A_641 = arith.maxsi %max3A_636, %get3A_640 : vector<16xi32>
    %get3A_642 = arith.constant 3 : i32
    %get3A_643 = arith.index_cast %get3A_642 : i32 to index
    %get3A_644 = arith.constant 96 : index
    %get3A_645 = tpu.vector_load %arg8[%get3A_643, %get3A_644] {strides = array<i32>} : memref<4x256xi32, #tpu.memory_space<vmem>>, vector<16xi32>,
    %max3A_646 = arith.maxsi %max3A_641, %get3A_645 : vector<16xi32>
    %and3A_647 = arith.constant 524287 : i32
    %and3A_648 = vector.broadcast %and3A_647 : i32 to vector<16xi32>
    %and3A_649 = arith.andi %max3A_646, %and3A_648 : vector<16xi32>
    %shift_right_logical3A_650 = arith.constant 19 : i32
    %shift_right_logical3A_651 = vector.broadcast %shift_right_logical3A_650 : i32 to vector<16xi32>
    %shift_right_logical3A_652 = arith.shrui %max3A_646, %shift_right_logical3A_651 : vector<16xi32>
    %shift_right_logical3A_653 = arith.constant 7 : i32
    %shift_right_logical3A_654 = vector.broadcast %shift_right_logical3A_653 : i32 to vector<16xi32>
    %shift_right_logical3A_655 = arith.shrui %and3A_649, %shift_right_logical3A_654 : vector<16xi32>
    %mul3A_656 = arith.constant 1024 : i32
    %mul3A_657 = vector.broadcast %mul3A_656 : i32 to vector<16xi32>
    %mul3A_658 = arith.muli %shift_right_logical3A_655, %mul3A_657 : vector<16xi32>
    %mul3A_659 = arith.constant 128 : i32
    %mul3A_660 = vector.broadcast %mul3A_659 : i32 to vector<16xi32>
    %mul3A_661 = arith.muli %shift_right_logical3A_652, %mul3A_660 : vector<16xi32>
    %add3A_662 = arith.addi %mul3A_658, %mul3A_661 : vector<16xi32>
    %and3A_663 = arith.constant 127 : i32
    %and3A_664 = vector.broadcast %and3A_663 : i32 to vector<16xi32>
    %and3A_665 = arith.andi %and3A_649, %and3A_664 : vector<16xi32>
    %add3A_666 = arith.addi %add3A_662, %and3A_665 : vector<16xi32>
    %lt3A_667 = arith.constant 0 : i32
    %lt3A_668 = vector.broadcast %lt3A_667 : i32 to vector<16xi32>
    %lt3A_669 = arith.cmpi slt, %max3A_646, %lt3A_668 : vector<16xi32>
    %jit3A_670 = arith.constant 0 : i32
    %broadcast_in_dim3A_671 = vector.broadcast %jit3A_670 : i32 to vector<16xi32>
    %select_n3A_672 = arith.select %lt3A_669, %broadcast_in_dim3A_671, %add3A_666 : vector<16xi1>, vector<16xi32>
    %swap3A_673 = arith.constant 0 : i32
    %swap3A_674 = arith.index_cast %swap3A_673 : i32 to index
    %swap3A_675 = arith.constant 96 : index
    %swap3A_676 = tpu.vector_load %arg9[%swap3A_674, %swap3A_675] {strides = array<i32>} : memref<2x128xi32, #tpu.memory_space<vmem>>, vector<16xi32>,
    tpu.vector_store %arg9[%swap3A_674, %swap3A_675], %select_n3A_672 {strides = array<i32>} : memref<2x128xi32, #tpu.memory_space<vmem>>, vector<16xi32>,
    %get3A_677 = arith.constant 0 : i32
    %get3A_678 = arith.index_cast %get3A_677 : i32 to index
    %get3A_679 = arith.constant 112 : index
    %get3A_680 = tpu.vector_load %arg8[%get3A_678, %get3A_679] {strides = array<i32>} : memref<4x256xi32, #tpu.memory_space<vmem>>, vector<16xi32>,
    %get3A_681 = arith.constant 1 : i32
    %get3A_682 = arith.index_cast %get3A_681 : i32 to index
    %get3A_683 = arith.constant 112 : index
    %get3A_684 = tpu.vector_load %arg8[%get3A_682, %get3A_683] {strides = array<i32>} : memref<4x256xi32, #tpu.memory_space<vmem>>, vector<16xi32>,
    %max3A_685 = arith.maxsi %get3A_680, %get3A_684 : vector<16xi32>
    %get3A_686 = arith.constant 2 : i32
    %get3A_687 = arith.index_cast %get3A_686 : i32 to index
    %get3A_688 = arith.constant 112 : index
    %get3A_689 = tpu.vector_load %arg8[%get3A_687, %get3A_688] {strides = array<i32>} : memref<4x256xi32, #tpu.memory_space<vmem>>, vector<16xi32>,
    %max3A_690 = arith.maxsi %max3A_685, %get3A_689 : vector<16xi32>
    %get3A_691 = arith.constant 3 : i32
    %get3A_692 = arith.index_cast %get3A_691 : i32 to index
    %get3A_693 = arith.constant 112 : index
    %get3A_694 = tpu.vector_load %arg8[%get3A_692, %get3A_693] {strides = array<i32>} : memref<4x256xi32, #tpu.memory_space<vmem>>, vector<16xi32>,
    %max3A_695 = arith.maxsi %max3A_690, %get3A_694 : vector<16xi32>
    %and3A_696 = arith.constant 524287 : i32
    %and3A_697 = vector.broadcast %and3A_696 : i32 to vector<16xi32>
    %and3A_698 = arith.andi %max3A_695, %and3A_697 : vector<16xi32>
    %shift_right_logical3A_699 = arith.constant 19 : i32
    %shift_right_logical3A_700 = vector.broadcast %shift_right_logical3A_699 : i32 to vector<16xi32>
    %shift_right_logical3A_701 = arith.shrui %max3A_695, %shift_right_logical3A_700 : vector<16xi32>
    %shift_right_logical3A_702 = arith.constant 7 : i32
    %shift_right_logical3A_703 = vector.broadcast %shift_right_logical3A_702 : i32 to vector<16xi32>
    %shift_right_logical3A_704 = arith.shrui %and3A_698, %shift_right_logical3A_703 : vector<16xi32>
    %mul3A_705 = arith.constant 1024 : i32
    %mul3A_706 = vector.broadcast %mul3A_705 : i32 to vector<16xi32>
    %mul3A_707 = arith.muli %shift_right_logical3A_704, %mul3A_706 : vector<16xi32>
    %mul3A_708 = arith.constant 128 : i32
    %mul3A_709 = vector.broadcast %mul3A_708 : i32 to vector<16xi32>
    %mul3A_710 = arith.muli %shift_right_logical3A_701, %mul3A_709 : vector<16xi32>
    %add3A_711 = arith.addi %mul3A_707, %mul3A_710 : vector<16xi32>
    %and3A_712 = arith.constant 127 : i32
    %and3A_713 = vector.broadcast %and3A_712 : i32 to vector<16xi32>
    %and3A_714 = arith.andi %and3A_698, %and3A_713 : vector<16xi32>
    %add3A_715 = arith.addi %add3A_711, %and3A_714 : vector<16xi32>
    %lt3A_716 = arith.constant 0 : i32
    %lt3A_717 = vector.broadcast %lt3A_716 : i32 to vector<16xi32>
    %lt3A_718 = arith.cmpi slt, %max3A_695, %lt3A_717 : vector<16xi32>
    %jit3A_719 = arith.constant 0 : i32
    %broadcast_in_dim3A_720 = vector.broadcast %jit3A_719 : i32 to vector<16xi32>
    %select_n3A_721 = arith.select %lt3A_718, %broadcast_in_dim3A_720, %add3A_715 : vector<16xi1>, vector<16xi32>
    %swap3A_722 = arith.constant 0 : i32
    %swap3A_723 = arith.index_cast %swap3A_722 : i32 to index
    %swap3A_724 = arith.constant 112 : index
    %swap3A_725 = tpu.vector_load %arg9[%swap3A_723, %swap3A_724] {strides = array<i32>} : memref<2x128xi32, #tpu.memory_space<vmem>>, vector<16xi32>,
    tpu.vector_store %arg9[%swap3A_723, %swap3A_724], %select_n3A_721 {strides = array<i32>} : memref<2x128xi32, #tpu.memory_space<vmem>>, vector<16xi32>,
    %dma_start3A_726 = arith.constant 0 : i32
    %dma_start3A_727 = arith.constant 0 : i32
    %dma_start3A_728 = arith.constant 0 : i32
    %dma_start3A_729 = tpu.memref_slice %arg10[%dma_start3A_727, %dma_start3A_728] : memref<2x128xf32, #tpu.memory_space<vmem>> -> memref<1x128xf32, #tpu.memory_space<vmem>>
    %dma_start3A_730 = tpu.memref_squeeze %dma_start3A_729 : memref<1x128xf32, #tpu.memory_space<vmem>> -> memref<128xf32, #tpu.memory_space<vmem>>
    %dma_start3A_731 = arith.constant 0 : i32
    %dma_start3A_732 = tpu.memref_slice %arg9[%dma_start3A_726, %dma_start3A_731] : memref<2x128xi32, #tpu.memory_space<vmem>> -> memref<1x128xi32, #tpu.memory_space<vmem>>
    %dma_start3A_733 = tpu.memref_squeeze %dma_start3A_732 : memref<1x128xi32, #tpu.memory_space<vmem>> -> memref<128xi32, #tpu.memory_space<vmem>>
    %dma_start3A_734 = arith.constant 0 : i32
    %dma_start3A_735 = tpu.memref_slice %arg3[%dma_start3A_734] : memref<4194304xf32, #tpu.memory_space<hbm>> -> memref<4194304xf32, #tpu.memory_space<hbm>>
    tpu.enqueue_indirect_dma source(%dma_start3A_735 : memref<4194304xf32, #tpu.memory_space<hbm>>) target(%dma_start3A_730 : memref<128xf32, #tpu.memory_space<vmem>>) offsets(%dma_start3A_733 : memref<128xi32, #tpu.memory_space<vmem>>) semaphore(%arg18 : memref<!tpu.dma_semaphore, #tpu.memory_space<semaphore_mem>>)
    %dma_wait3A_736 = arith.constant 0 : i32
    %dma_wait3A_737 = arith.constant 0 : i32
    %dma_wait3A_738 = arith.constant 0 : i32
    %dma_wait3A_739 = tpu.memref_slice %arg10[%dma_wait3A_737, %dma_wait3A_738] : memref<2x128xf32, #tpu.memory_space<vmem>> -> memref<1x128xf32, #tpu.memory_space<vmem>>
    %dma_wait3A_740 = tpu.memref_squeeze %dma_wait3A_739 : memref<1x128xf32, #tpu.memory_space<vmem>> -> memref<128xf32, #tpu.memory_space<vmem>>
    %dma_wait3A_741 = arith.constant 0 : i32
    %dma_wait3A_742 = tpu.memref_slice %arg9[%dma_wait3A_736, %dma_wait3A_741] : memref<2x128xi32, #tpu.memory_space<vmem>> -> memref<1x128xi32, #tpu.memory_space<vmem>>
    %dma_wait3A_743 = tpu.memref_squeeze %dma_wait3A_742 : memref<1x128xi32, #tpu.memory_space<vmem>> -> memref<128xi32, #tpu.memory_space<vmem>>
    %dma_wait3A_744 = arith.constant 0 : i32
    %dma_wait3A_745 = tpu.memref_slice %arg3[%dma_wait3A_744] : memref<4194304xf32, #tpu.memory_space<hbm>> -> memref<4194304xf32, #tpu.memory_space<hbm>>
    tpu.wait_indirect_dma semaphore(%arg18 : memref<!tpu.dma_semaphore, #tpu.memory_space<semaphore_mem>>) src(%dma_wait3A_745 : memref<4194304xf32, #tpu.memory_space<hbm>>) dst(%dma_wait3A_740 : memref<128xf32, #tpu.memory_space<vmem>>)
    %mul3A_746 = arith.constant 1024 : i32
    %mul3A_747 = arith.muli %select_n3A_318, %mul3A_746 : i32
    %add3A_748 = arith.addi %mul3A_747, %mul3A_336 : i32
    %add3A_749 = arith.constant 0 : i32
    %add3A_750 = arith.addi %add3A_748, %add3A_749 : i32
    %run_scoped3A = arith.constant 0 : i32
    "tpu.region"() ({
      %run_scoped3A_1602 = tpu.sem_alloc : memref<!tpu.dma_semaphore, #tpu.memory_space<semaphore_mem>>
      %dma_start3A_1603 = arith.constant 0 : i32
      %dma_start3A_1604 = tpu.memref_slice %arg10[%run_scoped3A, %dma_start3A_1603] : memref<2x128xf32, #tpu.memory_space<vmem>> -> memref<1x128xf32, #tpu.memory_space<vmem>>
      %dma_start3A_1605 = tpu.memref_squeeze %dma_start3A_1604 : memref<1x128xf32, #tpu.memory_space<vmem>> -> memref<128xf32, #tpu.memory_space<vmem>>
      %dma_start3A_1606 = tpu.memref_slice %arg13[%add3A_750] : memref<4096xf32, #tpu.memory_space<vmem_shared>> -> memref<128xf32, #tpu.memory_space<vmem_shared>>
      %dma_start3A_1607 = tpu.memref_slice %arg13[%add3A_750] : memref<4096xf32, #tpu.memory_space<vmem_shared>> -> memref<128xf32, #tpu.memory_space<vmem_shared>>
      %dma_start3A_1608 = arith.constant 0 : i32
      %dma_start3A_1609 = tpu.memref_slice %arg10[%run_scoped3A, %dma_start3A_1608] : memref<2x128xf32, #tpu.memory_space<vmem>> -> memref<1x128xf32, #tpu.memory_space<vmem>>
      %dma_start3A_1610 = tpu.memref_squeeze %dma_start3A_1609 : memref<1x128xf32, #tpu.memory_space<vmem>> -> memref<128xf32, #tpu.memory_space<vmem>>
      tpu.enqueue_dma source(%dma_start3A_1610 : memref<128xf32, #tpu.memory_space<vmem>>) target(%dma_start3A_1607 : memref<128xf32, #tpu.memory_space<vmem_shared>>) target_semaphore(%run_scoped3A_1602 : memref<!tpu.dma_semaphore, #tpu.memory_space<semaphore_mem>>)
      %dma_wait3A_1611 = arith.constant 0 : i32
      %dma_wait3A_1612 = tpu.memref_slice %arg10[%run_scoped3A, %dma_wait3A_1611] : memref<2x128xf32, #tpu.memory_space<vmem>> -> memref<1x128xf32, #tpu.memory_space<vmem>>
      %dma_wait3A_1613 = tpu.memref_squeeze %dma_wait3A_1612 : memref<1x128xf32, #tpu.memory_space<vmem>> -> memref<128xf32, #tpu.memory_space<vmem>>
      %dma_wait3A_1614 = tpu.memref_slice %arg13[%add3A_750] : memref<4096xf32, #tpu.memory_space<vmem_shared>> -> memref<128xf32, #tpu.memory_space<vmem_shared>>
      %dma_wait3A_1615 = tpu.memref_slice %arg13[%add3A_750] : memref<4096xf32, #tpu.memory_space<vmem_shared>> -> memref<128xf32, #tpu.memory_space<vmem_shared>>
      %dma_wait3A_1616 = arith.constant 0 : i32
      %dma_wait3A_1617 = tpu.memref_slice %arg10[%run_scoped3A, %dma_wait3A_1616] : memref<2x128xf32, #tpu.memory_space<vmem>> -> memref<1x128xf32, #tpu.memory_space<vmem>>
      %dma_wait3A_1618 = tpu.memref_squeeze %dma_wait3A_1617 : memref<1x128xf32, #tpu.memory_space<vmem>> -> memref<128xf32, #tpu.memory_space<vmem>>
      tpu.wait_dma2 semaphore(%run_scoped3A_1602 : memref<!tpu.dma_semaphore, #tpu.memory_space<semaphore_mem>>) src(%dma_wait3A_1618 : memref<128xf32, #tpu.memory_space<vmem>>) dst(%dma_wait3A_1615 : memref<128xf32, #tpu.memory_space<vmem_shared>>)
      tpu.yield
    }) : () -> ()
    %get3A_751 = arith.constant 0 : i32
    %get3A_752 = arith.index_cast %get3A_751 : i32 to index
    %get3A_753 = arith.constant 128 : index
    %get3A_754 = tpu.vector_load %arg8[%get3A_752, %get3A_753] {strides = array<i32>} : memref<4x256xi32, #tpu.memory_space<vmem>>, vector<16xi32>,
    %get3A_755 = arith.constant 1 : i32
    %get3A_756 = arith.index_cast %get3A_755 : i32 to index
    %get3A_757 = arith.constant 128 : index
    %get3A_758 = tpu.vector_load %arg8[%get3A_756, %get3A_757] {strides = array<i32>} : memref<4x256xi32, #tpu.memory_space<vmem>>, vector<16xi32>,
    %max3A_759 = arith.maxsi %get3A_754, %get3A_758 : vector<16xi32>
    %get3A_760 = arith.constant 2 : i32
    %get3A_761 = arith.index_cast %get3A_760 : i32 to index
    %get3A_762 = arith.constant 128 : index
    %get3A_763 = tpu.vector_load %arg8[%get3A_761, %get3A_762] {strides = array<i32>} : memref<4x256xi32, #tpu.memory_space<vmem>>, vector<16xi32>,
    %max3A_764 = arith.maxsi %max3A_759, %get3A_763 : vector<16xi32>
    %get3A_765 = arith.constant 3 : i32
    %get3A_766 = arith.index_cast %get3A_765 : i32 to index
    %get3A_767 = arith.constant 128 : index
    %get3A_768 = tpu.vector_load %arg8[%get3A_766, %get3A_767] {strides = array<i32>} : memref<4x256xi32, #tpu.memory_space<vmem>>, vector<16xi32>,
    %max3A_769 = arith.maxsi %max3A_764, %get3A_768 : vector<16xi32>
    %and3A_770 = arith.constant 524287 : i32
    %and3A_771 = vector.broadcast %and3A_770 : i32 to vector<16xi32>
    %and3A_772 = arith.andi %max3A_769, %and3A_771 : vector<16xi32>
    %shift_right_logical3A_773 = arith.constant 19 : i32
    %shift_right_logical3A_774 = vector.broadcast %shift_right_logical3A_773 : i32 to vector<16xi32>
    %shift_right_logical3A_775 = arith.shrui %max3A_769, %shift_right_logical3A_774 : vector<16xi32>
    %shift_right_logical3A_776 = arith.constant 7 : i32
    %shift_right_logical3A_777 = vector.broadcast %shift_right_logical3A_776 : i32 to vector<16xi32>
    %shift_right_logical3A_778 = arith.shrui %and3A_772, %shift_right_logical3A_777 : vector<16xi32>
    %mul3A_779 = arith.constant 1024 : i32
    %mul3A_780 = vector.broadcast %mul3A_779 : i32 to vector<16xi32>
    %mul3A_781 = arith.muli %shift_right_logical3A_778, %mul3A_780 : vector<16xi32>
    %mul3A_782 = arith.constant 128 : i32
    %mul3A_783 = vector.broadcast %mul3A_782 : i32 to vector<16xi32>
    %mul3A_784 = arith.muli %shift_right_logical3A_775, %mul3A_783 : vector<16xi32>
    %add3A_785 = arith.addi %mul3A_781, %mul3A_784 : vector<16xi32>
    %and3A_786 = arith.constant 127 : i32
    %and3A_787 = vector.broadcast %and3A_786 : i32 to vector<16xi32>
    %and3A_788 = arith.andi %and3A_772, %and3A_787 : vector<16xi32>
    %add3A_789 = arith.addi %add3A_785, %and3A_788 : vector<16xi32>
    %lt3A_790 = arith.constant 0 : i32
    %lt3A_791 = vector.broadcast %lt3A_790 : i32 to vector<16xi32>
    %lt3A_792 = arith.cmpi slt, %max3A_769, %lt3A_791 : vector<16xi32>
    %jit3A_793 = arith.constant 0 : i32
    %broadcast_in_dim3A_794 = vector.broadcast %jit3A_793 : i32 to vector<16xi32>
    %select_n3A_795 = arith.select %lt3A_792, %broadcast_in_dim3A_794, %add3A_789 : vector<16xi1>, vector<16xi32>
    %swap3A_796 = arith.constant 1 : i32
    %swap3A_797 = arith.index_cast %swap3A_796 : i32 to index
    %swap3A_798 = arith.constant 0 : index
    %swap3A_799 = tpu.vector_load %arg9[%swap3A_797, %swap3A_798] {strides = array<i32>} : memref<2x128xi32, #tpu.memory_space<vmem>>, vector<16xi32>,
    tpu.vector_store %arg9[%swap3A_797, %swap3A_798], %select_n3A_795 {strides = array<i32>} : memref<2x128xi32, #tpu.memory_space<vmem>>, vector<16xi32>,
    %get3A_800 = arith.constant 0 : i32
    %get3A_801 = arith.index_cast %get3A_800 : i32 to index
    %get3A_802 = arith.constant 144 : index
    %get3A_803 = tpu.vector_load %arg8[%get3A_801, %get3A_802] {strides = array<i32>} : memref<4x256xi32, #tpu.memory_space<vmem>>, vector<16xi32>,
    %get3A_804 = arith.constant 1 : i32
    %get3A_805 = arith.index_cast %get3A_804 : i32 to index
    %get3A_806 = arith.constant 144 : index
    %get3A_807 = tpu.vector_load %arg8[%get3A_805, %get3A_806] {strides = array<i32>} : memref<4x256xi32, #tpu.memory_space<vmem>>, vector<16xi32>,
    %max3A_808 = arith.maxsi %get3A_803, %get3A_807 : vector<16xi32>
    %get3A_809 = arith.constant 2 : i32
    %get3A_810 = arith.index_cast %get3A_809 : i32 to index
    %get3A_811 = arith.constant 144 : index
    %get3A_812 = tpu.vector_load %arg8[%get3A_810, %get3A_811] {strides = array<i32>} : memref<4x256xi32, #tpu.memory_space<vmem>>, vector<16xi32>,
    %max3A_813 = arith.maxsi %max3A_808, %get3A_812 : vector<16xi32>
    %get3A_814 = arith.constant 3 : i32
    %get3A_815 = arith.index_cast %get3A_814 : i32 to index
    %get3A_816 = arith.constant 144 : index
    %get3A_817 = tpu.vector_load %arg8[%get3A_815, %get3A_816] {strides = array<i32>} : memref<4x256xi32, #tpu.memory_space<vmem>>, vector<16xi32>,
    %max3A_818 = arith.maxsi %max3A_813, %get3A_817 : vector<16xi32>
    %and3A_819 = arith.constant 524287 : i32
    %and3A_820 = vector.broadcast %and3A_819 : i32 to vector<16xi32>
    %and3A_821 = arith.andi %max3A_818, %and3A_820 : vector<16xi32>
    %shift_right_logical3A_822 = arith.constant 19 : i32
    %shift_right_logical3A_823 = vector.broadcast %shift_right_logical3A_822 : i32 to vector<16xi32>
    %shift_right_logical3A_824 = arith.shrui %max3A_818, %shift_right_logical3A_823 : vector<16xi32>
    %shift_right_logical3A_825 = arith.constant 7 : i32
    %shift_right_logical3A_826 = vector.broadcast %shift_right_logical3A_825 : i32 to vector<16xi32>
    %shift_right_logical3A_827 = arith.shrui %and3A_821, %shift_right_logical3A_826 : vector<16xi32>
    %mul3A_828 = arith.constant 1024 : i32
    %mul3A_829 = vector.broadcast %mul3A_828 : i32 to vector<16xi32>
    %mul3A_830 = arith.muli %shift_right_logical3A_827, %mul3A_829 : vector<16xi32>
    %mul3A_831 = arith.constant 128 : i32
    %mul3A_832 = vector.broadcast %mul3A_831 : i32 to vector<16xi32>
    %mul3A_833 = arith.muli %shift_right_logical3A_824, %mul3A_832 : vector<16xi32>
    %add3A_834 = arith.addi %mul3A_830, %mul3A_833 : vector<16xi32>
    %and3A_835 = arith.constant 127 : i32
    %and3A_836 = vector.broadcast %and3A_835 : i32 to vector<16xi32>
    %and3A_837 = arith.andi %and3A_821, %and3A_836 : vector<16xi32>
    %add3A_838 = arith.addi %add3A_834, %and3A_837 : vector<16xi32>
    %lt3A_839 = arith.constant 0 : i32
    %lt3A_840 = vector.broadcast %lt3A_839 : i32 to vector<16xi32>
    %lt3A_841 = arith.cmpi slt, %max3A_818, %lt3A_840 : vector<16xi32>
    %jit3A_842 = arith.constant 0 : i32
    %broadcast_in_dim3A_843 = vector.broadcast %jit3A_842 : i32 to vector<16xi32>
    %select_n3A_844 = arith.select %lt3A_841, %broadcast_in_dim3A_843, %add3A_838 : vector<16xi1>, vector<16xi32>
    %swap3A_845 = arith.constant 1 : i32
    %swap3A_846 = arith.index_cast %swap3A_845 : i32 to index
    %swap3A_847 = arith.constant 16 : index
    %swap3A_848 = tpu.vector_load %arg9[%swap3A_846, %swap3A_847] {strides = array<i32>} : memref<2x128xi32, #tpu.memory_space<vmem>>, vector<16xi32>,
    tpu.vector_store %arg9[%swap3A_846, %swap3A_847], %select_n3A_844 {strides = array<i32>} : memref<2x128xi32, #tpu.memory_space<vmem>>, vector<16xi32>,
    %get3A_849 = arith.constant 0 : i32
    %get3A_850 = arith.index_cast %get3A_849 : i32 to index
    %get3A_851 = arith.constant 160 : index
    %get3A_852 = tpu.vector_load %arg8[%get3A_850, %get3A_851] {strides = array<i32>} : memref<4x256xi32, #tpu.memory_space<vmem>>, vector<16xi32>,
    %get3A_853 = arith.constant 1 : i32
    %get3A_854 = arith.index_cast %get3A_853 : i32 to index
    %get3A_855 = arith.constant 160 : index
    %get3A_856 = tpu.vector_load %arg8[%get3A_854, %get3A_855] {strides = array<i32>} : memref<4x256xi32, #tpu.memory_space<vmem>>, vector<16xi32>,
    %max3A_857 = arith.maxsi %get3A_852, %get3A_856 : vector<16xi32>
    %get3A_858 = arith.constant 2 : i32
    %get3A_859 = arith.index_cast %get3A_858 : i32 to index
    %get3A_860 = arith.constant 160 : index
    %get3A_861 = tpu.vector_load %arg8[%get3A_859, %get3A_860] {strides = array<i32>} : memref<4x256xi32, #tpu.memory_space<vmem>>, vector<16xi32>,
    %max3A_862 = arith.maxsi %max3A_857, %get3A_861 : vector<16xi32>
    %get3A_863 = arith.constant 3 : i32
    %get3A_864 = arith.index_cast %get3A_863 : i32 to index
    %get3A_865 = arith.constant 160 : index
    %get3A_866 = tpu.vector_load %arg8[%get3A_864, %get3A_865] {strides = array<i32>} : memref<4x256xi32, #tpu.memory_space<vmem>>, vector<16xi32>,
    %max3A_867 = arith.maxsi %max3A_862, %get3A_866 : vector<16xi32>
    %and3A_868 = arith.constant 524287 : i32
    %and3A_869 = vector.broadcast %and3A_868 : i32 to vector<16xi32>
    %and3A_870 = arith.andi %max3A_867, %and3A_869 : vector<16xi32>
    %shift_right_logical3A_871 = arith.constant 19 : i32
    %shift_right_logical3A_872 = vector.broadcast %shift_right_logical3A_871 : i32 to vector<16xi32>
    %shift_right_logical3A_873 = arith.shrui %max3A_867, %shift_right_logical3A_872 : vector<16xi32>
    %shift_right_logical3A_874 = arith.constant 7 : i32
    %shift_right_logical3A_875 = vector.broadcast %shift_right_logical3A_874 : i32 to vector<16xi32>
    %shift_right_logical3A_876 = arith.shrui %and3A_870, %shift_right_logical3A_875 : vector<16xi32>
    %mul3A_877 = arith.constant 1024 : i32
    %mul3A_878 = vector.broadcast %mul3A_877 : i32 to vector<16xi32>
    %mul3A_879 = arith.muli %shift_right_logical3A_876, %mul3A_878 : vector<16xi32>
    %mul3A_880 = arith.constant 128 : i32
    %mul3A_881 = vector.broadcast %mul3A_880 : i32 to vector<16xi32>
    %mul3A_882 = arith.muli %shift_right_logical3A_873, %mul3A_881 : vector<16xi32>
    %add3A_883 = arith.addi %mul3A_879, %mul3A_882 : vector<16xi32>
    %and3A_884 = arith.constant 127 : i32
    %and3A_885 = vector.broadcast %and3A_884 : i32 to vector<16xi32>
    %and3A_886 = arith.andi %and3A_870, %and3A_885 : vector<16xi32>
    %add3A_887 = arith.addi %add3A_883, %and3A_886 : vector<16xi32>
    %lt3A_888 = arith.constant 0 : i32
    %lt3A_889 = vector.broadcast %lt3A_888 : i32 to vector<16xi32>
    %lt3A_890 = arith.cmpi slt, %max3A_867, %lt3A_889 : vector<16xi32>
    %jit3A_891 = arith.constant 0 : i32
    %broadcast_in_dim3A_892 = vector.broadcast %jit3A_891 : i32 to vector<16xi32>
    %select_n3A_893 = arith.select %lt3A_890, %broadcast_in_dim3A_892, %add3A_887 : vector<16xi1>, vector<16xi32>
    %swap3A_894 = arith.constant 1 : i32
    %swap3A_895 = arith.index_cast %swap3A_894 : i32 to index
    %swap3A_896 = arith.constant 32 : index
    %swap3A_897 = tpu.vector_load %arg9[%swap3A_895, %swap3A_896] {strides = array<i32>} : memref<2x128xi32, #tpu.memory_space<vmem>>, vector<16xi32>,
    tpu.vector_store %arg9[%swap3A_895, %swap3A_896], %select_n3A_893 {strides = array<i32>} : memref<2x128xi32, #tpu.memory_space<vmem>>, vector<16xi32>,
    %get3A_898 = arith.constant 0 : i32
    %get3A_899 = arith.index_cast %get3A_898 : i32 to index
    %get3A_900 = arith.constant 176 : index
    %get3A_901 = tpu.vector_load %arg8[%get3A_899, %get3A_900] {strides = array<i32>} : memref<4x256xi32, #tpu.memory_space<vmem>>, vector<16xi32>,
    %get3A_902 = arith.constant 1 : i32
    %get3A_903 = arith.index_cast %get3A_902 : i32 to index
    %get3A_904 = arith.constant 176 : index
    %get3A_905 = tpu.vector_load %arg8[%get3A_903, %get3A_904] {strides = array<i32>} : memref<4x256xi32, #tpu.memory_space<vmem>>, vector<16xi32>,
    %max3A_906 = arith.maxsi %get3A_901, %get3A_905 : vector<16xi32>
    %get3A_907 = arith.constant 2 : i32
    %get3A_908 = arith.index_cast %get3A_907 : i32 to index
    %get3A_909 = arith.constant 176 : index
    %get3A_910 = tpu.vector_load %arg8[%get3A_908, %get3A_909] {strides = array<i32>} : memref<4x256xi32, #tpu.memory_space<vmem>>, vector<16xi32>,
    %max3A_911 = arith.maxsi %max3A_906, %get3A_910 : vector<16xi32>
    %get3A_912 = arith.constant 3 : i32
    %get3A_913 = arith.index_cast %get3A_912 : i32 to index
    %get3A_914 = arith.constant 176 : index
    %get3A_915 = tpu.vector_load %arg8[%get3A_913, %get3A_914] {strides = array<i32>} : memref<4x256xi32, #tpu.memory_space<vmem>>, vector<16xi32>,
    %max3A_916 = arith.maxsi %max3A_911, %get3A_915 : vector<16xi32>
    %and3A_917 = arith.constant 524287 : i32
    %and3A_918 = vector.broadcast %and3A_917 : i32 to vector<16xi32>
    %and3A_919 = arith.andi %max3A_916, %and3A_918 : vector<16xi32>
    %shift_right_logical3A_920 = arith.constant 19 : i32
    %shift_right_logical3A_921 = vector.broadcast %shift_right_logical3A_920 : i32 to vector<16xi32>
    %shift_right_logical3A_922 = arith.shrui %max3A_916, %shift_right_logical3A_921 : vector<16xi32>
    %shift_right_logical3A_923 = arith.constant 7 : i32
    %shift_right_logical3A_924 = vector.broadcast %shift_right_logical3A_923 : i32 to vector<16xi32>
    %shift_right_logical3A_925 = arith.shrui %and3A_919, %shift_right_logical3A_924 : vector<16xi32>
    %mul3A_926 = arith.constant 1024 : i32
    %mul3A_927 = vector.broadcast %mul3A_926 : i32 to vector<16xi32>
    %mul3A_928 = arith.muli %shift_right_logical3A_925, %mul3A_927 : vector<16xi32>
    %mul3A_929 = arith.constant 128 : i32
    %mul3A_930 = vector.broadcast %mul3A_929 : i32 to vector<16xi32>
    %mul3A_931 = arith.muli %shift_right_logical3A_922, %mul3A_930 : vector<16xi32>
    %add3A_932 = arith.addi %mul3A_928, %mul3A_931 : vector<16xi32>
    %and3A_933 = arith.constant 127 : i32
    %and3A_934 = vector.broadcast %and3A_933 : i32 to vector<16xi32>
    %and3A_935 = arith.andi %and3A_919, %and3A_934 : vector<16xi32>
    %add3A_936 = arith.addi %add3A_932, %and3A_935 : vector<16xi32>
    %lt3A_937 = arith.constant 0 : i32
    %lt3A_938 = vector.broadcast %lt3A_937 : i32 to vector<16xi32>
    %lt3A_939 = arith.cmpi slt, %max3A_916, %lt3A_938 : vector<16xi32>
    %jit3A_940 = arith.constant 0 : i32
    %broadcast_in_dim3A_941 = vector.broadcast %jit3A_940 : i32 to vector<16xi32>
    %select_n3A_942 = arith.select %lt3A_939, %broadcast_in_dim3A_941, %add3A_936 : vector<16xi1>, vector<16xi32>
    %swap3A_943 = arith.constant 1 : i32
    %swap3A_944 = arith.index_cast %swap3A_943 : i32 to index
    %swap3A_945 = arith.constant 48 : index
    %swap3A_946 = tpu.vector_load %arg9[%swap3A_944, %swap3A_945] {strides = array<i32>} : memref<2x128xi32, #tpu.memory_space<vmem>>, vector<16xi32>,
    tpu.vector_store %arg9[%swap3A_944, %swap3A_945], %select_n3A_942 {strides = array<i32>} : memref<2x128xi32, #tpu.memory_space<vmem>>, vector<16xi32>,
    %get3A_947 = arith.constant 0 : i32
    %get3A_948 = arith.index_cast %get3A_947 : i32 to index
    %get3A_949 = arith.constant 192 : index
    %get3A_950 = tpu.vector_load %arg8[%get3A_948, %get3A_949] {strides = array<i32>} : memref<4x256xi32, #tpu.memory_space<vmem>>, vector<16xi32>,
    %get3A_951 = arith.constant 1 : i32
    %get3A_952 = arith.index_cast %get3A_951 : i32 to index
    %get3A_953 = arith.constant 192 : index
    %get3A_954 = tpu.vector_load %arg8[%get3A_952, %get3A_953] {strides = array<i32>} : memref<4x256xi32, #tpu.memory_space<vmem>>, vector<16xi32>,
    %max3A_955 = arith.maxsi %get3A_950, %get3A_954 : vector<16xi32>
    %get3A_956 = arith.constant 2 : i32
    %get3A_957 = arith.index_cast %get3A_956 : i32 to index
    %get3A_958 = arith.constant 192 : index
    %get3A_959 = tpu.vector_load %arg8[%get3A_957, %get3A_958] {strides = array<i32>} : memref<4x256xi32, #tpu.memory_space<vmem>>, vector<16xi32>,
    %max3A_960 = arith.maxsi %max3A_955, %get3A_959 : vector<16xi32>
    %get3A_961 = arith.constant 3 : i32
    %get3A_962 = arith.index_cast %get3A_961 : i32 to index
    %get3A_963 = arith.constant 192 : index
    %get3A_964 = tpu.vector_load %arg8[%get3A_962, %get3A_963] {strides = array<i32>} : memref<4x256xi32, #tpu.memory_space<vmem>>, vector<16xi32>,
    %max3A_965 = arith.maxsi %max3A_960, %get3A_964 : vector<16xi32>
    %and3A_966 = arith.constant 524287 : i32
    %and3A_967 = vector.broadcast %and3A_966 : i32 to vector<16xi32>
    %and3A_968 = arith.andi %max3A_965, %and3A_967 : vector<16xi32>
    %shift_right_logical3A_969 = arith.constant 19 : i32
    %shift_right_logical3A_970 = vector.broadcast %shift_right_logical3A_969 : i32 to vector<16xi32>
    %shift_right_logical3A_971 = arith.shrui %max3A_965, %shift_right_logical3A_970 : vector<16xi32>
    %shift_right_logical3A_972 = arith.constant 7 : i32
    %shift_right_logical3A_973 = vector.broadcast %shift_right_logical3A_972 : i32 to vector<16xi32>
    %shift_right_logical3A_974 = arith.shrui %and3A_968, %shift_right_logical3A_973 : vector<16xi32>
    %mul3A_975 = arith.constant 1024 : i32
    %mul3A_976 = vector.broadcast %mul3A_975 : i32 to vector<16xi32>
    %mul3A_977 = arith.muli %shift_right_logical3A_974, %mul3A_976 : vector<16xi32>
    %mul3A_978 = arith.constant 128 : i32
    %mul3A_979 = vector.broadcast %mul3A_978 : i32 to vector<16xi32>
    %mul3A_980 = arith.muli %shift_right_logical3A_971, %mul3A_979 : vector<16xi32>
    %add3A_981 = arith.addi %mul3A_977, %mul3A_980 : vector<16xi32>
    %and3A_982 = arith.constant 127 : i32
    %and3A_983 = vector.broadcast %and3A_982 : i32 to vector<16xi32>
    %and3A_984 = arith.andi %and3A_968, %and3A_983 : vector<16xi32>
    %add3A_985 = arith.addi %add3A_981, %and3A_984 : vector<16xi32>
    %lt3A_986 = arith.constant 0 : i32
    %lt3A_987 = vector.broadcast %lt3A_986 : i32 to vector<16xi32>
    %lt3A_988 = arith.cmpi slt, %max3A_965, %lt3A_987 : vector<16xi32>
    %jit3A_989 = arith.constant 0 : i32
    %broadcast_in_dim3A_990 = vector.broadcast %jit3A_989 : i32 to vector<16xi32>
    %select_n3A_991 = arith.select %lt3A_988, %broadcast_in_dim3A_990, %add3A_985 : vector<16xi1>, vector<16xi32>
    %swap3A_992 = arith.constant 1 : i32
    %swap3A_993 = arith.index_cast %swap3A_992 : i32 to index
    %swap3A_994 = arith.constant 64 : index
    %swap3A_995 = tpu.vector_load %arg9[%swap3A_993, %swap3A_994] {strides = array<i32>} : memref<2x128xi32, #tpu.memory_space<vmem>>, vector<16xi32>,
    tpu.vector_store %arg9[%swap3A_993, %swap3A_994], %select_n3A_991 {strides = array<i32>} : memref<2x128xi32, #tpu.memory_space<vmem>>, vector<16xi32>,
    %get3A_996 = arith.constant 0 : i32
    %get3A_997 = arith.index_cast %get3A_996 : i32 to index
    %get3A_998 = arith.constant 208 : index
    %get3A_999 = tpu.vector_load %arg8[%get3A_997, %get3A_998] {strides = array<i32>} : memref<4x256xi32, #tpu.memory_space<vmem>>, vector<16xi32>,
    %get3A_1000 = arith.constant 1 : i32
    %get3A_1001 = arith.index_cast %get3A_1000 : i32 to index
    %get3A_1002 = arith.constant 208 : index
    %get3A_1003 = tpu.vector_load %arg8[%get3A_1001, %get3A_1002] {strides = array<i32>} : memref<4x256xi32, #tpu.memory_space<vmem>>, vector<16xi32>,
    %max3A_1004 = arith.maxsi %get3A_999, %get3A_1003 : vector<16xi32>
    %get3A_1005 = arith.constant 2 : i32
    %get3A_1006 = arith.index_cast %get3A_1005 : i32 to index
    %get3A_1007 = arith.constant 208 : index
    %get3A_1008 = tpu.vector_load %arg8[%get3A_1006, %get3A_1007] {strides = array<i32>} : memref<4x256xi32, #tpu.memory_space<vmem>>, vector<16xi32>,
    %max3A_1009 = arith.maxsi %max3A_1004, %get3A_1008 : vector<16xi32>
    %get3A_1010 = arith.constant 3 : i32
    %get3A_1011 = arith.index_cast %get3A_1010 : i32 to index
    %get3A_1012 = arith.constant 208 : index
    %get3A_1013 = tpu.vector_load %arg8[%get3A_1011, %get3A_1012] {strides = array<i32>} : memref<4x256xi32, #tpu.memory_space<vmem>>, vector<16xi32>,
    %max3A_1014 = arith.maxsi %max3A_1009, %get3A_1013 : vector<16xi32>
    %and3A_1015 = arith.constant 524287 : i32
    %and3A_1016 = vector.broadcast %and3A_1015 : i32 to vector<16xi32>
    %and3A_1017 = arith.andi %max3A_1014, %and3A_1016 : vector<16xi32>
    %shift_right_logical3A_1018 = arith.constant 19 : i32
    %shift_right_logical3A_1019 = vector.broadcast %shift_right_logical3A_1018 : i32 to vector<16xi32>
    %shift_right_logical3A_1020 = arith.shrui %max3A_1014, %shift_right_logical3A_1019 : vector<16xi32>
    %shift_right_logical3A_1021 = arith.constant 7 : i32
    %shift_right_logical3A_1022 = vector.broadcast %shift_right_logical3A_1021 : i32 to vector<16xi32>
    %shift_right_logical3A_1023 = arith.shrui %and3A_1017, %shift_right_logical3A_1022 : vector<16xi32>
    %mul3A_1024 = arith.constant 1024 : i32
    %mul3A_1025 = vector.broadcast %mul3A_1024 : i32 to vector<16xi32>
    %mul3A_1026 = arith.muli %shift_right_logical3A_1023, %mul3A_1025 : vector<16xi32>
    %mul3A_1027 = arith.constant 128 : i32
    %mul3A_1028 = vector.broadcast %mul3A_1027 : i32 to vector<16xi32>
    %mul3A_1029 = arith.muli %shift_right_logical3A_1020, %mul3A_1028 : vector<16xi32>
    %add3A_1030 = arith.addi %mul3A_1026, %mul3A_1029 : vector<16xi32>
    %and3A_1031 = arith.constant 127 : i32
    %and3A_1032 = vector.broadcast %and3A_1031 : i32 to vector<16xi32>
    %and3A_1033 = arith.andi %and3A_1017, %and3A_1032 : vector<16xi32>
    %add3A_1034 = arith.addi %add3A_1030, %and3A_1033 : vector<16xi32>
    %lt3A_1035 = arith.constant 0 : i32
    %lt3A_1036 = vector.broadcast %lt3A_1035 : i32 to vector<16xi32>
    %lt3A_1037 = arith.cmpi slt, %max3A_1014, %lt3A_1036 : vector<16xi32>
    %jit3A_1038 = arith.constant 0 : i32
    %broadcast_in_dim3A_1039 = vector.broadcast %jit3A_1038 : i32 to vector<16xi32>
    %select_n3A_1040 = arith.select %lt3A_1037, %broadcast_in_dim3A_1039, %add3A_1034 : vector<16xi1>, vector<16xi32>
    %swap3A_1041 = arith.constant 1 : i32
    %swap3A_1042 = arith.index_cast %swap3A_1041 : i32 to index
    %swap3A_1043 = arith.constant 80 : index
    %swap3A_1044 = tpu.vector_load %arg9[%swap3A_1042, %swap3A_1043] {strides = array<i32>} : memref<2x128xi32, #tpu.memory_space<vmem>>, vector<16xi32>,
    tpu.vector_store %arg9[%swap3A_1042, %swap3A_1043], %select_n3A_1040 {strides = array<i32>} : memref<2x128xi32, #tpu.memory_space<vmem>>, vector<16xi32>,
    %get3A_1045 = arith.constant 0 : i32
    %get3A_1046 = arith.index_cast %get3A_1045 : i32 to index
    %get3A_1047 = arith.constant 224 : index
    %get3A_1048 = tpu.vector_load %arg8[%get3A_1046, %get3A_1047] {strides = array<i32>} : memref<4x256xi32, #tpu.memory_space<vmem>>, vector<16xi32>,
    %get3A_1049 = arith.constant 1 : i32
    %get3A_1050 = arith.index_cast %get3A_1049 : i32 to index
    %get3A_1051 = arith.constant 224 : index
    %get3A_1052 = tpu.vector_load %arg8[%get3A_1050, %get3A_1051] {strides = array<i32>} : memref<4x256xi32, #tpu.memory_space<vmem>>, vector<16xi32>,
    %max3A_1053 = arith.maxsi %get3A_1048, %get3A_1052 : vector<16xi32>
    %get3A_1054 = arith.constant 2 : i32
    %get3A_1055 = arith.index_cast %get3A_1054 : i32 to index
    %get3A_1056 = arith.constant 224 : index
    %get3A_1057 = tpu.vector_load %arg8[%get3A_1055, %get3A_1056] {strides = array<i32>} : memref<4x256xi32, #tpu.memory_space<vmem>>, vector<16xi32>,
    %max3A_1058 = arith.maxsi %max3A_1053, %get3A_1057 : vector<16xi32>
    %get3A_1059 = arith.constant 3 : i32
    %get3A_1060 = arith.index_cast %get3A_1059 : i32 to index
    %get3A_1061 = arith.constant 224 : index
    %get3A_1062 = tpu.vector_load %arg8[%get3A_1060, %get3A_1061] {strides = array<i32>} : memref<4x256xi32, #tpu.memory_space<vmem>>, vector<16xi32>,
    %max3A_1063 = arith.maxsi %max3A_1058, %get3A_1062 : vector<16xi32>
    %and3A_1064 = arith.constant 524287 : i32
    %and3A_1065 = vector.broadcast %and3A_1064 : i32 to vector<16xi32>
    %and3A_1066 = arith.andi %max3A_1063, %and3A_1065 : vector<16xi32>
    %shift_right_logical3A_1067 = arith.constant 19 : i32
    %shift_right_logical3A_1068 = vector.broadcast %shift_right_logical3A_1067 : i32 to vector<16xi32>
    %shift_right_logical3A_1069 = arith.shrui %max3A_1063, %shift_right_logical3A_1068 : vector<16xi32>
    %shift_right_logical3A_1070 = arith.constant 7 : i32
    %shift_right_logical3A_1071 = vector.broadcast %shift_right_logical3A_1070 : i32 to vector<16xi32>
    %shift_right_logical3A_1072 = arith.shrui %and3A_1066, %shift_right_logical3A_1071 : vector<16xi32>
    %mul3A_1073 = arith.constant 1024 : i32
    %mul3A_1074 = vector.broadcast %mul3A_1073 : i32 to vector<16xi32>
    %mul3A_1075 = arith.muli %shift_right_logical3A_1072, %mul3A_1074 : vector<16xi32>
    %mul3A_1076 = arith.constant 128 : i32
    %mul3A_1077 = vector.broadcast %mul3A_1076 : i32 to vector<16xi32>
    %mul3A_1078 = arith.muli %shift_right_logical3A_1069, %mul3A_1077 : vector<16xi32>
    %add3A_1079 = arith.addi %mul3A_1075, %mul3A_1078 : vector<16xi32>
    %and3A_1080 = arith.constant 127 : i32
    %and3A_1081 = vector.broadcast %and3A_1080 : i32 to vector<16xi32>
    %and3A_1082 = arith.andi %and3A_1066, %and3A_1081 : vector<16xi32>
    %add3A_1083 = arith.addi %add3A_1079, %and3A_1082 : vector<16xi32>
    %lt3A_1084 = arith.constant 0 : i32
    %lt3A_1085 = vector.broadcast %lt3A_1084 : i32 to vector<16xi32>
    %lt3A_1086 = arith.cmpi slt, %max3A_1063, %lt3A_1085 : vector<16xi32>
    %jit3A_1087 = arith.constant 0 : i32
    %broadcast_in_dim3A_1088 = vector.broadcast %jit3A_1087 : i32 to vector<16xi32>
    %select_n3A_1089 = arith.select %lt3A_1086, %broadcast_in_dim3A_1088, %add3A_1083 : vector<16xi1>, vector<16xi32>
    %swap3A_1090 = arith.constant 1 : i32
    %swap3A_1091 = arith.index_cast %swap3A_1090 : i32 to index
    %swap3A_1092 = arith.constant 96 : index
    %swap3A_1093 = tpu.vector_load %arg9[%swap3A_1091, %swap3A_1092] {strides = array<i32>} : memref<2x128xi32, #tpu.memory_space<vmem>>, vector<16xi32>,
    tpu.vector_store %arg9[%swap3A_1091, %swap3A_1092], %select_n3A_1089 {strides = array<i32>} : memref<2x128xi32, #tpu.memory_space<vmem>>, vector<16xi32>,
    %get3A_1094 = arith.constant 0 : i32
    %get3A_1095 = arith.index_cast %get3A_1094 : i32 to index
    %get3A_1096 = arith.constant 240 : index
    %get3A_1097 = tpu.vector_load %arg8[%get3A_1095, %get3A_1096] {strides = array<i32>} : memref<4x256xi32, #tpu.memory_space<vmem>>, vector<16xi32>,
    %get3A_1098 = arith.constant 1 : i32
    %get3A_1099 = arith.index_cast %get3A_1098 : i32 to index
    %get3A_1100 = arith.constant 240 : index
    %get3A_1101 = tpu.vector_load %arg8[%get3A_1099, %get3A_1100] {strides = array<i32>} : memref<4x256xi32, #tpu.memory_space<vmem>>, vector<16xi32>,
    %max3A_1102 = arith.maxsi %get3A_1097, %get3A_1101 : vector<16xi32>
    %get3A_1103 = arith.constant 2 : i32
    %get3A_1104 = arith.index_cast %get3A_1103 : i32 to index
    %get3A_1105 = arith.constant 240 : index
    %get3A_1106 = tpu.vector_load %arg8[%get3A_1104, %get3A_1105] {strides = array<i32>} : memref<4x256xi32, #tpu.memory_space<vmem>>, vector<16xi32>,
    %max3A_1107 = arith.maxsi %max3A_1102, %get3A_1106 : vector<16xi32>
    %get3A_1108 = arith.constant 3 : i32
    %get3A_1109 = arith.index_cast %get3A_1108 : i32 to index
    %get3A_1110 = arith.constant 240 : index
    %get3A_1111 = tpu.vector_load %arg8[%get3A_1109, %get3A_1110] {strides = array<i32>} : memref<4x256xi32, #tpu.memory_space<vmem>>, vector<16xi32>,
    %max3A_1112 = arith.maxsi %max3A_1107, %get3A_1111 : vector<16xi32>
    %and3A_1113 = arith.constant 524287 : i32
    %and3A_1114 = vector.broadcast %and3A_1113 : i32 to vector<16xi32>
    %and3A_1115 = arith.andi %max3A_1112, %and3A_1114 : vector<16xi32>
    %shift_right_logical3A_1116 = arith.constant 19 : i32
    %shift_right_logical3A_1117 = vector.broadcast %shift_right_logical3A_1116 : i32 to vector<16xi32>
    %shift_right_logical3A_1118 = arith.shrui %max3A_1112, %shift_right_logical3A_1117 : vector<16xi32>
    %shift_right_logical3A_1119 = arith.constant 7 : i32
    %shift_right_logical3A_1120 = vector.broadcast %shift_right_logical3A_1119 : i32 to vector<16xi32>
    %shift_right_logical3A_1121 = arith.shrui %and3A_1115, %shift_right_logical3A_1120 : vector<16xi32>
    %mul3A_1122 = arith.constant 1024 : i32
    %mul3A_1123 = vector.broadcast %mul3A_1122 : i32 to vector<16xi32>
    %mul3A_1124 = arith.muli %shift_right_logical3A_1121, %mul3A_1123 : vector<16xi32>
    %mul3A_1125 = arith.constant 128 : i32
    %mul3A_1126 = vector.broadcast %mul3A_1125 : i32 to vector<16xi32>
    %mul3A_1127 = arith.muli %shift_right_logical3A_1118, %mul3A_1126 : vector<16xi32>
    %add3A_1128 = arith.addi %mul3A_1124, %mul3A_1127 : vector<16xi32>
    %and3A_1129 = arith.constant 127 : i32
    %and3A_1130 = vector.broadcast %and3A_1129 : i32 to vector<16xi32>
    %and3A_1131 = arith.andi %and3A_1115, %and3A_1130 : vector<16xi32>
    %add3A_1132 = arith.addi %add3A_1128, %and3A_1131 : vector<16xi32>
    %lt3A_1133 = arith.constant 0 : i32
    %lt3A_1134 = vector.broadcast %lt3A_1133 : i32 to vector<16xi32>
    %lt3A_1135 = arith.cmpi slt, %max3A_1112, %lt3A_1134 : vector<16xi32>
    %jit3A_1136 = arith.constant 0 : i32
    %broadcast_in_dim3A_1137 = vector.broadcast %jit3A_1136 : i32 to vector<16xi32>
    %select_n3A_1138 = arith.select %lt3A_1135, %broadcast_in_dim3A_1137, %add3A_1132 : vector<16xi1>, vector<16xi32>
    %swap3A_1139 = arith.constant 1 : i32
    %swap3A_1140 = arith.index_cast %swap3A_1139 : i32 to index
    %swap3A_1141 = arith.constant 112 : index
    %swap3A_1142 = tpu.vector_load %arg9[%swap3A_1140, %swap3A_1141] {strides = array<i32>} : memref<2x128xi32, #tpu.memory_space<vmem>>, vector<16xi32>,
    tpu.vector_store %arg9[%swap3A_1140, %swap3A_1141], %select_n3A_1138 {strides = array<i32>} : memref<2x128xi32, #tpu.memory_space<vmem>>, vector<16xi32>,
    %dma_start3A_1143 = arith.constant 1 : i32
    %dma_start3A_1144 = arith.constant 1 : i32
    %dma_start3A_1145 = arith.constant 0 : i32
    %dma_start3A_1146 = tpu.memref_slice %arg10[%dma_start3A_1144, %dma_start3A_1145] : memref<2x128xf32, #tpu.memory_space<vmem>> -> memref<1x128xf32, #tpu.memory_space<vmem>>
    %dma_start3A_1147 = tpu.memref_squeeze %dma_start3A_1146 : memref<1x128xf32, #tpu.memory_space<vmem>> -> memref<128xf32, #tpu.memory_space<vmem>>
    %dma_start3A_1148 = arith.constant 0 : i32
    %dma_start3A_1149 = tpu.memref_slice %arg9[%dma_start3A_1143, %dma_start3A_1148] : memref<2x128xi32, #tpu.memory_space<vmem>> -> memref<1x128xi32, #tpu.memory_space<vmem>>
    %dma_start3A_1150 = tpu.memref_squeeze %dma_start3A_1149 : memref<1x128xi32, #tpu.memory_space<vmem>> -> memref<128xi32, #tpu.memory_space<vmem>>
    %dma_start3A_1151 = arith.constant 0 : i32
    %dma_start3A_1152 = tpu.memref_slice %arg3[%dma_start3A_1151] : memref<4194304xf32, #tpu.memory_space<hbm>> -> memref<4194304xf32, #tpu.memory_space<hbm>>
    tpu.enqueue_indirect_dma source(%dma_start3A_1152 : memref<4194304xf32, #tpu.memory_space<hbm>>) target(%dma_start3A_1147 : memref<128xf32, #tpu.memory_space<vmem>>) offsets(%dma_start3A_1150 : memref<128xi32, #tpu.memory_space<vmem>>) semaphore(%arg18 : memref<!tpu.dma_semaphore, #tpu.memory_space<semaphore_mem>>)
    %dma_wait3A_1153 = arith.constant 1 : i32
    %dma_wait3A_1154 = arith.constant 1 : i32
    %dma_wait3A_1155 = arith.constant 0 : i32
    %dma_wait3A_1156 = tpu.memref_slice %arg10[%dma_wait3A_1154, %dma_wait3A_1155] : memref<2x128xf32, #tpu.memory_space<vmem>> -> memref<1x128xf32, #tpu.memory_space<vmem>>
    %dma_wait3A_1157 = tpu.memref_squeeze %dma_wait3A_1156 : memref<1x128xf32, #tpu.memory_space<vmem>> -> memref<128xf32, #tpu.memory_space<vmem>>
    %dma_wait3A_1158 = arith.constant 0 : i32
    %dma_wait3A_1159 = tpu.memref_slice %arg9[%dma_wait3A_1153, %dma_wait3A_1158] : memref<2x128xi32, #tpu.memory_space<vmem>> -> memref<1x128xi32, #tpu.memory_space<vmem>>
    %dma_wait3A_1160 = tpu.memref_squeeze %dma_wait3A_1159 : memref<1x128xi32, #tpu.memory_space<vmem>> -> memref<128xi32, #tpu.memory_space<vmem>>
    %dma_wait3A_1161 = arith.constant 0 : i32
    %dma_wait3A_1162 = tpu.memref_slice %arg3[%dma_wait3A_1161] : memref<4194304xf32, #tpu.memory_space<hbm>> -> memref<4194304xf32, #tpu.memory_space<hbm>>
    tpu.wait_indirect_dma semaphore(%arg18 : memref<!tpu.dma_semaphore, #tpu.memory_space<semaphore_mem>>) src(%dma_wait3A_1162 : memref<4194304xf32, #tpu.memory_space<hbm>>) dst(%dma_wait3A_1157 : memref<128xf32, #tpu.memory_space<vmem>>)
    %mul3A_1163 = arith.constant 1024 : i32
    %mul3A_1164 = arith.muli %select_n3A_318, %mul3A_1163 : i32
    %add3A_1165 = arith.addi %mul3A_1164, %mul3A_336 : i32
    %add3A_1166 = arith.constant 128 : i32
    %add3A_1167 = arith.addi %add3A_1165, %add3A_1166 : i32
    %run_scoped3A_1168 = arith.constant 1 : i32
    "tpu.region"() ({
      %run_scoped3A_1602 = tpu.sem_alloc : memref<!tpu.dma_semaphore, #tpu.memory_space<semaphore_mem>>
      %dma_start3A_1603 = arith.constant 0 : i32
      %dma_start3A_1604 = tpu.memref_slice %arg10[%run_scoped3A_1168, %dma_start3A_1603] : memref<2x128xf32, #tpu.memory_space<vmem>> -> memref<1x128xf32, #tpu.memory_space<vmem>>
      %dma_start3A_1605 = tpu.memref_squeeze %dma_start3A_1604 : memref<1x128xf32, #tpu.memory_space<vmem>> -> memref<128xf32, #tpu.memory_space<vmem>>
      %dma_start3A_1606 = tpu.memref_slice %arg13[%add3A_1167] : memref<4096xf32, #tpu.memory_space<vmem_shared>> -> memref<128xf32, #tpu.memory_space<vmem_shared>>
      %dma_start3A_1607 = tpu.memref_slice %arg13[%add3A_1167] : memref<4096xf32, #tpu.memory_space<vmem_shared>> -> memref<128xf32, #tpu.memory_space<vmem_shared>>
      %dma_start3A_1608 = arith.constant 0 : i32
      %dma_start3A_1609 = tpu.memref_slice %arg10[%run_scoped3A_1168, %dma_start3A_1608] : memref<2x128xf32, #tpu.memory_space<vmem>> -> memref<1x128xf32, #tpu.memory_space<vmem>>
      %dma_start3A_1610 = tpu.memref_squeeze %dma_start3A_1609 : memref<1x128xf32, #tpu.memory_space<vmem>> -> memref<128xf32, #tpu.memory_space<vmem>>
      tpu.enqueue_dma source(%dma_start3A_1610 : memref<128xf32, #tpu.memory_space<vmem>>) target(%dma_start3A_1607 : memref<128xf32, #tpu.memory_space<vmem_shared>>) target_semaphore(%run_scoped3A_1602 : memref<!tpu.dma_semaphore, #tpu.memory_space<semaphore_mem>>)
      %dma_wait3A_1611 = arith.constant 0 : i32
      %dma_wait3A_1612 = tpu.memref_slice %arg10[%run_scoped3A_1168, %dma_wait3A_1611] : memref<2x128xf32, #tpu.memory_space<vmem>> -> memref<1x128xf32, #tpu.memory_space<vmem>>
      %dma_wait3A_1613 = tpu.memref_squeeze %dma_wait3A_1612 : memref<1x128xf32, #tpu.memory_space<vmem>> -> memref<128xf32, #tpu.memory_space<vmem>>
      %dma_wait3A_1614 = tpu.memref_slice %arg13[%add3A_1167] : memref<4096xf32, #tpu.memory_space<vmem_shared>> -> memref<128xf32, #tpu.memory_space<vmem_shared>>
      %dma_wait3A_1615 = tpu.memref_slice %arg13[%add3A_1167] : memref<4096xf32, #tpu.memory_space<vmem_shared>> -> memref<128xf32, #tpu.memory_space<vmem_shared>>
      %dma_wait3A_1616 = arith.constant 0 : i32
      %dma_wait3A_1617 = tpu.memref_slice %arg10[%run_scoped3A_1168, %dma_wait3A_1616] : memref<2x128xf32, #tpu.memory_space<vmem>> -> memref<1x128xf32, #tpu.memory_space<vmem>>
      %dma_wait3A_1618 = tpu.memref_squeeze %dma_wait3A_1617 : memref<1x128xf32, #tpu.memory_space<vmem>> -> memref<128xf32, #tpu.memory_space<vmem>>
      tpu.wait_dma2 semaphore(%run_scoped3A_1602 : memref<!tpu.dma_semaphore, #tpu.memory_space<semaphore_mem>>) src(%dma_wait3A_1618 : memref<128xf32, #tpu.memory_space<vmem>>) dst(%dma_wait3A_1615 : memref<128xf32, #tpu.memory_space<vmem_shared>>)
      tpu.yield
    }) : () -> ()
    %barrier3A_1169 = arith.constant 0 : index
    tpu.barrier barrier_id(%barrier3A_1169)
    "tpu.region"() ({
      %run_scoped3A_1602 = tpu.sem_alloc : memref<!tpu.dma_semaphore, #tpu.memory_space<semaphore_mem>>
      tpu.enqueue_dma source(%arg13 : memref<4096xf32, #tpu.memory_space<vmem_shared>>) target(%arg11 : memref<4096xf32, #tpu.memory_space<vmem>>) target_semaphore(%run_scoped3A_1602 : memref<!tpu.dma_semaphore, #tpu.memory_space<semaphore_mem>>)
      tpu.wait_dma2 semaphore(%run_scoped3A_1602 : memref<!tpu.dma_semaphore, #tpu.memory_space<semaphore_mem>>) src(%arg13 : memref<4096xf32, #tpu.memory_space<vmem_shared>>) dst(%arg11 : memref<4096xf32, #tpu.memory_space<vmem>>)
      tpu.yield
    }) : () -> ()
    %mul3A_1170 = arith.constant 4096 : i32
    %mul3A_1171 = arith.muli %arg0, %mul3A_1170 : i32
    %dma_start3A_1172 = arith.constant 0 : i32
    %dma_start3A_1173 = arith.constant 0 : i32
    %dma_start3A_1174 = tpu.memref_slice %arg5[%dma_start3A_1172, %dma_start3A_1173] : memref<2x16384xi32, #tpu.memory_space<vmem>> -> memref<1x16384xi32, #tpu.memory_space<vmem>>
    %dma_start3A_1175 = tpu.memref_squeeze %dma_start3A_1174 : memref<1x16384xi32, #tpu.memory_space<vmem>> -> memref<16384xi32, #tpu.memory_space<vmem>>
    %dma_start3A_1176 = tpu.memref_slice %arg2[%add3A, %mul3A_32] : memref<8x524288xi32, #tpu.memory_space<hbm>> -> memref<1x16384xi32, #tpu.memory_space<hbm>>
    %dma_start3A_1177 = tpu.memref_squeeze %dma_start3A_1176 : memref<1x16384xi32, #tpu.memory_space<hbm>> -> memref<16384xi32, #tpu.memory_space<hbm>>
    %dma_start3A_1178 = arith.constant 0 : i32
    %dma_start3A_1179 = tpu.memref_slice %arg5[%dma_start3A_1172, %dma_start3A_1178] : memref<2x16384xi32, #tpu.memory_space<vmem>> -> memref<1x16384xi32, #tpu.memory_space<vmem>>
    %dma_start3A_1180 = tpu.memref_squeeze %dma_start3A_1179 : memref<1x16384xi32, #tpu.memory_space<vmem>> -> memref<16384xi32, #tpu.memory_space<vmem>>
    %dma_start3A_1181 = tpu.memref_slice %arg2[%add3A, %mul3A_32] : memref<8x524288xi32, #tpu.memory_space<hbm>> -> memref<1x16384xi32, #tpu.memory_space<hbm>>
    %dma_start3A_1182 = tpu.memref_squeeze %dma_start3A_1181 : memref<1x16384xi32, #tpu.memory_space<hbm>> -> memref<16384xi32, #tpu.memory_space<hbm>>
    tpu.enqueue_dma source(%dma_start3A_1182 : memref<16384xi32, #tpu.memory_space<hbm>>) target(%dma_start3A_1180 : memref<16384xi32, #tpu.memory_space<vmem>>) target_semaphore(%arg14 : memref<!tpu.dma_semaphore, #tpu.memory_space<semaphore_mem>>)
    %add3A_1183 = arith.constant 16384 : i32
    %add3A_1184 = arith.addi %mul3A_32, %add3A_1183 : i32
    %dma_start3A_1185 = arith.constant 1 : i32
    %dma_start3A_1186 = arith.constant 0 : i32
    %dma_start3A_1187 = tpu.memref_slice %arg5[%dma_start3A_1185, %dma_start3A_1186] : memref<2x16384xi32, #tpu.memory_space<vmem>> -> memref<1x16384xi32, #tpu.memory_space<vmem>>
    %dma_start3A_1188 = tpu.memref_squeeze %dma_start3A_1187 : memref<1x16384xi32, #tpu.memory_space<vmem>> -> memref<16384xi32, #tpu.memory_space<vmem>>
    %dma_start3A_1189 = tpu.memref_slice %arg2[%add3A, %add3A_1184] : memref<8x524288xi32, #tpu.memory_space<hbm>> -> memref<1x16384xi32, #tpu.memory_space<hbm>>
    %dma_start3A_1190 = tpu.memref_squeeze %dma_start3A_1189 : memref<1x16384xi32, #tpu.memory_space<hbm>> -> memref<16384xi32, #tpu.memory_space<hbm>>
    %dma_start3A_1191 = arith.constant 0 : i32
    %dma_start3A_1192 = tpu.memref_slice %arg5[%dma_start3A_1185, %dma_start3A_1191] : memref<2x16384xi32, #tpu.memory_space<vmem>> -> memref<1x16384xi32, #tpu.memory_space<vmem>>
    %dma_start3A_1193 = tpu.memref_squeeze %dma_start3A_1192 : memref<1x16384xi32, #tpu.memory_space<vmem>> -> memref<16384xi32, #tpu.memory_space<vmem>>
    %dma_start3A_1194 = tpu.memref_slice %arg2[%add3A, %add3A_1184] : memref<8x524288xi32, #tpu.memory_space<hbm>> -> memref<1x16384xi32, #tpu.memory_space<hbm>>
    %dma_start3A_1195 = tpu.memref_squeeze %dma_start3A_1194 : memref<1x16384xi32, #tpu.memory_space<hbm>> -> memref<16384xi32, #tpu.memory_space<hbm>>
    tpu.enqueue_dma source(%dma_start3A_1195 : memref<16384xi32, #tpu.memory_space<hbm>>) target(%dma_start3A_1193 : memref<16384xi32, #tpu.memory_space<vmem>>) target_semaphore(%arg15 : memref<!tpu.dma_semaphore, #tpu.memory_space<semaphore_mem>>)
    %dma_wait3A_1196 = arith.constant 0 : i32
    %dma_wait3A_1197 = arith.constant 0 : i32
    %dma_wait3A_1198 = tpu.memref_slice %arg5[%dma_wait3A_1196, %dma_wait3A_1197] : memref<2x16384xi32, #tpu.memory_space<vmem>> -> memref<1x16384xi32, #tpu.memory_space<vmem>>
    %dma_wait3A_1199 = tpu.memref_squeeze %dma_wait3A_1198 : memref<1x16384xi32, #tpu.memory_space<vmem>> -> memref<16384xi32, #tpu.memory_space<vmem>>
    %dma_wait3A_1200 = tpu.memref_slice %arg2[%add3A, %mul3A_32] : memref<8x524288xi32, #tpu.memory_space<hbm>> -> memref<1x16384xi32, #tpu.memory_space<hbm>>
    %dma_wait3A_1201 = tpu.memref_squeeze %dma_wait3A_1200 : memref<1x16384xi32, #tpu.memory_space<hbm>> -> memref<16384xi32, #tpu.memory_space<hbm>>
    %dma_wait3A_1202 = arith.constant 0 : i32
    %dma_wait3A_1203 = tpu.memref_slice %arg5[%dma_wait3A_1196, %dma_wait3A_1202] : memref<2x16384xi32, #tpu.memory_space<vmem>> -> memref<1x16384xi32, #tpu.memory_space<vmem>>
    %dma_wait3A_1204 = tpu.memref_squeeze %dma_wait3A_1203 : memref<1x16384xi32, #tpu.memory_space<vmem>> -> memref<16384xi32, #tpu.memory_space<vmem>>
    %dma_wait3A_1205 = tpu.memref_slice %arg2[%add3A, %mul3A_32] : memref<8x524288xi32, #tpu.memory_space<hbm>> -> memref<1x16384xi32, #tpu.memory_space<hbm>>
    %dma_wait3A_1206 = tpu.memref_squeeze %dma_wait3A_1205 : memref<1x16384xi32, #tpu.memory_space<hbm>> -> memref<16384xi32, #tpu.memory_space<hbm>>
    tpu.wait_dma2 semaphore(%arg14 : memref<!tpu.dma_semaphore, #tpu.memory_space<semaphore_mem>>) src(%dma_wait3A_1206 : memref<16384xi32, #tpu.memory_space<hbm>>) dst(%dma_wait3A_1204 : memref<16384xi32, #tpu.memory_space<vmem>>)
    %scan3A_1207 = arith.constant 0 : i32
    %scan3A_1208 = arith.constant 0 : i32
    %scan3A_1209 = arith.constant 128 : i32
    %scan3A_1210 = arith.addi %scan3A_1208, %scan3A_1209 : i32
    %scan3A_1211 = arith.constant 1 : i32
    scf.for %scan3A_1602 = %scan3A_1208 to %scan3A_1210 step %scan3A_1211  : i32 {
      %mul3A_1603 = arith.constant 128 : i32
      %mul3A_1604 = arith.muli %scan3A_1602, %mul3A_1603 : i32
      %add3A_1605 = arith.constant 0 : i32
      %add3A_1606 = arith.addi %mul3A_1604, %add3A_1605 : i32
      %mul3A_1607 = arith.constant 128 : i32
      %mul3A_1608 = arith.muli %scan3A_1602, %mul3A_1607 : i32
      %add3A_1609 = arith.constant 16 : i32
      %add3A_1610 = arith.addi %mul3A_1608, %add3A_1609 : i32
      %mul3A_1611 = arith.constant 128 : i32
      %mul3A_1612 = arith.muli %scan3A_1602, %mul3A_1611 : i32
      %add3A_1613 = arith.constant 32 : i32
      %add3A_1614 = arith.addi %mul3A_1612, %add3A_1613 : i32
      %mul3A_1615 = arith.constant 128 : i32
      %mul3A_1616 = arith.muli %scan3A_1602, %mul3A_1615 : i32
      %add3A_1617 = arith.constant 48 : i32
      %add3A_1618 = arith.addi %mul3A_1616, %add3A_1617 : i32
      %mul3A_1619 = arith.constant 128 : i32
      %mul3A_1620 = arith.muli %scan3A_1602, %mul3A_1619 : i32
      %add3A_1621 = arith.constant 64 : i32
      %add3A_1622 = arith.addi %mul3A_1620, %add3A_1621 : i32
      %mul3A_1623 = arith.constant 128 : i32
      %mul3A_1624 = arith.muli %scan3A_1602, %mul3A_1623 : i32
      %add3A_1625 = arith.constant 80 : i32
      %add3A_1626 = arith.addi %mul3A_1624, %add3A_1625 : i32
      %mul3A_1627 = arith.constant 128 : i32
      %mul3A_1628 = arith.muli %scan3A_1602, %mul3A_1627 : i32
      %add3A_1629 = arith.constant 96 : i32
      %add3A_1630 = arith.addi %mul3A_1628, %add3A_1629 : i32
      %mul3A_1631 = arith.constant 128 : i32
      %mul3A_1632 = arith.muli %scan3A_1602, %mul3A_1631 : i32
      %add3A_1633 = arith.constant 112 : i32
      %add3A_1634 = arith.addi %mul3A_1632, %add3A_1633 : i32
      %get3A_1635 = arith.constant 0 : i32
      %get3A_1636 = arith.index_cast %get3A_1635 : i32 to index
      %get3A_1637 = arith.index_cast %add3A_1606 : i32 to index
      %get3A_1638 = tpu.vector_load %arg5[%get3A_1636, %get3A_1637] {strides = array<i32>} : memref<2x16384xi32, #tpu.memory_space<vmem>>, vector<16xi32>,
      %sub3A_1639 = vector.broadcast %mul3A_1171 : i32 to vector<16xi32>
      %sub3A_1640 = arith.subi %get3A_1638, %sub3A_1639 : vector<16xi32>
      %get3A_1641 = arith.constant 0 : i32
      %get3A_1642 = arith.index_cast %get3A_1641 : i32 to index
      %get3A_1643 = arith.index_cast %add3A_1610 : i32 to index
      %get3A_1644 = tpu.vector_load %arg5[%get3A_1642, %get3A_1643] {strides = array<i32>} : memref<2x16384xi32, #tpu.memory_space<vmem>>, vector<16xi32>,
      %sub3A_1645 = vector.broadcast %mul3A_1171 : i32 to vector<16xi32>
      %sub3A_1646 = arith.subi %get3A_1644, %sub3A_1645 : vector<16xi32>
      %get3A_1647 = arith.constant 0 : i32
      %get3A_1648 = arith.index_cast %get3A_1647 : i32 to index
      %get3A_1649 = arith.index_cast %add3A_1614 : i32 to index
      %get3A_1650 = tpu.vector_load %arg5[%get3A_1648, %get3A_1649] {strides = array<i32>} : memref<2x16384xi32, #tpu.memory_space<vmem>>, vector<16xi32>,
      %sub3A_1651 = vector.broadcast %mul3A_1171 : i32 to vector<16xi32>
      %sub3A_1652 = arith.subi %get3A_1650, %sub3A_1651 : vector<16xi32>
      %get3A_1653 = arith.constant 0 : i32
      %get3A_1654 = arith.index_cast %get3A_1653 : i32 to index
      %get3A_1655 = arith.index_cast %add3A_1618 : i32 to index
      %get3A_1656 = tpu.vector_load %arg5[%get3A_1654, %get3A_1655] {strides = array<i32>} : memref<2x16384xi32, #tpu.memory_space<vmem>>, vector<16xi32>,
      %sub3A_1657 = vector.broadcast %mul3A_1171 : i32 to vector<16xi32>
      %sub3A_1658 = arith.subi %get3A_1656, %sub3A_1657 : vector<16xi32>
      %get3A_1659 = arith.constant 0 : i32
      %get3A_1660 = arith.index_cast %get3A_1659 : i32 to index
      %get3A_1661 = arith.index_cast %add3A_1622 : i32 to index
      %get3A_1662 = tpu.vector_load %arg5[%get3A_1660, %get3A_1661] {strides = array<i32>} : memref<2x16384xi32, #tpu.memory_space<vmem>>, vector<16xi32>,
      %sub3A_1663 = vector.broadcast %mul3A_1171 : i32 to vector<16xi32>
      %sub3A_1664 = arith.subi %get3A_1662, %sub3A_1663 : vector<16xi32>
      %get3A_1665 = arith.constant 0 : i32
      %get3A_1666 = arith.index_cast %get3A_1665 : i32 to index
      %get3A_1667 = arith.index_cast %add3A_1626 : i32 to index
      %get3A_1668 = tpu.vector_load %arg5[%get3A_1666, %get3A_1667] {strides = array<i32>} : memref<2x16384xi32, #tpu.memory_space<vmem>>, vector<16xi32>,
      %sub3A_1669 = vector.broadcast %mul3A_1171 : i32 to vector<16xi32>
      %sub3A_1670 = arith.subi %get3A_1668, %sub3A_1669 : vector<16xi32>
      %get3A_1671 = arith.constant 0 : i32
      %get3A_1672 = arith.index_cast %get3A_1671 : i32 to index
      %get3A_1673 = arith.index_cast %add3A_1630 : i32 to index
      %get3A_1674 = tpu.vector_load %arg5[%get3A_1672, %get3A_1673] {strides = array<i32>} : memref<2x16384xi32, #tpu.memory_space<vmem>>, vector<16xi32>,
      %sub3A_1675 = vector.broadcast %mul3A_1171 : i32 to vector<16xi32>
      %sub3A_1676 = arith.subi %get3A_1674, %sub3A_1675 : vector<16xi32>
      %get3A_1677 = arith.constant 0 : i32
      %get3A_1678 = arith.index_cast %get3A_1677 : i32 to index
      %get3A_1679 = arith.index_cast %add3A_1634 : i32 to index
      %get3A_1680 = tpu.vector_load %arg5[%get3A_1678, %get3A_1679] {strides = array<i32>} : memref<2x16384xi32, #tpu.memory_space<vmem>>, vector<16xi32>,
      %sub3A_1681 = vector.broadcast %mul3A_1171 : i32 to vector<16xi32>
      %sub3A_1682 = arith.subi %get3A_1680, %sub3A_1681 : vector<16xi32>
      %gather3A = tpu.vector_load_idx %arg11[%sub3A_1640] : memref<4096xf32, #tpu.memory_space<vmem>>[vector<16xi32>], vector<16xf32>,
      %gather3A_1683 = tpu.vector_load_idx %arg11[%sub3A_1646] : memref<4096xf32, #tpu.memory_space<vmem>>[vector<16xi32>], vector<16xf32>,
      %gather3A_1684 = tpu.vector_load_idx %arg11[%sub3A_1652] : memref<4096xf32, #tpu.memory_space<vmem>>[vector<16xi32>], vector<16xf32>,
      %gather3A_1685 = tpu.vector_load_idx %arg11[%sub3A_1658] : memref<4096xf32, #tpu.memory_space<vmem>>[vector<16xi32>], vector<16xf32>,
      %gather3A_1686 = tpu.vector_load_idx %arg11[%sub3A_1664] : memref<4096xf32, #tpu.memory_space<vmem>>[vector<16xi32>], vector<16xf32>,
      %gather3A_1687 = tpu.vector_load_idx %arg11[%sub3A_1670] : memref<4096xf32, #tpu.memory_space<vmem>>[vector<16xi32>], vector<16xf32>,
      %gather3A_1688 = tpu.vector_load_idx %arg11[%sub3A_1676] : memref<4096xf32, #tpu.memory_space<vmem>>[vector<16xi32>], vector<16xf32>,
      %gather3A_1689 = tpu.vector_load_idx %arg11[%sub3A_1682] : memref<4096xf32, #tpu.memory_space<vmem>>[vector<16xi32>], vector<16xf32>,
      %swap3A_1690 = arith.constant 0 : i32
      %swap3A_1691 = arith.index_cast %swap3A_1690 : i32 to index
      %swap3A_1692 = arith.index_cast %add3A_1606 : i32 to index
      %swap3A_1693 = tpu.vector_load %arg6[%swap3A_1691, %swap3A_1692] {strides = array<i32>} : memref<2x16384xf32, #tpu.memory_space<vmem>>, vector<16xf32>,
      tpu.vector_store %arg6[%swap3A_1691, %swap3A_1692], %gather3A {strides = array<i32>} : memref<2x16384xf32, #tpu.memory_space<vmem>>, vector<16xf32>,
      %swap3A_1694 = arith.constant 0 : i32
      %swap3A_1695 = arith.index_cast %swap3A_1694 : i32 to index
      %swap3A_1696 = arith.index_cast %add3A_1610 : i32 to index
      %swap3A_1697 = tpu.vector_load %arg6[%swap3A_1695, %swap3A_1696] {strides = array<i32>} : memref<2x16384xf32, #tpu.memory_space<vmem>>, vector<16xf32>,
      tpu.vector_store %arg6[%swap3A_1695, %swap3A_1696], %gather3A_1683 {strides = array<i32>} : memref<2x16384xf32, #tpu.memory_space<vmem>>, vector<16xf32>,
      %swap3A_1698 = arith.constant 0 : i32
      %swap3A_1699 = arith.index_cast %swap3A_1698 : i32 to index
      %swap3A_1700 = arith.index_cast %add3A_1614 : i32 to index
      %swap3A_1701 = tpu.vector_load %arg6[%swap3A_1699, %swap3A_1700] {strides = array<i32>} : memref<2x16384xf32, #tpu.memory_space<vmem>>, vector<16xf32>,
      tpu.vector_store %arg6[%swap3A_1699, %swap3A_1700], %gather3A_1684 {strides = array<i32>} : memref<2x16384xf32, #tpu.memory_space<vmem>>, vector<16xf32>,
      %swap3A_1702 = arith.constant 0 : i32
      %swap3A_1703 = arith.index_cast %swap3A_1702 : i32 to index
      %swap3A_1704 = arith.index_cast %add3A_1618 : i32 to index
      %swap3A_1705 = tpu.vector_load %arg6[%swap3A_1703, %swap3A_1704] {strides = array<i32>} : memref<2x16384xf32, #tpu.memory_space<vmem>>, vector<16xf32>,
      tpu.vector_store %arg6[%swap3A_1703, %swap3A_1704], %gather3A_1685 {strides = array<i32>} : memref<2x16384xf32, #tpu.memory_space<vmem>>, vector<16xf32>,
      %swap3A_1706 = arith.constant 0 : i32
      %swap3A_1707 = arith.index_cast %swap3A_1706 : i32 to index
      %swap3A_1708 = arith.index_cast %add3A_1622 : i32 to index
      %swap3A_1709 = tpu.vector_load %arg6[%swap3A_1707, %swap3A_1708] {strides = array<i32>} : memref<2x16384xf32, #tpu.memory_space<vmem>>, vector<16xf32>,
      tpu.vector_store %arg6[%swap3A_1707, %swap3A_1708], %gather3A_1686 {strides = array<i32>} : memref<2x16384xf32, #tpu.memory_space<vmem>>, vector<16xf32>,
      %swap3A_1710 = arith.constant 0 : i32
      %swap3A_1711 = arith.index_cast %swap3A_1710 : i32 to index
      %swap3A_1712 = arith.index_cast %add3A_1626 : i32 to index
      %swap3A_1713 = tpu.vector_load %arg6[%swap3A_1711, %swap3A_1712] {strides = array<i32>} : memref<2x16384xf32, #tpu.memory_space<vmem>>, vector<16xf32>,
      tpu.vector_store %arg6[%swap3A_1711, %swap3A_1712], %gather3A_1687 {strides = array<i32>} : memref<2x16384xf32, #tpu.memory_space<vmem>>, vector<16xf32>,
      %swap3A_1714 = arith.constant 0 : i32
      %swap3A_1715 = arith.index_cast %swap3A_1714 : i32 to index
      %swap3A_1716 = arith.index_cast %add3A_1630 : i32 to index
      %swap3A_1717 = tpu.vector_load %arg6[%swap3A_1715, %swap3A_1716] {strides = array<i32>} : memref<2x16384xf32, #tpu.memory_space<vmem>>, vector<16xf32>,
      tpu.vector_store %arg6[%swap3A_1715, %swap3A_1716], %gather3A_1688 {strides = array<i32>} : memref<2x16384xf32, #tpu.memory_space<vmem>>, vector<16xf32>,
      %swap3A_1718 = arith.constant 0 : i32
      %swap3A_1719 = arith.index_cast %swap3A_1718 : i32 to index
      %swap3A_1720 = arith.index_cast %add3A_1634 : i32 to index
      %swap3A_1721 = tpu.vector_load %arg6[%swap3A_1719, %swap3A_1720] {strides = array<i32>} : memref<2x16384xf32, #tpu.memory_space<vmem>>, vector<16xf32>,
      tpu.vector_store %arg6[%swap3A_1719, %swap3A_1720], %gather3A_1689 {strides = array<i32>} : memref<2x16384xf32, #tpu.memory_space<vmem>>, vector<16xf32>,
    }
    %scan3A_1212 = arith.constant 128 : i32
    %add3A_1213 = arith.constant 0 : i32
    %add3A_1214 = arith.addi %mul3A_32, %add3A_1213 : i32
    %dma_start3A_1215 = arith.constant 0 : i32
    %dma_start3A_1216 = arith.constant 0 : i32
    %dma_start3A_1217 = tpu.memref_slice %arg6[%dma_start3A_1215, %dma_start3A_1216] : memref<2x16384xf32, #tpu.memory_space<vmem>> -> memref<1x16384xf32, #tpu.memory_space<vmem>>
    %dma_start3A_1218 = tpu.memref_squeeze %dma_start3A_1217 : memref<1x16384xf32, #tpu.memory_space<vmem>> -> memref<16384xf32, #tpu.memory_space<vmem>>
    %dma_start3A_1219 = tpu.memref_slice %arg4[%add3A, %add3A_1214] : memref<8x524288xf32, #tpu.memory_space<hbm>> -> memref<1x16384xf32, #tpu.memory_space<hbm>>
    %dma_start3A_1220 = tpu.memref_squeeze %dma_start3A_1219 : memref<1x16384xf32, #tpu.memory_space<hbm>> -> memref<16384xf32, #tpu.memory_space<hbm>>
    %dma_start3A_1221 = tpu.memref_slice %arg4[%add3A, %add3A_1214] : memref<8x524288xf32, #tpu.memory_space<hbm>> -> memref<1x16384xf32, #tpu.memory_space<hbm>>
    %dma_start3A_1222 = tpu.memref_squeeze %dma_start3A_1221 : memref<1x16384xf32, #tpu.memory_space<hbm>> -> memref<16384xf32, #tpu.memory_space<hbm>>
    %dma_start3A_1223 = arith.constant 0 : i32
    %dma_start3A_1224 = tpu.memref_slice %arg6[%dma_start3A_1215, %dma_start3A_1223] : memref<2x16384xf32, #tpu.memory_space<vmem>> -> memref<1x16384xf32, #tpu.memory_space<vmem>>
    %dma_start3A_1225 = tpu.memref_squeeze %dma_start3A_1224 : memref<1x16384xf32, #tpu.memory_space<vmem>> -> memref<16384xf32, #tpu.memory_space<vmem>>
    tpu.enqueue_dma source(%dma_start3A_1225 : memref<16384xf32, #tpu.memory_space<vmem>>) target(%dma_start3A_1222 : memref<16384xf32, #tpu.memory_space<hbm>>) target_semaphore(%arg16 : memref<!tpu.dma_semaphore, #tpu.memory_space<semaphore_mem>>)
    %add3A_1226 = arith.constant 32768 : i32
    %add3A_1227 = arith.addi %mul3A_32, %add3A_1226 : i32
    %dma_start3A_1228 = arith.constant 0 : i32
    %dma_start3A_1229 = arith.constant 0 : i32
    %dma_start3A_1230 = tpu.memref_slice %arg5[%dma_start3A_1228, %dma_start3A_1229] : memref<2x16384xi32, #tpu.memory_space<vmem>> -> memref<1x16384xi32, #tpu.memory_space<vmem>>
    %dma_start3A_1231 = tpu.memref_squeeze %dma_start3A_1230 : memref<1x16384xi32, #tpu.memory_space<vmem>> -> memref<16384xi32, #tpu.memory_space<vmem>>
    %dma_start3A_1232 = tpu.memref_slice %arg2[%add3A, %add3A_1227] : memref<8x524288xi32, #tpu.memory_space<hbm>> -> memref<1x16384xi32, #tpu.memory_space<hbm>>
    %dma_start3A_1233 = tpu.memref_squeeze %dma_start3A_1232 : memref<1x16384xi32, #tpu.memory_space<hbm>> -> memref<16384xi32, #tpu.memory_space<hbm>>
    %dma_start3A_1234 = arith.constant 0 : i32
    %dma_start3A_1235 = tpu.memref_slice %arg5[%dma_start3A_1228, %dma_start3A_1234] : memref<2x16384xi32, #tpu.memory_space<vmem>> -> memref<1x16384xi32, #tpu.memory_space<vmem>>
    %dma_start3A_1236 = tpu.memref_squeeze %dma_start3A_1235 : memref<1x16384xi32, #tpu.memory_space<vmem>> -> memref<16384xi32, #tpu.memory_space<vmem>>
    %dma_start3A_1237 = tpu.memref_slice %arg2[%add3A, %add3A_1227] : memref<8x524288xi32, #tpu.memory_space<hbm>> -> memref<1x16384xi32, #tpu.memory_space<hbm>>
    %dma_start3A_1238 = tpu.memref_squeeze %dma_start3A_1237 : memref<1x16384xi32, #tpu.memory_space<hbm>> -> memref<16384xi32, #tpu.memory_space<hbm>>
    tpu.enqueue_dma source(%dma_start3A_1238 : memref<16384xi32, #tpu.memory_space<hbm>>) target(%dma_start3A_1236 : memref<16384xi32, #tpu.memory_space<vmem>>) target_semaphore(%arg14 : memref<!tpu.dma_semaphore, #tpu.memory_space<semaphore_mem>>)
    %dma_wait3A_1239 = arith.constant 1 : i32
    %dma_wait3A_1240 = arith.constant 0 : i32
    %dma_wait3A_1241 = tpu.memref_slice %arg5[%dma_wait3A_1239, %dma_wait3A_1240] : memref<2x16384xi32, #tpu.memory_space<vmem>> -> memref<1x16384xi32, #tpu.memory_space<vmem>>
    %dma_wait3A_1242 = tpu.memref_squeeze %dma_wait3A_1241 : memref<1x16384xi32, #tpu.memory_space<vmem>> -> memref<16384xi32, #tpu.memory_space<vmem>>
    %dma_wait3A_1243 = tpu.memref_slice %arg2[%add3A, %add3A_1184] : memref<8x524288xi32, #tpu.memory_space<hbm>> -> memref<1x16384xi32, #tpu.memory_space<hbm>>
    %dma_wait3A_1244 = tpu.memref_squeeze %dma_wait3A_1243 : memref<1x16384xi32, #tpu.memory_space<hbm>> -> memref<16384xi32, #tpu.memory_space<hbm>>
    %dma_wait3A_1245 = arith.constant 0 : i32
    %dma_wait3A_1246 = tpu.memref_slice %arg5[%dma_wait3A_1239, %dma_wait3A_1245] : memref<2x16384xi32, #tpu.memory_space<vmem>> -> memref<1x16384xi32, #tpu.memory_space<vmem>>
    %dma_wait3A_1247 = tpu.memref_squeeze %dma_wait3A_1246 : memref<1x16384xi32, #tpu.memory_space<vmem>> -> memref<16384xi32, #tpu.memory_space<vmem>>
    %dma_wait3A_1248 = tpu.memref_slice %arg2[%add3A, %add3A_1184] : memref<8x524288xi32, #tpu.memory_space<hbm>> -> memref<1x16384xi32, #tpu.memory_space<hbm>>
    %dma_wait3A_1249 = tpu.memref_squeeze %dma_wait3A_1248 : memref<1x16384xi32, #tpu.memory_space<hbm>> -> memref<16384xi32, #tpu.memory_space<hbm>>
    tpu.wait_dma2 semaphore(%arg15 : memref<!tpu.dma_semaphore, #tpu.memory_space<semaphore_mem>>) src(%dma_wait3A_1249 : memref<16384xi32, #tpu.memory_space<hbm>>) dst(%dma_wait3A_1247 : memref<16384xi32, #tpu.memory_space<vmem>>)
    %scan3A_1250 = arith.constant 0 : i32
    %scan3A_1251 = arith.constant 0 : i32
    %scan3A_1252 = arith.constant 128 : i32
    %scan3A_1253 = arith.addi %scan3A_1251, %scan3A_1252 : i32
    %scan3A_1254 = arith.constant 1 : i32
    scf.for %scan3A_1602 = %scan3A_1251 to %scan3A_1253 step %scan3A_1254  : i32 {
      %mul3A_1603 = arith.constant 128 : i32
      %mul3A_1604 = arith.muli %scan3A_1602, %mul3A_1603 : i32
      %add3A_1605 = arith.constant 0 : i32
      %add3A_1606 = arith.addi %mul3A_1604, %add3A_1605 : i32
      %mul3A_1607 = arith.constant 128 : i32
      %mul3A_1608 = arith.muli %scan3A_1602, %mul3A_1607 : i32
      %add3A_1609 = arith.constant 16 : i32
      %add3A_1610 = arith.addi %mul3A_1608, %add3A_1609 : i32
      %mul3A_1611 = arith.constant 128 : i32
      %mul3A_1612 = arith.muli %scan3A_1602, %mul3A_1611 : i32
      %add3A_1613 = arith.constant 32 : i32
      %add3A_1614 = arith.addi %mul3A_1612, %add3A_1613 : i32
      %mul3A_1615 = arith.constant 128 : i32
      %mul3A_1616 = arith.muli %scan3A_1602, %mul3A_1615 : i32
      %add3A_1617 = arith.constant 48 : i32
      %add3A_1618 = arith.addi %mul3A_1616, %add3A_1617 : i32
      %mul3A_1619 = arith.constant 128 : i32
      %mul3A_1620 = arith.muli %scan3A_1602, %mul3A_1619 : i32
      %add3A_1621 = arith.constant 64 : i32
      %add3A_1622 = arith.addi %mul3A_1620, %add3A_1621 : i32
      %mul3A_1623 = arith.constant 128 : i32
      %mul3A_1624 = arith.muli %scan3A_1602, %mul3A_1623 : i32
      %add3A_1625 = arith.constant 80 : i32
      %add3A_1626 = arith.addi %mul3A_1624, %add3A_1625 : i32
      %mul3A_1627 = arith.constant 128 : i32
      %mul3A_1628 = arith.muli %scan3A_1602, %mul3A_1627 : i32
      %add3A_1629 = arith.constant 96 : i32
      %add3A_1630 = arith.addi %mul3A_1628, %add3A_1629 : i32
      %mul3A_1631 = arith.constant 128 : i32
      %mul3A_1632 = arith.muli %scan3A_1602, %mul3A_1631 : i32
      %add3A_1633 = arith.constant 112 : i32
      %add3A_1634 = arith.addi %mul3A_1632, %add3A_1633 : i32
      %get3A_1635 = arith.constant 1 : i32
      %get3A_1636 = arith.index_cast %get3A_1635 : i32 to index
      %get3A_1637 = arith.index_cast %add3A_1606 : i32 to index
      %get3A_1638 = tpu.vector_load %arg5[%get3A_1636, %get3A_1637] {strides = array<i32>} : memref<2x16384xi32, #tpu.memory_space<vmem>>, vector<16xi32>,
      %sub3A_1639 = vector.broadcast %mul3A_1171 : i32 to vector<16xi32>
      %sub3A_1640 = arith.subi %get3A_1638, %sub3A_1639 : vector<16xi32>
      %get3A_1641 = arith.constant 1 : i32
      %get3A_1642 = arith.index_cast %get3A_1641 : i32 to index
      %get3A_1643 = arith.index_cast %add3A_1610 : i32 to index
      %get3A_1644 = tpu.vector_load %arg5[%get3A_1642, %get3A_1643] {strides = array<i32>} : memref<2x16384xi32, #tpu.memory_space<vmem>>, vector<16xi32>,
      %sub3A_1645 = vector.broadcast %mul3A_1171 : i32 to vector<16xi32>
      %sub3A_1646 = arith.subi %get3A_1644, %sub3A_1645 : vector<16xi32>
      %get3A_1647 = arith.constant 1 : i32
      %get3A_1648 = arith.index_cast %get3A_1647 : i32 to index
      %get3A_1649 = arith.index_cast %add3A_1614 : i32 to index
      %get3A_1650 = tpu.vector_load %arg5[%get3A_1648, %get3A_1649] {strides = array<i32>} : memref<2x16384xi32, #tpu.memory_space<vmem>>, vector<16xi32>,
      %sub3A_1651 = vector.broadcast %mul3A_1171 : i32 to vector<16xi32>
      %sub3A_1652 = arith.subi %get3A_1650, %sub3A_1651 : vector<16xi32>
      %get3A_1653 = arith.constant 1 : i32
      %get3A_1654 = arith.index_cast %get3A_1653 : i32 to index
      %get3A_1655 = arith.index_cast %add3A_1618 : i32 to index
      %get3A_1656 = tpu.vector_load %arg5[%get3A_1654, %get3A_1655] {strides = array<i32>} : memref<2x16384xi32, #tpu.memory_space<vmem>>, vector<16xi32>,
      %sub3A_1657 = vector.broadcast %mul3A_1171 : i32 to vector<16xi32>
      %sub3A_1658 = arith.subi %get3A_1656, %sub3A_1657 : vector<16xi32>
      %get3A_1659 = arith.constant 1 : i32
      %get3A_1660 = arith.index_cast %get3A_1659 : i32 to index
      %get3A_1661 = arith.index_cast %add3A_1622 : i32 to index
      %get3A_1662 = tpu.vector_load %arg5[%get3A_1660, %get3A_1661] {strides = array<i32>} : memref<2x16384xi32, #tpu.memory_space<vmem>>, vector<16xi32>,
      %sub3A_1663 = vector.broadcast %mul3A_1171 : i32 to vector<16xi32>
      %sub3A_1664 = arith.subi %get3A_1662, %sub3A_1663 : vector<16xi32>
      %get3A_1665 = arith.constant 1 : i32
      %get3A_1666 = arith.index_cast %get3A_1665 : i32 to index
      %get3A_1667 = arith.index_cast %add3A_1626 : i32 to index
      %get3A_1668 = tpu.vector_load %arg5[%get3A_1666, %get3A_1667] {strides = array<i32>} : memref<2x16384xi32, #tpu.memory_space<vmem>>, vector<16xi32>,
      %sub3A_1669 = vector.broadcast %mul3A_1171 : i32 to vector<16xi32>
      %sub3A_1670 = arith.subi %get3A_1668, %sub3A_1669 : vector<16xi32>
      %get3A_1671 = arith.constant 1 : i32
      %get3A_1672 = arith.index_cast %get3A_1671 : i32 to index
      %get3A_1673 = arith.index_cast %add3A_1630 : i32 to index
      %get3A_1674 = tpu.vector_load %arg5[%get3A_1672, %get3A_1673] {strides = array<i32>} : memref<2x16384xi32, #tpu.memory_space<vmem>>, vector<16xi32>,
      %sub3A_1675 = vector.broadcast %mul3A_1171 : i32 to vector<16xi32>
      %sub3A_1676 = arith.subi %get3A_1674, %sub3A_1675 : vector<16xi32>
      %get3A_1677 = arith.constant 1 : i32
      %get3A_1678 = arith.index_cast %get3A_1677 : i32 to index
      %get3A_1679 = arith.index_cast %add3A_1634 : i32 to index
      %get3A_1680 = tpu.vector_load %arg5[%get3A_1678, %get3A_1679] {strides = array<i32>} : memref<2x16384xi32, #tpu.memory_space<vmem>>, vector<16xi32>,
      %sub3A_1681 = vector.broadcast %mul3A_1171 : i32 to vector<16xi32>
      %sub3A_1682 = arith.subi %get3A_1680, %sub3A_1681 : vector<16xi32>
      %gather3A = tpu.vector_load_idx %arg11[%sub3A_1640] : memref<4096xf32, #tpu.memory_space<vmem>>[vector<16xi32>], vector<16xf32>,
      %gather3A_1683 = tpu.vector_load_idx %arg11[%sub3A_1646] : memref<4096xf32, #tpu.memory_space<vmem>>[vector<16xi32>], vector<16xf32>,
      %gather3A_1684 = tpu.vector_load_idx %arg11[%sub3A_1652] : memref<4096xf32, #tpu.memory_space<vmem>>[vector<16xi32>], vector<16xf32>,
      %gather3A_1685 = tpu.vector_load_idx %arg11[%sub3A_1658] : memref<4096xf32, #tpu.memory_space<vmem>>[vector<16xi32>], vector<16xf32>,
      %gather3A_1686 = tpu.vector_load_idx %arg11[%sub3A_1664] : memref<4096xf32, #tpu.memory_space<vmem>>[vector<16xi32>], vector<16xf32>,
      %gather3A_1687 = tpu.vector_load_idx %arg11[%sub3A_1670] : memref<4096xf32, #tpu.memory_space<vmem>>[vector<16xi32>], vector<16xf32>,
      %gather3A_1688 = tpu.vector_load_idx %arg11[%sub3A_1676] : memref<4096xf32, #tpu.memory_space<vmem>>[vector<16xi32>], vector<16xf32>,
      %gather3A_1689 = tpu.vector_load_idx %arg11[%sub3A_1682] : memref<4096xf32, #tpu.memory_space<vmem>>[vector<16xi32>], vector<16xf32>,
      %swap3A_1690 = arith.constant 1 : i32
      %swap3A_1691 = arith.index_cast %swap3A_1690 : i32 to index
      %swap3A_1692 = arith.index_cast %add3A_1606 : i32 to index
      %swap3A_1693 = tpu.vector_load %arg6[%swap3A_1691, %swap3A_1692] {strides = array<i32>} : memref<2x16384xf32, #tpu.memory_space<vmem>>, vector<16xf32>,
      tpu.vector_store %arg6[%swap3A_1691, %swap3A_1692], %gather3A {strides = array<i32>} : memref<2x16384xf32, #tpu.memory_space<vmem>>, vector<16xf32>,
      %swap3A_1694 = arith.constant 1 : i32
      %swap3A_1695 = arith.index_cast %swap3A_1694 : i32 to index
      %swap3A_1696 = arith.index_cast %add3A_1610 : i32 to index
      %swap3A_1697 = tpu.vector_load %arg6[%swap3A_1695, %swap3A_1696] {strides = array<i32>} : memref<2x16384xf32, #tpu.memory_space<vmem>>, vector<16xf32>,
      tpu.vector_store %arg6[%swap3A_1695, %swap3A_1696], %gather3A_1683 {strides = array<i32>} : memref<2x16384xf32, #tpu.memory_space<vmem>>, vector<16xf32>,
      %swap3A_1698 = arith.constant 1 : i32
      %swap3A_1699 = arith.index_cast %swap3A_1698 : i32 to index
      %swap3A_1700 = arith.index_cast %add3A_1614 : i32 to index
      %swap3A_1701 = tpu.vector_load %arg6[%swap3A_1699, %swap3A_1700] {strides = array<i32>} : memref<2x16384xf32, #tpu.memory_space<vmem>>, vector<16xf32>,
      tpu.vector_store %arg6[%swap3A_1699, %swap3A_1700], %gather3A_1684 {strides = array<i32>} : memref<2x16384xf32, #tpu.memory_space<vmem>>, vector<16xf32>,
      %swap3A_1702 = arith.constant 1 : i32
      %swap3A_1703 = arith.index_cast %swap3A_1702 : i32 to index
      %swap3A_1704 = arith.index_cast %add3A_1618 : i32 to index
      %swap3A_1705 = tpu.vector_load %arg6[%swap3A_1703, %swap3A_1704] {strides = array<i32>} : memref<2x16384xf32, #tpu.memory_space<vmem>>, vector<16xf32>,
      tpu.vector_store %arg6[%swap3A_1703, %swap3A_1704], %gather3A_1685 {strides = array<i32>} : memref<2x16384xf32, #tpu.memory_space<vmem>>, vector<16xf32>,
      %swap3A_1706 = arith.constant 1 : i32
      %swap3A_1707 = arith.index_cast %swap3A_1706 : i32 to index
      %swap3A_1708 = arith.index_cast %add3A_1622 : i32 to index
      %swap3A_1709 = tpu.vector_load %arg6[%swap3A_1707, %swap3A_1708] {strides = array<i32>} : memref<2x16384xf32, #tpu.memory_space<vmem>>, vector<16xf32>,
      tpu.vector_store %arg6[%swap3A_1707, %swap3A_1708], %gather3A_1686 {strides = array<i32>} : memref<2x16384xf32, #tpu.memory_space<vmem>>, vector<16xf32>,
      %swap3A_1710 = arith.constant 1 : i32
      %swap3A_1711 = arith.index_cast %swap3A_1710 : i32 to index
      %swap3A_1712 = arith.index_cast %add3A_1626 : i32 to index
      %swap3A_1713 = tpu.vector_load %arg6[%swap3A_1711, %swap3A_1712] {strides = array<i32>} : memref<2x16384xf32, #tpu.memory_space<vmem>>, vector<16xf32>,
      tpu.vector_store %arg6[%swap3A_1711, %swap3A_1712], %gather3A_1687 {strides = array<i32>} : memref<2x16384xf32, #tpu.memory_space<vmem>>, vector<16xf32>,
      %swap3A_1714 = arith.constant 1 : i32
      %swap3A_1715 = arith.index_cast %swap3A_1714 : i32 to index
      %swap3A_1716 = arith.index_cast %add3A_1630 : i32 to index
      %swap3A_1717 = tpu.vector_load %arg6[%swap3A_1715, %swap3A_1716] {strides = array<i32>} : memref<2x16384xf32, #tpu.memory_space<vmem>>, vector<16xf32>,
      tpu.vector_store %arg6[%swap3A_1715, %swap3A_1716], %gather3A_1688 {strides = array<i32>} : memref<2x16384xf32, #tpu.memory_space<vmem>>, vector<16xf32>,
      %swap3A_1718 = arith.constant 1 : i32
      %swap3A_1719 = arith.index_cast %swap3A_1718 : i32 to index
      %swap3A_1720 = arith.index_cast %add3A_1634 : i32 to index
      %swap3A_1721 = tpu.vector_load %arg6[%swap3A_1719, %swap3A_1720] {strides = array<i32>} : memref<2x16384xf32, #tpu.memory_space<vmem>>, vector<16xf32>,
      tpu.vector_store %arg6[%swap3A_1719, %swap3A_1720], %gather3A_1689 {strides = array<i32>} : memref<2x16384xf32, #tpu.memory_space<vmem>>, vector<16xf32>,
    }
    %scan3A_1255 = arith.constant 128 : i32
    %add3A_1256 = arith.constant 16384 : i32
    %add3A_1257 = arith.addi %mul3A_32, %add3A_1256 : i32
    %dma_start3A_1258 = arith.constant 1 : i32
    %dma_start3A_1259 = arith.constant 0 : i32
    %dma_start3A_1260 = tpu.memref_slice %arg6[%dma_start3A_1258, %dma_start3A_1259] : memref<2x16384xf32, #tpu.memory_space<vmem>> -> memref<1x16384xf32, #tpu.memory_space<vmem>>
    %dma_start3A_1261 = tpu.memref_squeeze %dma_start3A_1260 : memref<1x16384xf32, #tpu.memory_space<vmem>> -> memref<16384xf32, #tpu.memory_space<vmem>>
    %dma_start3A_1262 = tpu.memref_slice %arg4[%add3A, %add3A_1257] : memref<8x524288xf32, #tpu.memory_space<hbm>> -> memref<1x16384xf32, #tpu.memory_space<hbm>>
    %dma_start3A_1263 = tpu.memref_squeeze %dma_start3A_1262 : memref<1x16384xf32, #tpu.memory_space<hbm>> -> memref<16384xf32, #tpu.memory_space<hbm>>
    %dma_start3A_1264 = tpu.memref_slice %arg4[%add3A, %add3A_1257] : memref<8x524288xf32, #tpu.memory_space<hbm>> -> memref<1x16384xf32, #tpu.memory_space<hbm>>
    %dma_start3A_1265 = tpu.memref_squeeze %dma_start3A_1264 : memref<1x16384xf32, #tpu.memory_space<hbm>> -> memref<16384xf32, #tpu.memory_space<hbm>>
    %dma_start3A_1266 = arith.constant 0 : i32
    %dma_start3A_1267 = tpu.memref_slice %arg6[%dma_start3A_1258, %dma_start3A_1266] : memref<2x16384xf32, #tpu.memory_space<vmem>> -> memref<1x16384xf32, #tpu.memory_space<vmem>>
    %dma_start3A_1268 = tpu.memref_squeeze %dma_start3A_1267 : memref<1x16384xf32, #tpu.memory_space<vmem>> -> memref<16384xf32, #tpu.memory_space<vmem>>
    tpu.enqueue_dma source(%dma_start3A_1268 : memref<16384xf32, #tpu.memory_space<vmem>>) target(%dma_start3A_1265 : memref<16384xf32, #tpu.memory_space<hbm>>) target_semaphore(%arg17 : memref<!tpu.dma_semaphore, #tpu.memory_space<semaphore_mem>>)
    %add3A_1269 = arith.constant 49152 : i32
    %add3A_1270 = arith.addi %mul3A_32, %add3A_1269 : i32
    %dma_start3A_1271 = arith.constant 1 : i32
    %dma_start3A_1272 = arith.constant 0 : i32
    %dma_start3A_1273 = tpu.memref_slice %arg5[%dma_start3A_1271, %dma_start3A_1272] : memref<2x16384xi32, #tpu.memory_space<vmem>> -> memref<1x16384xi32, #tpu.memory_space<vmem>>
    %dma_start3A_1274 = tpu.memref_squeeze %dma_start3A_1273 : memref<1x16384xi32, #tpu.memory_space<vmem>> -> memref<16384xi32, #tpu.memory_space<vmem>>
    %dma_start3A_1275 = tpu.memref_slice %arg2[%add3A, %add3A_1270] : memref<8x524288xi32, #tpu.memory_space<hbm>> -> memref<1x16384xi32, #tpu.memory_space<hbm>>
    %dma_start3A_1276 = tpu.memref_squeeze %dma_start3A_1275 : memref<1x16384xi32, #tpu.memory_space<hbm>> -> memref<16384xi32, #tpu.memory_space<hbm>>
    %dma_start3A_1277 = arith.constant 0 : i32
    %dma_start3A_1278 = tpu.memref_slice %arg5[%dma_start3A_1271, %dma_start3A_1277] : memref<2x16384xi32, #tpu.memory_space<vmem>> -> memref<1x16384xi32, #tpu.memory_space<vmem>>
    %dma_start3A_1279 = tpu.memref_squeeze %dma_start3A_1278 : memref<1x16384xi32, #tpu.memory_space<vmem>> -> memref<16384xi32, #tpu.memory_space<vmem>>
    %dma_start3A_1280 = tpu.memref_slice %arg2[%add3A, %add3A_1270] : memref<8x524288xi32, #tpu.memory_space<hbm>> -> memref<1x16384xi32, #tpu.memory_space<hbm>>
    %dma_start3A_1281 = tpu.memref_squeeze %dma_start3A_1280 : memref<1x16384xi32, #tpu.memory_space<hbm>> -> memref<16384xi32, #tpu.memory_space<hbm>>
    tpu.enqueue_dma source(%dma_start3A_1281 : memref<16384xi32, #tpu.memory_space<hbm>>) target(%dma_start3A_1279 : memref<16384xi32, #tpu.memory_space<vmem>>) target_semaphore(%arg15 : memref<!tpu.dma_semaphore, #tpu.memory_space<semaphore_mem>>)
    %dma_wait3A_1282 = arith.constant 0 : i32
    %dma_wait3A_1283 = arith.constant 0 : i32
    %dma_wait3A_1284 = tpu.memref_slice %arg5[%dma_wait3A_1282, %dma_wait3A_1283] : memref<2x16384xi32, #tpu.memory_space<vmem>> -> memref<1x16384xi32, #tpu.memory_space<vmem>>
    %dma_wait3A_1285 = tpu.memref_squeeze %dma_wait3A_1284 : memref<1x16384xi32, #tpu.memory_space<vmem>> -> memref<16384xi32, #tpu.memory_space<vmem>>
    %dma_wait3A_1286 = tpu.memref_slice %arg2[%add3A, %add3A_1227] : memref<8x524288xi32, #tpu.memory_space<hbm>> -> memref<1x16384xi32, #tpu.memory_space<hbm>>
    %dma_wait3A_1287 = tpu.memref_squeeze %dma_wait3A_1286 : memref<1x16384xi32, #tpu.memory_space<hbm>> -> memref<16384xi32, #tpu.memory_space<hbm>>
    %dma_wait3A_1288 = arith.constant 0 : i32
    %dma_wait3A_1289 = tpu.memref_slice %arg5[%dma_wait3A_1282, %dma_wait3A_1288] : memref<2x16384xi32, #tpu.memory_space<vmem>> -> memref<1x16384xi32, #tpu.memory_space<vmem>>
    %dma_wait3A_1290 = tpu.memref_squeeze %dma_wait3A_1289 : memref<1x16384xi32, #tpu.memory_space<vmem>> -> memref<16384xi32, #tpu.memory_space<vmem>>
    %dma_wait3A_1291 = tpu.memref_slice %arg2[%add3A, %add3A_1227] : memref<8x524288xi32, #tpu.memory_space<hbm>> -> memref<1x16384xi32, #tpu.memory_space<hbm>>
    %dma_wait3A_1292 = tpu.memref_squeeze %dma_wait3A_1291 : memref<1x16384xi32, #tpu.memory_space<hbm>> -> memref<16384xi32, #tpu.memory_space<hbm>>
    tpu.wait_dma2 semaphore(%arg14 : memref<!tpu.dma_semaphore, #tpu.memory_space<semaphore_mem>>) src(%dma_wait3A_1292 : memref<16384xi32, #tpu.memory_space<hbm>>) dst(%dma_wait3A_1290 : memref<16384xi32, #tpu.memory_space<vmem>>)
    %dma_wait3A_1293 = arith.constant 0 : i32
    %dma_wait3A_1294 = arith.constant 0 : i32
    %dma_wait3A_1295 = tpu.memref_slice %arg6[%dma_wait3A_1293, %dma_wait3A_1294] : memref<2x16384xf32, #tpu.memory_space<vmem>> -> memref<1x16384xf32, #tpu.memory_space<vmem>>
    %dma_wait3A_1296 = tpu.memref_squeeze %dma_wait3A_1295 : memref<1x16384xf32, #tpu.memory_space<vmem>> -> memref<16384xf32, #tpu.memory_space<vmem>>
    %dma_wait3A_1297 = tpu.memref_slice %arg4[%add3A, %add3A_1214] : memref<8x524288xf32, #tpu.memory_space<hbm>> -> memref<1x16384xf32, #tpu.memory_space<hbm>>
    %dma_wait3A_1298 = tpu.memref_squeeze %dma_wait3A_1297 : memref<1x16384xf32, #tpu.memory_space<hbm>> -> memref<16384xf32, #tpu.memory_space<hbm>>
    %dma_wait3A_1299 = tpu.memref_slice %arg4[%add3A, %add3A_1214] : memref<8x524288xf32, #tpu.memory_space<hbm>> -> memref<1x16384xf32, #tpu.memory_space<hbm>>
    %dma_wait3A_1300 = tpu.memref_squeeze %dma_wait3A_1299 : memref<1x16384xf32, #tpu.memory_space<hbm>> -> memref<16384xf32, #tpu.memory_space<hbm>>
    %dma_wait3A_1301 = arith.constant 0 : i32
    %dma_wait3A_1302 = tpu.memref_slice %arg6[%dma_wait3A_1293, %dma_wait3A_1301] : memref<2x16384xf32, #tpu.memory_space<vmem>> -> memref<1x16384xf32, #tpu.memory_space<vmem>>
    %dma_wait3A_1303 = tpu.memref_squeeze %dma_wait3A_1302 : memref<1x16384xf32, #tpu.memory_space<vmem>> -> memref<16384xf32, #tpu.memory_space<vmem>>
    tpu.wait_dma2 semaphore(%arg16 : memref<!tpu.dma_semaphore, #tpu.memory_space<semaphore_mem>>) src(%dma_wait3A_1303 : memref<16384xf32, #tpu.memory_space<vmem>>) dst(%dma_wait3A_1300 : memref<16384xf32, #tpu.memory_space<hbm>>)
    %scan3A_1304 = arith.constant 0 : i32
    %scan3A_1305 = arith.constant 0 : i32
    %scan3A_1306 = arith.constant 128 : i32
    %scan3A_1307 = arith.addi %scan3A_1305, %scan3A_1306 : i32
    %scan3A_1308 = arith.constant 1 : i32
    scf.for %scan3A_1602 = %scan3A_1305 to %scan3A_1307 step %scan3A_1308  : i32 {
      %mul3A_1603 = arith.constant 128 : i32
      %mul3A_1604 = arith.muli %scan3A_1602, %mul3A_1603 : i32
      %add3A_1605 = arith.constant 0 : i32
      %add3A_1606 = arith.addi %mul3A_1604, %add3A_1605 : i32
      %mul3A_1607 = arith.constant 128 : i32
      %mul3A_1608 = arith.muli %scan3A_1602, %mul3A_1607 : i32
      %add3A_1609 = arith.constant 16 : i32
      %add3A_1610 = arith.addi %mul3A_1608, %add3A_1609 : i32
      %mul3A_1611 = arith.constant 128 : i32
      %mul3A_1612 = arith.muli %scan3A_1602, %mul3A_1611 : i32
      %add3A_1613 = arith.constant 32 : i32
      %add3A_1614 = arith.addi %mul3A_1612, %add3A_1613 : i32
      %mul3A_1615 = arith.constant 128 : i32
      %mul3A_1616 = arith.muli %scan3A_1602, %mul3A_1615 : i32
      %add3A_1617 = arith.constant 48 : i32
      %add3A_1618 = arith.addi %mul3A_1616, %add3A_1617 : i32
      %mul3A_1619 = arith.constant 128 : i32
      %mul3A_1620 = arith.muli %scan3A_1602, %mul3A_1619 : i32
      %add3A_1621 = arith.constant 64 : i32
      %add3A_1622 = arith.addi %mul3A_1620, %add3A_1621 : i32
      %mul3A_1623 = arith.constant 128 : i32
      %mul3A_1624 = arith.muli %scan3A_1602, %mul3A_1623 : i32
      %add3A_1625 = arith.constant 80 : i32
      %add3A_1626 = arith.addi %mul3A_1624, %add3A_1625 : i32
      %mul3A_1627 = arith.constant 128 : i32
      %mul3A_1628 = arith.muli %scan3A_1602, %mul3A_1627 : i32
      %add3A_1629 = arith.constant 96 : i32
      %add3A_1630 = arith.addi %mul3A_1628, %add3A_1629 : i32
      %mul3A_1631 = arith.constant 128 : i32
      %mul3A_1632 = arith.muli %scan3A_1602, %mul3A_1631 : i32
      %add3A_1633 = arith.constant 112 : i32
      %add3A_1634 = arith.addi %mul3A_1632, %add3A_1633 : i32
      %get3A_1635 = arith.constant 0 : i32
      %get3A_1636 = arith.index_cast %get3A_1635 : i32 to index
      %get3A_1637 = arith.index_cast %add3A_1606 : i32 to index
      %get3A_1638 = tpu.vector_load %arg5[%get3A_1636, %get3A_1637] {strides = array<i32>} : memref<2x16384xi32, #tpu.memory_space<vmem>>, vector<16xi32>,
      %sub3A_1639 = vector.broadcast %mul3A_1171 : i32 to vector<16xi32>
      %sub3A_1640 = arith.subi %get3A_1638, %sub3A_1639 : vector<16xi32>
      %get3A_1641 = arith.constant 0 : i32
      %get3A_1642 = arith.index_cast %get3A_1641 : i32 to index
      %get3A_1643 = arith.index_cast %add3A_1610 : i32 to index
      %get3A_1644 = tpu.vector_load %arg5[%get3A_1642, %get3A_1643] {strides = array<i32>} : memref<2x16384xi32, #tpu.memory_space<vmem>>, vector<16xi32>,
      %sub3A_1645 = vector.broadcast %mul3A_1171 : i32 to vector<16xi32>
      %sub3A_1646 = arith.subi %get3A_1644, %sub3A_1645 : vector<16xi32>
      %get3A_1647 = arith.constant 0 : i32
      %get3A_1648 = arith.index_cast %get3A_1647 : i32 to index
      %get3A_1649 = arith.index_cast %add3A_1614 : i32 to index
      %get3A_1650 = tpu.vector_load %arg5[%get3A_1648, %get3A_1649] {strides = array<i32>} : memref<2x16384xi32, #tpu.memory_space<vmem>>, vector<16xi32>,
      %sub3A_1651 = vector.broadcast %mul3A_1171 : i32 to vector<16xi32>
      %sub3A_1652 = arith.subi %get3A_1650, %sub3A_1651 : vector<16xi32>
      %get3A_1653 = arith.constant 0 : i32
      %get3A_1654 = arith.index_cast %get3A_1653 : i32 to index
      %get3A_1655 = arith.index_cast %add3A_1618 : i32 to index
      %get3A_1656 = tpu.vector_load %arg5[%get3A_1654, %get3A_1655] {strides = array<i32>} : memref<2x16384xi32, #tpu.memory_space<vmem>>, vector<16xi32>,
      %sub3A_1657 = vector.broadcast %mul3A_1171 : i32 to vector<16xi32>
      %sub3A_1658 = arith.subi %get3A_1656, %sub3A_1657 : vector<16xi32>
      %get3A_1659 = arith.constant 0 : i32
      %get3A_1660 = arith.index_cast %get3A_1659 : i32 to index
      %get3A_1661 = arith.index_cast %add3A_1622 : i32 to index
      %get3A_1662 = tpu.vector_load %arg5[%get3A_1660, %get3A_1661] {strides = array<i32>} : memref<2x16384xi32, #tpu.memory_space<vmem>>, vector<16xi32>,
      %sub3A_1663 = vector.broadcast %mul3A_1171 : i32 to vector<16xi32>
      %sub3A_1664 = arith.subi %get3A_1662, %sub3A_1663 : vector<16xi32>
      %get3A_1665 = arith.constant 0 : i32
      %get3A_1666 = arith.index_cast %get3A_1665 : i32 to index
      %get3A_1667 = arith.index_cast %add3A_1626 : i32 to index
      %get3A_1668 = tpu.vector_load %arg5[%get3A_1666, %get3A_1667] {strides = array<i32>} : memref<2x16384xi32, #tpu.memory_space<vmem>>, vector<16xi32>,
      %sub3A_1669 = vector.broadcast %mul3A_1171 : i32 to vector<16xi32>
      %sub3A_1670 = arith.subi %get3A_1668, %sub3A_1669 : vector<16xi32>
      %get3A_1671 = arith.constant 0 : i32
      %get3A_1672 = arith.index_cast %get3A_1671 : i32 to index
      %get3A_1673 = arith.index_cast %add3A_1630 : i32 to index
      %get3A_1674 = tpu.vector_load %arg5[%get3A_1672, %get3A_1673] {strides = array<i32>} : memref<2x16384xi32, #tpu.memory_space<vmem>>, vector<16xi32>,
      %sub3A_1675 = vector.broadcast %mul3A_1171 : i32 to vector<16xi32>
      %sub3A_1676 = arith.subi %get3A_1674, %sub3A_1675 : vector<16xi32>
      %get3A_1677 = arith.constant 0 : i32
      %get3A_1678 = arith.index_cast %get3A_1677 : i32 to index
      %get3A_1679 = arith.index_cast %add3A_1634 : i32 to index
      %get3A_1680 = tpu.vector_load %arg5[%get3A_1678, %get3A_1679] {strides = array<i32>} : memref<2x16384xi32, #tpu.memory_space<vmem>>, vector<16xi32>,
      %sub3A_1681 = vector.broadcast %mul3A_1171 : i32 to vector<16xi32>
      %sub3A_1682 = arith.subi %get3A_1680, %sub3A_1681 : vector<16xi32>
      %gather3A = tpu.vector_load_idx %arg11[%sub3A_1640] : memref<4096xf32, #tpu.memory_space<vmem>>[vector<16xi32>], vector<16xf32>,
      %gather3A_1683 = tpu.vector_load_idx %arg11[%sub3A_1646] : memref<4096xf32, #tpu.memory_space<vmem>>[vector<16xi32>], vector<16xf32>,
      %gather3A_1684 = tpu.vector_load_idx %arg11[%sub3A_1652] : memref<4096xf32, #tpu.memory_space<vmem>>[vector<16xi32>], vector<16xf32>,
      %gather3A_1685 = tpu.vector_load_idx %arg11[%sub3A_1658] : memref<4096xf32, #tpu.memory_space<vmem>>[vector<16xi32>], vector<16xf32>,
      %gather3A_1686 = tpu.vector_load_idx %arg11[%sub3A_1664] : memref<4096xf32, #tpu.memory_space<vmem>>[vector<16xi32>], vector<16xf32>,
      %gather3A_1687 = tpu.vector_load_idx %arg11[%sub3A_1670] : memref<4096xf32, #tpu.memory_space<vmem>>[vector<16xi32>], vector<16xf32>,
      %gather3A_1688 = tpu.vector_load_idx %arg11[%sub3A_1676] : memref<4096xf32, #tpu.memory_space<vmem>>[vector<16xi32>], vector<16xf32>,
      %gather3A_1689 = tpu.vector_load_idx %arg11[%sub3A_1682] : memref<4096xf32, #tpu.memory_space<vmem>>[vector<16xi32>], vector<16xf32>,
      %swap3A_1690 = arith.constant 0 : i32
      %swap3A_1691 = arith.index_cast %swap3A_1690 : i32 to index
      %swap3A_1692 = arith.index_cast %add3A_1606 : i32 to index
      %swap3A_1693 = tpu.vector_load %arg6[%swap3A_1691, %swap3A_1692] {strides = array<i32>} : memref<2x16384xf32, #tpu.memory_space<vmem>>, vector<16xf32>,
      tpu.vector_store %arg6[%swap3A_1691, %swap3A_1692], %gather3A {strides = array<i32>} : memref<2x16384xf32, #tpu.memory_space<vmem>>, vector<16xf32>,
      %swap3A_1694 = arith.constant 0 : i32
      %swap3A_1695 = arith.index_cast %swap3A_1694 : i32 to index
      %swap3A_1696 = arith.index_cast %add3A_1610 : i32 to index
      %swap3A_1697 = tpu.vector_load %arg6[%swap3A_1695, %swap3A_1696] {strides = array<i32>} : memref<2x16384xf32, #tpu.memory_space<vmem>>, vector<16xf32>,
      tpu.vector_store %arg6[%swap3A_1695, %swap3A_1696], %gather3A_1683 {strides = array<i32>} : memref<2x16384xf32, #tpu.memory_space<vmem>>, vector<16xf32>,
      %swap3A_1698 = arith.constant 0 : i32
      %swap3A_1699 = arith.index_cast %swap3A_1698 : i32 to index
      %swap3A_1700 = arith.index_cast %add3A_1614 : i32 to index
      %swap3A_1701 = tpu.vector_load %arg6[%swap3A_1699, %swap3A_1700] {strides = array<i32>} : memref<2x16384xf32, #tpu.memory_space<vmem>>, vector<16xf32>,
      tpu.vector_store %arg6[%swap3A_1699, %swap3A_1700], %gather3A_1684 {strides = array<i32>} : memref<2x16384xf32, #tpu.memory_space<vmem>>, vector<16xf32>,
      %swap3A_1702 = arith.constant 0 : i32
      %swap3A_1703 = arith.index_cast %swap3A_1702 : i32 to index
      %swap3A_1704 = arith.index_cast %add3A_1618 : i32 to index
      %swap3A_1705 = tpu.vector_load %arg6[%swap3A_1703, %swap3A_1704] {strides = array<i32>} : memref<2x16384xf32, #tpu.memory_space<vmem>>, vector<16xf32>,
      tpu.vector_store %arg6[%swap3A_1703, %swap3A_1704], %gather3A_1685 {strides = array<i32>} : memref<2x16384xf32, #tpu.memory_space<vmem>>, vector<16xf32>,
      %swap3A_1706 = arith.constant 0 : i32
      %swap3A_1707 = arith.index_cast %swap3A_1706 : i32 to index
      %swap3A_1708 = arith.index_cast %add3A_1622 : i32 to index
      %swap3A_1709 = tpu.vector_load %arg6[%swap3A_1707, %swap3A_1708] {strides = array<i32>} : memref<2x16384xf32, #tpu.memory_space<vmem>>, vector<16xf32>,
      tpu.vector_store %arg6[%swap3A_1707, %swap3A_1708], %gather3A_1686 {strides = array<i32>} : memref<2x16384xf32, #tpu.memory_space<vmem>>, vector<16xf32>,
      %swap3A_1710 = arith.constant 0 : i32
      %swap3A_1711 = arith.index_cast %swap3A_1710 : i32 to index
      %swap3A_1712 = arith.index_cast %add3A_1626 : i32 to index
      %swap3A_1713 = tpu.vector_load %arg6[%swap3A_1711, %swap3A_1712] {strides = array<i32>} : memref<2x16384xf32, #tpu.memory_space<vmem>>, vector<16xf32>,
      tpu.vector_store %arg6[%swap3A_1711, %swap3A_1712], %gather3A_1687 {strides = array<i32>} : memref<2x16384xf32, #tpu.memory_space<vmem>>, vector<16xf32>,
      %swap3A_1714 = arith.constant 0 : i32
      %swap3A_1715 = arith.index_cast %swap3A_1714 : i32 to index
      %swap3A_1716 = arith.index_cast %add3A_1630 : i32 to index
      %swap3A_1717 = tpu.vector_load %arg6[%swap3A_1715, %swap3A_1716] {strides = array<i32>} : memref<2x16384xf32, #tpu.memory_space<vmem>>, vector<16xf32>,
      tpu.vector_store %arg6[%swap3A_1715, %swap3A_1716], %gather3A_1688 {strides = array<i32>} : memref<2x16384xf32, #tpu.memory_space<vmem>>, vector<16xf32>,
      %swap3A_1718 = arith.constant 0 : i32
      %swap3A_1719 = arith.index_cast %swap3A_1718 : i32 to index
      %swap3A_1720 = arith.index_cast %add3A_1634 : i32 to index
      %swap3A_1721 = tpu.vector_load %arg6[%swap3A_1719, %swap3A_1720] {strides = array<i32>} : memref<2x16384xf32, #tpu.memory_space<vmem>>, vector<16xf32>,
      tpu.vector_store %arg6[%swap3A_1719, %swap3A_1720], %gather3A_1689 {strides = array<i32>} : memref<2x16384xf32, #tpu.memory_space<vmem>>, vector<16xf32>,
    }
    %scan3A_1309 = arith.constant 128 : i32
    %add3A_1310 = arith.constant 32768 : i32
    %add3A_1311 = arith.addi %mul3A_32, %add3A_1310 : i32
    %dma_start3A_1312 = arith.constant 0 : i32
    %dma_start3A_1313 = arith.constant 0 : i32
    %dma_start3A_1314 = tpu.memref_slice %arg6[%dma_start3A_1312, %dma_start3A_1313] : memref<2x16384xf32, #tpu.memory_space<vmem>> -> memref<1x16384xf32, #tpu.memory_space<vmem>>
    %dma_start3A_1315 = tpu.memref_squeeze %dma_start3A_1314 : memref<1x16384xf32, #tpu.memory_space<vmem>> -> memref<16384xf32, #tpu.memory_space<vmem>>
    %dma_start3A_1316 = tpu.memref_slice %arg4[%add3A, %add3A_1311] : memref<8x524288xf32, #tpu.memory_space<hbm>> -> memref<1x16384xf32, #tpu.memory_space<hbm>>
    %dma_start3A_1317 = tpu.memref_squeeze %dma_start3A_1316 : memref<1x16384xf32, #tpu.memory_space<hbm>> -> memref<16384xf32, #tpu.memory_space<hbm>>
    %dma_start3A_1318 = tpu.memref_slice %arg4[%add3A, %add3A_1311] : memref<8x524288xf32, #tpu.memory_space<hbm>> -> memref<1x16384xf32, #tpu.memory_space<hbm>>
    %dma_start3A_1319 = tpu.memref_squeeze %dma_start3A_1318 : memref<1x16384xf32, #tpu.memory_space<hbm>> -> memref<16384xf32, #tpu.memory_space<hbm>>
    %dma_start3A_1320 = arith.constant 0 : i32
    %dma_start3A_1321 = tpu.memref_slice %arg6[%dma_start3A_1312, %dma_start3A_1320] : memref<2x16384xf32, #tpu.memory_space<vmem>> -> memref<1x16384xf32, #tpu.memory_space<vmem>>
    %dma_start3A_1322 = tpu.memref_squeeze %dma_start3A_1321 : memref<1x16384xf32, #tpu.memory_space<vmem>> -> memref<16384xf32, #tpu.memory_space<vmem>>
    tpu.enqueue_dma source(%dma_start3A_1322 : memref<16384xf32, #tpu.memory_space<vmem>>) target(%dma_start3A_1319 : memref<16384xf32, #tpu.memory_space<hbm>>) target_semaphore(%arg16 : memref<!tpu.dma_semaphore, #tpu.memory_space<semaphore_mem>>)
    %add3A_1323 = arith.constant 65536 : i32
    %add3A_1324 = arith.addi %mul3A_32, %add3A_1323 : i32
    %dma_start3A_1325 = arith.constant 0 : i32
    %dma_start3A_1326 = arith.constant 0 : i32
    %dma_start3A_1327 = tpu.memref_slice %arg5[%dma_start3A_1325, %dma_start3A_1326] : memref<2x16384xi32, #tpu.memory_space<vmem>> -> memref<1x16384xi32, #tpu.memory_space<vmem>>
    %dma_start3A_1328 = tpu.memref_squeeze %dma_start3A_1327 : memref<1x16384xi32, #tpu.memory_space<vmem>> -> memref<16384xi32, #tpu.memory_space<vmem>>
    %dma_start3A_1329 = tpu.memref_slice %arg2[%add3A, %add3A_1324] : memref<8x524288xi32, #tpu.memory_space<hbm>> -> memref<1x16384xi32, #tpu.memory_space<hbm>>
    %dma_start3A_1330 = tpu.memref_squeeze %dma_start3A_1329 : memref<1x16384xi32, #tpu.memory_space<hbm>> -> memref<16384xi32, #tpu.memory_space<hbm>>
    %dma_start3A_1331 = arith.constant 0 : i32
    %dma_start3A_1332 = tpu.memref_slice %arg5[%dma_start3A_1325, %dma_start3A_1331] : memref<2x16384xi32, #tpu.memory_space<vmem>> -> memref<1x16384xi32, #tpu.memory_space<vmem>>
    %dma_start3A_1333 = tpu.memref_squeeze %dma_start3A_1332 : memref<1x16384xi32, #tpu.memory_space<vmem>> -> memref<16384xi32, #tpu.memory_space<vmem>>
    %dma_start3A_1334 = tpu.memref_slice %arg2[%add3A, %add3A_1324] : memref<8x524288xi32, #tpu.memory_space<hbm>> -> memref<1x16384xi32, #tpu.memory_space<hbm>>
    %dma_start3A_1335 = tpu.memref_squeeze %dma_start3A_1334 : memref<1x16384xi32, #tpu.memory_space<hbm>> -> memref<16384xi32, #tpu.memory_space<hbm>>
    tpu.enqueue_dma source(%dma_start3A_1335 : memref<16384xi32, #tpu.memory_space<hbm>>) target(%dma_start3A_1333 : memref<16384xi32, #tpu.memory_space<vmem>>) target_semaphore(%arg14 : memref<!tpu.dma_semaphore, #tpu.memory_space<semaphore_mem>>)
    %dma_wait3A_1336 = arith.constant 1 : i32
    %dma_wait3A_1337 = arith.constant 0 : i32
    %dma_wait3A_1338 = tpu.memref_slice %arg5[%dma_wait3A_1336, %dma_wait3A_1337] : memref<2x16384xi32, #tpu.memory_space<vmem>> -> memref<1x16384xi32, #tpu.memory_space<vmem>>
    %dma_wait3A_1339 = tpu.memref_squeeze %dma_wait3A_1338 : memref<1x16384xi32, #tpu.memory_space<vmem>> -> memref<16384xi32, #tpu.memory_space<vmem>>
    %dma_wait3A_1340 = tpu.memref_slice %arg2[%add3A, %add3A_1270] : memref<8x524288xi32, #tpu.memory_space<hbm>> -> memref<1x16384xi32, #tpu.memory_space<hbm>>
    %dma_wait3A_1341 = tpu.memref_squeeze %dma_wait3A_1340 : memref<1x16384xi32, #tpu.memory_space<hbm>> -> memref<16384xi32, #tpu.memory_space<hbm>>
    %dma_wait3A_1342 = arith.constant 0 : i32
    %dma_wait3A_1343 = tpu.memref_slice %arg5[%dma_wait3A_1336, %dma_wait3A_1342] : memref<2x16384xi32, #tpu.memory_space<vmem>> -> memref<1x16384xi32, #tpu.memory_space<vmem>>
    %dma_wait3A_1344 = tpu.memref_squeeze %dma_wait3A_1343 : memref<1x16384xi32, #tpu.memory_space<vmem>> -> memref<16384xi32, #tpu.memory_space<vmem>>
    %dma_wait3A_1345 = tpu.memref_slice %arg2[%add3A, %add3A_1270] : memref<8x524288xi32, #tpu.memory_space<hbm>> -> memref<1x16384xi32, #tpu.memory_space<hbm>>
    %dma_wait3A_1346 = tpu.memref_squeeze %dma_wait3A_1345 : memref<1x16384xi32, #tpu.memory_space<hbm>> -> memref<16384xi32, #tpu.memory_space<hbm>>
    tpu.wait_dma2 semaphore(%arg15 : memref<!tpu.dma_semaphore, #tpu.memory_space<semaphore_mem>>) src(%dma_wait3A_1346 : memref<16384xi32, #tpu.memory_space<hbm>>) dst(%dma_wait3A_1344 : memref<16384xi32, #tpu.memory_space<vmem>>)
    %dma_wait3A_1347 = arith.constant 1 : i32
    %dma_wait3A_1348 = arith.constant 0 : i32
    %dma_wait3A_1349 = tpu.memref_slice %arg6[%dma_wait3A_1347, %dma_wait3A_1348] : memref<2x16384xf32, #tpu.memory_space<vmem>> -> memref<1x16384xf32, #tpu.memory_space<vmem>>
    %dma_wait3A_1350 = tpu.memref_squeeze %dma_wait3A_1349 : memref<1x16384xf32, #tpu.memory_space<vmem>> -> memref<16384xf32, #tpu.memory_space<vmem>>
    %dma_wait3A_1351 = tpu.memref_slice %arg4[%add3A, %add3A_1257] : memref<8x524288xf32, #tpu.memory_space<hbm>> -> memref<1x16384xf32, #tpu.memory_space<hbm>>
    %dma_wait3A_1352 = tpu.memref_squeeze %dma_wait3A_1351 : memref<1x16384xf32, #tpu.memory_space<hbm>> -> memref<16384xf32, #tpu.memory_space<hbm>>
    %dma_wait3A_1353 = tpu.memref_slice %arg4[%add3A, %add3A_1257] : memref<8x524288xf32, #tpu.memory_space<hbm>> -> memref<1x16384xf32, #tpu.memory_space<hbm>>
    %dma_wait3A_1354 = tpu.memref_squeeze %dma_wait3A_1353 : memref<1x16384xf32, #tpu.memory_space<hbm>> -> memref<16384xf32, #tpu.memory_space<hbm>>
    %dma_wait3A_1355 = arith.constant 0 : i32
    %dma_wait3A_1356 = tpu.memref_slice %arg6[%dma_wait3A_1347, %dma_wait3A_1355] : memref<2x16384xf32, #tpu.memory_space<vmem>> -> memref<1x16384xf32, #tpu.memory_space<vmem>>
    %dma_wait3A_1357 = tpu.memref_squeeze %dma_wait3A_1356 : memref<1x16384xf32, #tpu.memory_space<vmem>> -> memref<16384xf32, #tpu.memory_space<vmem>>
    tpu.wait_dma2 semaphore(%arg17 : memref<!tpu.dma_semaphore, #tpu.memory_space<semaphore_mem>>) src(%dma_wait3A_1357 : memref<16384xf32, #tpu.memory_space<vmem>>) dst(%dma_wait3A_1354 : memref<16384xf32, #tpu.memory_space<hbm>>)
    %scan3A_1358 = arith.constant 0 : i32
    %scan3A_1359 = arith.constant 0 : i32
    %scan3A_1360 = arith.constant 128 : i32
    %scan3A_1361 = arith.addi %scan3A_1359, %scan3A_1360 : i32
    %scan3A_1362 = arith.constant 1 : i32
    scf.for %scan3A_1602 = %scan3A_1359 to %scan3A_1361 step %scan3A_1362  : i32 {
      %mul3A_1603 = arith.constant 128 : i32
      %mul3A_1604 = arith.muli %scan3A_1602, %mul3A_1603 : i32
      %add3A_1605 = arith.constant 0 : i32
      %add3A_1606 = arith.addi %mul3A_1604, %add3A_1605 : i32
      %mul3A_1607 = arith.constant 128 : i32
      %mul3A_1608 = arith.muli %scan3A_1602, %mul3A_1607 : i32
      %add3A_1609 = arith.constant 16 : i32
      %add3A_1610 = arith.addi %mul3A_1608, %add3A_1609 : i32
      %mul3A_1611 = arith.constant 128 : i32
      %mul3A_1612 = arith.muli %scan3A_1602, %mul3A_1611 : i32
      %add3A_1613 = arith.constant 32 : i32
      %add3A_1614 = arith.addi %mul3A_1612, %add3A_1613 : i32
      %mul3A_1615 = arith.constant 128 : i32
      %mul3A_1616 = arith.muli %scan3A_1602, %mul3A_1615 : i32
      %add3A_1617 = arith.constant 48 : i32
      %add3A_1618 = arith.addi %mul3A_1616, %add3A_1617 : i32
      %mul3A_1619 = arith.constant 128 : i32
      %mul3A_1620 = arith.muli %scan3A_1602, %mul3A_1619 : i32
      %add3A_1621 = arith.constant 64 : i32
      %add3A_1622 = arith.addi %mul3A_1620, %add3A_1621 : i32
      %mul3A_1623 = arith.constant 128 : i32
      %mul3A_1624 = arith.muli %scan3A_1602, %mul3A_1623 : i32
      %add3A_1625 = arith.constant 80 : i32
      %add3A_1626 = arith.addi %mul3A_1624, %add3A_1625 : i32
      %mul3A_1627 = arith.constant 128 : i32
      %mul3A_1628 = arith.muli %scan3A_1602, %mul3A_1627 : i32
      %add3A_1629 = arith.constant 96 : i32
      %add3A_1630 = arith.addi %mul3A_1628, %add3A_1629 : i32
      %mul3A_1631 = arith.constant 128 : i32
      %mul3A_1632 = arith.muli %scan3A_1602, %mul3A_1631 : i32
      %add3A_1633 = arith.constant 112 : i32
      %add3A_1634 = arith.addi %mul3A_1632, %add3A_1633 : i32
      %get3A_1635 = arith.constant 1 : i32
      %get3A_1636 = arith.index_cast %get3A_1635 : i32 to index
      %get3A_1637 = arith.index_cast %add3A_1606 : i32 to index
      %get3A_1638 = tpu.vector_load %arg5[%get3A_1636, %get3A_1637] {strides = array<i32>} : memref<2x16384xi32, #tpu.memory_space<vmem>>, vector<16xi32>,
      %sub3A_1639 = vector.broadcast %mul3A_1171 : i32 to vector<16xi32>
      %sub3A_1640 = arith.subi %get3A_1638, %sub3A_1639 : vector<16xi32>
      %get3A_1641 = arith.constant 1 : i32
      %get3A_1642 = arith.index_cast %get3A_1641 : i32 to index
      %get3A_1643 = arith.index_cast %add3A_1610 : i32 to index
      %get3A_1644 = tpu.vector_load %arg5[%get3A_1642, %get3A_1643] {strides = array<i32>} : memref<2x16384xi32, #tpu.memory_space<vmem>>, vector<16xi32>,
      %sub3A_1645 = vector.broadcast %mul3A_1171 : i32 to vector<16xi32>
      %sub3A_1646 = arith.subi %get3A_1644, %sub3A_1645 : vector<16xi32>
      %get3A_1647 = arith.constant 1 : i32
      %get3A_1648 = arith.index_cast %get3A_1647 : i32 to index
      %get3A_1649 = arith.index_cast %add3A_1614 : i32 to index
      %get3A_1650 = tpu.vector_load %arg5[%get3A_1648, %get3A_1649] {strides = array<i32>} : memref<2x16384xi32, #tpu.memory_space<vmem>>, vector<16xi32>,
      %sub3A_1651 = vector.broadcast %mul3A_1171 : i32 to vector<16xi32>
      %sub3A_1652 = arith.subi %get3A_1650, %sub3A_1651 : vector<16xi32>
      %get3A_1653 = arith.constant 1 : i32
      %get3A_1654 = arith.index_cast %get3A_1653 : i32 to index
      %get3A_1655 = arith.index_cast %add3A_1618 : i32 to index
      %get3A_1656 = tpu.vector_load %arg5[%get3A_1654, %get3A_1655] {strides = array<i32>} : memref<2x16384xi32, #tpu.memory_space<vmem>>, vector<16xi32>,
      %sub3A_1657 = vector.broadcast %mul3A_1171 : i32 to vector<16xi32>
      %sub3A_1658 = arith.subi %get3A_1656, %sub3A_1657 : vector<16xi32>
      %get3A_1659 = arith.constant 1 : i32
      %get3A_1660 = arith.index_cast %get3A_1659 : i32 to index
      %get3A_1661 = arith.index_cast %add3A_1622 : i32 to index
      %get3A_1662 = tpu.vector_load %arg5[%get3A_1660, %get3A_1661] {strides = array<i32>} : memref<2x16384xi32, #tpu.memory_space<vmem>>, vector<16xi32>,
      %sub3A_1663 = vector.broadcast %mul3A_1171 : i32 to vector<16xi32>
      %sub3A_1664 = arith.subi %get3A_1662, %sub3A_1663 : vector<16xi32>
      %get3A_1665 = arith.constant 1 : i32
      %get3A_1666 = arith.index_cast %get3A_1665 : i32 to index
      %get3A_1667 = arith.index_cast %add3A_1626 : i32 to index
      %get3A_1668 = tpu.vector_load %arg5[%get3A_1666, %get3A_1667] {strides = array<i32>} : memref<2x16384xi32, #tpu.memory_space<vmem>>, vector<16xi32>,
      %sub3A_1669 = vector.broadcast %mul3A_1171 : i32 to vector<16xi32>
      %sub3A_1670 = arith.subi %get3A_1668, %sub3A_1669 : vector<16xi32>
      %get3A_1671 = arith.constant 1 : i32
      %get3A_1672 = arith.index_cast %get3A_1671 : i32 to index
      %get3A_1673 = arith.index_cast %add3A_1630 : i32 to index
      %get3A_1674 = tpu.vector_load %arg5[%get3A_1672, %get3A_1673] {strides = array<i32>} : memref<2x16384xi32, #tpu.memory_space<vmem>>, vector<16xi32>,
      %sub3A_1675 = vector.broadcast %mul3A_1171 : i32 to vector<16xi32>
      %sub3A_1676 = arith.subi %get3A_1674, %sub3A_1675 : vector<16xi32>
      %get3A_1677 = arith.constant 1 : i32
      %get3A_1678 = arith.index_cast %get3A_1677 : i32 to index
      %get3A_1679 = arith.index_cast %add3A_1634 : i32 to index
      %get3A_1680 = tpu.vector_load %arg5[%get3A_1678, %get3A_1679] {strides = array<i32>} : memref<2x16384xi32, #tpu.memory_space<vmem>>, vector<16xi32>,
      %sub3A_1681 = vector.broadcast %mul3A_1171 : i32 to vector<16xi32>
      %sub3A_1682 = arith.subi %get3A_1680, %sub3A_1681 : vector<16xi32>
      %gather3A = tpu.vector_load_idx %arg11[%sub3A_1640] : memref<4096xf32, #tpu.memory_space<vmem>>[vector<16xi32>], vector<16xf32>,
      %gather3A_1683 = tpu.vector_load_idx %arg11[%sub3A_1646] : memref<4096xf32, #tpu.memory_space<vmem>>[vector<16xi32>], vector<16xf32>,
      %gather3A_1684 = tpu.vector_load_idx %arg11[%sub3A_1652] : memref<4096xf32, #tpu.memory_space<vmem>>[vector<16xi32>], vector<16xf32>,
      %gather3A_1685 = tpu.vector_load_idx %arg11[%sub3A_1658] : memref<4096xf32, #tpu.memory_space<vmem>>[vector<16xi32>], vector<16xf32>,
      %gather3A_1686 = tpu.vector_load_idx %arg11[%sub3A_1664] : memref<4096xf32, #tpu.memory_space<vmem>>[vector<16xi32>], vector<16xf32>,
      %gather3A_1687 = tpu.vector_load_idx %arg11[%sub3A_1670] : memref<4096xf32, #tpu.memory_space<vmem>>[vector<16xi32>], vector<16xf32>,
      %gather3A_1688 = tpu.vector_load_idx %arg11[%sub3A_1676] : memref<4096xf32, #tpu.memory_space<vmem>>[vector<16xi32>], vector<16xf32>,
      %gather3A_1689 = tpu.vector_load_idx %arg11[%sub3A_1682] : memref<4096xf32, #tpu.memory_space<vmem>>[vector<16xi32>], vector<16xf32>,
      %swap3A_1690 = arith.constant 1 : i32
      %swap3A_1691 = arith.index_cast %swap3A_1690 : i32 to index
      %swap3A_1692 = arith.index_cast %add3A_1606 : i32 to index
      %swap3A_1693 = tpu.vector_load %arg6[%swap3A_1691, %swap3A_1692] {strides = array<i32>} : memref<2x16384xf32, #tpu.memory_space<vmem>>, vector<16xf32>,
      tpu.vector_store %arg6[%swap3A_1691, %swap3A_1692], %gather3A {strides = array<i32>} : memref<2x16384xf32, #tpu.memory_space<vmem>>, vector<16xf32>,
      %swap3A_1694 = arith.constant 1 : i32
      %swap3A_1695 = arith.index_cast %swap3A_1694 : i32 to index
      %swap3A_1696 = arith.index_cast %add3A_1610 : i32 to index
      %swap3A_1697 = tpu.vector_load %arg6[%swap3A_1695, %swap3A_1696] {strides = array<i32>} : memref<2x16384xf32, #tpu.memory_space<vmem>>, vector<16xf32>,
      tpu.vector_store %arg6[%swap3A_1695, %swap3A_1696], %gather3A_1683 {strides = array<i32>} : memref<2x16384xf32, #tpu.memory_space<vmem>>, vector<16xf32>,
      %swap3A_1698 = arith.constant 1 : i32
      %swap3A_1699 = arith.index_cast %swap3A_1698 : i32 to index
      %swap3A_1700 = arith.index_cast %add3A_1614 : i32 to index
      %swap3A_1701 = tpu.vector_load %arg6[%swap3A_1699, %swap3A_1700] {strides = array<i32>} : memref<2x16384xf32, #tpu.memory_space<vmem>>, vector<16xf32>,
      tpu.vector_store %arg6[%swap3A_1699, %swap3A_1700], %gather3A_1684 {strides = array<i32>} : memref<2x16384xf32, #tpu.memory_space<vmem>>, vector<16xf32>,
      %swap3A_1702 = arith.constant 1 : i32
      %swap3A_1703 = arith.index_cast %swap3A_1702 : i32 to index
      %swap3A_1704 = arith.index_cast %add3A_1618 : i32 to index
      %swap3A_1705 = tpu.vector_load %arg6[%swap3A_1703, %swap3A_1704] {strides = array<i32>} : memref<2x16384xf32, #tpu.memory_space<vmem>>, vector<16xf32>,
      tpu.vector_store %arg6[%swap3A_1703, %swap3A_1704], %gather3A_1685 {strides = array<i32>} : memref<2x16384xf32, #tpu.memory_space<vmem>>, vector<16xf32>,
      %swap3A_1706 = arith.constant 1 : i32
      %swap3A_1707 = arith.index_cast %swap3A_1706 : i32 to index
      %swap3A_1708 = arith.index_cast %add3A_1622 : i32 to index
      %swap3A_1709 = tpu.vector_load %arg6[%swap3A_1707, %swap3A_1708] {strides = array<i32>} : memref<2x16384xf32, #tpu.memory_space<vmem>>, vector<16xf32>,
      tpu.vector_store %arg6[%swap3A_1707, %swap3A_1708], %gather3A_1686 {strides = array<i32>} : memref<2x16384xf32, #tpu.memory_space<vmem>>, vector<16xf32>,
      %swap3A_1710 = arith.constant 1 : i32
      %swap3A_1711 = arith.index_cast %swap3A_1710 : i32 to index
      %swap3A_1712 = arith.index_cast %add3A_1626 : i32 to index
      %swap3A_1713 = tpu.vector_load %arg6[%swap3A_1711, %swap3A_1712] {strides = array<i32>} : memref<2x16384xf32, #tpu.memory_space<vmem>>, vector<16xf32>,
      tpu.vector_store %arg6[%swap3A_1711, %swap3A_1712], %gather3A_1687 {strides = array<i32>} : memref<2x16384xf32, #tpu.memory_space<vmem>>, vector<16xf32>,
      %swap3A_1714 = arith.constant 1 : i32
      %swap3A_1715 = arith.index_cast %swap3A_1714 : i32 to index
      %swap3A_1716 = arith.index_cast %add3A_1630 : i32 to index
      %swap3A_1717 = tpu.vector_load %arg6[%swap3A_1715, %swap3A_1716] {strides = array<i32>} : memref<2x16384xf32, #tpu.memory_space<vmem>>, vector<16xf32>,
      tpu.vector_store %arg6[%swap3A_1715, %swap3A_1716], %gather3A_1688 {strides = array<i32>} : memref<2x16384xf32, #tpu.memory_space<vmem>>, vector<16xf32>,
      %swap3A_1718 = arith.constant 1 : i32
      %swap3A_1719 = arith.index_cast %swap3A_1718 : i32 to index
      %swap3A_1720 = arith.index_cast %add3A_1634 : i32 to index
      %swap3A_1721 = tpu.vector_load %arg6[%swap3A_1719, %swap3A_1720] {strides = array<i32>} : memref<2x16384xf32, #tpu.memory_space<vmem>>, vector<16xf32>,
      tpu.vector_store %arg6[%swap3A_1719, %swap3A_1720], %gather3A_1689 {strides = array<i32>} : memref<2x16384xf32, #tpu.memory_space<vmem>>, vector<16xf32>,
    }
    %scan3A_1363 = arith.constant 128 : i32
    %add3A_1364 = arith.constant 49152 : i32
    %add3A_1365 = arith.addi %mul3A_32, %add3A_1364 : i32
    %dma_start3A_1366 = arith.constant 1 : i32
    %dma_start3A_1367 = arith.constant 0 : i32
    %dma_start3A_1368 = tpu.memref_slice %arg6[%dma_start3A_1366, %dma_start3A_1367] : memref<2x16384xf32, #tpu.memory_space<vmem>> -> memref<1x16384xf32, #tpu.memory_space<vmem>>
    %dma_start3A_1369 = tpu.memref_squeeze %dma_start3A_1368 : memref<1x16384xf32, #tpu.memory_space<vmem>> -> memref<16384xf32, #tpu.memory_space<vmem>>
    %dma_start3A_1370 = tpu.memref_slice %arg4[%add3A, %add3A_1365] : memref<8x524288xf32, #tpu.memory_space<hbm>> -> memref<1x16384xf32, #tpu.memory_space<hbm>>
    %dma_start3A_1371 = tpu.memref_squeeze %dma_start3A_1370 : memref<1x16384xf32, #tpu.memory_space<hbm>> -> memref<16384xf32, #tpu.memory_space<hbm>>
    %dma_start3A_1372 = tpu.memref_slice %arg4[%add3A, %add3A_1365] : memref<8x524288xf32, #tpu.memory_space<hbm>> -> memref<1x16384xf32, #tpu.memory_space<hbm>>
    %dma_start3A_1373 = tpu.memref_squeeze %dma_start3A_1372 : memref<1x16384xf32, #tpu.memory_space<hbm>> -> memref<16384xf32, #tpu.memory_space<hbm>>
    %dma_start3A_1374 = arith.constant 0 : i32
    %dma_start3A_1375 = tpu.memref_slice %arg6[%dma_start3A_1366, %dma_start3A_1374] : memref<2x16384xf32, #tpu.memory_space<vmem>> -> memref<1x16384xf32, #tpu.memory_space<vmem>>
    %dma_start3A_1376 = tpu.memref_squeeze %dma_start3A_1375 : memref<1x16384xf32, #tpu.memory_space<vmem>> -> memref<16384xf32, #tpu.memory_space<vmem>>
    tpu.enqueue_dma source(%dma_start3A_1376 : memref<16384xf32, #tpu.memory_space<vmem>>) target(%dma_start3A_1373 : memref<16384xf32, #tpu.memory_space<hbm>>) target_semaphore(%arg17 : memref<!tpu.dma_semaphore, #tpu.memory_space<semaphore_mem>>)
    %add3A_1377 = arith.constant 81920 : i32
    %add3A_1378 = arith.addi %mul3A_32, %add3A_1377 : i32
    %dma_start3A_1379 = arith.constant 1 : i32
    %dma_start3A_1380 = arith.constant 0 : i32
    %dma_start3A_1381 = tpu.memref_slice %arg5[%dma_start3A_1379, %dma_start3A_1380] : memref<2x16384xi32, #tpu.memory_space<vmem>> -> memref<1x16384xi32, #tpu.memory_space<vmem>>
    %dma_start3A_1382 = tpu.memref_squeeze %dma_start3A_1381 : memref<1x16384xi32, #tpu.memory_space<vmem>> -> memref<16384xi32, #tpu.memory_space<vmem>>
    %dma_start3A_1383 = tpu.memref_slice %arg2[%add3A, %add3A_1378] : memref<8x524288xi32, #tpu.memory_space<hbm>> -> memref<1x16384xi32, #tpu.memory_space<hbm>>
    %dma_start3A_1384 = tpu.memref_squeeze %dma_start3A_1383 : memref<1x16384xi32, #tpu.memory_space<hbm>> -> memref<16384xi32, #tpu.memory_space<hbm>>
    %dma_start3A_1385 = arith.constant 0 : i32
    %dma_start3A_1386 = tpu.memref_slice %arg5[%dma_start3A_1379, %dma_start3A_1385] : memref<2x16384xi32, #tpu.memory_space<vmem>> -> memref<1x16384xi32, #tpu.memory_space<vmem>>
    %dma_start3A_1387 = tpu.memref_squeeze %dma_start3A_1386 : memref<1x16384xi32, #tpu.memory_space<vmem>> -> memref<16384xi32, #tpu.memory_space<vmem>>
    %dma_start3A_1388 = tpu.memref_slice %arg2[%add3A, %add3A_1378] : memref<8x524288xi32, #tpu.memory_space<hbm>> -> memref<1x16384xi32, #tpu.memory_space<hbm>>
    %dma_start3A_1389 = tpu.memref_squeeze %dma_start3A_1388 : memref<1x16384xi32, #tpu.memory_space<hbm>> -> memref<16384xi32, #tpu.memory_space<hbm>>
    tpu.enqueue_dma source(%dma_start3A_1389 : memref<16384xi32, #tpu.memory_space<hbm>>) target(%dma_start3A_1387 : memref<16384xi32, #tpu.memory_space<vmem>>) target_semaphore(%arg15 : memref<!tpu.dma_semaphore, #tpu.memory_space<semaphore_mem>>)
    %dma_wait3A_1390 = arith.constant 0 : i32
    %dma_wait3A_1391 = arith.constant 0 : i32
    %dma_wait3A_1392 = tpu.memref_slice %arg5[%dma_wait3A_1390, %dma_wait3A_1391] : memref<2x16384xi32, #tpu.memory_space<vmem>> -> memref<1x16384xi32, #tpu.memory_space<vmem>>
    %dma_wait3A_1393 = tpu.memref_squeeze %dma_wait3A_1392 : memref<1x16384xi32, #tpu.memory_space<vmem>> -> memref<16384xi32, #tpu.memory_space<vmem>>
    %dma_wait3A_1394 = tpu.memref_slice %arg2[%add3A, %add3A_1324] : memref<8x524288xi32, #tpu.memory_space<hbm>> -> memref<1x16384xi32, #tpu.memory_space<hbm>>
    %dma_wait3A_1395 = tpu.memref_squeeze %dma_wait3A_1394 : memref<1x16384xi32, #tpu.memory_space<hbm>> -> memref<16384xi32, #tpu.memory_space<hbm>>
    %dma_wait3A_1396 = arith.constant 0 : i32
    %dma_wait3A_1397 = tpu.memref_slice %arg5[%dma_wait3A_1390, %dma_wait3A_1396] : memref<2x16384xi32, #tpu.memory_space<vmem>> -> memref<1x16384xi32, #tpu.memory_space<vmem>>
    %dma_wait3A_1398 = tpu.memref_squeeze %dma_wait3A_1397 : memref<1x16384xi32, #tpu.memory_space<vmem>> -> memref<16384xi32, #tpu.memory_space<vmem>>
    %dma_wait3A_1399 = tpu.memref_slice %arg2[%add3A, %add3A_1324] : memref<8x524288xi32, #tpu.memory_space<hbm>> -> memref<1x16384xi32, #tpu.memory_space<hbm>>
    %dma_wait3A_1400 = tpu.memref_squeeze %dma_wait3A_1399 : memref<1x16384xi32, #tpu.memory_space<hbm>> -> memref<16384xi32, #tpu.memory_space<hbm>>
    tpu.wait_dma2 semaphore(%arg14 : memref<!tpu.dma_semaphore, #tpu.memory_space<semaphore_mem>>) src(%dma_wait3A_1400 : memref<16384xi32, #tpu.memory_space<hbm>>) dst(%dma_wait3A_1398 : memref<16384xi32, #tpu.memory_space<vmem>>)
    %dma_wait3A_1401 = arith.constant 0 : i32
    %dma_wait3A_1402 = arith.constant 0 : i32
    %dma_wait3A_1403 = tpu.memref_slice %arg6[%dma_wait3A_1401, %dma_wait3A_1402] : memref<2x16384xf32, #tpu.memory_space<vmem>> -> memref<1x16384xf32, #tpu.memory_space<vmem>>
    %dma_wait3A_1404 = tpu.memref_squeeze %dma_wait3A_1403 : memref<1x16384xf32, #tpu.memory_space<vmem>> -> memref<16384xf32, #tpu.memory_space<vmem>>
    %dma_wait3A_1405 = tpu.memref_slice %arg4[%add3A, %add3A_1311] : memref<8x524288xf32, #tpu.memory_space<hbm>> -> memref<1x16384xf32, #tpu.memory_space<hbm>>
    %dma_wait3A_1406 = tpu.memref_squeeze %dma_wait3A_1405 : memref<1x16384xf32, #tpu.memory_space<hbm>> -> memref<16384xf32, #tpu.memory_space<hbm>>
    %dma_wait3A_1407 = tpu.memref_slice %arg4[%add3A, %add3A_1311] : memref<8x524288xf32, #tpu.memory_space<hbm>> -> memref<1x16384xf32, #tpu.memory_space<hbm>>
    %dma_wait3A_1408 = tpu.memref_squeeze %dma_wait3A_1407 : memref<1x16384xf32, #tpu.memory_space<hbm>> -> memref<16384xf32, #tpu.memory_space<hbm>>
    %dma_wait3A_1409 = arith.constant 0 : i32
    %dma_wait3A_1410 = tpu.memref_slice %arg6[%dma_wait3A_1401, %dma_wait3A_1409] : memref<2x16384xf32, #tpu.memory_space<vmem>> -> memref<1x16384xf32, #tpu.memory_space<vmem>>
    %dma_wait3A_1411 = tpu.memref_squeeze %dma_wait3A_1410 : memref<1x16384xf32, #tpu.memory_space<vmem>> -> memref<16384xf32, #tpu.memory_space<vmem>>
    tpu.wait_dma2 semaphore(%arg16 : memref<!tpu.dma_semaphore, #tpu.memory_space<semaphore_mem>>) src(%dma_wait3A_1411 : memref<16384xf32, #tpu.memory_space<vmem>>) dst(%dma_wait3A_1408 : memref<16384xf32, #tpu.memory_space<hbm>>)
    %scan3A_1412 = arith.constant 0 : i32
    %scan3A_1413 = arith.constant 0 : i32
    %scan3A_1414 = arith.constant 128 : i32
    %scan3A_1415 = arith.addi %scan3A_1413, %scan3A_1414 : i32
    %scan3A_1416 = arith.constant 1 : i32
    scf.for %scan3A_1602 = %scan3A_1413 to %scan3A_1415 step %scan3A_1416  : i32 {
      %mul3A_1603 = arith.constant 128 : i32
      %mul3A_1604 = arith.muli %scan3A_1602, %mul3A_1603 : i32
      %add3A_1605 = arith.constant 0 : i32
      %add3A_1606 = arith.addi %mul3A_1604, %add3A_1605 : i32
      %mul3A_1607 = arith.constant 128 : i32
      %mul3A_1608 = arith.muli %scan3A_1602, %mul3A_1607 : i32
      %add3A_1609 = arith.constant 16 : i32
      %add3A_1610 = arith.addi %mul3A_1608, %add3A_1609 : i32
      %mul3A_1611 = arith.constant 128 : i32
      %mul3A_1612 = arith.muli %scan3A_1602, %mul3A_1611 : i32
      %add3A_1613 = arith.constant 32 : i32
      %add3A_1614 = arith.addi %mul3A_1612, %add3A_1613 : i32
      %mul3A_1615 = arith.constant 128 : i32
      %mul3A_1616 = arith.muli %scan3A_1602, %mul3A_1615 : i32
      %add3A_1617 = arith.constant 48 : i32
      %add3A_1618 = arith.addi %mul3A_1616, %add3A_1617 : i32
      %mul3A_1619 = arith.constant 128 : i32
      %mul3A_1620 = arith.muli %scan3A_1602, %mul3A_1619 : i32
      %add3A_1621 = arith.constant 64 : i32
      %add3A_1622 = arith.addi %mul3A_1620, %add3A_1621 : i32
      %mul3A_1623 = arith.constant 128 : i32
      %mul3A_1624 = arith.muli %scan3A_1602, %mul3A_1623 : i32
      %add3A_1625 = arith.constant 80 : i32
      %add3A_1626 = arith.addi %mul3A_1624, %add3A_1625 : i32
      %mul3A_1627 = arith.constant 128 : i32
      %mul3A_1628 = arith.muli %scan3A_1602, %mul3A_1627 : i32
      %add3A_1629 = arith.constant 96 : i32
      %add3A_1630 = arith.addi %mul3A_1628, %add3A_1629 : i32
      %mul3A_1631 = arith.constant 128 : i32
      %mul3A_1632 = arith.muli %scan3A_1602, %mul3A_1631 : i32
      %add3A_1633 = arith.constant 112 : i32
      %add3A_1634 = arith.addi %mul3A_1632, %add3A_1633 : i32
      %get3A_1635 = arith.constant 0 : i32
      %get3A_1636 = arith.index_cast %get3A_1635 : i32 to index
      %get3A_1637 = arith.index_cast %add3A_1606 : i32 to index
      %get3A_1638 = tpu.vector_load %arg5[%get3A_1636, %get3A_1637] {strides = array<i32>} : memref<2x16384xi32, #tpu.memory_space<vmem>>, vector<16xi32>,
      %sub3A_1639 = vector.broadcast %mul3A_1171 : i32 to vector<16xi32>
      %sub3A_1640 = arith.subi %get3A_1638, %sub3A_1639 : vector<16xi32>
      %get3A_1641 = arith.constant 0 : i32
      %get3A_1642 = arith.index_cast %get3A_1641 : i32 to index
      %get3A_1643 = arith.index_cast %add3A_1610 : i32 to index
      %get3A_1644 = tpu.vector_load %arg5[%get3A_1642, %get3A_1643] {strides = array<i32>} : memref<2x16384xi32, #tpu.memory_space<vmem>>, vector<16xi32>,
      %sub3A_1645 = vector.broadcast %mul3A_1171 : i32 to vector<16xi32>
      %sub3A_1646 = arith.subi %get3A_1644, %sub3A_1645 : vector<16xi32>
      %get3A_1647 = arith.constant 0 : i32
      %get3A_1648 = arith.index_cast %get3A_1647 : i32 to index
      %get3A_1649 = arith.index_cast %add3A_1614 : i32 to index
      %get3A_1650 = tpu.vector_load %arg5[%get3A_1648, %get3A_1649] {strides = array<i32>} : memref<2x16384xi32, #tpu.memory_space<vmem>>, vector<16xi32>,
      %sub3A_1651 = vector.broadcast %mul3A_1171 : i32 to vector<16xi32>
      %sub3A_1652 = arith.subi %get3A_1650, %sub3A_1651 : vector<16xi32>
      %get3A_1653 = arith.constant 0 : i32
      %get3A_1654 = arith.index_cast %get3A_1653 : i32 to index
      %get3A_1655 = arith.index_cast %add3A_1618 : i32 to index
      %get3A_1656 = tpu.vector_load %arg5[%get3A_1654, %get3A_1655] {strides = array<i32>} : memref<2x16384xi32, #tpu.memory_space<vmem>>, vector<16xi32>,
      %sub3A_1657 = vector.broadcast %mul3A_1171 : i32 to vector<16xi32>
      %sub3A_1658 = arith.subi %get3A_1656, %sub3A_1657 : vector<16xi32>
      %get3A_1659 = arith.constant 0 : i32
      %get3A_1660 = arith.index_cast %get3A_1659 : i32 to index
      %get3A_1661 = arith.index_cast %add3A_1622 : i32 to index
      %get3A_1662 = tpu.vector_load %arg5[%get3A_1660, %get3A_1661] {strides = array<i32>} : memref<2x16384xi32, #tpu.memory_space<vmem>>, vector<16xi32>,
      %sub3A_1663 = vector.broadcast %mul3A_1171 : i32 to vector<16xi32>
      %sub3A_1664 = arith.subi %get3A_1662, %sub3A_1663 : vector<16xi32>
      %get3A_1665 = arith.constant 0 : i32
      %get3A_1666 = arith.index_cast %get3A_1665 : i32 to index
      %get3A_1667 = arith.index_cast %add3A_1626 : i32 to index
      %get3A_1668 = tpu.vector_load %arg5[%get3A_1666, %get3A_1667] {strides = array<i32>} : memref<2x16384xi32, #tpu.memory_space<vmem>>, vector<16xi32>,
      %sub3A_1669 = vector.broadcast %mul3A_1171 : i32 to vector<16xi32>
      %sub3A_1670 = arith.subi %get3A_1668, %sub3A_1669 : vector<16xi32>
      %get3A_1671 = arith.constant 0 : i32
      %get3A_1672 = arith.index_cast %get3A_1671 : i32 to index
      %get3A_1673 = arith.index_cast %add3A_1630 : i32 to index
      %get3A_1674 = tpu.vector_load %arg5[%get3A_1672, %get3A_1673] {strides = array<i32>} : memref<2x16384xi32, #tpu.memory_space<vmem>>, vector<16xi32>,
      %sub3A_1675 = vector.broadcast %mul3A_1171 : i32 to vector<16xi32>
      %sub3A_1676 = arith.subi %get3A_1674, %sub3A_1675 : vector<16xi32>
      %get3A_1677 = arith.constant 0 : i32
      %get3A_1678 = arith.index_cast %get3A_1677 : i32 to index
      %get3A_1679 = arith.index_cast %add3A_1634 : i32 to index
      %get3A_1680 = tpu.vector_load %arg5[%get3A_1678, %get3A_1679] {strides = array<i32>} : memref<2x16384xi32, #tpu.memory_space<vmem>>, vector<16xi32>,
      %sub3A_1681 = vector.broadcast %mul3A_1171 : i32 to vector<16xi32>
      %sub3A_1682 = arith.subi %get3A_1680, %sub3A_1681 : vector<16xi32>
      %gather3A = tpu.vector_load_idx %arg11[%sub3A_1640] : memref<4096xf32, #tpu.memory_space<vmem>>[vector<16xi32>], vector<16xf32>,
      %gather3A_1683 = tpu.vector_load_idx %arg11[%sub3A_1646] : memref<4096xf32, #tpu.memory_space<vmem>>[vector<16xi32>], vector<16xf32>,
      %gather3A_1684 = tpu.vector_load_idx %arg11[%sub3A_1652] : memref<4096xf32, #tpu.memory_space<vmem>>[vector<16xi32>], vector<16xf32>,
      %gather3A_1685 = tpu.vector_load_idx %arg11[%sub3A_1658] : memref<4096xf32, #tpu.memory_space<vmem>>[vector<16xi32>], vector<16xf32>,
      %gather3A_1686 = tpu.vector_load_idx %arg11[%sub3A_1664] : memref<4096xf32, #tpu.memory_space<vmem>>[vector<16xi32>], vector<16xf32>,
      %gather3A_1687 = tpu.vector_load_idx %arg11[%sub3A_1670] : memref<4096xf32, #tpu.memory_space<vmem>>[vector<16xi32>], vector<16xf32>,
      %gather3A_1688 = tpu.vector_load_idx %arg11[%sub3A_1676] : memref<4096xf32, #tpu.memory_space<vmem>>[vector<16xi32>], vector<16xf32>,
      %gather3A_1689 = tpu.vector_load_idx %arg11[%sub3A_1682] : memref<4096xf32, #tpu.memory_space<vmem>>[vector<16xi32>], vector<16xf32>,
      %swap3A_1690 = arith.constant 0 : i32
      %swap3A_1691 = arith.index_cast %swap3A_1690 : i32 to index
      %swap3A_1692 = arith.index_cast %add3A_1606 : i32 to index
      %swap3A_1693 = tpu.vector_load %arg6[%swap3A_1691, %swap3A_1692] {strides = array<i32>} : memref<2x16384xf32, #tpu.memory_space<vmem>>, vector<16xf32>,
      tpu.vector_store %arg6[%swap3A_1691, %swap3A_1692], %gather3A {strides = array<i32>} : memref<2x16384xf32, #tpu.memory_space<vmem>>, vector<16xf32>,
      %swap3A_1694 = arith.constant 0 : i32
      %swap3A_1695 = arith.index_cast %swap3A_1694 : i32 to index
      %swap3A_1696 = arith.index_cast %add3A_1610 : i32 to index
      %swap3A_1697 = tpu.vector_load %arg6[%swap3A_1695, %swap3A_1696] {strides = array<i32>} : memref<2x16384xf32, #tpu.memory_space<vmem>>, vector<16xf32>,
      tpu.vector_store %arg6[%swap3A_1695, %swap3A_1696], %gather3A_1683 {strides = array<i32>} : memref<2x16384xf32, #tpu.memory_space<vmem>>, vector<16xf32>,
      %swap3A_1698 = arith.constant 0 : i32
      %swap3A_1699 = arith.index_cast %swap3A_1698 : i32 to index
      %swap3A_1700 = arith.index_cast %add3A_1614 : i32 to index
      %swap3A_1701 = tpu.vector_load %arg6[%swap3A_1699, %swap3A_1700] {strides = array<i32>} : memref<2x16384xf32, #tpu.memory_space<vmem>>, vector<16xf32>,
      tpu.vector_store %arg6[%swap3A_1699, %swap3A_1700], %gather3A_1684 {strides = array<i32>} : memref<2x16384xf32, #tpu.memory_space<vmem>>, vector<16xf32>,
      %swap3A_1702 = arith.constant 0 : i32
      %swap3A_1703 = arith.index_cast %swap3A_1702 : i32 to index
      %swap3A_1704 = arith.index_cast %add3A_1618 : i32 to index
      %swap3A_1705 = tpu.vector_load %arg6[%swap3A_1703, %swap3A_1704] {strides = array<i32>} : memref<2x16384xf32, #tpu.memory_space<vmem>>, vector<16xf32>,
      tpu.vector_store %arg6[%swap3A_1703, %swap3A_1704], %gather3A_1685 {strides = array<i32>} : memref<2x16384xf32, #tpu.memory_space<vmem>>, vector<16xf32>,
      %swap3A_1706 = arith.constant 0 : i32
      %swap3A_1707 = arith.index_cast %swap3A_1706 : i32 to index
      %swap3A_1708 = arith.index_cast %add3A_1622 : i32 to index
      %swap3A_1709 = tpu.vector_load %arg6[%swap3A_1707, %swap3A_1708] {strides = array<i32>} : memref<2x16384xf32, #tpu.memory_space<vmem>>, vector<16xf32>,
      tpu.vector_store %arg6[%swap3A_1707, %swap3A_1708], %gather3A_1686 {strides = array<i32>} : memref<2x16384xf32, #tpu.memory_space<vmem>>, vector<16xf32>,
      %swap3A_1710 = arith.constant 0 : i32
      %swap3A_1711 = arith.index_cast %swap3A_1710 : i32 to index
      %swap3A_1712 = arith.index_cast %add3A_1626 : i32 to index
      %swap3A_1713 = tpu.vector_load %arg6[%swap3A_1711, %swap3A_1712] {strides = array<i32>} : memref<2x16384xf32, #tpu.memory_space<vmem>>, vector<16xf32>,
      tpu.vector_store %arg6[%swap3A_1711, %swap3A_1712], %gather3A_1687 {strides = array<i32>} : memref<2x16384xf32, #tpu.memory_space<vmem>>, vector<16xf32>,
      %swap3A_1714 = arith.constant 0 : i32
      %swap3A_1715 = arith.index_cast %swap3A_1714 : i32 to index
      %swap3A_1716 = arith.index_cast %add3A_1630 : i32 to index
      %swap3A_1717 = tpu.vector_load %arg6[%swap3A_1715, %swap3A_1716] {strides = array<i32>} : memref<2x16384xf32, #tpu.memory_space<vmem>>, vector<16xf32>,
      tpu.vector_store %arg6[%swap3A_1715, %swap3A_1716], %gather3A_1688 {strides = array<i32>} : memref<2x16384xf32, #tpu.memory_space<vmem>>, vector<16xf32>,
      %swap3A_1718 = arith.constant 0 : i32
      %swap3A_1719 = arith.index_cast %swap3A_1718 : i32 to index
      %swap3A_1720 = arith.index_cast %add3A_1634 : i32 to index
      %swap3A_1721 = tpu.vector_load %arg6[%swap3A_1719, %swap3A_1720] {strides = array<i32>} : memref<2x16384xf32, #tpu.memory_space<vmem>>, vector<16xf32>,
      tpu.vector_store %arg6[%swap3A_1719, %swap3A_1720], %gather3A_1689 {strides = array<i32>} : memref<2x16384xf32, #tpu.memory_space<vmem>>, vector<16xf32>,
    }
    %scan3A_1417 = arith.constant 128 : i32
    %add3A_1418 = arith.constant 65536 : i32
    %add3A_1419 = arith.addi %mul3A_32, %add3A_1418 : i32
    %dma_start3A_1420 = arith.constant 0 : i32
    %dma_start3A_1421 = arith.constant 0 : i32
    %dma_start3A_1422 = tpu.memref_slice %arg6[%dma_start3A_1420, %dma_start3A_1421] : memref<2x16384xf32, #tpu.memory_space<vmem>> -> memref<1x16384xf32, #tpu.memory_space<vmem>>
    %dma_start3A_1423 = tpu.memref_squeeze %dma_start3A_1422 : memref<1x16384xf32, #tpu.memory_space<vmem>> -> memref<16384xf32, #tpu.memory_space<vmem>>
    %dma_start3A_1424 = tpu.memref_slice %arg4[%add3A, %add3A_1419] : memref<8x524288xf32, #tpu.memory_space<hbm>> -> memref<1x16384xf32, #tpu.memory_space<hbm>>
    %dma_start3A_1425 = tpu.memref_squeeze %dma_start3A_1424 : memref<1x16384xf32, #tpu.memory_space<hbm>> -> memref<16384xf32, #tpu.memory_space<hbm>>
    %dma_start3A_1426 = tpu.memref_slice %arg4[%add3A, %add3A_1419] : memref<8x524288xf32, #tpu.memory_space<hbm>> -> memref<1x16384xf32, #tpu.memory_space<hbm>>
    %dma_start3A_1427 = tpu.memref_squeeze %dma_start3A_1426 : memref<1x16384xf32, #tpu.memory_space<hbm>> -> memref<16384xf32, #tpu.memory_space<hbm>>
    %dma_start3A_1428 = arith.constant 0 : i32
    %dma_start3A_1429 = tpu.memref_slice %arg6[%dma_start3A_1420, %dma_start3A_1428] : memref<2x16384xf32, #tpu.memory_space<vmem>> -> memref<1x16384xf32, #tpu.memory_space<vmem>>
    %dma_start3A_1430 = tpu.memref_squeeze %dma_start3A_1429 : memref<1x16384xf32, #tpu.memory_space<vmem>> -> memref<16384xf32, #tpu.memory_space<vmem>>
    tpu.enqueue_dma source(%dma_start3A_1430 : memref<16384xf32, #tpu.memory_space<vmem>>) target(%dma_start3A_1427 : memref<16384xf32, #tpu.memory_space<hbm>>) target_semaphore(%arg16 : memref<!tpu.dma_semaphore, #tpu.memory_space<semaphore_mem>>)
    %add3A_1431 = arith.constant 98304 : i32
    %add3A_1432 = arith.addi %mul3A_32, %add3A_1431 : i32
    %dma_start3A_1433 = arith.constant 0 : i32
    %dma_start3A_1434 = arith.constant 0 : i32
    %dma_start3A_1435 = tpu.memref_slice %arg5[%dma_start3A_1433, %dma_start3A_1434] : memref<2x16384xi32, #tpu.memory_space<vmem>> -> memref<1x16384xi32, #tpu.memory_space<vmem>>
    %dma_start3A_1436 = tpu.memref_squeeze %dma_start3A_1435 : memref<1x16384xi32, #tpu.memory_space<vmem>> -> memref<16384xi32, #tpu.memory_space<vmem>>
    %dma_start3A_1437 = tpu.memref_slice %arg2[%add3A, %add3A_1432] : memref<8x524288xi32, #tpu.memory_space<hbm>> -> memref<1x16384xi32, #tpu.memory_space<hbm>>
    %dma_start3A_1438 = tpu.memref_squeeze %dma_start3A_1437 : memref<1x16384xi32, #tpu.memory_space<hbm>> -> memref<16384xi32, #tpu.memory_space<hbm>>
    %dma_start3A_1439 = arith.constant 0 : i32
    %dma_start3A_1440 = tpu.memref_slice %arg5[%dma_start3A_1433, %dma_start3A_1439] : memref<2x16384xi32, #tpu.memory_space<vmem>> -> memref<1x16384xi32, #tpu.memory_space<vmem>>
    %dma_start3A_1441 = tpu.memref_squeeze %dma_start3A_1440 : memref<1x16384xi32, #tpu.memory_space<vmem>> -> memref<16384xi32, #tpu.memory_space<vmem>>
    %dma_start3A_1442 = tpu.memref_slice %arg2[%add3A, %add3A_1432] : memref<8x524288xi32, #tpu.memory_space<hbm>> -> memref<1x16384xi32, #tpu.memory_space<hbm>>
    %dma_start3A_1443 = tpu.memref_squeeze %dma_start3A_1442 : memref<1x16384xi32, #tpu.memory_space<hbm>> -> memref<16384xi32, #tpu.memory_space<hbm>>
    tpu.enqueue_dma source(%dma_start3A_1443 : memref<16384xi32, #tpu.memory_space<hbm>>) target(%dma_start3A_1441 : memref<16384xi32, #tpu.memory_space<vmem>>) target_semaphore(%arg14 : memref<!tpu.dma_semaphore, #tpu.memory_space<semaphore_mem>>)
    %dma_wait3A_1444 = arith.constant 1 : i32
    %dma_wait3A_1445 = arith.constant 0 : i32
    %dma_wait3A_1446 = tpu.memref_slice %arg5[%dma_wait3A_1444, %dma_wait3A_1445] : memref<2x16384xi32, #tpu.memory_space<vmem>> -> memref<1x16384xi32, #tpu.memory_space<vmem>>
    %dma_wait3A_1447 = tpu.memref_squeeze %dma_wait3A_1446 : memref<1x16384xi32, #tpu.memory_space<vmem>> -> memref<16384xi32, #tpu.memory_space<vmem>>
    %dma_wait3A_1448 = tpu.memref_slice %arg2[%add3A, %add3A_1378] : memref<8x524288xi32, #tpu.memory_space<hbm>> -> memref<1x16384xi32, #tpu.memory_space<hbm>>
    %dma_wait3A_1449 = tpu.memref_squeeze %dma_wait3A_1448 : memref<1x16384xi32, #tpu.memory_space<hbm>> -> memref<16384xi32, #tpu.memory_space<hbm>>
    %dma_wait3A_1450 = arith.constant 0 : i32
    %dma_wait3A_1451 = tpu.memref_slice %arg5[%dma_wait3A_1444, %dma_wait3A_1450] : memref<2x16384xi32, #tpu.memory_space<vmem>> -> memref<1x16384xi32, #tpu.memory_space<vmem>>
    %dma_wait3A_1452 = tpu.memref_squeeze %dma_wait3A_1451 : memref<1x16384xi32, #tpu.memory_space<vmem>> -> memref<16384xi32, #tpu.memory_space<vmem>>
    %dma_wait3A_1453 = tpu.memref_slice %arg2[%add3A, %add3A_1378] : memref<8x524288xi32, #tpu.memory_space<hbm>> -> memref<1x16384xi32, #tpu.memory_space<hbm>>
    %dma_wait3A_1454 = tpu.memref_squeeze %dma_wait3A_1453 : memref<1x16384xi32, #tpu.memory_space<hbm>> -> memref<16384xi32, #tpu.memory_space<hbm>>
    tpu.wait_dma2 semaphore(%arg15 : memref<!tpu.dma_semaphore, #tpu.memory_space<semaphore_mem>>) src(%dma_wait3A_1454 : memref<16384xi32, #tpu.memory_space<hbm>>) dst(%dma_wait3A_1452 : memref<16384xi32, #tpu.memory_space<vmem>>)
    %dma_wait3A_1455 = arith.constant 1 : i32
    %dma_wait3A_1456 = arith.constant 0 : i32
    %dma_wait3A_1457 = tpu.memref_slice %arg6[%dma_wait3A_1455, %dma_wait3A_1456] : memref<2x16384xf32, #tpu.memory_space<vmem>> -> memref<1x16384xf32, #tpu.memory_space<vmem>>
    %dma_wait3A_1458 = tpu.memref_squeeze %dma_wait3A_1457 : memref<1x16384xf32, #tpu.memory_space<vmem>> -> memref<16384xf32, #tpu.memory_space<vmem>>
    %dma_wait3A_1459 = tpu.memref_slice %arg4[%add3A, %add3A_1365] : memref<8x524288xf32, #tpu.memory_space<hbm>> -> memref<1x16384xf32, #tpu.memory_space<hbm>>
    %dma_wait3A_1460 = tpu.memref_squeeze %dma_wait3A_1459 : memref<1x16384xf32, #tpu.memory_space<hbm>> -> memref<16384xf32, #tpu.memory_space<hbm>>
    %dma_wait3A_1461 = tpu.memref_slice %arg4[%add3A, %add3A_1365] : memref<8x524288xf32, #tpu.memory_space<hbm>> -> memref<1x16384xf32, #tpu.memory_space<hbm>>
    %dma_wait3A_1462 = tpu.memref_squeeze %dma_wait3A_1461 : memref<1x16384xf32, #tpu.memory_space<hbm>> -> memref<16384xf32, #tpu.memory_space<hbm>>
    %dma_wait3A_1463 = arith.constant 0 : i32
    %dma_wait3A_1464 = tpu.memref_slice %arg6[%dma_wait3A_1455, %dma_wait3A_1463] : memref<2x16384xf32, #tpu.memory_space<vmem>> -> memref<1x16384xf32, #tpu.memory_space<vmem>>
    %dma_wait3A_1465 = tpu.memref_squeeze %dma_wait3A_1464 : memref<1x16384xf32, #tpu.memory_space<vmem>> -> memref<16384xf32, #tpu.memory_space<vmem>>
    tpu.wait_dma2 semaphore(%arg17 : memref<!tpu.dma_semaphore, #tpu.memory_space<semaphore_mem>>) src(%dma_wait3A_1465 : memref<16384xf32, #tpu.memory_space<vmem>>) dst(%dma_wait3A_1462 : memref<16384xf32, #tpu.memory_space<hbm>>)
    %scan3A_1466 = arith.constant 0 : i32
    %scan3A_1467 = arith.constant 0 : i32
    %scan3A_1468 = arith.constant 128 : i32
    %scan3A_1469 = arith.addi %scan3A_1467, %scan3A_1468 : i32
    %scan3A_1470 = arith.constant 1 : i32
    scf.for %scan3A_1602 = %scan3A_1467 to %scan3A_1469 step %scan3A_1470  : i32 {
      %mul3A_1603 = arith.constant 128 : i32
      %mul3A_1604 = arith.muli %scan3A_1602, %mul3A_1603 : i32
      %add3A_1605 = arith.constant 0 : i32
      %add3A_1606 = arith.addi %mul3A_1604, %add3A_1605 : i32
      %mul3A_1607 = arith.constant 128 : i32
      %mul3A_1608 = arith.muli %scan3A_1602, %mul3A_1607 : i32
      %add3A_1609 = arith.constant 16 : i32
      %add3A_1610 = arith.addi %mul3A_1608, %add3A_1609 : i32
      %mul3A_1611 = arith.constant 128 : i32
      %mul3A_1612 = arith.muli %scan3A_1602, %mul3A_1611 : i32
      %add3A_1613 = arith.constant 32 : i32
      %add3A_1614 = arith.addi %mul3A_1612, %add3A_1613 : i32
      %mul3A_1615 = arith.constant 128 : i32
      %mul3A_1616 = arith.muli %scan3A_1602, %mul3A_1615 : i32
      %add3A_1617 = arith.constant 48 : i32
      %add3A_1618 = arith.addi %mul3A_1616, %add3A_1617 : i32
      %mul3A_1619 = arith.constant 128 : i32
      %mul3A_1620 = arith.muli %scan3A_1602, %mul3A_1619 : i32
      %add3A_1621 = arith.constant 64 : i32
      %add3A_1622 = arith.addi %mul3A_1620, %add3A_1621 : i32
      %mul3A_1623 = arith.constant 128 : i32
      %mul3A_1624 = arith.muli %scan3A_1602, %mul3A_1623 : i32
      %add3A_1625 = arith.constant 80 : i32
      %add3A_1626 = arith.addi %mul3A_1624, %add3A_1625 : i32
      %mul3A_1627 = arith.constant 128 : i32
      %mul3A_1628 = arith.muli %scan3A_1602, %mul3A_1627 : i32
      %add3A_1629 = arith.constant 96 : i32
      %add3A_1630 = arith.addi %mul3A_1628, %add3A_1629 : i32
      %mul3A_1631 = arith.constant 128 : i32
      %mul3A_1632 = arith.muli %scan3A_1602, %mul3A_1631 : i32
      %add3A_1633 = arith.constant 112 : i32
      %add3A_1634 = arith.addi %mul3A_1632, %add3A_1633 : i32
      %get3A_1635 = arith.constant 1 : i32
      %get3A_1636 = arith.index_cast %get3A_1635 : i32 to index
      %get3A_1637 = arith.index_cast %add3A_1606 : i32 to index
      %get3A_1638 = tpu.vector_load %arg5[%get3A_1636, %get3A_1637] {strides = array<i32>} : memref<2x16384xi32, #tpu.memory_space<vmem>>, vector<16xi32>,
      %sub3A_1639 = vector.broadcast %mul3A_1171 : i32 to vector<16xi32>
      %sub3A_1640 = arith.subi %get3A_1638, %sub3A_1639 : vector<16xi32>
      %get3A_1641 = arith.constant 1 : i32
      %get3A_1642 = arith.index_cast %get3A_1641 : i32 to index
      %get3A_1643 = arith.index_cast %add3A_1610 : i32 to index
      %get3A_1644 = tpu.vector_load %arg5[%get3A_1642, %get3A_1643] {strides = array<i32>} : memref<2x16384xi32, #tpu.memory_space<vmem>>, vector<16xi32>,
      %sub3A_1645 = vector.broadcast %mul3A_1171 : i32 to vector<16xi32>
      %sub3A_1646 = arith.subi %get3A_1644, %sub3A_1645 : vector<16xi32>
      %get3A_1647 = arith.constant 1 : i32
      %get3A_1648 = arith.index_cast %get3A_1647 : i32 to index
      %get3A_1649 = arith.index_cast %add3A_1614 : i32 to index
      %get3A_1650 = tpu.vector_load %arg5[%get3A_1648, %get3A_1649] {strides = array<i32>} : memref<2x16384xi32, #tpu.memory_space<vmem>>, vector<16xi32>,
      %sub3A_1651 = vector.broadcast %mul3A_1171 : i32 to vector<16xi32>
      %sub3A_1652 = arith.subi %get3A_1650, %sub3A_1651 : vector<16xi32>
      %get3A_1653 = arith.constant 1 : i32
      %get3A_1654 = arith.index_cast %get3A_1653 : i32 to index
      %get3A_1655 = arith.index_cast %add3A_1618 : i32 to index
      %get3A_1656 = tpu.vector_load %arg5[%get3A_1654, %get3A_1655] {strides = array<i32>} : memref<2x16384xi32, #tpu.memory_space<vmem>>, vector<16xi32>,
      %sub3A_1657 = vector.broadcast %mul3A_1171 : i32 to vector<16xi32>
      %sub3A_1658 = arith.subi %get3A_1656, %sub3A_1657 : vector<16xi32>
      %get3A_1659 = arith.constant 1 : i32
      %get3A_1660 = arith.index_cast %get3A_1659 : i32 to index
      %get3A_1661 = arith.index_cast %add3A_1622 : i32 to index
      %get3A_1662 = tpu.vector_load %arg5[%get3A_1660, %get3A_1661] {strides = array<i32>} : memref<2x16384xi32, #tpu.memory_space<vmem>>, vector<16xi32>,
      %sub3A_1663 = vector.broadcast %mul3A_1171 : i32 to vector<16xi32>
      %sub3A_1664 = arith.subi %get3A_1662, %sub3A_1663 : vector<16xi32>
      %get3A_1665 = arith.constant 1 : i32
      %get3A_1666 = arith.index_cast %get3A_1665 : i32 to index
      %get3A_1667 = arith.index_cast %add3A_1626 : i32 to index
      %get3A_1668 = tpu.vector_load %arg5[%get3A_1666, %get3A_1667] {strides = array<i32>} : memref<2x16384xi32, #tpu.memory_space<vmem>>, vector<16xi32>,
      %sub3A_1669 = vector.broadcast %mul3A_1171 : i32 to vector<16xi32>
      %sub3A_1670 = arith.subi %get3A_1668, %sub3A_1669 : vector<16xi32>
      %get3A_1671 = arith.constant 1 : i32
      %get3A_1672 = arith.index_cast %get3A_1671 : i32 to index
      %get3A_1673 = arith.index_cast %add3A_1630 : i32 to index
      %get3A_1674 = tpu.vector_load %arg5[%get3A_1672, %get3A_1673] {strides = array<i32>} : memref<2x16384xi32, #tpu.memory_space<vmem>>, vector<16xi32>,
      %sub3A_1675 = vector.broadcast %mul3A_1171 : i32 to vector<16xi32>
      %sub3A_1676 = arith.subi %get3A_1674, %sub3A_1675 : vector<16xi32>
      %get3A_1677 = arith.constant 1 : i32
      %get3A_1678 = arith.index_cast %get3A_1677 : i32 to index
      %get3A_1679 = arith.index_cast %add3A_1634 : i32 to index
      %get3A_1680 = tpu.vector_load %arg5[%get3A_1678, %get3A_1679] {strides = array<i32>} : memref<2x16384xi32, #tpu.memory_space<vmem>>, vector<16xi32>,
      %sub3A_1681 = vector.broadcast %mul3A_1171 : i32 to vector<16xi32>
      %sub3A_1682 = arith.subi %get3A_1680, %sub3A_1681 : vector<16xi32>
      %gather3A = tpu.vector_load_idx %arg11[%sub3A_1640] : memref<4096xf32, #tpu.memory_space<vmem>>[vector<16xi32>], vector<16xf32>,
      %gather3A_1683 = tpu.vector_load_idx %arg11[%sub3A_1646] : memref<4096xf32, #tpu.memory_space<vmem>>[vector<16xi32>], vector<16xf32>,
      %gather3A_1684 = tpu.vector_load_idx %arg11[%sub3A_1652] : memref<4096xf32, #tpu.memory_space<vmem>>[vector<16xi32>], vector<16xf32>,
      %gather3A_1685 = tpu.vector_load_idx %arg11[%sub3A_1658] : memref<4096xf32, #tpu.memory_space<vmem>>[vector<16xi32>], vector<16xf32>,
      %gather3A_1686 = tpu.vector_load_idx %arg11[%sub3A_1664] : memref<4096xf32, #tpu.memory_space<vmem>>[vector<16xi32>], vector<16xf32>,
      %gather3A_1687 = tpu.vector_load_idx %arg11[%sub3A_1670] : memref<4096xf32, #tpu.memory_space<vmem>>[vector<16xi32>], vector<16xf32>,
      %gather3A_1688 = tpu.vector_load_idx %arg11[%sub3A_1676] : memref<4096xf32, #tpu.memory_space<vmem>>[vector<16xi32>], vector<16xf32>,
      %gather3A_1689 = tpu.vector_load_idx %arg11[%sub3A_1682] : memref<4096xf32, #tpu.memory_space<vmem>>[vector<16xi32>], vector<16xf32>,
      %swap3A_1690 = arith.constant 1 : i32
      %swap3A_1691 = arith.index_cast %swap3A_1690 : i32 to index
      %swap3A_1692 = arith.index_cast %add3A_1606 : i32 to index
      %swap3A_1693 = tpu.vector_load %arg6[%swap3A_1691, %swap3A_1692] {strides = array<i32>} : memref<2x16384xf32, #tpu.memory_space<vmem>>, vector<16xf32>,
      tpu.vector_store %arg6[%swap3A_1691, %swap3A_1692], %gather3A {strides = array<i32>} : memref<2x16384xf32, #tpu.memory_space<vmem>>, vector<16xf32>,
      %swap3A_1694 = arith.constant 1 : i32
      %swap3A_1695 = arith.index_cast %swap3A_1694 : i32 to index
      %swap3A_1696 = arith.index_cast %add3A_1610 : i32 to index
      %swap3A_1697 = tpu.vector_load %arg6[%swap3A_1695, %swap3A_1696] {strides = array<i32>} : memref<2x16384xf32, #tpu.memory_space<vmem>>, vector<16xf32>,
      tpu.vector_store %arg6[%swap3A_1695, %swap3A_1696], %gather3A_1683 {strides = array<i32>} : memref<2x16384xf32, #tpu.memory_space<vmem>>, vector<16xf32>,
      %swap3A_1698 = arith.constant 1 : i32
      %swap3A_1699 = arith.index_cast %swap3A_1698 : i32 to index
      %swap3A_1700 = arith.index_cast %add3A_1614 : i32 to index
      %swap3A_1701 = tpu.vector_load %arg6[%swap3A_1699, %swap3A_1700] {strides = array<i32>} : memref<2x16384xf32, #tpu.memory_space<vmem>>, vector<16xf32>,
      tpu.vector_store %arg6[%swap3A_1699, %swap3A_1700], %gather3A_1684 {strides = array<i32>} : memref<2x16384xf32, #tpu.memory_space<vmem>>, vector<16xf32>,
      %swap3A_1702 = arith.constant 1 : i32
      %swap3A_1703 = arith.index_cast %swap3A_1702 : i32 to index
      %swap3A_1704 = arith.index_cast %add3A_1618 : i32 to index
      %swap3A_1705 = tpu.vector_load %arg6[%swap3A_1703, %swap3A_1704] {strides = array<i32>} : memref<2x16384xf32, #tpu.memory_space<vmem>>, vector<16xf32>,
      tpu.vector_store %arg6[%swap3A_1703, %swap3A_1704], %gather3A_1685 {strides = array<i32>} : memref<2x16384xf32, #tpu.memory_space<vmem>>, vector<16xf32>,
      %swap3A_1706 = arith.constant 1 : i32
      %swap3A_1707 = arith.index_cast %swap3A_1706 : i32 to index
      %swap3A_1708 = arith.index_cast %add3A_1622 : i32 to index
      %swap3A_1709 = tpu.vector_load %arg6[%swap3A_1707, %swap3A_1708] {strides = array<i32>} : memref<2x16384xf32, #tpu.memory_space<vmem>>, vector<16xf32>,
      tpu.vector_store %arg6[%swap3A_1707, %swap3A_1708], %gather3A_1686 {strides = array<i32>} : memref<2x16384xf32, #tpu.memory_space<vmem>>, vector<16xf32>,
      %swap3A_1710 = arith.constant 1 : i32
      %swap3A_1711 = arith.index_cast %swap3A_1710 : i32 to index
      %swap3A_1712 = arith.index_cast %add3A_1626 : i32 to index
      %swap3A_1713 = tpu.vector_load %arg6[%swap3A_1711, %swap3A_1712] {strides = array<i32>} : memref<2x16384xf32, #tpu.memory_space<vmem>>, vector<16xf32>,
      tpu.vector_store %arg6[%swap3A_1711, %swap3A_1712], %gather3A_1687 {strides = array<i32>} : memref<2x16384xf32, #tpu.memory_space<vmem>>, vector<16xf32>,
      %swap3A_1714 = arith.constant 1 : i32
      %swap3A_1715 = arith.index_cast %swap3A_1714 : i32 to index
      %swap3A_1716 = arith.index_cast %add3A_1630 : i32 to index
      %swap3A_1717 = tpu.vector_load %arg6[%swap3A_1715, %swap3A_1716] {strides = array<i32>} : memref<2x16384xf32, #tpu.memory_space<vmem>>, vector<16xf32>,
      tpu.vector_store %arg6[%swap3A_1715, %swap3A_1716], %gather3A_1688 {strides = array<i32>} : memref<2x16384xf32, #tpu.memory_space<vmem>>, vector<16xf32>,
      %swap3A_1718 = arith.constant 1 : i32
      %swap3A_1719 = arith.index_cast %swap3A_1718 : i32 to index
      %swap3A_1720 = arith.index_cast %add3A_1634 : i32 to index
      %swap3A_1721 = tpu.vector_load %arg6[%swap3A_1719, %swap3A_1720] {strides = array<i32>} : memref<2x16384xf32, #tpu.memory_space<vmem>>, vector<16xf32>,
      tpu.vector_store %arg6[%swap3A_1719, %swap3A_1720], %gather3A_1689 {strides = array<i32>} : memref<2x16384xf32, #tpu.memory_space<vmem>>, vector<16xf32>,
    }
    %scan3A_1471 = arith.constant 128 : i32
    %add3A_1472 = arith.constant 81920 : i32
    %add3A_1473 = arith.addi %mul3A_32, %add3A_1472 : i32
    %dma_start3A_1474 = arith.constant 1 : i32
    %dma_start3A_1475 = arith.constant 0 : i32
    %dma_start3A_1476 = tpu.memref_slice %arg6[%dma_start3A_1474, %dma_start3A_1475] : memref<2x16384xf32, #tpu.memory_space<vmem>> -> memref<1x16384xf32, #tpu.memory_space<vmem>>
    %dma_start3A_1477 = tpu.memref_squeeze %dma_start3A_1476 : memref<1x16384xf32, #tpu.memory_space<vmem>> -> memref<16384xf32, #tpu.memory_space<vmem>>
    %dma_start3A_1478 = tpu.memref_slice %arg4[%add3A, %add3A_1473] : memref<8x524288xf32, #tpu.memory_space<hbm>> -> memref<1x16384xf32, #tpu.memory_space<hbm>>
    %dma_start3A_1479 = tpu.memref_squeeze %dma_start3A_1478 : memref<1x16384xf32, #tpu.memory_space<hbm>> -> memref<16384xf32, #tpu.memory_space<hbm>>
    %dma_start3A_1480 = tpu.memref_slice %arg4[%add3A, %add3A_1473] : memref<8x524288xf32, #tpu.memory_space<hbm>> -> memref<1x16384xf32, #tpu.memory_space<hbm>>
    %dma_start3A_1481 = tpu.memref_squeeze %dma_start3A_1480 : memref<1x16384xf32, #tpu.memory_space<hbm>> -> memref<16384xf32, #tpu.memory_space<hbm>>
    %dma_start3A_1482 = arith.constant 0 : i32
    %dma_start3A_1483 = tpu.memref_slice %arg6[%dma_start3A_1474, %dma_start3A_1482] : memref<2x16384xf32, #tpu.memory_space<vmem>> -> memref<1x16384xf32, #tpu.memory_space<vmem>>
    %dma_start3A_1484 = tpu.memref_squeeze %dma_start3A_1483 : memref<1x16384xf32, #tpu.memory_space<vmem>> -> memref<16384xf32, #tpu.memory_space<vmem>>
    tpu.enqueue_dma source(%dma_start3A_1484 : memref<16384xf32, #tpu.memory_space<vmem>>) target(%dma_start3A_1481 : memref<16384xf32, #tpu.memory_space<hbm>>) target_semaphore(%arg17 : memref<!tpu.dma_semaphore, #tpu.memory_space<semaphore_mem>>)
    %add3A_1485 = arith.constant 114688 : i32
    %add3A_1486 = arith.addi %mul3A_32, %add3A_1485 : i32
    %dma_start3A_1487 = arith.constant 1 : i32
    %dma_start3A_1488 = arith.constant 0 : i32
    %dma_start3A_1489 = tpu.memref_slice %arg5[%dma_start3A_1487, %dma_start3A_1488] : memref<2x16384xi32, #tpu.memory_space<vmem>> -> memref<1x16384xi32, #tpu.memory_space<vmem>>
    %dma_start3A_1490 = tpu.memref_squeeze %dma_start3A_1489 : memref<1x16384xi32, #tpu.memory_space<vmem>> -> memref<16384xi32, #tpu.memory_space<vmem>>
    %dma_start3A_1491 = tpu.memref_slice %arg2[%add3A, %add3A_1486] : memref<8x524288xi32, #tpu.memory_space<hbm>> -> memref<1x16384xi32, #tpu.memory_space<hbm>>
    %dma_start3A_1492 = tpu.memref_squeeze %dma_start3A_1491 : memref<1x16384xi32, #tpu.memory_space<hbm>> -> memref<16384xi32, #tpu.memory_space<hbm>>
    %dma_start3A_1493 = arith.constant 0 : i32
    %dma_start3A_1494 = tpu.memref_slice %arg5[%dma_start3A_1487, %dma_start3A_1493] : memref<2x16384xi32, #tpu.memory_space<vmem>> -> memref<1x16384xi32, #tpu.memory_space<vmem>>
    %dma_start3A_1495 = tpu.memref_squeeze %dma_start3A_1494 : memref<1x16384xi32, #tpu.memory_space<vmem>> -> memref<16384xi32, #tpu.memory_space<vmem>>
    %dma_start3A_1496 = tpu.memref_slice %arg2[%add3A, %add3A_1486] : memref<8x524288xi32, #tpu.memory_space<hbm>> -> memref<1x16384xi32, #tpu.memory_space<hbm>>
    %dma_start3A_1497 = tpu.memref_squeeze %dma_start3A_1496 : memref<1x16384xi32, #tpu.memory_space<hbm>> -> memref<16384xi32, #tpu.memory_space<hbm>>
    tpu.enqueue_dma source(%dma_start3A_1497 : memref<16384xi32, #tpu.memory_space<hbm>>) target(%dma_start3A_1495 : memref<16384xi32, #tpu.memory_space<vmem>>) target_semaphore(%arg15 : memref<!tpu.dma_semaphore, #tpu.memory_space<semaphore_mem>>)
    %dma_wait3A_1498 = arith.constant 0 : i32
    %dma_wait3A_1499 = arith.constant 0 : i32
    %dma_wait3A_1500 = tpu.memref_slice %arg5[%dma_wait3A_1498, %dma_wait3A_1499] : memref<2x16384xi32, #tpu.memory_space<vmem>> -> memref<1x16384xi32, #tpu.memory_space<vmem>>
    %dma_wait3A_1501 = tpu.memref_squeeze %dma_wait3A_1500 : memref<1x16384xi32, #tpu.memory_space<vmem>> -> memref<16384xi32, #tpu.memory_space<vmem>>
    %dma_wait3A_1502 = tpu.memref_slice %arg2[%add3A, %add3A_1432] : memref<8x524288xi32, #tpu.memory_space<hbm>> -> memref<1x16384xi32, #tpu.memory_space<hbm>>
    %dma_wait3A_1503 = tpu.memref_squeeze %dma_wait3A_1502 : memref<1x16384xi32, #tpu.memory_space<hbm>> -> memref<16384xi32, #tpu.memory_space<hbm>>
    %dma_wait3A_1504 = arith.constant 0 : i32
    %dma_wait3A_1505 = tpu.memref_slice %arg5[%dma_wait3A_1498, %dma_wait3A_1504] : memref<2x16384xi32, #tpu.memory_space<vmem>> -> memref<1x16384xi32, #tpu.memory_space<vmem>>
    %dma_wait3A_1506 = tpu.memref_squeeze %dma_wait3A_1505 : memref<1x16384xi32, #tpu.memory_space<vmem>> -> memref<16384xi32, #tpu.memory_space<vmem>>
    %dma_wait3A_1507 = tpu.memref_slice %arg2[%add3A, %add3A_1432] : memref<8x524288xi32, #tpu.memory_space<hbm>> -> memref<1x16384xi32, #tpu.memory_space<hbm>>
    %dma_wait3A_1508 = tpu.memref_squeeze %dma_wait3A_1507 : memref<1x16384xi32, #tpu.memory_space<hbm>> -> memref<16384xi32, #tpu.memory_space<hbm>>
    tpu.wait_dma2 semaphore(%arg14 : memref<!tpu.dma_semaphore, #tpu.memory_space<semaphore_mem>>) src(%dma_wait3A_1508 : memref<16384xi32, #tpu.memory_space<hbm>>) dst(%dma_wait3A_1506 : memref<16384xi32, #tpu.memory_space<vmem>>)
    %dma_wait3A_1509 = arith.constant 0 : i32
    %dma_wait3A_1510 = arith.constant 0 : i32
    %dma_wait3A_1511 = tpu.memref_slice %arg6[%dma_wait3A_1509, %dma_wait3A_1510] : memref<2x16384xf32, #tpu.memory_space<vmem>> -> memref<1x16384xf32, #tpu.memory_space<vmem>>
    %dma_wait3A_1512 = tpu.memref_squeeze %dma_wait3A_1511 : memref<1x16384xf32, #tpu.memory_space<vmem>> -> memref<16384xf32, #tpu.memory_space<vmem>>
    %dma_wait3A_1513 = tpu.memref_slice %arg4[%add3A, %add3A_1419] : memref<8x524288xf32, #tpu.memory_space<hbm>> -> memref<1x16384xf32, #tpu.memory_space<hbm>>
    %dma_wait3A_1514 = tpu.memref_squeeze %dma_wait3A_1513 : memref<1x16384xf32, #tpu.memory_space<hbm>> -> memref<16384xf32, #tpu.memory_space<hbm>>
    %dma_wait3A_1515 = tpu.memref_slice %arg4[%add3A, %add3A_1419] : memref<8x524288xf32, #tpu.memory_space<hbm>> -> memref<1x16384xf32, #tpu.memory_space<hbm>>
    %dma_wait3A_1516 = tpu.memref_squeeze %dma_wait3A_1515 : memref<1x16384xf32, #tpu.memory_space<hbm>> -> memref<16384xf32, #tpu.memory_space<hbm>>
    %dma_wait3A_1517 = arith.constant 0 : i32
    %dma_wait3A_1518 = tpu.memref_slice %arg6[%dma_wait3A_1509, %dma_wait3A_1517] : memref<2x16384xf32, #tpu.memory_space<vmem>> -> memref<1x16384xf32, #tpu.memory_space<vmem>>
    %dma_wait3A_1519 = tpu.memref_squeeze %dma_wait3A_1518 : memref<1x16384xf32, #tpu.memory_space<vmem>> -> memref<16384xf32, #tpu.memory_space<vmem>>
    tpu.wait_dma2 semaphore(%arg16 : memref<!tpu.dma_semaphore, #tpu.memory_space<semaphore_mem>>) src(%dma_wait3A_1519 : memref<16384xf32, #tpu.memory_space<vmem>>) dst(%dma_wait3A_1516 : memref<16384xf32, #tpu.memory_space<hbm>>)
    %scan3A_1520 = arith.constant 0 : i32
    %scan3A_1521 = arith.constant 0 : i32
    %scan3A_1522 = arith.constant 128 : i32
    %scan3A_1523 = arith.addi %scan3A_1521, %scan3A_1522 : i32
    %scan3A_1524 = arith.constant 1 : i32
    scf.for %scan3A_1602 = %scan3A_1521 to %scan3A_1523 step %scan3A_1524  : i32 {
      %mul3A_1603 = arith.constant 128 : i32
      %mul3A_1604 = arith.muli %scan3A_1602, %mul3A_1603 : i32
      %add3A_1605 = arith.constant 0 : i32
      %add3A_1606 = arith.addi %mul3A_1604, %add3A_1605 : i32
      %mul3A_1607 = arith.constant 128 : i32
      %mul3A_1608 = arith.muli %scan3A_1602, %mul3A_1607 : i32
      %add3A_1609 = arith.constant 16 : i32
      %add3A_1610 = arith.addi %mul3A_1608, %add3A_1609 : i32
      %mul3A_1611 = arith.constant 128 : i32
      %mul3A_1612 = arith.muli %scan3A_1602, %mul3A_1611 : i32
      %add3A_1613 = arith.constant 32 : i32
      %add3A_1614 = arith.addi %mul3A_1612, %add3A_1613 : i32
      %mul3A_1615 = arith.constant 128 : i32
      %mul3A_1616 = arith.muli %scan3A_1602, %mul3A_1615 : i32
      %add3A_1617 = arith.constant 48 : i32
      %add3A_1618 = arith.addi %mul3A_1616, %add3A_1617 : i32
      %mul3A_1619 = arith.constant 128 : i32
      %mul3A_1620 = arith.muli %scan3A_1602, %mul3A_1619 : i32
      %add3A_1621 = arith.constant 64 : i32
      %add3A_1622 = arith.addi %mul3A_1620, %add3A_1621 : i32
      %mul3A_1623 = arith.constant 128 : i32
      %mul3A_1624 = arith.muli %scan3A_1602, %mul3A_1623 : i32
      %add3A_1625 = arith.constant 80 : i32
      %add3A_1626 = arith.addi %mul3A_1624, %add3A_1625 : i32
      %mul3A_1627 = arith.constant 128 : i32
      %mul3A_1628 = arith.muli %scan3A_1602, %mul3A_1627 : i32
      %add3A_1629 = arith.constant 96 : i32
      %add3A_1630 = arith.addi %mul3A_1628, %add3A_1629 : i32
      %mul3A_1631 = arith.constant 128 : i32
      %mul3A_1632 = arith.muli %scan3A_1602, %mul3A_1631 : i32
      %add3A_1633 = arith.constant 112 : i32
      %add3A_1634 = arith.addi %mul3A_1632, %add3A_1633 : i32
      %get3A_1635 = arith.constant 0 : i32
      %get3A_1636 = arith.index_cast %get3A_1635 : i32 to index
      %get3A_1637 = arith.index_cast %add3A_1606 : i32 to index
      %get3A_1638 = tpu.vector_load %arg5[%get3A_1636, %get3A_1637] {strides = array<i32>} : memref<2x16384xi32, #tpu.memory_space<vmem>>, vector<16xi32>,
      %sub3A_1639 = vector.broadcast %mul3A_1171 : i32 to vector<16xi32>
      %sub3A_1640 = arith.subi %get3A_1638, %sub3A_1639 : vector<16xi32>
      %get3A_1641 = arith.constant 0 : i32
      %get3A_1642 = arith.index_cast %get3A_1641 : i32 to index
      %get3A_1643 = arith.index_cast %add3A_1610 : i32 to index
      %get3A_1644 = tpu.vector_load %arg5[%get3A_1642, %get3A_1643] {strides = array<i32>} : memref<2x16384xi32, #tpu.memory_space<vmem>>, vector<16xi32>,
      %sub3A_1645 = vector.broadcast %mul3A_1171 : i32 to vector<16xi32>
      %sub3A_1646 = arith.subi %get3A_1644, %sub3A_1645 : vector<16xi32>
      %get3A_1647 = arith.constant 0 : i32
      %get3A_1648 = arith.index_cast %get3A_1647 : i32 to index
      %get3A_1649 = arith.index_cast %add3A_1614 : i32 to index
      %get3A_1650 = tpu.vector_load %arg5[%get3A_1648, %get3A_1649] {strides = array<i32>} : memref<2x16384xi32, #tpu.memory_space<vmem>>, vector<16xi32>,
      %sub3A_1651 = vector.broadcast %mul3A_1171 : i32 to vector<16xi32>
      %sub3A_1652 = arith.subi %get3A_1650, %sub3A_1651 : vector<16xi32>
      %get3A_1653 = arith.constant 0 : i32
      %get3A_1654 = arith.index_cast %get3A_1653 : i32 to index
      %get3A_1655 = arith.index_cast %add3A_1618 : i32 to index
      %get3A_1656 = tpu.vector_load %arg5[%get3A_1654, %get3A_1655] {strides = array<i32>} : memref<2x16384xi32, #tpu.memory_space<vmem>>, vector<16xi32>,
      %sub3A_1657 = vector.broadcast %mul3A_1171 : i32 to vector<16xi32>
      %sub3A_1658 = arith.subi %get3A_1656, %sub3A_1657 : vector<16xi32>
      %get3A_1659 = arith.constant 0 : i32
      %get3A_1660 = arith.index_cast %get3A_1659 : i32 to index
      %get3A_1661 = arith.index_cast %add3A_1622 : i32 to index
      %get3A_1662 = tpu.vector_load %arg5[%get3A_1660, %get3A_1661] {strides = array<i32>} : memref<2x16384xi32, #tpu.memory_space<vmem>>, vector<16xi32>,
      %sub3A_1663 = vector.broadcast %mul3A_1171 : i32 to vector<16xi32>
      %sub3A_1664 = arith.subi %get3A_1662, %sub3A_1663 : vector<16xi32>
      %get3A_1665 = arith.constant 0 : i32
      %get3A_1666 = arith.index_cast %get3A_1665 : i32 to index
      %get3A_1667 = arith.index_cast %add3A_1626 : i32 to index
      %get3A_1668 = tpu.vector_load %arg5[%get3A_1666, %get3A_1667] {strides = array<i32>} : memref<2x16384xi32, #tpu.memory_space<vmem>>, vector<16xi32>,
      %sub3A_1669 = vector.broadcast %mul3A_1171 : i32 to vector<16xi32>
      %sub3A_1670 = arith.subi %get3A_1668, %sub3A_1669 : vector<16xi32>
      %get3A_1671 = arith.constant 0 : i32
      %get3A_1672 = arith.index_cast %get3A_1671 : i32 to index
      %get3A_1673 = arith.index_cast %add3A_1630 : i32 to index
      %get3A_1674 = tpu.vector_load %arg5[%get3A_1672, %get3A_1673] {strides = array<i32>} : memref<2x16384xi32, #tpu.memory_space<vmem>>, vector<16xi32>,
      %sub3A_1675 = vector.broadcast %mul3A_1171 : i32 to vector<16xi32>
      %sub3A_1676 = arith.subi %get3A_1674, %sub3A_1675 : vector<16xi32>
      %get3A_1677 = arith.constant 0 : i32
      %get3A_1678 = arith.index_cast %get3A_1677 : i32 to index
      %get3A_1679 = arith.index_cast %add3A_1634 : i32 to index
      %get3A_1680 = tpu.vector_load %arg5[%get3A_1678, %get3A_1679] {strides = array<i32>} : memref<2x16384xi32, #tpu.memory_space<vmem>>, vector<16xi32>,
      %sub3A_1681 = vector.broadcast %mul3A_1171 : i32 to vector<16xi32>
      %sub3A_1682 = arith.subi %get3A_1680, %sub3A_1681 : vector<16xi32>
      %gather3A = tpu.vector_load_idx %arg11[%sub3A_1640] : memref<4096xf32, #tpu.memory_space<vmem>>[vector<16xi32>], vector<16xf32>,
      %gather3A_1683 = tpu.vector_load_idx %arg11[%sub3A_1646] : memref<4096xf32, #tpu.memory_space<vmem>>[vector<16xi32>], vector<16xf32>,
      %gather3A_1684 = tpu.vector_load_idx %arg11[%sub3A_1652] : memref<4096xf32, #tpu.memory_space<vmem>>[vector<16xi32>], vector<16xf32>,
      %gather3A_1685 = tpu.vector_load_idx %arg11[%sub3A_1658] : memref<4096xf32, #tpu.memory_space<vmem>>[vector<16xi32>], vector<16xf32>,
      %gather3A_1686 = tpu.vector_load_idx %arg11[%sub3A_1664] : memref<4096xf32, #tpu.memory_space<vmem>>[vector<16xi32>], vector<16xf32>,
      %gather3A_1687 = tpu.vector_load_idx %arg11[%sub3A_1670] : memref<4096xf32, #tpu.memory_space<vmem>>[vector<16xi32>], vector<16xf32>,
      %gather3A_1688 = tpu.vector_load_idx %arg11[%sub3A_1676] : memref<4096xf32, #tpu.memory_space<vmem>>[vector<16xi32>], vector<16xf32>,
      %gather3A_1689 = tpu.vector_load_idx %arg11[%sub3A_1682] : memref<4096xf32, #tpu.memory_space<vmem>>[vector<16xi32>], vector<16xf32>,
      %swap3A_1690 = arith.constant 0 : i32
      %swap3A_1691 = arith.index_cast %swap3A_1690 : i32 to index
      %swap3A_1692 = arith.index_cast %add3A_1606 : i32 to index
      %swap3A_1693 = tpu.vector_load %arg6[%swap3A_1691, %swap3A_1692] {strides = array<i32>} : memref<2x16384xf32, #tpu.memory_space<vmem>>, vector<16xf32>,
      tpu.vector_store %arg6[%swap3A_1691, %swap3A_1692], %gather3A {strides = array<i32>} : memref<2x16384xf32, #tpu.memory_space<vmem>>, vector<16xf32>,
      %swap3A_1694 = arith.constant 0 : i32
      %swap3A_1695 = arith.index_cast %swap3A_1694 : i32 to index
      %swap3A_1696 = arith.index_cast %add3A_1610 : i32 to index
      %swap3A_1697 = tpu.vector_load %arg6[%swap3A_1695, %swap3A_1696] {strides = array<i32>} : memref<2x16384xf32, #tpu.memory_space<vmem>>, vector<16xf32>,
      tpu.vector_store %arg6[%swap3A_1695, %swap3A_1696], %gather3A_1683 {strides = array<i32>} : memref<2x16384xf32, #tpu.memory_space<vmem>>, vector<16xf32>,
      %swap3A_1698 = arith.constant 0 : i32
      %swap3A_1699 = arith.index_cast %swap3A_1698 : i32 to index
      %swap3A_1700 = arith.index_cast %add3A_1614 : i32 to index
      %swap3A_1701 = tpu.vector_load %arg6[%swap3A_1699, %swap3A_1700] {strides = array<i32>} : memref<2x16384xf32, #tpu.memory_space<vmem>>, vector<16xf32>,
      tpu.vector_store %arg6[%swap3A_1699, %swap3A_1700], %gather3A_1684 {strides = array<i32>} : memref<2x16384xf32, #tpu.memory_space<vmem>>, vector<16xf32>,
      %swap3A_1702 = arith.constant 0 : i32
      %swap3A_1703 = arith.index_cast %swap3A_1702 : i32 to index
      %swap3A_1704 = arith.index_cast %add3A_1618 : i32 to index
      %swap3A_1705 = tpu.vector_load %arg6[%swap3A_1703, %swap3A_1704] {strides = array<i32>} : memref<2x16384xf32, #tpu.memory_space<vmem>>, vector<16xf32>,
      tpu.vector_store %arg6[%swap3A_1703, %swap3A_1704], %gather3A_1685 {strides = array<i32>} : memref<2x16384xf32, #tpu.memory_space<vmem>>, vector<16xf32>,
      %swap3A_1706 = arith.constant 0 : i32
      %swap3A_1707 = arith.index_cast %swap3A_1706 : i32 to index
      %swap3A_1708 = arith.index_cast %add3A_1622 : i32 to index
      %swap3A_1709 = tpu.vector_load %arg6[%swap3A_1707, %swap3A_1708] {strides = array<i32>} : memref<2x16384xf32, #tpu.memory_space<vmem>>, vector<16xf32>,
      tpu.vector_store %arg6[%swap3A_1707, %swap3A_1708], %gather3A_1686 {strides = array<i32>} : memref<2x16384xf32, #tpu.memory_space<vmem>>, vector<16xf32>,
      %swap3A_1710 = arith.constant 0 : i32
      %swap3A_1711 = arith.index_cast %swap3A_1710 : i32 to index
      %swap3A_1712 = arith.index_cast %add3A_1626 : i32 to index
      %swap3A_1713 = tpu.vector_load %arg6[%swap3A_1711, %swap3A_1712] {strides = array<i32>} : memref<2x16384xf32, #tpu.memory_space<vmem>>, vector<16xf32>,
      tpu.vector_store %arg6[%swap3A_1711, %swap3A_1712], %gather3A_1687 {strides = array<i32>} : memref<2x16384xf32, #tpu.memory_space<vmem>>, vector<16xf32>,
      %swap3A_1714 = arith.constant 0 : i32
      %swap3A_1715 = arith.index_cast %swap3A_1714 : i32 to index
      %swap3A_1716 = arith.index_cast %add3A_1630 : i32 to index
      %swap3A_1717 = tpu.vector_load %arg6[%swap3A_1715, %swap3A_1716] {strides = array<i32>} : memref<2x16384xf32, #tpu.memory_space<vmem>>, vector<16xf32>,
      tpu.vector_store %arg6[%swap3A_1715, %swap3A_1716], %gather3A_1688 {strides = array<i32>} : memref<2x16384xf32, #tpu.memory_space<vmem>>, vector<16xf32>,
      %swap3A_1718 = arith.constant 0 : i32
      %swap3A_1719 = arith.index_cast %swap3A_1718 : i32 to index
      %swap3A_1720 = arith.index_cast %add3A_1634 : i32 to index
      %swap3A_1721 = tpu.vector_load %arg6[%swap3A_1719, %swap3A_1720] {strides = array<i32>} : memref<2x16384xf32, #tpu.memory_space<vmem>>, vector<16xf32>,
      tpu.vector_store %arg6[%swap3A_1719, %swap3A_1720], %gather3A_1689 {strides = array<i32>} : memref<2x16384xf32, #tpu.memory_space<vmem>>, vector<16xf32>,
    }
    %scan3A_1525 = arith.constant 128 : i32
    %add3A_1526 = arith.constant 98304 : i32
    %add3A_1527 = arith.addi %mul3A_32, %add3A_1526 : i32
    %dma_start3A_1528 = arith.constant 0 : i32
    %dma_start3A_1529 = arith.constant 0 : i32
    %dma_start3A_1530 = tpu.memref_slice %arg6[%dma_start3A_1528, %dma_start3A_1529] : memref<2x16384xf32, #tpu.memory_space<vmem>> -> memref<1x16384xf32, #tpu.memory_space<vmem>>
    %dma_start3A_1531 = tpu.memref_squeeze %dma_start3A_1530 : memref<1x16384xf32, #tpu.memory_space<vmem>> -> memref<16384xf32, #tpu.memory_space<vmem>>
    %dma_start3A_1532 = tpu.memref_slice %arg4[%add3A, %add3A_1527] : memref<8x524288xf32, #tpu.memory_space<hbm>> -> memref<1x16384xf32, #tpu.memory_space<hbm>>
    %dma_start3A_1533 = tpu.memref_squeeze %dma_start3A_1532 : memref<1x16384xf32, #tpu.memory_space<hbm>> -> memref<16384xf32, #tpu.memory_space<hbm>>
    %dma_start3A_1534 = tpu.memref_slice %arg4[%add3A, %add3A_1527] : memref<8x524288xf32, #tpu.memory_space<hbm>> -> memref<1x16384xf32, #tpu.memory_space<hbm>>
    %dma_start3A_1535 = tpu.memref_squeeze %dma_start3A_1534 : memref<1x16384xf32, #tpu.memory_space<hbm>> -> memref<16384xf32, #tpu.memory_space<hbm>>
    %dma_start3A_1536 = arith.constant 0 : i32
    %dma_start3A_1537 = tpu.memref_slice %arg6[%dma_start3A_1528, %dma_start3A_1536] : memref<2x16384xf32, #tpu.memory_space<vmem>> -> memref<1x16384xf32, #tpu.memory_space<vmem>>
    %dma_start3A_1538 = tpu.memref_squeeze %dma_start3A_1537 : memref<1x16384xf32, #tpu.memory_space<vmem>> -> memref<16384xf32, #tpu.memory_space<vmem>>
    tpu.enqueue_dma source(%dma_start3A_1538 : memref<16384xf32, #tpu.memory_space<vmem>>) target(%dma_start3A_1535 : memref<16384xf32, #tpu.memory_space<hbm>>) target_semaphore(%arg16 : memref<!tpu.dma_semaphore, #tpu.memory_space<semaphore_mem>>)
    %dma_wait3A_1539 = arith.constant 1 : i32
    %dma_wait3A_1540 = arith.constant 0 : i32
    %dma_wait3A_1541 = tpu.memref_slice %arg5[%dma_wait3A_1539, %dma_wait3A_1540] : memref<2x16384xi32, #tpu.memory_space<vmem>> -> memref<1x16384xi32, #tpu.memory_space<vmem>>
    %dma_wait3A_1542 = tpu.memref_squeeze %dma_wait3A_1541 : memref<1x16384xi32, #tpu.memory_space<vmem>> -> memref<16384xi32, #tpu.memory_space<vmem>>
    %dma_wait3A_1543 = tpu.memref_slice %arg2[%add3A, %add3A_1486] : memref<8x524288xi32, #tpu.memory_space<hbm>> -> memref<1x16384xi32, #tpu.memory_space<hbm>>
    %dma_wait3A_1544 = tpu.memref_squeeze %dma_wait3A_1543 : memref<1x16384xi32, #tpu.memory_space<hbm>> -> memref<16384xi32, #tpu.memory_space<hbm>>
    %dma_wait3A_1545 = arith.constant 0 : i32
    %dma_wait3A_1546 = tpu.memref_slice %arg5[%dma_wait3A_1539, %dma_wait3A_1545] : memref<2x16384xi32, #tpu.memory_space<vmem>> -> memref<1x16384xi32, #tpu.memory_space<vmem>>
    %dma_wait3A_1547 = tpu.memref_squeeze %dma_wait3A_1546 : memref<1x16384xi32, #tpu.memory_space<vmem>> -> memref<16384xi32, #tpu.memory_space<vmem>>
    %dma_wait3A_1548 = tpu.memref_slice %arg2[%add3A, %add3A_1486] : memref<8x524288xi32, #tpu.memory_space<hbm>> -> memref<1x16384xi32, #tpu.memory_space<hbm>>
    %dma_wait3A_1549 = tpu.memref_squeeze %dma_wait3A_1548 : memref<1x16384xi32, #tpu.memory_space<hbm>> -> memref<16384xi32, #tpu.memory_space<hbm>>
    tpu.wait_dma2 semaphore(%arg15 : memref<!tpu.dma_semaphore, #tpu.memory_space<semaphore_mem>>) src(%dma_wait3A_1549 : memref<16384xi32, #tpu.memory_space<hbm>>) dst(%dma_wait3A_1547 : memref<16384xi32, #tpu.memory_space<vmem>>)
    %dma_wait3A_1550 = arith.constant 1 : i32
    %dma_wait3A_1551 = arith.constant 0 : i32
    %dma_wait3A_1552 = tpu.memref_slice %arg6[%dma_wait3A_1550, %dma_wait3A_1551] : memref<2x16384xf32, #tpu.memory_space<vmem>> -> memref<1x16384xf32, #tpu.memory_space<vmem>>
    %dma_wait3A_1553 = tpu.memref_squeeze %dma_wait3A_1552 : memref<1x16384xf32, #tpu.memory_space<vmem>> -> memref<16384xf32, #tpu.memory_space<vmem>>
    %dma_wait3A_1554 = tpu.memref_slice %arg4[%add3A, %add3A_1473] : memref<8x524288xf32, #tpu.memory_space<hbm>> -> memref<1x16384xf32, #tpu.memory_space<hbm>>
    %dma_wait3A_1555 = tpu.memref_squeeze %dma_wait3A_1554 : memref<1x16384xf32, #tpu.memory_space<hbm>> -> memref<16384xf32, #tpu.memory_space<hbm>>
    %dma_wait3A_1556 = tpu.memref_slice %arg4[%add3A, %add3A_1473] : memref<8x524288xf32, #tpu.memory_space<hbm>> -> memref<1x16384xf32, #tpu.memory_space<hbm>>
    %dma_wait3A_1557 = tpu.memref_squeeze %dma_wait3A_1556 : memref<1x16384xf32, #tpu.memory_space<hbm>> -> memref<16384xf32, #tpu.memory_space<hbm>>
    %dma_wait3A_1558 = arith.constant 0 : i32
    %dma_wait3A_1559 = tpu.memref_slice %arg6[%dma_wait3A_1550, %dma_wait3A_1558] : memref<2x16384xf32, #tpu.memory_space<vmem>> -> memref<1x16384xf32, #tpu.memory_space<vmem>>
    %dma_wait3A_1560 = tpu.memref_squeeze %dma_wait3A_1559 : memref<1x16384xf32, #tpu.memory_space<vmem>> -> memref<16384xf32, #tpu.memory_space<vmem>>
    tpu.wait_dma2 semaphore(%arg17 : memref<!tpu.dma_semaphore, #tpu.memory_space<semaphore_mem>>) src(%dma_wait3A_1560 : memref<16384xf32, #tpu.memory_space<vmem>>) dst(%dma_wait3A_1557 : memref<16384xf32, #tpu.memory_space<hbm>>)
    %scan3A_1561 = arith.constant 0 : i32
    %scan3A_1562 = arith.constant 0 : i32
    %scan3A_1563 = arith.constant 128 : i32
    %scan3A_1564 = arith.addi %scan3A_1562, %scan3A_1563 : i32
    %scan3A_1565 = arith.constant 1 : i32
    scf.for %scan3A_1602 = %scan3A_1562 to %scan3A_1564 step %scan3A_1565  : i32 {
      %mul3A_1603 = arith.constant 128 : i32
      %mul3A_1604 = arith.muli %scan3A_1602, %mul3A_1603 : i32
      %add3A_1605 = arith.constant 0 : i32
      %add3A_1606 = arith.addi %mul3A_1604, %add3A_1605 : i32
      %mul3A_1607 = arith.constant 128 : i32
      %mul3A_1608 = arith.muli %scan3A_1602, %mul3A_1607 : i32
      %add3A_1609 = arith.constant 16 : i32
      %add3A_1610 = arith.addi %mul3A_1608, %add3A_1609 : i32
      %mul3A_1611 = arith.constant 128 : i32
      %mul3A_1612 = arith.muli %scan3A_1602, %mul3A_1611 : i32
      %add3A_1613 = arith.constant 32 : i32
      %add3A_1614 = arith.addi %mul3A_1612, %add3A_1613 : i32
      %mul3A_1615 = arith.constant 128 : i32
      %mul3A_1616 = arith.muli %scan3A_1602, %mul3A_1615 : i32
      %add3A_1617 = arith.constant 48 : i32
      %add3A_1618 = arith.addi %mul3A_1616, %add3A_1617 : i32
      %mul3A_1619 = arith.constant 128 : i32
      %mul3A_1620 = arith.muli %scan3A_1602, %mul3A_1619 : i32
      %add3A_1621 = arith.constant 64 : i32
      %add3A_1622 = arith.addi %mul3A_1620, %add3A_1621 : i32
      %mul3A_1623 = arith.constant 128 : i32
      %mul3A_1624 = arith.muli %scan3A_1602, %mul3A_1623 : i32
      %add3A_1625 = arith.constant 80 : i32
      %add3A_1626 = arith.addi %mul3A_1624, %add3A_1625 : i32
      %mul3A_1627 = arith.constant 128 : i32
      %mul3A_1628 = arith.muli %scan3A_1602, %mul3A_1627 : i32
      %add3A_1629 = arith.constant 96 : i32
      %add3A_1630 = arith.addi %mul3A_1628, %add3A_1629 : i32
      %mul3A_1631 = arith.constant 128 : i32
      %mul3A_1632 = arith.muli %scan3A_1602, %mul3A_1631 : i32
      %add3A_1633 = arith.constant 112 : i32
      %add3A_1634 = arith.addi %mul3A_1632, %add3A_1633 : i32
      %get3A_1635 = arith.constant 1 : i32
      %get3A_1636 = arith.index_cast %get3A_1635 : i32 to index
      %get3A_1637 = arith.index_cast %add3A_1606 : i32 to index
      %get3A_1638 = tpu.vector_load %arg5[%get3A_1636, %get3A_1637] {strides = array<i32>} : memref<2x16384xi32, #tpu.memory_space<vmem>>, vector<16xi32>,
      %sub3A_1639 = vector.broadcast %mul3A_1171 : i32 to vector<16xi32>
      %sub3A_1640 = arith.subi %get3A_1638, %sub3A_1639 : vector<16xi32>
      %get3A_1641 = arith.constant 1 : i32
      %get3A_1642 = arith.index_cast %get3A_1641 : i32 to index
      %get3A_1643 = arith.index_cast %add3A_1610 : i32 to index
      %get3A_1644 = tpu.vector_load %arg5[%get3A_1642, %get3A_1643] {strides = array<i32>} : memref<2x16384xi32, #tpu.memory_space<vmem>>, vector<16xi32>,
      %sub3A_1645 = vector.broadcast %mul3A_1171 : i32 to vector<16xi32>
      %sub3A_1646 = arith.subi %get3A_1644, %sub3A_1645 : vector<16xi32>
      %get3A_1647 = arith.constant 1 : i32
      %get3A_1648 = arith.index_cast %get3A_1647 : i32 to index
      %get3A_1649 = arith.index_cast %add3A_1614 : i32 to index
      %get3A_1650 = tpu.vector_load %arg5[%get3A_1648, %get3A_1649] {strides = array<i32>} : memref<2x16384xi32, #tpu.memory_space<vmem>>, vector<16xi32>,
      %sub3A_1651 = vector.broadcast %mul3A_1171 : i32 to vector<16xi32>
      %sub3A_1652 = arith.subi %get3A_1650, %sub3A_1651 : vector<16xi32>
      %get3A_1653 = arith.constant 1 : i32
      %get3A_1654 = arith.index_cast %get3A_1653 : i32 to index
      %get3A_1655 = arith.index_cast %add3A_1618 : i32 to index
      %get3A_1656 = tpu.vector_load %arg5[%get3A_1654, %get3A_1655] {strides = array<i32>} : memref<2x16384xi32, #tpu.memory_space<vmem>>, vector<16xi32>,
      %sub3A_1657 = vector.broadcast %mul3A_1171 : i32 to vector<16xi32>
      %sub3A_1658 = arith.subi %get3A_1656, %sub3A_1657 : vector<16xi32>
      %get3A_1659 = arith.constant 1 : i32
      %get3A_1660 = arith.index_cast %get3A_1659 : i32 to index
      %get3A_1661 = arith.index_cast %add3A_1622 : i32 to index
      %get3A_1662 = tpu.vector_load %arg5[%get3A_1660, %get3A_1661] {strides = array<i32>} : memref<2x16384xi32, #tpu.memory_space<vmem>>, vector<16xi32>,
      %sub3A_1663 = vector.broadcast %mul3A_1171 : i32 to vector<16xi32>
      %sub3A_1664 = arith.subi %get3A_1662, %sub3A_1663 : vector<16xi32>
      %get3A_1665 = arith.constant 1 : i32
      %get3A_1666 = arith.index_cast %get3A_1665 : i32 to index
      %get3A_1667 = arith.index_cast %add3A_1626 : i32 to index
      %get3A_1668 = tpu.vector_load %arg5[%get3A_1666, %get3A_1667] {strides = array<i32>} : memref<2x16384xi32, #tpu.memory_space<vmem>>, vector<16xi32>,
      %sub3A_1669 = vector.broadcast %mul3A_1171 : i32 to vector<16xi32>
      %sub3A_1670 = arith.subi %get3A_1668, %sub3A_1669 : vector<16xi32>
      %get3A_1671 = arith.constant 1 : i32
      %get3A_1672 = arith.index_cast %get3A_1671 : i32 to index
      %get3A_1673 = arith.index_cast %add3A_1630 : i32 to index
      %get3A_1674 = tpu.vector_load %arg5[%get3A_1672, %get3A_1673] {strides = array<i32>} : memref<2x16384xi32, #tpu.memory_space<vmem>>, vector<16xi32>,
      %sub3A_1675 = vector.broadcast %mul3A_1171 : i32 to vector<16xi32>
      %sub3A_1676 = arith.subi %get3A_1674, %sub3A_1675 : vector<16xi32>
      %get3A_1677 = arith.constant 1 : i32
      %get3A_1678 = arith.index_cast %get3A_1677 : i32 to index
      %get3A_1679 = arith.index_cast %add3A_1634 : i32 to index
      %get3A_1680 = tpu.vector_load %arg5[%get3A_1678, %get3A_1679] {strides = array<i32>} : memref<2x16384xi32, #tpu.memory_space<vmem>>, vector<16xi32>,
      %sub3A_1681 = vector.broadcast %mul3A_1171 : i32 to vector<16xi32>
      %sub3A_1682 = arith.subi %get3A_1680, %sub3A_1681 : vector<16xi32>
      %gather3A = tpu.vector_load_idx %arg11[%sub3A_1640] : memref<4096xf32, #tpu.memory_space<vmem>>[vector<16xi32>], vector<16xf32>,
      %gather3A_1683 = tpu.vector_load_idx %arg11[%sub3A_1646] : memref<4096xf32, #tpu.memory_space<vmem>>[vector<16xi32>], vector<16xf32>,
      %gather3A_1684 = tpu.vector_load_idx %arg11[%sub3A_1652] : memref<4096xf32, #tpu.memory_space<vmem>>[vector<16xi32>], vector<16xf32>,
      %gather3A_1685 = tpu.vector_load_idx %arg11[%sub3A_1658] : memref<4096xf32, #tpu.memory_space<vmem>>[vector<16xi32>], vector<16xf32>,
      %gather3A_1686 = tpu.vector_load_idx %arg11[%sub3A_1664] : memref<4096xf32, #tpu.memory_space<vmem>>[vector<16xi32>], vector<16xf32>,
      %gather3A_1687 = tpu.vector_load_idx %arg11[%sub3A_1670] : memref<4096xf32, #tpu.memory_space<vmem>>[vector<16xi32>], vector<16xf32>,
      %gather3A_1688 = tpu.vector_load_idx %arg11[%sub3A_1676] : memref<4096xf32, #tpu.memory_space<vmem>>[vector<16xi32>], vector<16xf32>,
      %gather3A_1689 = tpu.vector_load_idx %arg11[%sub3A_1682] : memref<4096xf32, #tpu.memory_space<vmem>>[vector<16xi32>], vector<16xf32>,
      %swap3A_1690 = arith.constant 1 : i32
      %swap3A_1691 = arith.index_cast %swap3A_1690 : i32 to index
      %swap3A_1692 = arith.index_cast %add3A_1606 : i32 to index
      %swap3A_1693 = tpu.vector_load %arg6[%swap3A_1691, %swap3A_1692] {strides = array<i32>} : memref<2x16384xf32, #tpu.memory_space<vmem>>, vector<16xf32>,
      tpu.vector_store %arg6[%swap3A_1691, %swap3A_1692], %gather3A {strides = array<i32>} : memref<2x16384xf32, #tpu.memory_space<vmem>>, vector<16xf32>,
      %swap3A_1694 = arith.constant 1 : i32
      %swap3A_1695 = arith.index_cast %swap3A_1694 : i32 to index
      %swap3A_1696 = arith.index_cast %add3A_1610 : i32 to index
      %swap3A_1697 = tpu.vector_load %arg6[%swap3A_1695, %swap3A_1696] {strides = array<i32>} : memref<2x16384xf32, #tpu.memory_space<vmem>>, vector<16xf32>,
      tpu.vector_store %arg6[%swap3A_1695, %swap3A_1696], %gather3A_1683 {strides = array<i32>} : memref<2x16384xf32, #tpu.memory_space<vmem>>, vector<16xf32>,
      %swap3A_1698 = arith.constant 1 : i32
      %swap3A_1699 = arith.index_cast %swap3A_1698 : i32 to index
      %swap3A_1700 = arith.index_cast %add3A_1614 : i32 to index
      %swap3A_1701 = tpu.vector_load %arg6[%swap3A_1699, %swap3A_1700] {strides = array<i32>} : memref<2x16384xf32, #tpu.memory_space<vmem>>, vector<16xf32>,
      tpu.vector_store %arg6[%swap3A_1699, %swap3A_1700], %gather3A_1684 {strides = array<i32>} : memref<2x16384xf32, #tpu.memory_space<vmem>>, vector<16xf32>,
      %swap3A_1702 = arith.constant 1 : i32
      %swap3A_1703 = arith.index_cast %swap3A_1702 : i32 to index
      %swap3A_1704 = arith.index_cast %add3A_1618 : i32 to index
      %swap3A_1705 = tpu.vector_load %arg6[%swap3A_1703, %swap3A_1704] {strides = array<i32>} : memref<2x16384xf32, #tpu.memory_space<vmem>>, vector<16xf32>,
      tpu.vector_store %arg6[%swap3A_1703, %swap3A_1704], %gather3A_1685 {strides = array<i32>} : memref<2x16384xf32, #tpu.memory_space<vmem>>, vector<16xf32>,
      %swap3A_1706 = arith.constant 1 : i32
      %swap3A_1707 = arith.index_cast %swap3A_1706 : i32 to index
      %swap3A_1708 = arith.index_cast %add3A_1622 : i32 to index
      %swap3A_1709 = tpu.vector_load %arg6[%swap3A_1707, %swap3A_1708] {strides = array<i32>} : memref<2x16384xf32, #tpu.memory_space<vmem>>, vector<16xf32>,
      tpu.vector_store %arg6[%swap3A_1707, %swap3A_1708], %gather3A_1686 {strides = array<i32>} : memref<2x16384xf32, #tpu.memory_space<vmem>>, vector<16xf32>,
      %swap3A_1710 = arith.constant 1 : i32
      %swap3A_1711 = arith.index_cast %swap3A_1710 : i32 to index
      %swap3A_1712 = arith.index_cast %add3A_1626 : i32 to index
      %swap3A_1713 = tpu.vector_load %arg6[%swap3A_1711, %swap3A_1712] {strides = array<i32>} : memref<2x16384xf32, #tpu.memory_space<vmem>>, vector<16xf32>,
      tpu.vector_store %arg6[%swap3A_1711, %swap3A_1712], %gather3A_1687 {strides = array<i32>} : memref<2x16384xf32, #tpu.memory_space<vmem>>, vector<16xf32>,
      %swap3A_1714 = arith.constant 1 : i32
      %swap3A_1715 = arith.index_cast %swap3A_1714 : i32 to index
      %swap3A_1716 = arith.index_cast %add3A_1630 : i32 to index
      %swap3A_1717 = tpu.vector_load %arg6[%swap3A_1715, %swap3A_1716] {strides = array<i32>} : memref<2x16384xf32, #tpu.memory_space<vmem>>, vector<16xf32>,
      tpu.vector_store %arg6[%swap3A_1715, %swap3A_1716], %gather3A_1688 {strides = array<i32>} : memref<2x16384xf32, #tpu.memory_space<vmem>>, vector<16xf32>,
      %swap3A_1718 = arith.constant 1 : i32
      %swap3A_1719 = arith.index_cast %swap3A_1718 : i32 to index
      %swap3A_1720 = arith.index_cast %add3A_1634 : i32 to index
      %swap3A_1721 = tpu.vector_load %arg6[%swap3A_1719, %swap3A_1720] {strides = array<i32>} : memref<2x16384xf32, #tpu.memory_space<vmem>>, vector<16xf32>,
      tpu.vector_store %arg6[%swap3A_1719, %swap3A_1720], %gather3A_1689 {strides = array<i32>} : memref<2x16384xf32, #tpu.memory_space<vmem>>, vector<16xf32>,
    }
    %scan3A_1566 = arith.constant 128 : i32
    %add3A_1567 = arith.constant 114688 : i32
    %add3A_1568 = arith.addi %mul3A_32, %add3A_1567 : i32
    %dma_start3A_1569 = arith.constant 1 : i32
    %dma_start3A_1570 = arith.constant 0 : i32
    %dma_start3A_1571 = tpu.memref_slice %arg6[%dma_start3A_1569, %dma_start3A_1570] : memref<2x16384xf32, #tpu.memory_space<vmem>> -> memref<1x16384xf32, #tpu.memory_space<vmem>>
    %dma_start3A_1572 = tpu.memref_squeeze %dma_start3A_1571 : memref<1x16384xf32, #tpu.memory_space<vmem>> -> memref<16384xf32, #tpu.memory_space<vmem>>
    %dma_start3A_1573 = tpu.memref_slice %arg4[%add3A, %add3A_1568] : memref<8x524288xf32, #tpu.memory_space<hbm>> -> memref<1x16384xf32, #tpu.memory_space<hbm>>
    %dma_start3A_1574 = tpu.memref_squeeze %dma_start3A_1573 : memref<1x16384xf32, #tpu.memory_space<hbm>> -> memref<16384xf32, #tpu.memory_space<hbm>>
    %dma_start3A_1575 = tpu.memref_slice %arg4[%add3A, %add3A_1568] : memref<8x524288xf32, #tpu.memory_space<hbm>> -> memref<1x16384xf32, #tpu.memory_space<hbm>>
    %dma_start3A_1576 = tpu.memref_squeeze %dma_start3A_1575 : memref<1x16384xf32, #tpu.memory_space<hbm>> -> memref<16384xf32, #tpu.memory_space<hbm>>
    %dma_start3A_1577 = arith.constant 0 : i32
    %dma_start3A_1578 = tpu.memref_slice %arg6[%dma_start3A_1569, %dma_start3A_1577] : memref<2x16384xf32, #tpu.memory_space<vmem>> -> memref<1x16384xf32, #tpu.memory_space<vmem>>
    %dma_start3A_1579 = tpu.memref_squeeze %dma_start3A_1578 : memref<1x16384xf32, #tpu.memory_space<vmem>> -> memref<16384xf32, #tpu.memory_space<vmem>>
    tpu.enqueue_dma source(%dma_start3A_1579 : memref<16384xf32, #tpu.memory_space<vmem>>) target(%dma_start3A_1576 : memref<16384xf32, #tpu.memory_space<hbm>>) target_semaphore(%arg17 : memref<!tpu.dma_semaphore, #tpu.memory_space<semaphore_mem>>)
    %dma_wait3A_1580 = arith.constant 0 : i32
    %dma_wait3A_1581 = arith.constant 0 : i32
    %dma_wait3A_1582 = tpu.memref_slice %arg6[%dma_wait3A_1580, %dma_wait3A_1581] : memref<2x16384xf32, #tpu.memory_space<vmem>> -> memref<1x16384xf32, #tpu.memory_space<vmem>>
    %dma_wait3A_1583 = tpu.memref_squeeze %dma_wait3A_1582 : memref<1x16384xf32, #tpu.memory_space<vmem>> -> memref<16384xf32, #tpu.memory_space<vmem>>
    %dma_wait3A_1584 = tpu.memref_slice %arg4[%add3A, %add3A_1527] : memref<8x524288xf32, #tpu.memory_space<hbm>> -> memref<1x16384xf32, #tpu.memory_space<hbm>>
    %dma_wait3A_1585 = tpu.memref_squeeze %dma_wait3A_1584 : memref<1x16384xf32, #tpu.memory_space<hbm>> -> memref<16384xf32, #tpu.memory_space<hbm>>
    %dma_wait3A_1586 = tpu.memref_slice %arg4[%add3A, %add3A_1527] : memref<8x524288xf32, #tpu.memory_space<hbm>> -> memref<1x16384xf32, #tpu.memory_space<hbm>>
    %dma_wait3A_1587 = tpu.memref_squeeze %dma_wait3A_1586 : memref<1x16384xf32, #tpu.memory_space<hbm>> -> memref<16384xf32, #tpu.memory_space<hbm>>
    %dma_wait3A_1588 = arith.constant 0 : i32
    %dma_wait3A_1589 = tpu.memref_slice %arg6[%dma_wait3A_1580, %dma_wait3A_1588] : memref<2x16384xf32, #tpu.memory_space<vmem>> -> memref<1x16384xf32, #tpu.memory_space<vmem>>
    %dma_wait3A_1590 = tpu.memref_squeeze %dma_wait3A_1589 : memref<1x16384xf32, #tpu.memory_space<vmem>> -> memref<16384xf32, #tpu.memory_space<vmem>>
    tpu.wait_dma2 semaphore(%arg16 : memref<!tpu.dma_semaphore, #tpu.memory_space<semaphore_mem>>) src(%dma_wait3A_1590 : memref<16384xf32, #tpu.memory_space<vmem>>) dst(%dma_wait3A_1587 : memref<16384xf32, #tpu.memory_space<hbm>>)
    %dma_wait3A_1591 = arith.constant 1 : i32
    %dma_wait3A_1592 = arith.constant 0 : i32
    %dma_wait3A_1593 = tpu.memref_slice %arg6[%dma_wait3A_1591, %dma_wait3A_1592] : memref<2x16384xf32, #tpu.memory_space<vmem>> -> memref<1x16384xf32, #tpu.memory_space<vmem>>
    %dma_wait3A_1594 = tpu.memref_squeeze %dma_wait3A_1593 : memref<1x16384xf32, #tpu.memory_space<vmem>> -> memref<16384xf32, #tpu.memory_space<vmem>>
    %dma_wait3A_1595 = tpu.memref_slice %arg4[%add3A, %add3A_1568] : memref<8x524288xf32, #tpu.memory_space<hbm>> -> memref<1x16384xf32, #tpu.memory_space<hbm>>
    %dma_wait3A_1596 = tpu.memref_squeeze %dma_wait3A_1595 : memref<1x16384xf32, #tpu.memory_space<hbm>> -> memref<16384xf32, #tpu.memory_space<hbm>>
    %dma_wait3A_1597 = tpu.memref_slice %arg4[%add3A, %add3A_1568] : memref<8x524288xf32, #tpu.memory_space<hbm>> -> memref<1x16384xf32, #tpu.memory_space<hbm>>
    %dma_wait3A_1598 = tpu.memref_squeeze %dma_wait3A_1597 : memref<1x16384xf32, #tpu.memory_space<hbm>> -> memref<16384xf32, #tpu.memory_space<hbm>>
    %dma_wait3A_1599 = arith.constant 0 : i32
    %dma_wait3A_1600 = tpu.memref_slice %arg6[%dma_wait3A_1591, %dma_wait3A_1599] : memref<2x16384xf32, #tpu.memory_space<vmem>> -> memref<1x16384xf32, #tpu.memory_space<vmem>>
    %dma_wait3A_1601 = tpu.memref_squeeze %dma_wait3A_1600 : memref<1x16384xf32, #tpu.memory_space<vmem>> -> memref<16384xf32, #tpu.memory_space<vmem>>
    tpu.wait_dma2 semaphore(%arg17 : memref<!tpu.dma_semaphore, #tpu.memory_space<semaphore_mem>>) src(%dma_wait3A_1601 : memref<16384xf32, #tpu.memory_space<vmem>>) dst(%dma_wait3A_1598 : memref<16384xf32, #tpu.memory_space<hbm>>)
    return
  }
}

module attributes {stable_mosaic.version = 14 : i64} {
  func.func @_tc_addr_body(%arg0: i32, %arg1: memref<8x32xf32, #tpu.memory_space<vmem>>, %arg2: memref<32x16384xi32, #tpu.memory_space<vmem>>, %arg3: memref<8x16384xi32, #tpu.memory_space<vmem>>) attributes {dimension_semantics = [#tpu.dimension_semantics<arbitrary>], iteration_bounds = array<i64: 32>, scalar_prefetch = 0 : i64, scratch_operands = 0 : i64, tpu.core_type = #tpu.core_type<tc>, window_params = [{pipeline_mode = #tpu.pipeline_mode<synchronous>, transform_indices = @transform_0, window_bounds = array<i64: 8, 32>}, {transform_indices = @transform_1, window_bounds = array<i64: 32, 16384>}, {transform_indices = @transform_2, window_bounds = array<i64: 8, 16384>}]} {
    %get3A = arith.constant 0 : index
    %get3A_0 = arith.constant 0 : index
    %get3A_1 = vector.load %arg2[%get3A, %get3A_0] : memref<32x16384xi32, #tpu.memory_space<vmem>>, vector<32x16384xi32>
    %convert_element_type3A = arith.sitofp %get3A_1 : vector<32x16384xi32> to vector<32x16384xf32>
    %get3A_2 = arith.constant 0 : index
    %get3A_3 = arith.constant 0 : index
    %get3A_4 = vector.load %arg1[%get3A_2, %get3A_3] : memref<8x32xf32, #tpu.memory_space<vmem>>, vector<8x32xf32>
    %dot_general3A = arith.constant dense<0.000000e+00> : vector<8x16384xf32>
    %dot_general3A_5 = tpu.matmul %get3A_4, %convert_element_type3A, %dot_general3A {dimension_numbers = #tpu.dot_dimension_numbers<[1], [0], [0], [1], [0, 0, 1, 1], [], []>, transpose_lhs_hint = false} : vector<8x32xf32>, vector<32x16384xf32>, vector<8x16384xf32> -> vector<8x16384xf32>
    %iota3A = tpu.iota {dimensions = array<i32: 0>} : vector<8x16384xi32>
    %convert_element_type3A_6 = arith.fptosi %dot_general3A_5 : vector<8x16384xf32> to vector<8x16384xi32>
    %mul3A = arith.constant 1024 : i32
    %mul3A_7 = vector.broadcast %mul3A : i32 to vector<8x16384xi32>
    %mul3A_8 = arith.muli %iota3A, %mul3A_7 : vector<8x16384xi32>
    %add3A = arith.addi %convert_element_type3A_6, %mul3A_8 : vector<8x16384xi32>
    %swap3A = arith.constant 0 : index
    %swap3A_9 = arith.constant 0 : index
    %swap3A_10 = vector.load %arg3[%swap3A, %swap3A_9] : memref<8x16384xi32, #tpu.memory_space<vmem>>, vector<8x16384xi32>
    tpu.vector_store %arg3[%swap3A, %swap3A_9], %add3A {strides = array<i32>} : memref<8x16384xi32, #tpu.memory_space<vmem>>, vector<8x16384xi32>,
    return
  }
  func.func @transform_0(%arg0: i32) -> (i32, i32) {
    %c0_i32 = arith.constant 0 : i32
    %c0_i32_0 = arith.constant 0 : i32
    %c0_i32_1 = arith.constant 0 : i32
    return %c0_i32, %c0_i32_0 : i32, i32
  }
  func.func @transform_1(%arg0: i32) -> (i32, i32) {
    %c0_i32 = arith.constant 0 : i32
    %c0_i32_0 = arith.constant 0 : i32
    return %c0_i32, %arg0 : i32, i32
  }
  func.func @transform_2(%arg0: i32) -> (i32, i32) {
    %c0_i32 = arith.constant 0 : i32
    %c0_i32_0 = arith.constant 0 : i32
    return %c0_i32, %arg0 : i32, i32
  }
}

</mosaic_0001>

<sc_bundles>
// kernel: kernel.4.cloned.1.call-start
scs
__scs_entry_jumppad:
0x0: {  	(pc) =	sbr.rel $0x88, $3  }
0x1: {  	(tag) =	ssettag $0x0;
	lr =	simm.s32 $0x1  }
0x2: {  	[smem:$0x3F9E] =	sst lr;
	_ =	strace $0xD0000000  }
0x3: {  	_ = 	snop  }
0x4: {  	_ = 	snop  }
0x5: {  	_ = 	snop  }
0x6: {  	_ = 	snop  }
0x7: {  	_ = 	snop  }
__scs_overlays_trampoline_lowered:
0x8: {  	[smem:$0x3FAD] =	sst s0  }
0x9: {  	[smem:$0x3FAE] =	sst s1  }
0xa: {  	[smem:$0x3FAF] =	sst s2  }
0xb: {  	[smem:$0x3FB0] =	sst s3  }
0xc: {  	[smem:$0x3FB1] =	sst s4  }
0xd: {  	[smem:$0x3FB2] =	sst s5  }
0xe: {  	[smem:$0x3FB3] =	sst s6  }
0xf: {  	[smem:$0x3FB4] =	sst s7  }
0x10: {  	[smem:$0x3FB5] =	sst s8  }
0x11: {  	[smem:$0x3FB6] =	sst s9;
	s0 =	simm.s32 @!p0 $0x0  }
0x12: {  	s1 =	sld [smem:$0x3F9C];
	s0 =	simm.s32 @p0 $0x1  }
0x13: {  	[smem:$0x3FB7] =	sst s0;
	s0 =	simm.s32 @!p1 $0x0  }
0x14: {  	s2 =	sld [smem:$0x3F9B];
	s0 =	simm.s32 @p1 $0x1  }
0x15: {  	[smem:$0x3FB8] =	sst s0;
	s0 =	simm.s32 @!p2 $0x0  }
0x16: {  	s3 =	sld [smem:$0x3FDB];
	s0 =	simm.s32 @p2 $0x1  }
0x17: {  	s4 =	simm.s32 $0x1BF5;
	[smem:$0x3FBA] =	sst s0  }
0x18: {  	s0 =	sld [smem:$0x3F9D];
	_ =	swait.ge [sflag:s4], $0x0  }
0x19: {  	s7 =	sld [smem:$0x3F9E]  }
0x1a: {  	s8 =	sadd.s32 $0xFFFFE003, lr  }
0x1b: {  	s9 =	sadd.s32 $0xFFFFFEF7, lr;
	s5 =	simm.s32 $0xFFFFFFFF;
	p2 =	slt.u32 s8, $0xFFFFF086  }
0x1c: {  	p1 =	slt.u32 s9, $0xF7A;
	s5 =	simm.s32 @!p2 $0x0  }
0x1d: {  	s5 =	simm.s32 @p1 $0x1;
	p0 =	seq.s32 s7, s2  }
0x1e: {  	s7 =	smul.u32 @!p0 $0xF7A, s2;
	p2 =	seq.s32 @!p0 s5, $0x0  }
0x1f: {  	s9 =	smul.u32 $0xF7A, s1;
	s8 =	simm.s32 @!p0 $0x1BF5;
	p2 =	por !p2, p0  }
0x20: {  	[sflag:s8] =	ssyncset.s32 @!p0 $0xFFFFF086;
	s6 =	sadd.s32 @!p0 s3, s7;
	s7 =	simm.s32 @!p0 $0x108  }
0x21: {  	s3 =	sadd.s32 s3, s9;
	s6 =	sadd.s32 @!p0 $0x88, s6;
	s7 =	simm.s32 @p2 $0x1082  }
0x22: {  	[simem:s7], [sflag:s8] =	dma.local @!p0 [hbm:s6], $0xF7A  }
0x23: {  	s9 =	sor.u32 $0xD0000000, s2;
	s6 =	simm.s32 $0x108;
	_ =	swait.ge @!p0 [sflag:s8], $0x0  }
0x24: {  	s3 =	sadd.s32 $0x88, s3;
	s6 =	simm.s32 @!p1 $0x1082;
	[sflag:s4] =	ssyncset.s32 $0xFFFFF086  }
0x25: {  	[simem:s6], [sflag:s4] =	dma.local [hbm:s3], $0xF7A  }
0x26: {  	[smem:$0x3F9E] =	sst s1;
	(tag) =	ssettag s2;
	_ =	strace s9  }
0x27: {  	s1 =	sld [smem:$0x3FAE]  }
0x28: {  	s2 =	sld [smem:$0x3FAF]  }
0x29: {  	s4 =	sld [smem:$0x3FB1]  }
0x2a: {  	p0 =	seq.s32 s5, $0x0;
	s5 =	sld [smem:$0x3FB2]  }
0x2b: {  	s6 =	sld [smem:$0x3FB3]  }
0x2c: {  	s7 =	sld [smem:$0x3FB4]  }
0x2d: {  	s3 =	simm.s32 $0x108;
	s8 =	sld [smem:$0x3FB5]  }
0x2e: {  	s3 =	simm.s32 @!p0 $0x1082;
	s9 =	sld [smem:$0x3FB6]  }
0x2f: {  	lr =	sadd.s32 s0, s3;
	s0 =	sld [smem:$0x3FAD]  }
0x30: {  	s3 =	sld [smem:$0x3FB0]  }
0x31: {  	[smem:$0x3FB9] =	sst s10  }
0x32: {  	s10 =	sld [smem:$0x3FB7];
	_ =	sdelay $0x3  }
0x33: {  	p0 =	seq.s32 s10, $0x1;
	s10 =	sld [smem:$0x3FB9];
	_ =	sdelay $0x3  }
0x34: {  	[smem:$0x3FB9] =	sst s10  }
0x35: {  	s10 =	sld [smem:$0x3FB8];
	_ =	sdelay $0x3  }
0x36: {  	p1 =	seq.s32 s10, $0x1;
	s10 =	sld [smem:$0x3FB9];
	_ =	sdelay $0x3  }
0x37: {  	[smem:$0x3FB9] =	sst s10  }
0x38: {  	s10 =	sld [smem:$0x3FBA]  }
0x39: {  	_ = 	snop;
	(pc) =	sbr.ind lr, $3  }
0x3a: {  	_ = 	snop  }
0x3b: {  	_ = 	snop  }
0x3c: {  	p2 =	seq.s32 s10, $0x1;
	s10 =	sld [smem:$0x3FB9]  }
0x3d: {  	_ =	shalt  }
0x3e: {  	_ =	shalt  }
0x3f: {  	_ =	shalt  }
0x40: {  	_ =	shalt  }
0x41: {  	_ =	shalt  }
0x42: {  	_ =	shalt  }
0x43: {  	_ =	shalt  }
0x44: {  	_ =	shalt  }
0x45: {  	_ =	shalt  }
0x46: {  	_ =	shalt  }
0x47: {  	_ =	shalt  }
0x48: {  	_ =	shalt  }
0x49: {  	_ =	shalt  }
0x4a: {  	_ =	shalt  }
0x4b: {  	_ =	shalt  }
0x4c: {  	_ =	shalt  }
0x4d: {  	_ =	shalt  }
0x4e: {  	_ =	shalt  }
0x4f: {  	_ =	shalt  }
0x50: {  	_ =	shalt  }
0x51: {  	_ =	shalt  }
0x52: {  	_ =	shalt  }
0x53: {  	_ =	shalt  }
0x54: {  	_ =	shalt  }
0x55: {  	_ =	shalt  }
0x56: {  	_ =	shalt  }
0x57: {  	_ =	shalt  }
0x58: {  	_ =	shalt  }
0x59: {  	_ =	shalt  }
0x5a: {  	_ =	shalt  }
0x5b: {  	_ =	shalt  }
0x5c: {  	_ =	shalt  }
0x5d: {  	_ =	shalt  }
0x5e: {  	_ =	shalt  }
0x5f: {  	_ =	shalt  }
0x60: {  	_ =	shalt  }
0x61: {  	_ =	shalt  }
0x62: {  	_ =	shalt  }
0x63: {  	_ =	shalt  }
0x64: {  	_ =	shalt  }
0x65: {  	_ =	shalt  }
0x66: {  	_ =	shalt  }
0x67: {  	_ =	shalt  }
0x68: {  	_ =	shalt  }
0x69: {  	_ =	shalt  }
0x6a: {  	_ =	shalt  }
0x6b: {  	_ =	shalt  }
0x6c: {  	_ =	shalt  }
0x6d: {  	_ =	shalt  }
0x6e: {  	_ =	shalt  }
0x6f: {  	_ =	shalt  }
0x70: {  	_ =	shalt  }
0x71: {  	_ =	shalt  }
0x72: {  	_ =	shalt  }
0x73: {  	_ =	shalt  }
0x74: {  	_ =	shalt  }
0x75: {  	_ =	shalt  }
0x76: {  	_ =	shalt  }
0x77: {  	_ =	shalt  }
0x78: {  	_ =	shalt  }
0x79: {  	_ =	shalt  }
0x7a: {  	_ =	shalt  }
0x7b: {  	_ =	shalt  }
0x7c: {  	_ =	shalt  }
0x7d: {  	_ =	shalt  }
0x7e: {  	_ =	shalt  }
0x7f: {  	_ =	shalt  }
0x80: {  	_ =	shalt  }
0x81: {  	_ =	shalt  }
0x82: {  	_ =	shalt  }
0x83: {  	_ =	shalt  }
0x84: {  	_ =	shalt  }
0x85: {  	_ =	shalt  }
0x86: {  	_ =	shalt  }
0x87: {  	_ =	shalt  }
.Lfunc_end0:
.L_simem_size_0:
called_computation_lowered:
.L_overlay_start_0:
0x88: {  	s2 =	sld [smem:$0x3FD9]  }
0x89: {  	s3 =	sld [smem:$0x3FFE];
	_ =	sdelay $0x1  }
0x8a: {  	s1 =	srdreg.scid  }
0x8b: {  	s0 =	sand.u32 $0x1, s1  }
0x8c: {  	s17 =	sshll.u32 s0, $0xA;
	s2 =	sadd.s32 s3, s2  }
0x8d: {  	s2 =	sadd.s32 s2, s17  }
0x8e: {  	[smem:$0x3FC5] =	sst s2  }
0x8f: {  	_ = 	snop  }
0x90: {  	s2 =	sld [smem:$0x3FC7]  }
0x91: {  	s18 =	sld [smem:$0x3FD0];
	(tm) =	ssettm $0x1  }
0x92: {  	s4 =	sld [smem:$0x3FFB];
	_ =	sdelay $0x3  }
0x93: {  	_ =	strace s4  }
0x94: {  	s4 =	sld [smem:$0x3FFC];
	_ =	sdelay $0x3  }
0x95: {  	_ =	strace s4  }
0x96: {  	s4 =	sld [smem:$0x3FFD];
	_ =	sdelay $0x3  }
0x97: {  	_ =	strace s4  }
0x98: {  	_ =	strace $0x8FFFFFFF  }
0x99: {  	s19 =	sld [smem:$0x3FDB];
	_ =	sdelay $0x1  }
0x9a: {  	s5 =	simm.s32 $_scs_section_size  }
0x9b: {  	s6 =	simm.s32 $_size__tile_overlayer_lowered;
	s7 =	simm.s32 $_tile_overlayer_lowered  }
0x9c: {  	s22 =	simm.s32 $0x1BFF;
	s21 =	sshll.u32 s7, $0x1;
	s4 =	sadd.s32 s5, s19  }
0x9d: {  	s8 =	simm.s32 $0x0;
	s20 =	sshll.u32 s6, $0x1;
	s6 =	sadd.s32 s21, s4  }
0x9e: {  	[timem:s8], [sflag:s22] =	dma.local [hbm:s6], s20  }
0x9f: {  	_ =	swait.ge [sflag:s22], s20  }
0xa0: {  	s5 =	ssub.s32 $0x0, s20;
	[sflag:s22] =	ssyncset.done $0x0  }
0xa1: {  	[sflag:s22] =	ssyncadd.s32 s5;
	_ =	sdelay $0x1  }
0xa2: {  	s23 =	simm.s32 $0x1B8B  }
0xa3: {  	_ =	swait.ge [sflag:s23], $0x1  }
0xa4: {  	[sflag:s23] =	ssyncset.done $0x0  }
0xa5: {  	s25 =	simm.s32 $0x1B8E;
	s24 =	sld [smem:$0x3FFE];
	[sflag:s23] =	ssyncadd.s32 $0xFFFFFFFF  }
0xa6: {  	s26 =	simm.s32 $execute0_lowered;
	[smem:$0x3FD2] =	sst s25  }
0xa7: {  	s6 =	sshll.u32 s26, $0x1;
	_ =	strace $0x80000046;
	[dreg:$0x1] =	wrdreg $0xFFFFFFFF  }
0xa8: {  	s28 =	simm.s32 $_size_execute0_lowered;
	s4 =	sadd.s32 s4, s6;
	[dreg:$0x0] =	wrdreg $0x0  }
0xa9: {  	s6 =	sshll.u32 s28, $0x1;
	[dreg:$0x2] =	wrdreg s4  }
0xaa: {  	[dreg:$0x3] =	wrdreg s6  }
0xab: {  	[dreg:$0x4] =	wrdreg $0xC0  }
0xac: {  	_ =	task [dreg:s8], $0x5FFFF  }
0xad: {  	[dreg:$0x1] =	wrdreg $0xFFFFFFFF  }
0xae: {  	[dreg:$0x0] =	wrdreg $0x60  }
0xaf: {  	[dreg:$0x2] =	wrdreg s24  }
0xb0: {  	[dreg:$0x3] =	wrdreg s2  }
0xb1: {  	[dreg:$0x4] =	wrdreg s18  }
0xb2: {  	[dreg:$0x5] =	wrdreg $0x11A000  }
0xb3: {  	[dreg:$0x6] =	wrdreg $0x11E000  }
0xb4: {  	[dreg:$0x7] =	wrdreg $0x9  }
0xb5: {  	_ =	task.clear_ibuf [dreg:s8], $0x8FFFF;
	_ =	strace $0x90000046  }
0xb6: {  	s29 =	simm.s32 $0x9;
	_ =	strace $0x80000048  }
0xb7: {  	_ =	swait.ge [sflag:s29], $0x1  }
0xb8: {  	[sflag:s29] =	ssyncadd.s32 $0xFFFFFFFF  }
0xb9: {  	_ =	strace $0x90000048  }
0xba: {  	_ =	sfence  }
0xbb: {  	s30 =	sld [smem:$0x0];
	_ =	sdelay $0x2  }
0xbc: {  	s31 =	sshll.u32 s1, $0xD;
	s1 =	sshrl.u32 s1, $0x2  }
0xbd: {  	s3 =	sand.u32 $0x4000, s31;
	s1 =	sadd.s32 s1, s30  }
0xbe: {  	s0 =	sor.u32 s3, s0;
	s1 =	sshll.u32 s1, $0x11  }
0xbf: {  	s0 =	sor.u32 s1, s0  }
0xc0: {  	s0 =	sadd.s32 $0x8F2B, s0  }
0xc1: {  	[sflag:s0] =	ssyncadd.remote.s32 $0x1  }
0xc2: {  	_ =	sfence.sel $0xFFFF  }
0xc3: {  	[dreg:$0x0] =	wrdreg $0xFFFFFFFF;
	(pc) =	sbr.abs _section_cstart, $3  }
0xc4: {  	[dreg:$0x1] =	wrdreg $0xFFFFFFFF  }
0xc5: {  	_ =	task.clear_ibuf [dreg:s8], $0x2FFFF;
	_ =	strace $0x9FFFFFFF  }
0xc6: {  	(tm) =	ssettm $0x7FFFFFFF  }
0xc7: {  	_ =	shalt  }
tec
execute0_lowered:
.L_overlay_start_1:
0x0: {  	(tag) =	ssettag $0x1  }
0x1: {  	s0 =	srdreg.scid;
	s1 =	rddreg [dreg:$0x0]  }
0x2: {  	s12 =	stileid.u32;
	s8 =	rddreg [dreg:$0x3]  }
0x3: {  	s23 =	rddreg [dreg:$0x4];
	s28 =	simm.s32 $0x1;
	s29 =	simm.s32 $0x10000  }
0x4: {  	s30 =	simm.s32 $0x2;
	s0 =	sand.u32 $0x1, s0;
	s10 =	sshrl.u32 s12, $0x2  }
0x5: {  	s11 =	sand.u32 $0x3, s12;
	s1 =	sadd.s32 $0x200, s1;
	s9 =	sshll.u32 s12, $0xA  }
0x6: {  	s12 =	sshll.u32 s12, $0x7;
	s2 =	sshll.u32 s0, $0x2;
	s20 =	sshll.u32 s11, $0x11  }
0x7: {  	s4 =	ssub.s32 $0x2, s0;
	s13 =	sshll.u32 s10, $0xC;
	s9 =	sand.u32 $0x2000, s9  }
0x8: {  	s21 =	sand.u32 $0x380, s12;
	s31 =	sshll.u32 s11, $0xB;
	s12 =	sand.u32 $0x200, s12  }
0x9: {  	s11 =	sshll.u32 s11, $0x8;
	s16 =	sor.u32 s10, s2;
	s2 =	simm.s32 $0x0  }
0xa: {  	s26 =	sshrl.u32 s4, $0x1;
	s22 =	sand.u32 $0x2000, s13;
	s9 =	sadd.s32 s9, s8  }
0xb: {  	s13 =	sshrl.u32 s13, $0x2;
	s10 =	sshll.u32 s10, $0x13;
	s3 =	sshll.u32 s16, $0x4  }
0xc: {  	[smem:$0x7FF] =	sst s2;
	s25 =	ssub.s32 s4, s26;
	s8 =	sadd.s32 s22, s8  }
0xd: {  	s9 =	sadd.s32 s21, s9;
	s13 =	sadd.s32 s13, s23;
	s22 =	sshll.u32 s0, $0x15  }
0xe: {  	s16 =	sshll.u32 s16, $0xA;
	s14 =	sor.u32 s20, s3;
	[dreg:$0x6] =	wrdreg s9  }
0xf: {  	s8 =	sadd.s32 s31, s8;
	s26 =	sadd.s32 s11, s13;
	s31 =	rddreg [dreg:$0x2]  }
0x10: {  	s25 =	smax.u32 s25, $0x1;
	s15 =	sor.u32 $0x4000, s14;
	s3 =	sadd.s32 s1, s14  }
0x11: {  	s17 =	sor.u32 $0x8000, s14;
	s18 =	sor.u32 $0xC000, s14;
	s19 =	sor.u32 $0x10000, s14  }
0x12: {  	s21 =	sor.u32 $0x14000, s14;
	s8 =	sadd.s32 s12, s8;
	s23 =	sor.u32 $0x18000, s14  }
0x13: {  	s24 =	sor.u32 $0x1C000, s14;
	s14 =	sadd.s32 s31, s14;
	s4 =	sadd.s32 s1, s15  }
0x14: {  	s5 =	sadd.s32 s1, s17;
	s6 =	sadd.s32 s1, s18;
	s7 =	sadd.s32 s1, s19  }
0x15: {  	s9 =	sadd.s32 s1, s21;
	[dreg:$0x7] =	wrdreg s8;
	s8 =	sor.u32 s10, s22  }
0x16: {  	s12 =	sadd.s32 s1, s23;
	s13 =	sadd.s32 s1, s24;
	s15 =	sadd.s32 s31, s15  }
0x17: {  	s17 =	sadd.s32 s31, s17;
	s18 =	sadd.s32 s31, s18;
	s19 =	sadd.s32 s31, s19  }
0x18: {  	s21 =	sadd.s32 s31, s21;
	s22 =	sadd.s32 s31, s23;
	s23 =	sadd.s32 s31, s24  }
0x19: {  	s31 =	sadd.s32 $0x80, s26;
	_ =	strace $0x80000047;
	[dreg:$0x9] =	wrdreg s25  }
0x1a: {  	v2 =	vimm.s32 $0xFFFFFFFF;
	s24 =	sor.u32 s20, s8;
	s20 =	sshll.u32 s0, $0xC;
	[dreg:$0x8] =	wrdreg s26  }
0x1b: {  	v3 =	vlaneseq.u32;
	v0 =	vmov s16;
	s1 =	simm.s32 $0x10A00;
	[dreg:$0xa] =	wrdreg s31;
	s8 =	simm.s32 $0x0;
	v1 =	vmov s20  }
.LBB2_1:
0x1c: {  	[dreg:$0xb] =	wrdreg s8;
	s8 =	simm.s32 $0x0  }
.LBB2_2:
0x1d: {  	p0 =	sne.s32 s8, $0xFC0  }
.Ltmp0:
0x1e: {  	_ = 	snop;
	(pc) =	sbr.rel @p0 .LBB2_2-.Ltmp0, $3  }
0x1f: {  	_ =	sdelay $0x1  }
0x20: {  	s10 =	sshra.s32 s8, $0x2  }
0x21: {  	s8 =	sadd.s32 $0x40, s8;
	[tilespmem:s10+$0x10000] =	vst v2  }
0x22: {  	s8 =	simm.s32 $0x0  }
0x23: {  	s10 =	simm.s32 $0x80;
	s16 =	sadd.s32 $0x0, s3;
	s11 =	simm.s32 $0x100  }
.LBB2_4:
0x24: {  	[tilespmem:s8], [sflag:$0x1] =	stream.linear.gather [hbm4b:s16+s2], $0x80, $0x38;
	[tilespmem:$0x11F00] =	vst v63  }
0x25: {  	s16 =	smov.u32 s10;
	s8 =	smov.u32 s11;
	p0 =	sne.s32 s10, $0x3F80  }
.Ltmp1:
0x26: {  	s10 =	sadd.s32 $0x80, s10;
	(pc) =	sbr.rel @p0 .LBB2_4-.Ltmp1, $2  }
0x27: {  	_ =	sdelay $0x2  }
0x28: {  	s11 =	sadd.s32 $0x100, s11;
	s16 =	sadd.s32 s16, s3  }
0x29: {  	[tilespmem:s8], [sflag:$0x1] =	stream.linear.gather [hbm4b:s16+s2], $0x80, $0x38;
	[tilespmem:$0x11F00] =	vst v63  }
0x2a: {  	s8 =	simm.s32 $0x80  }
0x2b: {  	s10 =	simm.s32 $0x80;
	s16 =	sadd.s32 $0x0, s4;
	s11 =	simm.s32 $0x180  }
.LBB2_6:
0x2c: {  	[tilespmem:s8], [sflag:$0x2] =	stream.linear.gather [hbm4b:s16+s2], $0x80, $0x38;
	[tilespmem:$0x11F00] =	vst v63  }
0x2d: {  	s16 =	smov.u32 s10;
	s8 =	smov.u32 s11;
	p0 =	sne.s32 s10, $0x3F80  }
.Ltmp2:
0x2e: {  	s10 =	sadd.s32 $0x80, s10;
	(pc) =	sbr.rel @p0 .LBB2_6-.Ltmp2, $2  }
0x2f: {  	_ =	sdelay $0x2  }
0x30: {  	s11 =	sadd.s32 $0x100, s11;
	s16 =	sadd.s32 s16, s4  }
0x31: {  	[tilespmem:s8], [sflag:$0x2] =	stream.linear.gather [hbm4b:s16+s2], $0x80, $0x38;
	[tilespmem:$0x11F00] =	vst v63  }
0x32: {  	_ =	swait.ge [sflag:s28], $0x4000  }
0x33: {  	[sflag:s28] =	ssyncset.done $0x0  }
0x34: {  	s25 =	simm.s32 $0x40;
	[sflag:s28] =	ssyncadd.s32 $0xFFFFC000  }
0x35: {  	v10 =	vld [tilespmem:s25+$0xFFFFFFF0]  }
0x36: {  	v8 =	vld [tilespmem:s25+$0xFFFFFFE0]  }
0x37: {  	v15 =	vld [tilespmem:s25+$0xFFFFFFC0]  }
0x38: {  	s0 =	sadd.s32 $0x0, s24  }
0x39: {  	s10 =	sadd.s32 $0x20, s0  }
0x3a: {  	v5 =	vor.u32 s0, v3;
	s11 =	sadd.s32 $0x10, s0;
	v4 =	vor.u32 s10, v3;
	s28 =	sadd.s32 $0x30, s0;
	v14 =	vld [tilespmem:s25+$0xFFFFFFD0]  }
0x3b: {  	v7 =	vor.u32 s11, v3;
	v9 =	vld [tilespmem:s25+$0x20];
	v6 =	vor.u32 s28, v3;
	v11 =	vsub.s32 v10, v0  }
0x3c: {  	s16 =	simm.s32 $0x80;
	s8 =	simm.s32 $0x40;
	s20 =	sadd.s32 $0x40, s0;
	v13 =	vld [tilespmem:s25+$0x0];
	v18 =	vsub.s32 v8, v0;
	v12 =	vand.u32 $0x7F, v10;
	v17 =	vsub.s32 v15, v0  }
0x3d: {  	s26 =	sadd.s32 $0x50, s0;
	s31 =	sadd.s32 $0x60, s0;
	s11 =	sadd.s32 $0x70, s0;
	v10 =	vld [tilespmem:s25+$0x10];
	v16 =	vand.u32 $0x7F, v15;
	v11 =	vand.u32 $0xFFFFFF80, v11;
	v15 =	vand.u32 $0xFFFFFF80, v18  }
.LBB2_8:
0x3e: {  	p0 =	sne.s32 s16, $0x3F80  }
0x3f: {  	v18 =	vsub.s32 v14, v0;
	v17 =	vand.u32 $0xFFFFFF80, v17;
	v14 =	vand.u32 $0x7F, v14;
	s25 =	sadd.s32 $0x100, s25;
	s10 =	smov.u32 s16;
	s16 =	sadd.s32 $0x80, s16  }
0x40: {  	v19 =	vld [tilespmem:s8+$0x30];
	v16 =	vor.u32 v16, v17;
	v17 =	vand.u32 $0xFFFFFF80, v18;
	v18 =	vand.u32 $0x7F, v9;
	s8 =	smov.u32 s25  }
0x41: {  	v8 =	vand.u32 $0x7F, v8;
	v9 =	vsub.s32 v9, v0;
	v14 =	vor.u32 v14, v17  }
0x42: {  	v8 =	vor.u32 v8, v15;
	v17 =	vsub.s32 v13, v0;
	v13 =	vand.u32 $0x7F, v13  }
0x43: {  	v11 =	vor.u32 v12, v11;
	v15 =	vsub.s32 v10, v0;
	v12 =	vand.u32 $0xFFFFFF80, v17  }
0x44: {  	v10 =	vand.u32 $0x7F, v10;
	v12 =	vor.u32 v13, v12;
	v13 =	vand.u32 $0xFFFFFF80, v15  }
0x45: {  	v9 =	vand.u32 $0xFFFFFF80, v9;
	v15 =	vsub.s32 v19, v0;
	[tilespmem:v16+s29+$0x0] =	vst.idx.msk $0xffff, v5;
	v5 =	vor.u32 v10, v13  }
0x46: {  	v10 =	vand.u32 $0x7F, v19;
	[tilespmem:v14+s29+$0x0] =	vst.idx.msk $0xffff, v7;
	v7 =	vor.u32 v18, v9;
	v9 =	vand.u32 $0xFFFFFF80, v15  }
0x47: {  	[tilespmem:v8+s29+$0x0] =	vst.idx.msk $0xffff, v4;
	v4 =	vor.u32 v10, v9  }
0x48: {  	v8 =	vor.u32 s20, v3;
	[tilespmem:v11+s29+$0x0] =	vst.idx.msk $0xffff, v6  }
0x49: {  	v6 =	vor.u32 s26, v3;
	[tilespmem:v12+s29+$0x0] =	vst.idx.msk $0xffff, v8  }
0x4a: {  	v8 =	vor.u32 s31, v3;
	[tilespmem:v5+s29+$0x0] =	vst.idx.msk $0xffff, v6  }
0x4b: {  	v5 =	vor.u32 s11, v3;
	[tilespmem:v7+s29+$0x0] =	vst.idx.msk $0xffff, v8  }
0x4c: {  	[tilespmem:v4+s29+$0x0] =	vst.idx.msk $0xffff, v5  }
0x4d: {  	s10 =	sadd.s32 s10, s24;
	v10 =	vld [tilespmem:s25+$0xFFFFFFF0]  }
0x4e: {  	s0 =	sadd.s32 $0x10, s10;
	s28 =	sadd.s32 $0x30, s10;
	s11 =	sadd.s32 $0x20, s10;
	v5 =	vor.u32 s10, v3;
	v8 =	vld [tilespmem:s25+$0xFFFFFFE0]  }
0x4f: {  	s20 =	sadd.s32 $0x40, s10;
	s26 =	sadd.s32 $0x50, s10;
	s31 =	sadd.s32 $0x60, s10;
	v4 =	vor.u32 s11, v3;
	v15 =	vld [tilespmem:s25+$0xFFFFFFC0]  }
.Ltmp3:
0x50: {  	s11 =	sadd.s32 $0x70, s10;
	v14 =	vld [tilespmem:s25+$0xFFFFFFD0];
	(pc) =	sbr.rel @p0 .LBB2_8-.Ltmp3, $4  }
0x51: {  	v7 =	vor.u32 s0, v3;
	v9 =	vld [tilespmem:s25+$0x20]  }
0x52: {  	v6 =	vor.u32 s28, v3;
	v11 =	vsub.s32 v10, v0  }
0x53: {  	v12 =	vand.u32 $0x7F, v10;
	v18 =	vsub.s32 v8, v0;
	v13 =	vld [tilespmem:s25+$0x0];
	v11 =	vand.u32 $0xFFFFFF80, v11  }
0x54: {  	v17 =	vsub.s32 v15, v0;
	v10 =	vld [tilespmem:s25+$0x10];
	v16 =	vand.u32 $0x7F, v15;
	v15 =	vand.u32 $0xFFFFFF80, v18  }
0x55: {  	v18 =	vsub.s32 v14, v0;
	v17 =	vand.u32 $0xFFFFFF80, v17;
	v47 =	vand.u32 $0x7F, v14  }
0x56: {  	v19 =	vld [tilespmem:s8+$0x30];
	v8 =	vand.u32 $0x7F, v8;
	v16 =	vor.u32 v16, v17;
	v48 =	vand.u32 $0xFFFFFF80, v18  }
0x57: {  	v11 =	vor.u32 v12, v11;
	v49 =	vand.u32 $0x7F, v9;
	v14 =	vor.u32 v47, v48  }
0x58: {  	v50 =	vsub.s32 v9, v0;
	v8 =	vor.u32 v8, v15;
	v51 =	vsub.s32 v13, v0  }
0x59: {  	v52 =	vand.u32 $0x7F, v13;
	v53 =	vsub.s32 v10, v0;
	v54 =	vand.u32 $0xFFFFFF80, v51  }
0x5a: {  	v56 =	vand.u32 $0x7F, v10;
	v12 =	vor.u32 v52, v54;
	v55 =	vand.u32 $0xFFFFFF80, v53  }
0x5b: {  	v9 =	vand.u32 $0xFFFFFF80, v50;
	v57 =	vsub.s32 v19, v0;
	[tilespmem:v16+s29+$0x0] =	vst.idx.msk $0xffff, v5;
	v5 =	vor.u32 v56, v55  }
0x5c: {  	v58 =	vor.u32 v49, v9;
	v60 =	vand.u32 $0x7F, v19;
	v59 =	vand.u32 $0xFFFFFF80, v57;
	[tilespmem:v14+s29+$0x0] =	vst.idx.msk $0xffff, v7  }
0x5d: {  	[tilespmem:v8+s29+$0x0] =	vst.idx.msk $0xffff, v4;
	v4 =	vor.u32 v60, v59  }
0x5e: {  	v61 =	vor.u32 s20, v3;
	[tilespmem:v11+s29+$0x0] =	vst.idx.msk $0xffff, v6  }
0x5f: {  	v62 =	vor.u32 s26, v3;
	[tilespmem:v12+s29+$0x0] =	vst.idx.msk $0xffff, v61  }
0x60: {  	v63 =	vor.u32 s31, v3;
	[tilespmem:v5+s29+$0x0] =	vst.idx.msk $0xffff, v62  }
0x61: {  	s8 =	simm.s32 $0x0;
	v5 =	vor.u32 s11, v3;
	[tilespmem:v58+s29+$0x0] =	vst.idx.msk $0xffff, v63  }
0x62: {  	s10 =	simm.s32 $0x80;
	s16 =	sadd.s32 $0x0, s5;
	s11 =	simm.s32 $0x100;
	[tilespmem:v4+s29+$0x0] =	vst.idx.msk $0xffff, v5  }
.LBB2_10:
0x63: {  	[tilespmem:s8], [sflag:$0x1] =	stream.linear.gather [hbm4b:s16+s2], $0x80, $0x38;
	[tilespmem:$0x11F00] =	vst v63  }
0x64: {  	s0 =	smov.u32 s10;
	s8 =	smov.u32 s11;
	p0 =	sne.s32 s10, $0x3F80  }
.Ltmp4:
0x65: {  	s10 =	sadd.s32 $0x80, s10;
	(pc) =	sbr.rel @p0 .LBB2_10-.Ltmp4, $2  }
0x66: {  	_ =	sdelay $0x2  }
0x67: {  	s11 =	sadd.s32 $0x100, s11;
	s16 =	sadd.s32 s0, s5  }
0x68: {  	[tilespmem:s8], [sflag:$0x1] =	stream.linear.gather [hbm4b:s16+s2], $0x80, $0x38;
	[tilespmem:$0x11F00] =	vst v63  }
0x69: {  	_ =	swait.ge [sflag:s30], $0x4000  }
0x6a: {  	[sflag:s30] =	ssyncset.done $0x0  }
0x6b: {  	s25 =	simm.s32 $0xF0;
	[sflag:s30] =	ssyncadd.s32 $0xFFFFC000  }
0x6c: {  	v5 =	vld [tilespmem:s25+$0xFFFFFFC0]  }
0x6d: {  	v8 =	vld [tilespmem:s25+$0xFFFFFFB0]  }
0x6e: {  	v10 =	vld [tilespmem:s25+$0xFFFFFF90]  }
0x6f: {  	s0 =	sadd.s32 $0x0, s24  }
0x70: {  	s28 =	sadd.s32 $0x4010, s0;
	v11 =	vld [tilespmem:s25+$0xFFFFFFA0]  }
0x71: {  	v4 =	vor.u32 s28, v3  }
0x72: {  	v7 =	vld [tilespmem:s25+$0xFFFFFFD0];
	v9 =	vsub.s32 v5, v0;
	v5 =	vand.u32 $0x7F, v5;
	v12 =	vsub.s32 v8, v0  }
0x73: {  	v15 =	vand.u32 $0x7F, v8;
	v13 =	vsub.s32 v10, v0;
	v8 =	vand.u32 $0xFFFFFF80, v9;
	v9 =	vld [tilespmem:s25+$0xFFFFFFE0]  }
0x74: {  	s10 =	sadd.s32 $0x4000, s0;
	v16 =	vand.u32 $0xFFFFFF80, v12;
	v12 =	vand.u32 $0xFFFFFF80, v13;
	v13 =	vand.u32 $0x7F, v10;
	v10 =	vld [tilespmem:s25+$0xFFFFFFF0]  }
0x75: {  	s11 =	simm.s32 $0x80;
	v6 =	vor.u32 s10, v3;
	v5 =	vor.u32 v5, v8;
	v8 =	vsub.s32 v11, v0  }
0x76: {  	s8 =	sadd.s32 $0x4030, s0;
	s20 =	sadd.s32 $0x4040, s0;
	s31 =	sadd.s32 $0x4050, s0;
	v12 =	vor.u32 v13, v12;
	v11 =	vand.u32 $0x7F, v11;
	v13 =	vand.u32 $0xFFFFFF80, v8;
	v8 =	vld [tilespmem:s25+$0x0]  }
0x77: {  	s26 =	sadd.s32 $0x4060, s0;
	s16 =	sadd.s32 $0x4070, s0;
	s10 =	sadd.s32 $0x4020, s0;
	v14 =	vsub.s32 v7, v0;
	v13 =	vor.u32 v11, v13;
	v11 =	vor.u32 v15, v16  }
.LBB2_12:
0x78: {  	p0 =	sne.s32 s11, $0x3F80  }
0x79: {  	v15 =	vsub.s32 v9, v0;
	v9 =	vand.u32 $0x7F, v9;
	v16 =	vand.u32 $0x7F, v10;
	s25 =	sadd.s32 $0x100, s25;
	s0 =	smov.u32 s11;
	s11 =	sadd.s32 $0x80, s11  }
0x7a: {  	v14 =	vand.u32 $0xFFFFFF80, v14;
	v7 =	vand.u32 $0x7F, v7;
	v15 =	vand.u32 $0xFFFFFF80, v15  }
0x7b: {  	v10 =	vsub.s32 v10, v0;
	v7 =	vor.u32 v7, v14;
	v17 =	vsub.s32 v8, v0  }
0x7c: {  	[tilespmem:v12+s29+$0x0] =	vst.idx.msk $0xffff, v6;
	v6 =	vor.u32 v9, v15;
	v9 =	vand.u32 $0xFFFFFF80, v10;
	v10 =	vand.u32 $0xFFFFFF80, v17  }
0x7d: {  	v8 =	vand.u32 $0x7F, v8;
	v12 =	vor.u32 s10, v3;
	[tilespmem:v13+s29+$0x0] =	vst.idx.msk $0xffff, v4;
	v4 =	vor.u32 v16, v9  }
0x7e: {  	v9 =	vor.u32 s8, v3;
	v8 =	vor.u32 v8, v10;
	[tilespmem:v11+s29+$0x0] =	vst.idx.msk $0xffff, v12  }
0x7f: {  	v10 =	vor.u32 s20, v3;
	[tilespmem:v5+s29+$0x0] =	vst.idx.msk $0xffff, v9  }
0x80: {  	v5 =	vor.u32 s31, v3;
	[tilespmem:v7+s29+$0x0] =	vst.idx.msk $0xffff, v10  }
0x81: {  	v7 =	vor.u32 s26, v3;
	[tilespmem:v6+s29+$0x0] =	vst.idx.msk $0xffff, v5  }
0x82: {  	v5 =	vor.u32 s16, v3;
	[tilespmem:v4+s29+$0x0] =	vst.idx.msk $0xffff, v7  }
0x83: {  	[tilespmem:v8+s29+$0x0] =	vst.idx.msk $0xffff, v5  }
0x84: {  	v5 =	vld [tilespmem:s25+$0xFFFFFFC0]  }
0x85: {  	s0 =	sadd.s32 s0, s24;
	v8 =	vld [tilespmem:s25+$0xFFFFFFB0]  }
0x86: {  	s28 =	sadd.s32 $0x4000, s0;
	s10 =	sadd.s32 $0x4020, s0;
	s8 =	sadd.s32 $0x4010, s0;
	v11 =	vld [tilespmem:s25+$0xFFFFFF90]  }
0x87: {  	s20 =	sadd.s32 $0x4040, s0;
	s31 =	sadd.s32 $0x4050, s0;
	v4 =	vor.u32 s8, v3;
	s8 =	sadd.s32 $0x4030, s0;
	v13 =	vld [tilespmem:s25+$0xFFFFFFA0]  }
0x88: {  	s26 =	sadd.s32 $0x4060, s0;
	s16 =	sadd.s32 $0x4070, s0;
	v9 =	vld [tilespmem:s25+$0xFFFFFFE0]  }
0x89: {  	v6 =	vor.u32 s28, v3;
	v12 =	vsub.s32 v5, v0;
	v7 =	vld [tilespmem:s25+$0xFFFFFFD0];
	v5 =	vand.u32 $0x7F, v5  }
.Ltmp5:
0x8a: {  	v14 =	vsub.s32 v8, v0;
	v10 =	vld [tilespmem:s25+$0xFFFFFFF0];
	v15 =	vand.u32 $0x7F, v8;
	v8 =	vand.u32 $0xFFFFFF80, v12;
	(pc) =	sbr.rel @p0 .LBB2_12-.Ltmp5, $4  }
0x8b: {  	v12 =	vsub.s32 v11, v0;
	v16 =	vand.u32 $0xFFFFFF80, v14;
	v5 =	vor.u32 v5, v8  }
0x8c: {  	v11 =	vand.u32 $0x7F, v11;
	v14 =	vsub.s32 v13, v0;
	v8 =	vld [tilespmem:s25+$0x0];
	v12 =	vand.u32 $0xFFFFFF80, v12  }
0x8d: {  	v13 =	vand.u32 $0x7F, v13;
	v12 =	vor.u32 v11, v12;
	v11 =	vand.u32 $0xFFFFFF80, v14  }
0x8e: {  	v14 =	vsub.s32 v7, v0;
	v13 =	vor.u32 v13, v11;
	v11 =	vor.u32 v15, v16  }
0x8f: {  	_ = 	snop  }
0x90: {  	v15 =	vsub.s32 v9, v0;
	v54 =	vand.u32 $0x7F, v9;
	v16 =	vand.u32 $0x7F, v10  }
0x91: {  	v14 =	vand.u32 $0xFFFFFF80, v14;
	v7 =	vand.u32 $0x7F, v7;
	v55 =	vsub.s32 v10, v0  }
0x92: {  	v59 =	vor.u32 s10, v3;
	v15 =	vand.u32 $0xFFFFFF80, v15;
	v7 =	vor.u32 v7, v14  }
0x93: {  	[tilespmem:v12+s29+$0x0] =	vst.idx.msk $0xffff, v6;
	v57 =	vand.u32 $0xFFFFFF80, v55;
	v17 =	vsub.s32 v8, v0;
	v56 =	vor.u32 v54, v15  }
0x94: {  	[tilespmem:v13+s29+$0x0] =	vst.idx.msk $0xffff, v4;
	v4 =	vor.u32 v16, v57;
	v60 =	vand.u32 $0x7F, v8;
	v58 =	vand.u32 $0xFFFFFF80, v17  }
0x95: {  	v61 =	vor.u32 s8, v3;
	[tilespmem:v11+s29+$0x0] =	vst.idx.msk $0xffff, v59;
	v8 =	vor.u32 v60, v58  }
0x96: {  	v62 =	vor.u32 s20, v3;
	[tilespmem:v5+s29+$0x0] =	vst.idx.msk $0xffff, v61  }
0x97: {  	v5 =	vor.u32 s31, v3;
	[tilespmem:v7+s29+$0x0] =	vst.idx.msk $0xffff, v62  }
0x98: {  	v63 =	vor.u32 s26, v3;
	[tilespmem:v56+s29+$0x0] =	vst.idx.msk $0xffff, v5  }
0x99: {  	s8 =	simm.s32 $0x80;
	v5 =	vor.u32 s16, v3;
	[tilespmem:v4+s29+$0x0] =	vst.idx.msk $0xffff, v63  }
0x9a: {  	s10 =	simm.s32 $0x80;
	s11 =	simm.s32 $0x180;
	s16 =	sadd.s32 $0x0, s6;
	[tilespmem:v8+s29+$0x0] =	vst.idx.msk $0xffff, v5  }
.LBB2_14:
0x9b: {  	[tilespmem:s8], [sflag:$0x2] =	stream.linear.gather [hbm4b:s16+s2], $0x80, $0x38;
	[tilespmem:$0x11F00] =	vst v63  }
0x9c: {  	s0 =	smov.u32 s10;
	s8 =	smov.u32 s11;
	p0 =	sne.s32 s10, $0x3F80  }
.Ltmp6:
0x9d: {  	s10 =	sadd.s32 $0x80, s10;
	(pc) =	sbr.rel @p0 .LBB2_14-.Ltmp6, $2  }
0x9e: {  	_ =	sdelay $0x2  }
0x9f: {  	s11 =	sadd.s32 $0x100, s11;
	s16 =	sadd.s32 s0, s6  }
0xa0: {  	[tilespmem:s8], [sflag:$0x2] =	stream.linear.gather [hbm4b:s16+s2], $0x80, $0x38;
	[tilespmem:$0x11F00] =	vst v63  }
0xa1: {  	s0 =	simm.s32 $0x1  }
0xa2: {  	_ =	swait.ge [sflag:s0], $0x4000  }
0xa3: {  	[sflag:s0] =	ssyncset.done $0x0  }
0xa4: {  	s25 =	simm.s32 $0x40;
	[sflag:s0] =	ssyncadd.s32 $0xFFFFC000  }
0xa5: {  	v5 =	vld [tilespmem:s25+$0xFFFFFFF0]  }
0xa6: {  	v8 =	vld [tilespmem:s25+$0xFFFFFFE0]  }
0xa7: {  	v10 =	vld [tilespmem:s25+$0xFFFFFFC0]  }
0xa8: {  	s16 =	sadd.s32 $0x0, s24  }
0xa9: {  	s28 =	sadd.s32 $0x8010, s16;
	v11 =	vld [tilespmem:s25+$0xFFFFFFD0]  }
0xaa: {  	v4 =	vor.u32 s28, v3  }
0xab: {  	v7 =	vld [tilespmem:s25+$0x0];
	v9 =	vsub.s32 v5, v0;
	v5 =	vand.u32 $0x7F, v5;
	v12 =	vsub.s32 v8, v0  }
0xac: {  	v15 =	vand.u32 $0x7F, v8;
	v13 =	vsub.s32 v10, v0;
	v8 =	vand.u32 $0xFFFFFF80, v9;
	v9 =	vld [tilespmem:s25+$0x10]  }
0xad: {  	s10 =	sadd.s32 $0x8000, s16;
	v16 =	vand.u32 $0xFFFFFF80, v12;
	v12 =	vand.u32 $0xFFFFFF80, v13;
	v13 =	vand.u32 $0x7F, v10;
	v10 =	vld [tilespmem:s25+$0x20]  }
0xae: {  	s11 =	simm.s32 $0x80;
	v6 =	vor.u32 s10, v3;
	v5 =	vor.u32 v5, v8;
	v8 =	vsub.s32 v11, v0  }
0xaf: {  	s8 =	sadd.s32 $0x8030, s16;
	s20 =	sadd.s32 $0x8040, s16;
	s31 =	sadd.s32 $0x8050, s16;
	v12 =	vor.u32 v13, v12;
	v11 =	vand.u32 $0x7F, v11;
	v13 =	vand.u32 $0xFFFFFF80, v8;
	v8 =	vld [tilespmem:s25+$0x30]  }
0xb0: {  	s26 =	sadd.s32 $0x8060, s16;
	s10 =	sadd.s32 $0x8020, s16;
	s16 =	sadd.s32 $0x8070, s16;
	v14 =	vsub.s32 v7, v0;
	v13 =	vor.u32 v11, v13;
	v11 =	vor.u32 v15, v16  }
.LBB2_16:
0xb1: {  	p0 =	sne.s32 s11, $0x3F80  }
0xb2: {  	v15 =	vsub.s32 v9, v0;
	v9 =	vand.u32 $0x7F, v9;
	v16 =	vand.u32 $0x7F, v10;
	s25 =	sadd.s32 $0x100, s25;
	s0 =	smov.u32 s11;
	s11 =	sadd.s32 $0x80, s11  }
0xb3: {  	v14 =	vand.u32 $0xFFFFFF80, v14;
	v7 =	vand.u32 $0x7F, v7;
	v15 =	vand.u32 $0xFFFFFF80, v15  }
0xb4: {  	v10 =	vsub.s32 v10, v0;
	v7 =	vor.u32 v7, v14;
	v17 =	vsub.s32 v8, v0  }
0xb5: {  	[tilespmem:v12+s29+$0x0] =	vst.idx.msk $0xffff, v6;
	v6 =	vor.u32 v9, v15;
	v9 =	vand.u32 $0xFFFFFF80, v10;
	v10 =	vand.u32 $0xFFFFFF80, v17  }
0xb6: {  	v8 =	vand.u32 $0x7F, v8;
	v12 =	vor.u32 s10, v3;
	[tilespmem:v13+s29+$0x0] =	vst.idx.msk $0xffff, v4;
	v4 =	vor.u32 v16, v9  }
0xb7: {  	v9 =	vor.u32 s8, v3;
	v8 =	vor.u32 v8, v10;
	[tilespmem:v11+s29+$0x0] =	vst.idx.msk $0xffff, v12  }
0xb8: {  	v10 =	vor.u32 s20, v3;
	[tilespmem:v5+s29+$0x0] =	vst.idx.msk $0xffff, v9  }
0xb9: {  	v5 =	vor.u32 s31, v3;
	[tilespmem:v7+s29+$0x0] =	vst.idx.msk $0xffff, v10  }
0xba: {  	v7 =	vor.u32 s26, v3;
	[tilespmem:v6+s29+$0x0] =	vst.idx.msk $0xffff, v5  }
0xbb: {  	v5 =	vor.u32 s16, v3;
	[tilespmem:v4+s29+$0x0] =	vst.idx.msk $0xffff, v7  }
0xbc: {  	[tilespmem:v8+s29+$0x0] =	vst.idx.msk $0xffff, v5  }
0xbd: {  	v5 =	vld [tilespmem:s25+$0xFFFFFFF0]  }
0xbe: {  	s0 =	sadd.s32 s0, s24;
	v8 =	vld [tilespmem:s25+$0xFFFFFFE0]  }
0xbf: {  	s28 =	sadd.s32 $0x8000, s0;
	s10 =	sadd.s32 $0x8020, s0;
	s8 =	sadd.s32 $0x8010, s0;
	v11 =	vld [tilespmem:s25+$0xFFFFFFC0]  }
0xc0: {  	s20 =	sadd.s32 $0x8040, s0;
	s31 =	sadd.s32 $0x8050, s0;
	v4 =	vor.u32 s8, v3;
	s8 =	sadd.s32 $0x8030, s0;
	v13 =	vld [tilespmem:s25+$0xFFFFFFD0]  }
0xc1: {  	s26 =	sadd.s32 $0x8060, s0;
	s16 =	sadd.s32 $0x8070, s0;
	v9 =	vld [tilespmem:s25+$0x10]  }
0xc2: {  	v6 =	vor.u32 s28, v3;
	v12 =	vsub.s32 v5, v0;
	v7 =	vld [tilespmem:s25+$0x0];
	v5 =	vand.u32 $0x7F, v5  }
.Ltmp7:
0xc3: {  	v14 =	vsub.s32 v8, v0;
	v10 =	vld [tilespmem:s25+$0x20];
	v15 =	vand.u32 $0x7F, v8;
	v8 =	vand.u32 $0xFFFFFF80, v12;
	(pc) =	sbr.rel @p0 .LBB2_16-.Ltmp7, $4  }
0xc4: {  	v12 =	vsub.s32 v11, v0;
	v16 =	vand.u32 $0xFFFFFF80, v14;
	v5 =	vor.u32 v5, v8  }
0xc5: {  	v11 =	vand.u32 $0x7F, v11;
	v14 =	vsub.s32 v13, v0;
	v8 =	vld [tilespmem:s25+$0x30];
	v12 =	vand.u32 $0xFFFFFF80, v12  }
0xc6: {  	v13 =	vand.u32 $0x7F, v13;
	v12 =	vor.u32 v11, v12;
	v11 =	vand.u32 $0xFFFFFF80, v14  }
0xc7: {  	v14 =	vsub.s32 v7, v0;
	v13 =	vor.u32 v13, v11;
	v11 =	vor.u32 v15, v16  }
0xc8: {  	_ = 	snop  }
0xc9: {  	v15 =	vsub.s32 v9, v0;
	v54 =	vand.u32 $0x7F, v9;
	v16 =	vand.u32 $0x7F, v10  }
0xca: {  	v14 =	vand.u32 $0xFFFFFF80, v14;
	v7 =	vand.u32 $0x7F, v7;
	v55 =	vsub.s32 v10, v0  }
0xcb: {  	v59 =	vor.u32 s10, v3;
	v15 =	vand.u32 $0xFFFFFF80, v15;
	v7 =	vor.u32 v7, v14  }
0xcc: {  	[tilespmem:v12+s29+$0x0] =	vst.idx.msk $0xffff, v6;
	v57 =	vand.u32 $0xFFFFFF80, v55;
	v17 =	vsub.s32 v8, v0;
	v56 =	vor.u32 v54, v15  }
0xcd: {  	[tilespmem:v13+s29+$0x0] =	vst.idx.msk $0xffff, v4;
	v4 =	vor.u32 v16, v57;
	v60 =	vand.u32 $0x7F, v8;
	v58 =	vand.u32 $0xFFFFFF80, v17  }
0xce: {  	v61 =	vor.u32 s8, v3;
	[tilespmem:v11+s29+$0x0] =	vst.idx.msk $0xffff, v59;
	v8 =	vor.u32 v60, v58  }
0xcf: {  	v62 =	vor.u32 s20, v3;
	[tilespmem:v5+s29+$0x0] =	vst.idx.msk $0xffff, v61  }
0xd0: {  	v5 =	vor.u32 s31, v3;
	[tilespmem:v7+s29+$0x0] =	vst.idx.msk $0xffff, v62  }
0xd1: {  	v63 =	vor.u32 s26, v3;
	[tilespmem:v56+s29+$0x0] =	vst.idx.msk $0xffff, v5  }
0xd2: {  	s8 =	simm.s32 $0x0;
	v5 =	vor.u32 s16, v3;
	[tilespmem:v4+s29+$0x0] =	vst.idx.msk $0xffff, v63  }
0xd3: {  	s10 =	simm.s32 $0x80;
	s11 =	simm.s32 $0x100;
	s16 =	sadd.s32 $0x0, s7;
	[tilespmem:v8+s29+$0x0] =	vst.idx.msk $0xffff, v5  }
.LBB2_18:
0xd4: {  	[tilespmem:s8], [sflag:$0x1] =	stream.linear.gather [hbm4b:s16+s2], $0x80, $0x38;
	[tilespmem:$0x11F00] =	vst v63  }
0xd5: {  	s0 =	smov.u32 s10;
	s8 =	smov.u32 s11;
	p0 =	sne.s32 s10, $0x3F80  }
.Ltmp8:
0xd6: {  	s10 =	sadd.s32 $0x80, s10;
	(pc) =	sbr.rel @p0 .LBB2_18-.Ltmp8, $2  }
0xd7: {  	_ =	sdelay $0x2  }
0xd8: {  	s11 =	sadd.s32 $0x100, s11;
	s16 =	sadd.s32 s0, s7  }
0xd9: {  	[tilespmem:s8], [sflag:$0x1] =	stream.linear.gather [hbm4b:s16+s2], $0x80, $0x38;
	[tilespmem:$0x11F00] =	vst v63  }
0xda: {  	_ =	swait.ge [sflag:s30], $0x4000  }
0xdb: {  	[sflag:s30] =	ssyncset.done $0x0  }
0xdc: {  	s25 =	simm.s32 $0xF0;
	[sflag:s30] =	ssyncadd.s32 $0xFFFFC000  }
0xdd: {  	v5 =	vld [tilespmem:s25+$0xFFFFFFC0]  }
0xde: {  	v8 =	vld [tilespmem:s25+$0xFFFFFFB0]  }
0xdf: {  	v10 =	vld [tilespmem:s25+$0xFFFFFF90]  }
0xe0: {  	s0 =	sadd.s32 $0x0, s24  }
0xe1: {  	s28 =	sadd.s32 $0xC010, s0;
	v11 =	vld [tilespmem:s25+$0xFFFFFFA0]  }
0xe2: {  	v4 =	vor.u32 s28, v3  }
0xe3: {  	v7 =	vld [tilespmem:s25+$0xFFFFFFD0];
	v9 =	vsub.s32 v5, v0;
	v5 =	vand.u32 $0x7F, v5;
	v12 =	vsub.s32 v8, v0  }
0xe4: {  	v15 =	vand.u32 $0x7F, v8;
	v13 =	vsub.s32 v10, v0;
	v8 =	vand.u32 $0xFFFFFF80, v9;
	v9 =	vld [tilespmem:s25+$0xFFFFFFE0]  }
0xe5: {  	s10 =	sadd.s32 $0xC000, s0;
	v16 =	vand.u32 $0xFFFFFF80, v12;
	v12 =	vand.u32 $0xFFFFFF80, v13;
	v13 =	vand.u32 $0x7F, v10;
	v10 =	vld [tilespmem:s25+$0xFFFFFFF0]  }
0xe6: {  	s11 =	simm.s32 $0x80;
	v6 =	vor.u32 s10, v3;
	v5 =	vor.u32 v5, v8;
	v8 =	vsub.s32 v11, v0  }
0xe7: {  	s8 =	sadd.s32 $0xC030, s0;
	s20 =	sadd.s32 $0xC040, s0;
	s31 =	sadd.s32 $0xC050, s0;
	v12 =	vor.u32 v13, v12;
	v11 =	vand.u32 $0x7F, v11;
	v13 =	vand.u32 $0xFFFFFF80, v8;
	v8 =	vld [tilespmem:s25+$0x0]  }
0xe8: {  	s26 =	sadd.s32 $0xC060, s0;
	s16 =	sadd.s32 $0xC070, s0;
	s10 =	sadd.s32 $0xC020, s0;
	v14 =	vsub.s32 v7, v0;
	v13 =	vor.u32 v11, v13;
	v11 =	vor.u32 v15, v16  }
.LBB2_20:
0xe9: {  	p0 =	sne.s32 s11, $0x3F80  }
0xea: {  	v15 =	vsub.s32 v9, v0;
	v9 =	vand.u32 $0x7F, v9;
	v16 =	vand.u32 $0x7F, v10;
	s25 =	sadd.s32 $0x100, s25;
	s0 =	smov.u32 s11;
	s11 =	sadd.s32 $0x80, s11  }
0xeb: {  	v14 =	vand.u32 $0xFFFFFF80, v14;
	v7 =	vand.u32 $0x7F, v7;
	v15 =	vand.u32 $0xFFFFFF80, v15  }
0xec: {  	v10 =	vsub.s32 v10, v0;
	v7 =	vor.u32 v7, v14;
	v17 =	vsub.s32 v8, v0  }
0xed: {  	[tilespmem:v12+s29+$0x0] =	vst.idx.msk $0xffff, v6;
	v6 =	vor.u32 v9, v15;
	v9 =	vand.u32 $0xFFFFFF80, v10;
	v10 =	vand.u32 $0xFFFFFF80, v17  }
0xee: {  	v8 =	vand.u32 $0x7F, v8;
	v12 =	vor.u32 s10, v3;
	[tilespmem:v13+s29+$0x0] =	vst.idx.msk $0xffff, v4;
	v4 =	vor.u32 v16, v9  }
0xef: {  	v9 =	vor.u32 s8, v3;
	v8 =	vor.u32 v8, v10;
	[tilespmem:v11+s29+$0x0] =	vst.idx.msk $0xffff, v12  }
0xf0: {  	v10 =	vor.u32 s20, v3;
	[tilespmem:v5+s29+$0x0] =	vst.idx.msk $0xffff, v9  }
0xf1: {  	v5 =	vor.u32 s31, v3;
	[tilespmem:v7+s29+$0x0] =	vst.idx.msk $0xffff, v10  }
0xf2: {  	v7 =	vor.u32 s26, v3;
	[tilespmem:v6+s29+$0x0] =	vst.idx.msk $0xffff, v5  }
0xf3: {  	v5 =	vor.u32 s16, v3;
	[tilespmem:v4+s29+$0x0] =	vst.idx.msk $0xffff, v7  }
0xf4: {  	[tilespmem:v8+s29+$0x0] =	vst.idx.msk $0xffff, v5  }
0xf5: {  	v5 =	vld [tilespmem:s25+$0xFFFFFFC0]  }
0xf6: {  	s0 =	sadd.s32 s0, s24;
	v8 =	vld [tilespmem:s25+$0xFFFFFFB0]  }
0xf7: {  	s28 =	sadd.s32 $0xC000, s0;
	s10 =	sadd.s32 $0xC020, s0;
	s8 =	sadd.s32 $0xC010, s0;
	v11 =	vld [tilespmem:s25+$0xFFFFFF90]  }
0xf8: {  	s20 =	sadd.s32 $0xC040, s0;
	s31 =	sadd.s32 $0xC050, s0;
	v4 =	vor.u32 s8, v3;
	s8 =	sadd.s32 $0xC030, s0;
	v13 =	vld [tilespmem:s25+$0xFFFFFFA0]  }
0xf9: {  	s26 =	sadd.s32 $0xC060, s0;
	s16 =	sadd.s32 $0xC070, s0;
	v9 =	vld [tilespmem:s25+$0xFFFFFFE0]  }
0xfa: {  	v6 =	vor.u32 s28, v3;
	v12 =	vsub.s32 v5, v0;
	v7 =	vld [tilespmem:s25+$0xFFFFFFD0];
	v5 =	vand.u32 $0x7F, v5  }
.Ltmp9:
0xfb: {  	v14 =	vsub.s32 v8, v0;
	v10 =	vld [tilespmem:s25+$0xFFFFFFF0];
	v15 =	vand.u32 $0x7F, v8;
	v8 =	vand.u32 $0xFFFFFF80, v12;
	(pc) =	sbr.rel @p0 .LBB2_20-.Ltmp9, $4  }
0xfc: {  	v12 =	vsub.s32 v11, v0;
	v16 =	vand.u32 $0xFFFFFF80, v14;
	v5 =	vor.u32 v5, v8  }
0xfd: {  	v11 =	vand.u32 $0x7F, v11;
	v14 =	vsub.s32 v13, v0;
	v8 =	vld [tilespmem:s25+$0x0];
	v12 =	vand.u32 $0xFFFFFF80, v12  }
0xfe: {  	v13 =	vand.u32 $0x7F, v13;
	v12 =	vor.u32 v11, v12;
	v11 =	vand.u32 $0xFFFFFF80, v14  }
0xff: {  	v14 =	vsub.s32 v7, v0;
	v13 =	vor.u32 v13, v11;
	v11 =	vor.u32 v15, v16  }
0x100: {  	_ = 	snop  }
0x101: {  	v15 =	vsub.s32 v9, v0;
	v54 =	vand.u32 $0x7F, v9;
	v16 =	vand.u32 $0x7F, v10  }
0x102: {  	v14 =	vand.u32 $0xFFFFFF80, v14;
	v7 =	vand.u32 $0x7F, v7;
	v55 =	vsub.s32 v10, v0  }
0x103: {  	v59 =	vor.u32 s10, v3;
	v15 =	vand.u32 $0xFFFFFF80, v15;
	v7 =	vor.u32 v7, v14  }
0x104: {  	[tilespmem:v12+s29+$0x0] =	vst.idx.msk $0xffff, v6;
	v57 =	vand.u32 $0xFFFFFF80, v55;
	v17 =	vsub.s32 v8, v0;
	v56 =	vor.u32 v54, v15  }
0x105: {  	[tilespmem:v13+s29+$0x0] =	vst.idx.msk $0xffff, v4;
	v4 =	vor.u32 v16, v57;
	v60 =	vand.u32 $0x7F, v8;
	v58 =	vand.u32 $0xFFFFFF80, v17  }
0x106: {  	v61 =	vor.u32 s8, v3;
	[tilespmem:v11+s29+$0x0] =	vst.idx.msk $0xffff, v59;
	v8 =	vor.u32 v60, v58  }
0x107: {  	v62 =	vor.u32 s20, v3;
	[tilespmem:v5+s29+$0x0] =	vst.idx.msk $0xffff, v61  }
0x108: {  	v5 =	vor.u32 s31, v3;
	[tilespmem:v7+s29+$0x0] =	vst.idx.msk $0xffff, v62  }
0x109: {  	v63 =	vor.u32 s26, v3;
	[tilespmem:v56+s29+$0x0] =	vst.idx.msk $0xffff, v5  }
0x10a: {  	s8 =	simm.s32 $0x80;
	v5 =	vor.u32 s16, v3;
	[tilespmem:v4+s29+$0x0] =	vst.idx.msk $0xffff, v63  }
0x10b: {  	s10 =	simm.s32 $0x80;
	s11 =	simm.s32 $0x180;
	s16 =	sadd.s32 $0x0, s9;
	[tilespmem:v8+s29+$0x0] =	vst.idx.msk $0xffff, v5  }
.LBB2_22:
0x10c: {  	[tilespmem:s8], [sflag:$0x2] =	stream.linear.gather [hbm4b:s16+s2], $0x80, $0x38;
	[tilespmem:$0x11F00] =	vst v63  }
0x10d: {  	s0 =	smov.u32 s10;
	s8 =	smov.u32 s11;
	p0 =	sne.s32 s10, $0x3F80  }
.Ltmp10:
0x10e: {  	s10 =	sadd.s32 $0x80, s10;
	(pc) =	sbr.rel @p0 .LBB2_22-.Ltmp10, $2  }
0x10f: {  	_ =	sdelay $0x2  }
0x110: {  	s11 =	sadd.s32 $0x100, s11;
	s16 =	sadd.s32 s0, s9  }
0x111: {  	[tilespmem:s8], [sflag:$0x2] =	stream.linear.gather [hbm4b:s16+s2], $0x80, $0x38;
	[tilespmem:$0x11F00] =	vst v63  }
0x112: {  	s0 =	simm.s32 $0x1  }
0x113: {  	_ =	swait.ge [sflag:s0], $0x4000  }
0x114: {  	[sflag:s0] =	ssyncset.done $0x0  }
0x115: {  	s25 =	simm.s32 $0x40;
	[sflag:s0] =	ssyncadd.s32 $0xFFFFC000  }
0x116: {  	v5 =	vld [tilespmem:s25+$0xFFFFFFF0]  }
0x117: {  	v8 =	vld [tilespmem:s25+$0xFFFFFFE0]  }
0x118: {  	v10 =	vld [tilespmem:s25+$0xFFFFFFC0]  }
0x119: {  	s16 =	sadd.s32 $0x0, s24  }
0x11a: {  	s28 =	sadd.s32 $0x10010, s16;
	v11 =	vld [tilespmem:s25+$0xFFFFFFD0]  }
0x11b: {  	v4 =	vor.u32 s28, v3  }
0x11c: {  	v7 =	vld [tilespmem:s25+$0x0];
	v9 =	vsub.s32 v5, v0;
	v5 =	vand.u32 $0x7F, v5;
	v12 =	vsub.s32 v8, v0  }
0x11d: {  	v15 =	vand.u32 $0x7F, v8;
	v13 =	vsub.s32 v10, v0;
	v8 =	vand.u32 $0xFFFFFF80, v9;
	v9 =	vld [tilespmem:s25+$0x10]  }
0x11e: {  	s10 =	sadd.s32 $0x10000, s16;
	v16 =	vand.u32 $0xFFFFFF80, v12;
	v12 =	vand.u32 $0xFFFFFF80, v13;
	v13 =	vand.u32 $0x7F, v10;
	v10 =	vld [tilespmem:s25+$0x20]  }
0x11f: {  	s11 =	simm.s32 $0x80;
	v6 =	vor.u32 s10, v3;
	v5 =	vor.u32 v5, v8;
	v8 =	vsub.s32 v11, v0  }
0x120: {  	s8 =	sadd.s32 $0x10030, s16;
	s20 =	sadd.s32 $0x10040, s16;
	s31 =	sadd.s32 $0x10050, s16;
	v12 =	vor.u32 v13, v12;
	v11 =	vand.u32 $0x7F, v11;
	v13 =	vand.u32 $0xFFFFFF80, v8;
	v8 =	vld [tilespmem:s25+$0x30]  }
0x121: {  	s26 =	sadd.s32 $0x10060, s16;
	s10 =	sadd.s32 $0x10020, s16;
	s16 =	sadd.s32 $0x10070, s16;
	v14 =	vsub.s32 v7, v0;
	v13 =	vor.u32 v11, v13;
	v11 =	vor.u32 v15, v16  }
.LBB2_24:
0x122: {  	p0 =	sne.s32 s11, $0x3F80  }
0x123: {  	v15 =	vsub.s32 v9, v0;
	v9 =	vand.u32 $0x7F, v9;
	v16 =	vand.u32 $0x7F, v10;
	s25 =	sadd.s32 $0x100, s25;
	s0 =	smov.u32 s11;
	s11 =	sadd.s32 $0x80, s11  }
0x124: {  	v14 =	vand.u32 $0xFFFFFF80, v14;
	v7 =	vand.u32 $0x7F, v7;
	v15 =	vand.u32 $0xFFFFFF80, v15  }
0x125: {  	v10 =	vsub.s32 v10, v0;
	v7 =	vor.u32 v7, v14;
	v17 =	vsub.s32 v8, v0  }
0x126: {  	[tilespmem:v12+s29+$0x0] =	vst.idx.msk $0xffff, v6;
	v6 =	vor.u32 v9, v15;
	v9 =	vand.u32 $0xFFFFFF80, v10;
	v10 =	vand.u32 $0xFFFFFF80, v17  }
0x127: {  	v8 =	vand.u32 $0x7F, v8;
	v12 =	vor.u32 s10, v3;
	[tilespmem:v13+s29+$0x0] =	vst.idx.msk $0xffff, v4;
	v4 =	vor.u32 v16, v9  }
0x128: {  	v9 =	vor.u32 s8, v3;
	v8 =	vor.u32 v8, v10;
	[tilespmem:v11+s29+$0x0] =	vst.idx.msk $0xffff, v12  }
0x129: {  	v10 =	vor.u32 s20, v3;
	[tilespmem:v5+s29+$0x0] =	vst.idx.msk $0xffff, v9  }
0x12a: {  	v5 =	vor.u32 s31, v3;
	[tilespmem:v7+s29+$0x0] =	vst.idx.msk $0xffff, v10  }
0x12b: {  	v7 =	vor.u32 s26, v3;
	[tilespmem:v6+s29+$0x0] =	vst.idx.msk $0xffff, v5  }
0x12c: {  	v5 =	vor.u32 s16, v3;
	[tilespmem:v4+s29+$0x0] =	vst.idx.msk $0xffff, v7  }
0x12d: {  	[tilespmem:v8+s29+$0x0] =	vst.idx.msk $0xffff, v5  }
0x12e: {  	v5 =	vld [tilespmem:s25+$0xFFFFFFF0]  }
0x12f: {  	s0 =	sadd.s32 s0, s24;
	v8 =	vld [tilespmem:s25+$0xFFFFFFE0]  }
0x130: {  	s28 =	sadd.s32 $0x10000, s0;
	s10 =	sadd.s32 $0x10020, s0;
	s8 =	sadd.s32 $0x10010, s0;
	v11 =	vld [tilespmem:s25+$0xFFFFFFC0]  }
0x131: {  	s20 =	sadd.s32 $0x10040, s0;
	s31 =	sadd.s32 $0x10050, s0;
	v4 =	vor.u32 s8, v3;
	s8 =	sadd.s32 $0x10030, s0;
	v13 =	vld [tilespmem:s25+$0xFFFFFFD0]  }
0x132: {  	s26 =	sadd.s32 $0x10060, s0;
	s16 =	sadd.s32 $0x10070, s0;
	v9 =	vld [tilespmem:s25+$0x10]  }
0x133: {  	v6 =	vor.u32 s28, v3;
	v12 =	vsub.s32 v5, v0;
	v7 =	vld [tilespmem:s25+$0x0];
	v5 =	vand.u32 $0x7F, v5  }
.Ltmp11:
0x134: {  	v14 =	vsub.s32 v8, v0;
	v10 =	vld [tilespmem:s25+$0x20];
	v15 =	vand.u32 $0x7F, v8;
	v8 =	vand.u32 $0xFFFFFF80, v12;
	(pc) =	sbr.rel @p0 .LBB2_24-.Ltmp11, $4  }
0x135: {  	v12 =	vsub.s32 v11, v0;
	v16 =	vand.u32 $0xFFFFFF80, v14;
	v5 =	vor.u32 v5, v8  }
0x136: {  	v11 =	vand.u32 $0x7F, v11;
	v14 =	vsub.s32 v13, v0;
	v8 =	vld [tilespmem:s25+$0x30];
	v12 =	vand.u32 $0xFFFFFF80, v12  }
0x137: {  	v13 =	vand.u32 $0x7F, v13;
	v12 =	vor.u32 v11, v12;
	v11 =	vand.u32 $0xFFFFFF80, v14  }
0x138: {  	v14 =	vsub.s32 v7, v0;
	v13 =	vor.u32 v13, v11;
	v11 =	vor.u32 v15, v16  }
0x139: {  	_ = 	snop  }
0x13a: {  	v15 =	vsub.s32 v9, v0;
	v54 =	vand.u32 $0x7F, v9;
	v16 =	vand.u32 $0x7F, v10  }
0x13b: {  	v14 =	vand.u32 $0xFFFFFF80, v14;
	v7 =	vand.u32 $0x7F, v7;
	v55 =	vsub.s32 v10, v0  }
0x13c: {  	v59 =	vor.u32 s10, v3;
	v15 =	vand.u32 $0xFFFFFF80, v15;
	v7 =	vor.u32 v7, v14  }
0x13d: {  	[tilespmem:v12+s29+$0x0] =	vst.idx.msk $0xffff, v6;
	v57 =	vand.u32 $0xFFFFFF80, v55;
	v17 =	vsub.s32 v8, v0;
	v56 =	vor.u32 v54, v15  }
0x13e: {  	[tilespmem:v13+s29+$0x0] =	vst.idx.msk $0xffff, v4;
	v4 =	vor.u32 v16, v57;
	v60 =	vand.u32 $0x7F, v8;
	v58 =	vand.u32 $0xFFFFFF80, v17  }
0x13f: {  	v61 =	vor.u32 s8, v3;
	[tilespmem:v11+s29+$0x0] =	vst.idx.msk $0xffff, v59;
	v8 =	vor.u32 v60, v58  }
0x140: {  	v62 =	vor.u32 s20, v3;
	[tilespmem:v5+s29+$0x0] =	vst.idx.msk $0xffff, v61  }
0x141: {  	v5 =	vor.u32 s31, v3;
	[tilespmem:v7+s29+$0x0] =	vst.idx.msk $0xffff, v62  }
0x142: {  	v63 =	vor.u32 s26, v3;
	[tilespmem:v56+s29+$0x0] =	vst.idx.msk $0xffff, v5  }
0x143: {  	s8 =	simm.s32 $0x0;
	v5 =	vor.u32 s16, v3;
	[tilespmem:v4+s29+$0x0] =	vst.idx.msk $0xffff, v63  }
0x144: {  	s10 =	simm.s32 $0x80;
	s11 =	simm.s32 $0x100;
	s16 =	sadd.s32 $0x0, s12;
	[tilespmem:v8+s29+$0x0] =	vst.idx.msk $0xffff, v5  }
.LBB2_26:
0x145: {  	[tilespmem:s8], [sflag:$0x1] =	stream.linear.gather [hbm4b:s16+s2], $0x80, $0x38;
	[tilespmem:$0x11F00] =	vst v63  }
0x146: {  	s0 =	smov.u32 s10;
	s8 =	smov.u32 s11;
	p0 =	sne.s32 s10, $0x3F80  }
.Ltmp12:
0x147: {  	s10 =	sadd.s32 $0x80, s10;
	(pc) =	sbr.rel @p0 .LBB2_26-.Ltmp12, $2  }
0x148: {  	_ =	sdelay $0x2  }
0x149: {  	s11 =	sadd.s32 $0x100, s11;
	s16 =	sadd.s32 s0, s12  }
0x14a: {  	[tilespmem:s8], [sflag:$0x1] =	stream.linear.gather [hbm4b:s16+s2], $0x80, $0x38;
	[tilespmem:$0x11F00] =	vst v63  }
0x14b: {  	_ =	swait.ge [sflag:s30], $0x4000  }
0x14c: {  	[sflag:s30] =	ssyncset.done $0x0  }
0x14d: {  	s25 =	simm.s32 $0xF0;
	[sflag:s30] =	ssyncadd.s32 $0xFFFFC000  }
0x14e: {  	v5 =	vld [tilespmem:s25+$0xFFFFFFC0]  }
0x14f: {  	v8 =	vld [tilespmem:s25+$0xFFFFFFB0]  }
0x150: {  	v10 =	vld [tilespmem:s25+$0xFFFFFF90]  }
0x151: {  	s0 =	sadd.s32 $0x0, s24  }
0x152: {  	s28 =	sadd.s32 $0x14010, s0;
	v11 =	vld [tilespmem:s25+$0xFFFFFFA0]  }
0x153: {  	v4 =	vor.u32 s28, v3  }
0x154: {  	v7 =	vld [tilespmem:s25+$0xFFFFFFD0];
	v9 =	vsub.s32 v5, v0;
	v5 =	vand.u32 $0x7F, v5;
	v12 =	vsub.s32 v8, v0  }
0x155: {  	v15 =	vand.u32 $0x7F, v8;
	v13 =	vsub.s32 v10, v0;
	v8 =	vand.u32 $0xFFFFFF80, v9;
	v9 =	vld [tilespmem:s25+$0xFFFFFFE0]  }
0x156: {  	s10 =	sadd.s32 $0x14000, s0;
	v16 =	vand.u32 $0xFFFFFF80, v12;
	v12 =	vand.u32 $0xFFFFFF80, v13;
	v13 =	vand.u32 $0x7F, v10;
	v10 =	vld [tilespmem:s25+$0xFFFFFFF0]  }
0x157: {  	s11 =	simm.s32 $0x80;
	v6 =	vor.u32 s10, v3;
	v5 =	vor.u32 v5, v8;
	v8 =	vsub.s32 v11, v0  }
0x158: {  	s8 =	sadd.s32 $0x14030, s0;
	s20 =	sadd.s32 $0x14040, s0;
	s31 =	sadd.s32 $0x14050, s0;
	v12 =	vor.u32 v13, v12;
	v11 =	vand.u32 $0x7F, v11;
	v13 =	vand.u32 $0xFFFFFF80, v8;
	v8 =	vld [tilespmem:s25+$0x0]  }
0x159: {  	s26 =	sadd.s32 $0x14060, s0;
	s16 =	sadd.s32 $0x14070, s0;
	s10 =	sadd.s32 $0x14020, s0;
	v14 =	vsub.s32 v7, v0;
	v13 =	vor.u32 v11, v13;
	v11 =	vor.u32 v15, v16  }
.LBB2_28:
0x15a: {  	p0 =	sne.s32 s11, $0x3F80  }
0x15b: {  	v15 =	vsub.s32 v9, v0;
	v9 =	vand.u32 $0x7F, v9;
	v16 =	vand.u32 $0x7F, v10;
	s25 =	sadd.s32 $0x100, s25;
	s0 =	smov.u32 s11;
	s11 =	sadd.s32 $0x80, s11  }
0x15c: {  	v14 =	vand.u32 $0xFFFFFF80, v14;
	v7 =	vand.u32 $0x7F, v7;
	v15 =	vand.u32 $0xFFFFFF80, v15  }
0x15d: {  	v10 =	vsub.s32 v10, v0;
	v7 =	vor.u32 v7, v14;
	v17 =	vsub.s32 v8, v0  }
0x15e: {  	[tilespmem:v12+s29+$0x0] =	vst.idx.msk $0xffff, v6;
	v6 =	vor.u32 v9, v15;
	v9 =	vand.u32 $0xFFFFFF80, v10;
	v10 =	vand.u32 $0xFFFFFF80, v17  }
0x15f: {  	v8 =	vand.u32 $0x7F, v8;
	v12 =	vor.u32 s10, v3;
	[tilespmem:v13+s29+$0x0] =	vst.idx.msk $0xffff, v4;
	v4 =	vor.u32 v16, v9  }
0x160: {  	v9 =	vor.u32 s8, v3;
	v8 =	vor.u32 v8, v10;
	[tilespmem:v11+s29+$0x0] =	vst.idx.msk $0xffff, v12  }
0x161: {  	v10 =	vor.u32 s20, v3;
	[tilespmem:v5+s29+$0x0] =	vst.idx.msk $0xffff, v9  }
0x162: {  	v5 =	vor.u32 s31, v3;
	[tilespmem:v7+s29+$0x0] =	vst.idx.msk $0xffff, v10  }
0x163: {  	v7 =	vor.u32 s26, v3;
	[tilespmem:v6+s29+$0x0] =	vst.idx.msk $0xffff, v5  }
0x164: {  	v5 =	vor.u32 s16, v3;
	[tilespmem:v4+s29+$0x0] =	vst.idx.msk $0xffff, v7  }
0x165: {  	[tilespmem:v8+s29+$0x0] =	vst.idx.msk $0xffff, v5  }
0x166: {  	v5 =	vld [tilespmem:s25+$0xFFFFFFC0]  }
0x167: {  	s0 =	sadd.s32 s0, s24;
	v8 =	vld [tilespmem:s25+$0xFFFFFFB0]  }
0x168: {  	s28 =	sadd.s32 $0x14000, s0;
	s10 =	sadd.s32 $0x14020, s0;
	s8 =	sadd.s32 $0x14010, s0;
	v11 =	vld [tilespmem:s25+$0xFFFFFF90]  }
0x169: {  	s20 =	sadd.s32 $0x14040, s0;
	s31 =	sadd.s32 $0x14050, s0;
	v4 =	vor.u32 s8, v3;
	s8 =	sadd.s32 $0x14030, s0;
	v13 =	vld [tilespmem:s25+$0xFFFFFFA0]  }
0x16a: {  	s26 =	sadd.s32 $0x14060, s0;
	s16 =	sadd.s32 $0x14070, s0;
	v9 =	vld [tilespmem:s25+$0xFFFFFFE0]  }
0x16b: {  	v6 =	vor.u32 s28, v3;
	v12 =	vsub.s32 v5, v0;
	v7 =	vld [tilespmem:s25+$0xFFFFFFD0];
	v5 =	vand.u32 $0x7F, v5  }
.Ltmp13:
0x16c: {  	v14 =	vsub.s32 v8, v0;
	v10 =	vld [tilespmem:s25+$0xFFFFFFF0];
	v15 =	vand.u32 $0x7F, v8;
	v8 =	vand.u32 $0xFFFFFF80, v12;
	(pc) =	sbr.rel @p0 .LBB2_28-.Ltmp13, $4  }
0x16d: {  	v12 =	vsub.s32 v11, v0;
	v16 =	vand.u32 $0xFFFFFF80, v14;
	v5 =	vor.u32 v5, v8  }
0x16e: {  	v11 =	vand.u32 $0x7F, v11;
	v14 =	vsub.s32 v13, v0;
	v8 =	vld [tilespmem:s25+$0x0];
	v12 =	vand.u32 $0xFFFFFF80, v12  }
0x16f: {  	v13 =	vand.u32 $0x7F, v13;
	v12 =	vor.u32 v11, v12;
	v11 =	vand.u32 $0xFFFFFF80, v14  }
0x170: {  	v14 =	vsub.s32 v7, v0;
	v13 =	vor.u32 v13, v11;
	v11 =	vor.u32 v15, v16  }
0x171: {  	_ = 	snop  }
0x172: {  	v15 =	vsub.s32 v9, v0;
	v54 =	vand.u32 $0x7F, v9;
	v16 =	vand.u32 $0x7F, v10  }
0x173: {  	v14 =	vand.u32 $0xFFFFFF80, v14;
	v7 =	vand.u32 $0x7F, v7;
	v55 =	vsub.s32 v10, v0  }
0x174: {  	v59 =	vor.u32 s10, v3;
	v15 =	vand.u32 $0xFFFFFF80, v15;
	v7 =	vor.u32 v7, v14  }
0x175: {  	[tilespmem:v12+s29+$0x0] =	vst.idx.msk $0xffff, v6;
	v57 =	vand.u32 $0xFFFFFF80, v55;
	v17 =	vsub.s32 v8, v0;
	v56 =	vor.u32 v54, v15  }
0x176: {  	[tilespmem:v13+s29+$0x0] =	vst.idx.msk $0xffff, v4;
	v4 =	vor.u32 v16, v57;
	v60 =	vand.u32 $0x7F, v8;
	v58 =	vand.u32 $0xFFFFFF80, v17  }
0x177: {  	v61 =	vor.u32 s8, v3;
	[tilespmem:v11+s29+$0x0] =	vst.idx.msk $0xffff, v59;
	v8 =	vor.u32 v60, v58  }
0x178: {  	v62 =	vor.u32 s20, v3;
	[tilespmem:v5+s29+$0x0] =	vst.idx.msk $0xffff, v61  }
0x179: {  	v5 =	vor.u32 s31, v3;
	[tilespmem:v7+s29+$0x0] =	vst.idx.msk $0xffff, v62  }
0x17a: {  	v63 =	vor.u32 s26, v3;
	[tilespmem:v56+s29+$0x0] =	vst.idx.msk $0xffff, v5  }
0x17b: {  	s8 =	simm.s32 $0x80;
	v5 =	vor.u32 s16, v3;
	[tilespmem:v4+s29+$0x0] =	vst.idx.msk $0xffff, v63  }
0x17c: {  	s10 =	simm.s32 $0x80;
	s11 =	simm.s32 $0x180;
	s16 =	sadd.s32 $0x0, s13;
	[tilespmem:v8+s29+$0x0] =	vst.idx.msk $0xffff, v5  }
.LBB2_30:
0x17d: {  	[tilespmem:s8], [sflag:$0x2] =	stream.linear.gather [hbm4b:s16+s2], $0x80, $0x38;
	[tilespmem:$0x11F00] =	vst v63  }
0x17e: {  	s0 =	smov.u32 s10;
	s8 =	smov.u32 s11;
	p0 =	sne.s32 s10, $0x3F80  }
.Ltmp14:
0x17f: {  	s10 =	sadd.s32 $0x80, s10;
	(pc) =	sbr.rel @p0 .LBB2_30-.Ltmp14, $2  }
0x180: {  	_ =	sdelay $0x2  }
0x181: {  	s11 =	sadd.s32 $0x100, s11;
	s16 =	sadd.s32 s0, s13  }
0x182: {  	[tilespmem:s8], [sflag:$0x2] =	stream.linear.gather [hbm4b:s16+s2], $0x80, $0x38;
	[tilespmem:$0x11F00] =	vst v63  }
0x183: {  	s0 =	simm.s32 $0x1  }
0x184: {  	_ =	swait.ge [sflag:s0], $0x4000  }
0x185: {  	[sflag:s0] =	ssyncset.done $0x0  }
0x186: {  	s25 =	simm.s32 $0x40;
	[sflag:s0] =	ssyncadd.s32 $0xFFFFC000  }
0x187: {  	v5 =	vld [tilespmem:s25+$0xFFFFFFF0]  }
0x188: {  	v8 =	vld [tilespmem:s25+$0xFFFFFFE0]  }
0x189: {  	v10 =	vld [tilespmem:s25+$0xFFFFFFC0]  }
0x18a: {  	s16 =	sadd.s32 $0x0, s24  }
0x18b: {  	s28 =	sadd.s32 $0x18010, s16;
	v11 =	vld [tilespmem:s25+$0xFFFFFFD0]  }
0x18c: {  	v4 =	vor.u32 s28, v3  }
0x18d: {  	v7 =	vld [tilespmem:s25+$0x0];
	v9 =	vsub.s32 v5, v0;
	v5 =	vand.u32 $0x7F, v5;
	v12 =	vsub.s32 v8, v0  }
0x18e: {  	v15 =	vand.u32 $0x7F, v8;
	v13 =	vsub.s32 v10, v0;
	v8 =	vand.u32 $0xFFFFFF80, v9;
	v9 =	vld [tilespmem:s25+$0x10]  }
0x18f: {  	s10 =	sadd.s32 $0x18000, s16;
	v16 =	vand.u32 $0xFFFFFF80, v12;
	v12 =	vand.u32 $0xFFFFFF80, v13;
	v13 =	vand.u32 $0x7F, v10;
	v10 =	vld [tilespmem:s25+$0x20]  }
0x190: {  	s11 =	simm.s32 $0x80;
	v6 =	vor.u32 s10, v3;
	v5 =	vor.u32 v5, v8;
	v8 =	vsub.s32 v11, v0  }
0x191: {  	s8 =	sadd.s32 $0x18030, s16;
	s20 =	sadd.s32 $0x18040, s16;
	s31 =	sadd.s32 $0x18050, s16;
	v12 =	vor.u32 v13, v12;
	v11 =	vand.u32 $0x7F, v11;
	v13 =	vand.u32 $0xFFFFFF80, v8;
	v8 =	vld [tilespmem:s25+$0x30]  }
0x192: {  	s26 =	sadd.s32 $0x18060, s16;
	s10 =	sadd.s32 $0x18020, s16;
	s16 =	sadd.s32 $0x18070, s16;
	v14 =	vsub.s32 v7, v0;
	v13 =	vor.u32 v11, v13;
	v11 =	vor.u32 v15, v16  }
.LBB2_32:
0x193: {  	p0 =	sne.s32 s11, $0x3F80  }
0x194: {  	v15 =	vsub.s32 v9, v0;
	v9 =	vand.u32 $0x7F, v9;
	v16 =	vand.u32 $0x7F, v10;
	s25 =	sadd.s32 $0x100, s25;
	s0 =	smov.u32 s11;
	s11 =	sadd.s32 $0x80, s11  }
0x195: {  	v14 =	vand.u32 $0xFFFFFF80, v14;
	v7 =	vand.u32 $0x7F, v7;
	v15 =	vand.u32 $0xFFFFFF80, v15  }
0x196: {  	v10 =	vsub.s32 v10, v0;
	v7 =	vor.u32 v7, v14;
	v17 =	vsub.s32 v8, v0  }
0x197: {  	[tilespmem:v12+s29+$0x0] =	vst.idx.msk $0xffff, v6;
	v6 =	vor.u32 v9, v15;
	v9 =	vand.u32 $0xFFFFFF80, v10;
	v10 =	vand.u32 $0xFFFFFF80, v17  }
0x198: {  	v8 =	vand.u32 $0x7F, v8;
	v12 =	vor.u32 s10, v3;
	[tilespmem:v13+s29+$0x0] =	vst.idx.msk $0xffff, v4;
	v4 =	vor.u32 v16, v9  }
0x199: {  	v9 =	vor.u32 s8, v3;
	v8 =	vor.u32 v8, v10;
	[tilespmem:v11+s29+$0x0] =	vst.idx.msk $0xffff, v12  }
0x19a: {  	v10 =	vor.u32 s20, v3;
	[tilespmem:v5+s29+$0x0] =	vst.idx.msk $0xffff, v9  }
0x19b: {  	v5 =	vor.u32 s31, v3;
	[tilespmem:v7+s29+$0x0] =	vst.idx.msk $0xffff, v10  }
0x19c: {  	v7 =	vor.u32 s26, v3;
	[tilespmem:v6+s29+$0x0] =	vst.idx.msk $0xffff, v5  }
0x19d: {  	v5 =	vor.u32 s16, v3;
	[tilespmem:v4+s29+$0x0] =	vst.idx.msk $0xffff, v7  }
0x19e: {  	[tilespmem:v8+s29+$0x0] =	vst.idx.msk $0xffff, v5  }
0x19f: {  	v5 =	vld [tilespmem:s25+$0xFFFFFFF0]  }
0x1a0: {  	s0 =	sadd.s32 s0, s24;
	v8 =	vld [tilespmem:s25+$0xFFFFFFE0]  }
0x1a1: {  	s28 =	sadd.s32 $0x18000, s0;
	s10 =	sadd.s32 $0x18020, s0;
	s8 =	sadd.s32 $0x18010, s0;
	v11 =	vld [tilespmem:s25+$0xFFFFFFC0]  }
0x1a2: {  	s20 =	sadd.s32 $0x18040, s0;
	s31 =	sadd.s32 $0x18050, s0;
	v4 =	vor.u32 s8, v3;
	s8 =	sadd.s32 $0x18030, s0;
	v13 =	vld [tilespmem:s25+$0xFFFFFFD0]  }
0x1a3: {  	s26 =	sadd.s32 $0x18060, s0;
	s16 =	sadd.s32 $0x18070, s0;
	v9 =	vld [tilespmem:s25+$0x10]  }
0x1a4: {  	v6 =	vor.u32 s28, v3;
	v12 =	vsub.s32 v5, v0;
	v7 =	vld [tilespmem:s25+$0x0];
	v5 =	vand.u32 $0x7F, v5  }
.Ltmp15:
0x1a5: {  	v14 =	vsub.s32 v8, v0;
	v10 =	vld [tilespmem:s25+$0x20];
	v15 =	vand.u32 $0x7F, v8;
	v8 =	vand.u32 $0xFFFFFF80, v12;
	(pc) =	sbr.rel @p0 .LBB2_32-.Ltmp15, $4  }
0x1a6: {  	v12 =	vsub.s32 v11, v0;
	v16 =	vand.u32 $0xFFFFFF80, v14;
	v5 =	vor.u32 v5, v8  }
0x1a7: {  	v11 =	vand.u32 $0x7F, v11;
	v14 =	vsub.s32 v13, v0;
	v8 =	vld [tilespmem:s25+$0x30];
	v12 =	vand.u32 $0xFFFFFF80, v12  }
0x1a8: {  	v13 =	vand.u32 $0x7F, v13;
	v12 =	vor.u32 v11, v12;
	v11 =	vand.u32 $0xFFFFFF80, v14  }
0x1a9: {  	v14 =	vsub.s32 v7, v0;
	v13 =	vor.u32 v13, v11;
	v11 =	vor.u32 v15, v16  }
0x1aa: {  	_ =	sdelay $0x1  }
0x1ab: {  	v15 =	vsub.s32 v9, v0;
	v9 =	vand.u32 $0x7F, v9;
	v16 =	vand.u32 $0x7F, v10  }
0x1ac: {  	v14 =	vand.u32 $0xFFFFFF80, v14;
	v7 =	vand.u32 $0x7F, v7;
	v10 =	vsub.s32 v10, v0  }
0x1ad: {  	[tilespmem:v12+s29+$0x0] =	vst.idx.msk $0xffff, v6;
	v12 =	vor.u32 s10, v3;
	v15 =	vand.u32 $0xFFFFFF80, v15;
	v7 =	vor.u32 v7, v14  }
0x1ae: {  	v17 =	vsub.s32 v8, v0;
	v6 =	vor.u32 v9, v15;
	v9 =	vand.u32 $0xFFFFFF80, v10  }
0x1af: {  	[tilespmem:v13+s29+$0x0] =	vst.idx.msk $0xffff, v4;
	v8 =	vand.u32 $0x7F, v8;
	v10 =	vand.u32 $0xFFFFFF80, v17;
	v4 =	vor.u32 v16, v9  }
0x1b0: {  	[tilespmem:v11+s29+$0x0] =	vst.idx.msk $0xffff, v12;
	v9 =	vor.u32 s8, v3;
	v8 =	vor.u32 v8, v10  }
0x1b1: {  	v10 =	vor.u32 s20, v3;
	[tilespmem:v5+s29+$0x0] =	vst.idx.msk $0xffff, v9  }
0x1b2: {  	v5 =	vor.u32 s31, v3;
	[tilespmem:v7+s29+$0x0] =	vst.idx.msk $0xffff, v10  }
0x1b3: {  	v7 =	vor.u32 s26, v3;
	[tilespmem:v6+s29+$0x0] =	vst.idx.msk $0xffff, v5  }
0x1b4: {  	v5 =	vor.u32 s16, v3;
	[tilespmem:v4+s29+$0x0] =	vst.idx.msk $0xffff, v7  }
0x1b5: {  	[tilespmem:v8+s29+$0x0] =	vst.idx.msk $0xffff, v5  }
0x1b6: {  	_ =	swait.ge [sflag:s30], $0x4000  }
0x1b7: {  	[sflag:s30] =	ssyncset.done $0x0  }
0x1b8: {  	s25 =	simm.s32 $0xF0;
	[sflag:s30] =	ssyncadd.s32 $0xFFFFC000  }
0x1b9: {  	v5 =	vld [tilespmem:s25+$0xFFFFFFC0]  }
0x1ba: {  	v8 =	vld [tilespmem:s25+$0xFFFFFFB0]  }
0x1bb: {  	v10 =	vld [tilespmem:s25+$0xFFFFFF90]  }
0x1bc: {  	s0 =	sadd.s32 $0x0, s24  }
0x1bd: {  	s28 =	sadd.s32 $0x1C000, s0;
	v11 =	vld [tilespmem:s25+$0xFFFFFFA0]  }
0x1be: {  	v6 =	vor.u32 s28, v3  }
0x1bf: {  	v7 =	vld [tilespmem:s25+$0xFFFFFFD0];
	v9 =	vsub.s32 v5, v0;
	v5 =	vand.u32 $0x7F, v5;
	v12 =	vsub.s32 v8, v0  }
0x1c0: {  	v15 =	vand.u32 $0x7F, v8;
	v13 =	vsub.s32 v10, v0;
	v8 =	vand.u32 $0xFFFFFF80, v9;
	v9 =	vld [tilespmem:s25+$0xFFFFFFE0]  }
0x1c1: {  	s26 =	sadd.s32 $0x1C010, s0;
	v63 =	vand.u32 $0xFFFFFF80, v12;
	v12 =	vand.u32 $0xFFFFFF80, v13;
	v13 =	vand.u32 $0x7F, v10;
	v10 =	vld [tilespmem:s25+$0xFFFFFFF0]  }
0x1c2: {  	s11 =	simm.s32 $0x80;
	v4 =	vor.u32 s26, v3;
	v5 =	vor.u32 v5, v8;
	v8 =	vsub.s32 v11, v0  }
0x1c3: {  	s10 =	sadd.s32 $0x1C020, s0;
	s8 =	sadd.s32 $0x1C030, s0;
	s20 =	sadd.s32 $0x1C040, s0;
	v12 =	vor.u32 v13, v12;
	v11 =	vand.u32 $0x7F, v11;
	v13 =	vand.u32 $0xFFFFFF80, v8;
	v8 =	vld [tilespmem:s25+$0x0]  }
0x1c4: {  	s31 =	sadd.s32 $0x1C050, s0;
	s16 =	sadd.s32 $0x1C070, s0;
	s26 =	sadd.s32 $0x1C060, s0;
	v14 =	vsub.s32 v7, v0;
	v13 =	vor.u32 v11, v13;
	v11 =	vor.u32 v15, v63  }
.LBB2_34:
0x1c5: {  	p0 =	sne.s32 s11, $0x3F80  }
0x1c6: {  	v15 =	vsub.s32 v9, v0;
	v9 =	vand.u32 $0x7F, v9;
	v16 =	vand.u32 $0x7F, v10;
	s25 =	sadd.s32 $0x100, s25;
	s0 =	smov.u32 s11;
	s11 =	sadd.s32 $0x80, s11  }
0x1c7: {  	v14 =	vand.u32 $0xFFFFFF80, v14;
	v7 =	vand.u32 $0x7F, v7;
	v15 =	vand.u32 $0xFFFFFF80, v15  }
0x1c8: {  	v10 =	vsub.s32 v10, v0;
	v7 =	vor.u32 v7, v14;
	v17 =	vsub.s32 v8, v0  }
0x1c9: {  	[tilespmem:v12+s29+$0x0] =	vst.idx.msk $0xffff, v6;
	v6 =	vor.u32 v9, v15;
	v9 =	vand.u32 $0xFFFFFF80, v10;
	v10 =	vand.u32 $0xFFFFFF80, v17  }
0x1ca: {  	v8 =	vand.u32 $0x7F, v8;
	v12 =	vor.u32 s10, v3;
	[tilespmem:v13+s29+$0x0] =	vst.idx.msk $0xffff, v4;
	v4 =	vor.u32 v16, v9  }
0x1cb: {  	v9 =	vor.u32 s8, v3;
	v8 =	vor.u32 v8, v10;
	[tilespmem:v11+s29+$0x0] =	vst.idx.msk $0xffff, v12  }
0x1cc: {  	v10 =	vor.u32 s20, v3;
	[tilespmem:v5+s29+$0x0] =	vst.idx.msk $0xffff, v9  }
0x1cd: {  	v5 =	vor.u32 s31, v3;
	[tilespmem:v7+s29+$0x0] =	vst.idx.msk $0xffff, v10  }
0x1ce: {  	v7 =	vor.u32 s26, v3;
	[tilespmem:v6+s29+$0x0] =	vst.idx.msk $0xffff, v5  }
0x1cf: {  	v5 =	vor.u32 s16, v3;
	[tilespmem:v4+s29+$0x0] =	vst.idx.msk $0xffff, v7  }
0x1d0: {  	[tilespmem:v8+s29+$0x0] =	vst.idx.msk $0xffff, v5  }
0x1d1: {  	v5 =	vld [tilespmem:s25+$0xFFFFFFC0]  }
0x1d2: {  	s0 =	sadd.s32 s0, s24;
	v8 =	vld [tilespmem:s25+$0xFFFFFFB0]  }
0x1d3: {  	s28 =	sadd.s32 $0x1C000, s0;
	s10 =	sadd.s32 $0x1C020, s0;
	s8 =	sadd.s32 $0x1C010, s0;
	v11 =	vld [tilespmem:s25+$0xFFFFFF90]  }
0x1d4: {  	s20 =	sadd.s32 $0x1C040, s0;
	s31 =	sadd.s32 $0x1C050, s0;
	v4 =	vor.u32 s8, v3;
	s8 =	sadd.s32 $0x1C030, s0;
	v13 =	vld [tilespmem:s25+$0xFFFFFFA0]  }
0x1d5: {  	s26 =	sadd.s32 $0x1C060, s0;
	s16 =	sadd.s32 $0x1C070, s0;
	v9 =	vld [tilespmem:s25+$0xFFFFFFE0]  }
0x1d6: {  	v6 =	vor.u32 s28, v3;
	v12 =	vsub.s32 v5, v0;
	v7 =	vld [tilespmem:s25+$0xFFFFFFD0];
	v5 =	vand.u32 $0x7F, v5  }
.Ltmp16:
0x1d7: {  	v14 =	vsub.s32 v8, v0;
	v10 =	vld [tilespmem:s25+$0xFFFFFFF0];
	v15 =	vand.u32 $0x7F, v8;
	v8 =	vand.u32 $0xFFFFFF80, v12;
	(pc) =	sbr.rel @p0 .LBB2_34-.Ltmp16, $4  }
0x1d8: {  	v12 =	vsub.s32 v11, v0;
	v16 =	vand.u32 $0xFFFFFF80, v14;
	v5 =	vor.u32 v5, v8  }
0x1d9: {  	v11 =	vand.u32 $0x7F, v11;
	v14 =	vsub.s32 v13, v0;
	v8 =	vld [tilespmem:s25+$0x0];
	v12 =	vand.u32 $0xFFFFFF80, v12  }
0x1da: {  	v13 =	vand.u32 $0x7F, v13;
	v12 =	vor.u32 v11, v12;
	v11 =	vand.u32 $0xFFFFFF80, v14  }
0x1db: {  	v14 =	vsub.s32 v7, v0;
	v13 =	vor.u32 v13, v11;
	v11 =	vor.u32 v15, v16  }
0x1dc: {  	_ = 	snop  }
0x1dd: {  	v15 =	vsub.s32 v9, v0;
	v44 =	vand.u32 $0x7F, v9;
	v16 =	vand.u32 $0x7F, v10  }
0x1de: {  	v14 =	vand.u32 $0xFFFFFF80, v14;
	v7 =	vand.u32 $0x7F, v7;
	v45 =	vsub.s32 v10, v0  }
0x1df: {  	v49 =	vor.u32 s10, v3;
	v15 =	vand.u32 $0xFFFFFF80, v15;
	v7 =	vor.u32 v7, v14  }
0x1e0: {  	[tilespmem:v12+s29+$0x0] =	vst.idx.msk $0xffff, v6;
	v47 =	vand.u32 $0xFFFFFF80, v45;
	v17 =	vsub.s32 v8, v0;
	v46 =	vor.u32 v44, v15  }
0x1e1: {  	[tilespmem:v13+s29+$0x0] =	vst.idx.msk $0xffff, v4;
	v4 =	vor.u32 v16, v47;
	v50 =	vand.u32 $0x7F, v8;
	v48 =	vand.u32 $0xFFFFFF80, v17  }
0x1e2: {  	v51 =	vor.u32 s8, v3;
	[tilespmem:v11+s29+$0x0] =	vst.idx.msk $0xffff, v49;
	v8 =	vor.u32 v50, v48  }
0x1e3: {  	v52 =	vor.u32 s20, v3;
	[tilespmem:v5+s29+$0x0] =	vst.idx.msk $0xffff, v51  }
0x1e4: {  	v5 =	vor.u32 s31, v3;
	[tilespmem:v7+s29+$0x0] =	vst.idx.msk $0xffff, v52  }
0x1e5: {  	v53 =	vor.u32 s26, v3;
	[tilespmem:v46+s29+$0x0] =	vst.idx.msk $0xffff, v5  }
0x1e6: {  	s0 =	rddreg [dreg:$0x6];
	v5 =	vor.u32 s16, v3;
	[tilespmem:v4+s29+$0x0] =	vst.idx.msk $0xffff, v53  }
0x1e7: {  	s10 =	simm.s32 $0x80;
	s25 =	simm.s32 $0x400;
	s11 =	simm.s32 $0x6;
	[tilespmem:v8+s29+$0x0] =	vst.idx.msk $0xffff, v5  }
0x1e8: {  	[spmem:s0] =	stream.strided.scatter [tilespmem:s29], [sflag:$0x6], $0x400, s25, s10, $0x38;
	[tilespmem:$0x11F00] =	vst v63  }
0x1e9: {  	_ =	swait.ge [sflag:s11], $0x400  }
0x1ea: {  	[sflag:s11] =	ssyncset.done $0x0  }
0x1eb: {  	[sflag:s11] =	ssyncadd.s32 $0xFFFFFC00  }
0x1ec: {  	[bflag:$0x0] =	sbarrier.arrive $0xFFFF  }
0x1ed: {  	s28 =	simm.s32 $0x200;
	s31 =	simm.s32 $0x10400;
	s26 =	rddreg [dreg:$0x7]  }
0x1ee: {  	[tilespmem:s31], [sflag:$0x6] =	stream.strided.gather [spmem:s26], $0x400, s25, s28, $0x38;
	[tilespmem:$0x11F00] =	vst v63  }
0x1ef: {  	_ =	swait.ge [sflag:s11], $0x400  }
0x1f0: {  	[sflag:s11] =	ssyncset.done $0x0  }
0x1f1: {  	[sflag:s11] =	ssyncadd.s32 $0xFFFFFC00  }
0x1f2: {  	v4 =	vld [tilespmem:$0x10400]  }
0x1f3: {  	v5 =	vld [tilespmem:$0x10480]  }
0x1f4: {  	v54 =	vld [tilespmem:$0x10500]  }
0x1f5: {  	v55 =	vld [tilespmem:$0x10580]  }
0x1f6: {  	v56 =	vld [tilespmem:$0x10410]  }
0x1f7: {  	v57 =	vld [tilespmem:$0x10510]  }
0x1f8: {  	v58 =	vld [tilespmem:$0x10590]  }
0x1f9: {  	v59 =	vld [tilespmem:$0x10420]  }
0x1fa: {  	v60 =	vld [tilespmem:$0x104A0]  }
0x1fb: {  	v63 =	vld [tilespmem:$0x10520]  }
0x1fc: {  	v17 =	vld [tilespmem:$0x105A0]  }
0x1fd: {  	v25 =	vld [tilespmem:$0x10440]  }
0x1fe: {  	v26 =	vld [tilespmem:$0x104C0];
	vm0 =	vgt.s32 v4, v5  }
0x1ff: {  	v4 =	vsel vm0, v4, v5;
	v5 =	vld [tilespmem:$0x10490]  }
0x200: {  	v36 =	vld [tilespmem:$0x10460];
	vm2 =	vgt.s32 v59, v60;
	vm0 =	vgt.s32 v4, v54  }
0x201: {  	v43 =	vld [tilespmem:$0x10470];
	v18 =	vsel vm2, v59, v60;
	v4 =	vsel vm0, v4, v54  }
0x202: {  	v44 =	vld [tilespmem:$0x104F0];
	vm11 =	vgt.s32 v18, v63;
	vm0 =	vgt.s32 v4, v55  }
0x203: {  	v37 =	vld [tilespmem:$0x104E0];
	vm15 =	vgt.s32 v25, v26;
	v6 =	vsel vm11, v18, v63;
	v4 =	vsel vm0, v4, v55  }
0x204: {  	v19 =	vld [tilespmem:$0x104B0];
	v61 =	vshll.u32 v4, $0x3;
	v62 =	vshrl.u32 v4, $0xC;
	vm9 =	vgt.s32 v56, v5  }
0x205: {  	v16 =	vand.u32 $0x7F, v4;
	vm10 =	vlt.s32 v4, $0x0;
	v4 =	vld [tilespmem:$0x10430];
	v5 =	vsel vm9, v56, v5  }
0x206: {  	v11 =	vand.u32 $0x3FFC00, v61;
	v12 =	vand.u32 $0xFFF80, v62;
	vm0 =	vgt.s32 v5, v57  }
0x207: {  	vm11 =	vgt.s32 v43, v44;
	v11 =	vadd.s32 v12, v11;
	v5 =	vsel vm0, v5, v57  }
0x208: {  	vm9 =	vgt.s32 v36, v37;
	v11 =	vor.u32 v16, v11;
	vm1 =	vgt.s32 v5, v58  }
0x209: {  	v22 =	vld [tilespmem:$0x10530];
	vm0 =	vgt.s32 v6, v17;
	v11 =	vsel vm10, $0x0, v11;
	v5 =	vsel vm1, v5, v58  }
0x20a: {  	v28 =	vld [tilespmem:$0x10540];
	vm12 =	vgt.s32 v4, v19;
	v20 =	vshll.u32 v5, $0x3;
	v21 =	vshrl.u32 v5, $0xC  }
0x20b: {  	v24 =	vand.u32 $0x7F, v5;
	vm1 =	vlt.s32 v5, $0x0;
	v5 =	vsel vm0, v6, v17  }
0x20c: {  	v23 =	vld [tilespmem:$0x105B0];
	v4 =	vsel vm12, v4, v19;
	v6 =	vsel vm15, v25, v26;
	v10 =	vand.u32 $0x3FFC00, v20  }
0x20d: {  	v30 =	vld [tilespmem:$0x105C0];
	v12 =	vand.u32 $0xFFF80, v21;
	v9 =	vshll.u32 v5, $0x3;
	v27 =	vshrl.u32 v5, $0xC  }
0x20e: {  	v29 =	vand.u32 $0x7F, v5;
	vm0 =	vgt.s32 v4, v22;
	vm13 =	vlt.s32 v5, $0x0  }
0x20f: {  	vm4 =	vgt.s32 v6, v28;
	v10 =	vadd.s32 v12, v10;
	v9 =	vand.u32 $0x3FFC00, v9  }
0x210: {  	v12 =	vand.u32 $0xFFF80, v27;
	v4 =	vsel vm0, v4, v22;
	v6 =	vsel vm4, v6, v28  }
0x211: {  	v31 =	vld [tilespmem:$0x10450];
	v10 =	vor.u32 v24, v10;
	v9 =	vadd.s32 v12, v9;
	vm14 =	vgt.s32 v4, v23  }
0x212: {  	v5 =	vld [tilespmem:$0x104D0];
	vm0 =	vgt.s32 v6, v30;
	v10 =	vsel vm1, $0x0, v10;
	v9 =	vor.u32 v29, v9  }
0x213: {  	v4 =	vsel vm14, v4, v23;
	v6 =	vsel vm0, v6, v30;
	v9 =	vsel vm13, $0x0, v9  }
0x214: {  	v33 =	vld [tilespmem:$0x10550];
	v8 =	vshll.u32 v4, $0x3;
	v32 =	vshrl.u32 v4, $0xC;
	v35 =	vand.u32 $0x7F, v4  }
0x215: {  	v41 =	vld [tilespmem:$0x10560];
	v15 =	vshll.u32 v6, $0x3;
	v38 =	vshrl.u32 v6, $0xC;
	v42 =	vand.u32 $0x7F, v6  }
0x216: {  	v34 =	vld [tilespmem:$0x105D0];
	vm6 =	vlt.s32 v4, $0x0;
	vm8 =	vlt.s32 v6, $0x0;
	v8 =	vand.u32 $0x3FFC00, v8  }
0x217: {  	v47 =	vld [tilespmem:$0x10570];
	v13 =	vand.u32 $0xFFF80, v32;
	vm5 =	vgt.s32 v31, v5;
	v39 =	vand.u32 $0x3FFC00, v15  }
0x218: {  	v45 =	vld [tilespmem:$0x105E0];
	v40 =	vand.u32 $0xFFF80, v38;
	v8 =	vadd.s32 v13, v8;
	v5 =	vsel vm5, v31, v5  }
0x219: {  	v48 =	vld [tilespmem:$0x105F0];
	v12 =	vadd.s32 v40, v39;
	v13 =	vsel vm9, v36, v37;
	v8 =	vor.u32 v35, v8  }
0x21a: {  	vm0 =	vgt.s32 v5, v33;
	v4 =	vor.u32 v42, v12;
	vm10 =	vgt.s32 v13, v41  }
0x21b: {  	v12 =	vsel vm11, v43, v44;
	v5 =	vsel vm0, v5, v33;
	v8 =	vsel vm6, $0x0, v8  }
0x21c: {  	v4 =	vsel vm8, $0x0, v4;
	vm14 =	vgt.s32 v12, v47;
	vm7 =	vgt.s32 v5, v34  }
0x21d: {  	v13 =	vsel vm10, v13, v41;
	v12 =	vsel vm14, v12, v47;
	v5 =	vsel vm7, v5, v34  }
0x21e: {  	vm12 =	vgt.s32 v13, v45;
	vm1 =	vgt.s32 v12, v48;
	v7 =	vshll.u32 v5, $0x3  }
0x21f: {  	v46 =	vshrl.u32 v5, $0xC;
	v49 =	vand.u32 $0x7F, v5;
	vm13 =	vlt.s32 v5, $0x0  }
0x220: {  	v5 =	vsel vm12, v13, v45;
	v51 =	vsel vm1, v12, v48;
	v7 =	vand.u32 $0x3FFC00, v7  }
0x221: {  	v15 =	vand.u32 $0xFFF80, v46;
	v6 =	vshll.u32 v5, $0x3;
	v13 =	vshrl.u32 v5, $0xC  }
0x222: {  	[tilespmem:$0x10800] =	vst v11;
	v52 =	vand.u32 $0x7F, v5;
	v53 =	vshll.u32 v51, $0x3;
	v12 =	vshrl.u32 v51, $0xC  }
0x223: {  	[tilespmem:$0x10810] =	vst v10;
	vm15 =	vlt.s32 v5, $0x0;
	v5 =	vand.u32 $0x7F, v51;
	v7 =	vadd.s32 v15, v7  }
0x224: {  	[tilespmem:$0x10820] =	vst v9;
	v6 =	vand.u32 $0x3FFC00, v6;
	v50 =	vand.u32 $0xFFF80, v13;
	v54 =	vand.u32 $0x3FFC00, v53  }
0x225: {  	[tilespmem:$0x10830] =	vst v8;
	v55 =	vand.u32 $0xFFF80, v12;
	v7 =	vor.u32 v49, v7;
	v6 =	vadd.s32 v50, v6  }
0x226: {  	[tilespmem:$0x10840] =	vst v4;
	v4 =	vadd.s32 v55, v54;
	v7 =	vsel vm13, $0x0, v7;
	v6 =	vor.u32 v52, v6  }
0x227: {  	vm4 =	vlt.s32 v51, $0x0;
	v4 =	vor.u32 v5, v4;
	[tilespmem:$0x10850] =	vst v7;
	v6 =	vsel vm15, $0x0, v6  }
0x228: {  	s25 =	simm.s32 $0x10800;
	v4 =	vsel vm4, $0x0, v4;
	[tilespmem:$0x10860] =	vst v6  }
0x229: {  	s26 =	simm.s32 $0x10900;
	s28 =	simm.s32 $0x5;
	s20 =	rddreg [dreg:$0x1];
	[tilespmem:$0x10870] =	vst v4  }
0x22a: {  	[tilespmem:s26], [sflag:$0x5] =	stream.indirect.gather [hbm4b:s20+s10], $0x1, s25, s10, $0xb8;
	[tilespmem:$0x11F00] =	vst v63  }
0x22b: {  	_ =	swait.ge [sflag:s28], $0x80  }
0x22c: {  	[sflag:s28] =	ssyncset.done $0x0  }
0x22d: {  	s31 =	rddreg [dreg:$0x8];
	[sflag:s28] =	ssyncadd.s32 $0xFFFFFF80  }
0x22e: {  	[spmem:s31] =	stream.linear.scatter [tilespmem:s26], [sflag:$0x6], $0x80, $0x38;
	[tilespmem:$0x11F00] =	vst v63  }
0x22f: {  	_ =	swait.ge [sflag:s11], $0x80  }
0x230: {  	[sflag:s11] =	ssyncset.done $0x0  }
0x231: {  	[sflag:s11] =	ssyncadd.s32 $0xFFFFFF80  }
0x232: {  	v4 =	vld [tilespmem:$0x10600]  }
0x233: {  	v5 =	vld [tilespmem:$0x10680]  }
0x234: {  	v56 =	vld [tilespmem:$0x10700]  }
0x235: {  	v57 =	vld [tilespmem:$0x10780]  }
0x236: {  	v58 =	vld [tilespmem:$0x10610]  }
0x237: {  	v59 =	vld [tilespmem:$0x10710]  }
0x238: {  	v61 =	vld [tilespmem:$0x10620]  }
0x239: {  	v62 =	vld [tilespmem:$0x106A0]  }
0x23a: {  	v17 =	vld [tilespmem:$0x10720]  }
0x23b: {  	v27 =	vld [tilespmem:$0x10640]  }
0x23c: {  	v28 =	vld [tilespmem:$0x106C0]  }
0x23d: {  	v33 =	vld [tilespmem:$0x10650]  }
0x23e: {  	v34 =	vld [tilespmem:$0x106D0]  }
0x23f: {  	v35 =	vld [tilespmem:$0x10750]  }
0x240: {  	v46 =	vld [tilespmem:$0x10670]  }
0x241: {  	v48 =	vld [tilespmem:$0x106F0]  }
0x242: {  	v60 =	vld [tilespmem:$0x10790];
	vm5 =	vgt.s32 v4, v5;
	vm9 =	vgt.s32 v61, v62  }
0x243: {  	vm14 =	vgt.s32 v27, v28;
	vm4 =	vgt.s32 v33, v34;
	v4 =	vsel vm5, v4, v5;
	v5 =	vld [tilespmem:$0x10690]  }
0x244: {  	v39 =	vld [tilespmem:$0x10660];
	v20 =	vsel vm9, v61, v62;
	v42 =	vsel vm4, v33, v34;
	vm0 =	vgt.s32 v4, v56  }
0x245: {  	v40 =	vld [tilespmem:$0x106E0];
	vm10 =	vgt.s32 v20, v17;
	vm5 =	vgt.s32 v42, v35;
	v4 =	vsel vm0, v4, v56  }
0x246: {  	v19 =	vld [tilespmem:$0x107A0];
	v6 =	vsel vm10, v20, v17;
	vm10 =	vgt.s32 v46, v48;
	vm0 =	vgt.s32 v4, v57  }
0x247: {  	v21 =	vld [tilespmem:$0x106B0];
	v7 =	vsel vm5, v42, v35;
	v56 =	vsel vm10, v46, v48;
	v4 =	vsel vm0, v4, v57  }
0x248: {  	v45 =	vld [tilespmem:$0x10760];
	v63 =	vshll.u32 v4, $0x3;
	v16 =	vshrl.u32 v4, $0xC;
	vm6 =	vgt.s32 v58, v5  }
0x249: {  	v18 =	vand.u32 $0x7F, v4;
	vm7 =	vlt.s32 v4, $0x0;
	v4 =	vld [tilespmem:$0x10630];
	v11 =	vand.u32 $0x3FFC00, v63  }
0x24a: {  	v12 =	vand.u32 $0xFFF80, v16;
	v5 =	vsel vm6, v58, v5;
	vm6 =	vgt.s32 v39, v40  }
0x24b: {  	v11 =	vadd.s32 v12, v11;
	vm0 =	vgt.s32 v5, v59;
	v49 =	vsel vm6, v39, v40  }
0x24c: {  	v50 =	vld [tilespmem:$0x107E0];
	v11 =	vor.u32 v18, v11;
	v5 =	vsel vm0, v5, v59;
	vm0 =	vgt.s32 v6, v19  }
0x24d: {  	vm9 =	vgt.s32 v49, v45;
	vm8 =	vgt.s32 v5, v60;
	v11 =	vsel vm7, $0x0, v11  }
0x24e: {  	v24 =	vld [tilespmem:$0x10730];
	v8 =	vsel vm9, v49, v45;
	v5 =	vsel vm8, v5, v60;
	vm11 =	vgt.s32 v4, v21  }
0x24f: {  	v30 =	vld [tilespmem:$0x10740];
	v22 =	vshll.u32 v5, $0x3;
	v23 =	vshrl.u32 v5, $0xC;
	v26 =	vand.u32 $0x7F, v5  }
0x250: {  	vm1 =	vlt.s32 v5, $0x0;
	v5 =	vsel vm0, v6, v19;
	v4 =	vsel vm11, v4, v21  }
0x251: {  	v6 =	vsel vm14, v27, v28;
	vm11 =	vgt.s32 v8, v50;
	v10 =	vand.u32 $0x3FFC00, v22  }
0x252: {  	v25 =	vld [tilespmem:$0x107B0];
	v12 =	vand.u32 $0xFFF80, v23;
	v9 =	vshll.u32 v5, $0x3;
	v29 =	vshrl.u32 v5, $0xC  }
0x253: {  	v31 =	vld [tilespmem:$0x107C0];
	v32 =	vand.u32 $0x7F, v5;
	vm0 =	vgt.s32 v4, v24;
	vm12 =	vlt.s32 v5, $0x0  }
0x254: {  	v38 =	vld [tilespmem:$0x107D0];
	vm15 =	vgt.s32 v6, v30;
	v57 =	vsel vm11, v8, v50;
	v10 =	vadd.s32 v12, v10  }
0x255: {  	v53 =	vld [tilespmem:$0x10770];
	v9 =	vand.u32 $0x3FFC00, v9;
	v12 =	vand.u32 $0xFFF80, v29;
	v4 =	vsel vm0, v4, v24  }
0x256: {  	v6 =	vsel vm15, v6, v30;
	v8 =	vshll.u32 v57, $0x3;
	vm14 =	vlt.s32 v57, $0x0  }
0x257: {  	v10 =	vor.u32 v26, v10;
	v9 =	vadd.s32 v12, v9;
	vm13 =	vgt.s32 v4, v25  }
0x258: {  	vm0 =	vgt.s32 v6, v31;
	v8 =	vand.u32 $0x3FFC00, v8;
	v10 =	vsel vm1, $0x0, v10  }
0x259: {  	v9 =	vor.u32 v32, v9;
	v4 =	vsel vm13, v4, v25;
	v6 =	vsel vm0, v6, v31  }
0x25a: {  	vm0 =	vgt.s32 v7, v38;
	vm13 =	vgt.s32 v56, v53;
	v5 =	vsel vm12, $0x0, v9  }
0x25b: {  	v36 =	vshll.u32 v4, $0x3;
	v37 =	vshrl.u32 v4, $0xC;
	v41 =	vand.u32 $0x7F, v4  }
0x25c: {  	v43 =	vshll.u32 v6, $0x3;
	v44 =	vshrl.u32 v6, $0xC;
	v47 =	vand.u32 $0x7F, v6  }
0x25d: {  	v7 =	vsel vm0, v7, v38;
	vm7 =	vlt.s32 v4, $0x0;
	vm8 =	vlt.s32 v6, $0x0  }
0x25e: {  	v9 =	vand.u32 $0x3FFC00, v36;
	v13 =	vand.u32 $0xFFF80, v37;
	v12 =	vand.u32 $0x3FFC00, v43  }
0x25f: {  	v54 =	vld [tilespmem:$0x107F0];
	v16 =	vand.u32 $0xFFF80, v44;
	v51 =	vshll.u32 v7, $0x3;
	v52 =	vshrl.u32 v7, $0xC  }
0x260: {  	v55 =	vand.u32 $0x7F, v7;
	vm12 =	vlt.s32 v7, $0x0;
	[tilespmem:$0x108A0] =	vst v5;
	v5 =	vand.u32 $0x7F, v57  }
0x261: {  	v9 =	vadd.s32 v13, v9;
	v12 =	vadd.s32 v16, v12;
	v6 =	vand.u32 $0x3FFC00, v51  }
0x262: {  	v15 =	vand.u32 $0xFFF80, v52;
	v13 =	vshrl.u32 v57, $0xC;
	v9 =	vor.u32 v41, v9  }
0x263: {  	v4 =	vor.u32 v47, v12;
	v6 =	vadd.s32 v15, v6;
	v12 =	vsel vm13, v56, v53  }
0x264: {  	v58 =	vand.u32 $0xFFF80, v13;
	v9 =	vsel vm7, $0x0, v9;
	vm0 =	vgt.s32 v12, v54  }
0x265: {  	[tilespmem:$0x10880] =	vst v11;
	v4 =	vsel vm8, $0x0, v4;
	v6 =	vor.u32 v55, v6;
	v59 =	vsel vm0, v12, v54  }
0x266: {  	[tilespmem:$0x10890] =	vst v10;
	v8 =	vadd.s32 v58, v8;
	v60 =	vshll.u32 v59, $0x3;
	v12 =	vshrl.u32 v59, $0xC  }
0x267: {  	v6 =	vsel vm12, $0x0, v6;
	[tilespmem:$0x108B0] =	vst v9;
	v61 =	vand.u32 $0x3FFC00, v60;
	v62 =	vand.u32 $0xFFF80, v12  }
0x268: {  	v5 =	vor.u32 v5, v8;
	[tilespmem:$0x108C0] =	vst v4;
	v63 =	vand.u32 $0x7F, v59;
	v4 =	vadd.s32 v62, v61  }
0x269: {  	[tilespmem:$0x108D0] =	vst v6;
	v5 =	vsel vm14, $0x0, v5;
	vm15 =	vlt.s32 v59, $0x0;
	v4 =	vor.u32 v63, v4  }
0x26a: {  	[tilespmem:$0x108E0] =	vst v5;
	v4 =	vsel vm15, $0x0, v4  }
0x26b: {  	s25 =	simm.s32 $0x10880;
	s26 =	simm.s32 $0x10980;
	[tilespmem:$0x108F0] =	vst v4  }
0x26c: {  	[tilespmem:s26], [sflag:$0x5] =	stream.indirect.gather [hbm4b:s20+s10], $0x1, s25, s10, $0xb8;
	[tilespmem:$0x11F00] =	vst v63  }
0x26d: {  	_ =	swait.ge [sflag:s28], $0x80  }
0x26e: {  	[sflag:s28] =	ssyncset.done $0x0  }
0x26f: {  	[sflag:s28] =	ssyncadd.s32 $0xFFFFFF80;
	s28 =	rddreg [dreg:$0xa]  }
0x270: {  	[spmem:s28] =	stream.linear.scatter [tilespmem:s26], [sflag:$0x6], $0x80, $0x38;
	[tilespmem:$0x11F00] =	vst v63  }
0x271: {  	_ =	swait.ge [sflag:s11], $0x80  }
0x272: {  	[sflag:s11] =	ssyncset.done $0x0  }
0x273: {  	[sflag:s11] =	ssyncadd.s32 $0xFFFFFF80  }
0x274: {  	[bflag:$0x0] =	sbarrier.arrive $0xFFFF  }
0x275: {  	s31 =	rddreg [dreg:$0x4]  }
0x276: {  	[tilespmem:s1], [sflag:$0x6] =	stream.linear.gather [spmem:s31], $0x1000, $0x38;
	[tilespmem:$0x11F00] =	vst v63  }
0x277: {  	_ =	swait.ge [sflag:s11], $0x1000  }
0x278: {  	s8 =	simm.s32 $0x0;
	[sflag:s11] =	ssyncset.done $0x0  }
0x279: {  	s10 =	simm.s32 $0x0;
	[sflag:s11] =	ssyncadd.s32 $0xFFFFF000;
	s11 =	simm.s32 $0x0  }
.LBB2_36:
0x27a: {  	p0 =	sne.s32 s11, $0x3F80  }
.Ltmp17:
0x27b: {  	_ = 	snop;
	(pc) =	sbr.rel @p0 .LBB2_36-.Ltmp17, $4  }
0x27c: {  	_ = 	snop  }
0x27d: {  	s0 =	sadd.s32 s11, s3  }
0x27e: {  	[tilespmem:s10], [sflag:$0x1] =	stream.linear.gather [hbm4b:s0+s8], $0x80, $0x38;
	[tilespmem:$0x11F00] =	vst v63  }
0x27f: {  	s11 =	sadd.s32 $0x80, s11;
	s10 =	sadd.s32 $0x100, s10  }
0x280: {  	s8 =	simm.s32 $0x80;
	s10 =	simm.s32 $0x80;
	s16 =	sadd.s32 $0x0, s4  }
0x281: {  	s11 =	simm.s32 $0x180;
	s28 =	simm.s32 $0x1;
	s31 =	simm.s32 $0x3  }
.LBB2_38:
0x282: {  	[tilespmem:s8], [sflag:$0x2] =	stream.linear.gather [hbm4b:s16+s2], $0x80, $0x38;
	[tilespmem:$0x11F00] =	vst v63  }
0x283: {  	s0 =	smov.u32 s10;
	s8 =	smov.u32 s11;
	p0 =	sne.s32 s10, $0x3F80  }
.Ltmp18:
0x284: {  	s10 =	sadd.s32 $0x80, s10;
	(pc) =	sbr.rel @p0 .LBB2_38-.Ltmp18, $2  }
0x285: {  	_ =	sdelay $0x2  }
0x286: {  	s11 =	sadd.s32 $0x100, s11;
	s16 =	sadd.s32 s0, s4  }
0x287: {  	[tilespmem:s8], [sflag:$0x2] =	stream.linear.gather [hbm4b:s16+s2], $0x80, $0x38;
	[tilespmem:$0x11F00] =	vst v63  }
0x288: {  	_ =	swait.ge [sflag:s28], $0x4000  }
0x289: {  	[sflag:s28] =	ssyncset.done $0x0  }
0x28a: {  	s26 =	simm.s32 $0x0;
	[sflag:s28] =	ssyncadd.s32 $0xFFFFC000  }
0x28b: {  	v4 =	vld [tilespmem:s26+$0x0]  }
0x28c: {  	v5 =	vld [tilespmem:s26+$0x10]  }
0x28d: {  	v8 =	vld [tilespmem:s26+$0x70]  }
0x28e: {  	v7 =	vld [tilespmem:s26+$0x20]  }
0x28f: {  	v10 =	vld [tilespmem:s26+$0x30]  }
0x290: {  	v12 =	vld [tilespmem:s26+$0x40]  }
0x291: {  	s25 =	simm.s32 $0x100;
	v13 =	vld [tilespmem:s26+$0x50];
	v11 =	vand.u32 $0x7F, v4;
	v16 =	vsub.s32 v4, v1  }
0x292: {  	v9 =	vld [tilespmem:s25+$0x0];
	v14 =	vand.u32 $0x7F, v5;
	v17 =	vsub.s32 v8, v1;
	v16 =	vand.u32 $0xFFFFFF80, v16  }
0x293: {  	v6 =	vld [tilespmem:s25+$0x10];
	v18 =	vand.u32 $0x7F, v8;
	v11 =	vor.u32 v11, v16;
	v16 =	vand.u32 $0xFFFFFF80, v17  }
0x294: {  	v19 =	vld [tilespmem:s26+$0x60];
	v15 =	vand.u32 $0x7F, v7;
	v17 =	vsub.s32 v7, v1;
	v16 =	vor.u32 v18, v16  }
0x295: {  	v4 =	vld [tilespmem:s25+$0x20];
	v5 =	vsub.s32 v5, v1;
	v20 =	vand.u32 $0x7F, v10;
	v17 =	vand.u32 $0xFFFFFF80, v17  }
0x296: {  	v8 =	vld [tilespmem:s25+$0x30];
	v21 =	vand.u32 $0x7F, v13;
	v5 =	vand.u32 $0xFFFFFF80, v5;
	v17 =	vor.u32 v15, v17  }
0x297: {  	v13 =	vsub.s32 v13, v1;
	v7 =	vld [tilespmem:s25+$0x40];
	v14 =	vor.u32 v14, v5;
	v18 =	vsub.s32 v10, v1  }
0x298: {  	v5 =	vld [tilespmem:s25+$0x50];
	v15 =	vand.u32 $0xFFFFFF80, v18;
	v18 =	vand.u32 $0x7F, v12;
	v12 =	vsub.s32 v12, v1  }
0x299: {  	v20 =	vor.u32 v20, v15;
	v12 =	vand.u32 $0xFFFFFF80, v12;
	v15 =	vld.idx.msk [tilespmem:v16+s1+$0x0], $0xffff;
	v16 =	vsub.s32 v19, v1  }
0x29a: {  	v22 =	vand.u32 $0xFFFFFF80, v13;
	v10 =	vld [tilespmem:s25+$0x70];
	v23 =	vand.u32 $0xFFFFFF80, v16;
	v16 =	vor.u32 v18, v12  }
0x29b: {  	v19 =	vand.u32 $0x7F, v19;
	v13 =	vld.idx.msk [tilespmem:v17+s1+$0x0], $0xffff;
	v17 =	vor.u32 v21, v22  }
0x29c: {  	v11 =	vld.idx.msk [tilespmem:v11+s1+$0x0], $0xffff;
	v18 =	vor.u32 v19, v23  }
0x29d: {  	v14 =	vld.idx.msk [tilespmem:v14+s1+$0x0], $0xffff  }
0x29e: {  	s8 =	simm.s32 $0x800;
	v12 =	vld.idx.msk [tilespmem:v20+s1+$0x0], $0xffff  }
.LBB2_40:
0x29f: {  	p0 =	sne.s32 s8, $0x1FC00;
	v16 =	vld.idx.msk [tilespmem:v16+s1+$0x0], $0xffff  }
0x2a0: {  	v17 =	vld.idx.msk [tilespmem:v17+s1+$0x0], $0xffff  }
0x2a1: {  	s0 =	sshra.s32 s8, $0x2;
	v19 =	vand.u32 $0x7F, v9;
	v18 =	vld.idx.msk [tilespmem:v18+s1+$0x0], $0xffff;
	[tilespmem:s26+$0x8070] =	vst v15  }
0x2a2: {  	v20 =	vand.u32 $0x7F, v6;
	v21 =	vand.u32 $0x7F, v4;
	v22 =	vand.u32 $0x7F, v8;
	v15 =	vld [tilespmem:s0+$0x0];
	[tilespmem:s26+$0x8000] =	vst v11  }
0x2a3: {  	v9 =	vsub.s32 v9, v1;
	v23 =	vand.u32 $0x7F, v7;
	v24 =	vand.u32 $0x7F, v5;
	v11 =	vld [tilespmem:s0+$0x10];
	[tilespmem:s26+$0x8010] =	vst v14  }
0x2a4: {  	v25 =	vsub.s32 v10, v1;
	v10 =	vand.u32 $0x7F, v10;
	v9 =	vand.u32 $0xFFFFFF80, v9;
	v14 =	vld [tilespmem:s0+$0x20];
	[tilespmem:s26+$0x8020] =	vst v13  }
0x2a5: {  	v6 =	vsub.s32 v6, v1;
	v27 =	vand.u32 $0xFFFFFF80, v25;
	v19 =	vor.u32 v19, v9;
	v13 =	vld [tilespmem:s25+$0x60];
	[tilespmem:s26+$0x8030] =	vst v12  }
0x2a6: {  	v4 =	vsub.s32 v4, v1;
	v28 =	vand.u32 $0xFFFFFF80, v6;
	v25 =	vor.u32 v10, v27;
	v12 =	vld [tilespmem:s0+$0x30];
	[tilespmem:s26+$0x8040] =	vst v16  }
0x2a7: {  	v8 =	vsub.s32 v8, v1;
	v20 =	vor.u32 v20, v28;
	v16 =	vand.u32 $0xFFFFFF80, v4;
	v26 =	vld [tilespmem:s0+$0x40];
	[tilespmem:s26+$0x8050] =	vst v17;
	v9 =	vmovc v15  }
0x2a8: {  	v7 =	vsub.s32 v7, v1;
	v8 =	vand.u32 $0xFFFFFF80, v8;
	v21 =	vor.u32 v21, v16;
	v27 =	vld [tilespmem:s0+$0x50];
	[tilespmem:s26+$0x8060] =	vst v18;
	v6 =	vmovc v11;
	s26 =	smov.u32 s25;
	s25 =	smov.u32 s0  }
0x2a9: {  	v5 =	vsub.s32 v5, v1;
	v7 =	vand.u32 $0xFFFFFF80, v7;
	v22 =	vor.u32 v22, v8;
	v10 =	vld [tilespmem:s25+$0x70];
	v4 =	vmovc v14  }
.Ltmp19:
0x2aa: {  	v5 =	vand.u32 $0xFFFFFF80, v5;
	v16 =	vor.u32 v23, v7;
	v14 =	vsub.s32 v13, v1;
	v11 =	vld.idx.msk [tilespmem:v19+s1+$0x0], $0xffff;
	(pc) =	sbr.rel @p0 .LBB2_40-.Ltmp19, $4  }
0x2ab: {  	v17 =	vor.u32 v24, v5;
	v13 =	vand.u32 $0x7F, v13;
	v19 =	vand.u32 $0xFFFFFF80, v14;
	v15 =	vld.idx.msk [tilespmem:v25+s1+$0x0], $0xffff;
	v8 =	vmovc v12  }
0x2ac: {  	v14 =	vld.idx.msk [tilespmem:v20+s1+$0x0], $0xffff;
	v18 =	vor.u32 v13, v19;
	v7 =	vmov v26  }
0x2ad: {  	v13 =	vld.idx.msk [tilespmem:v21+s1+$0x0], $0xffff;
	v5 =	vmov v27  }
0x2ae: {  	s8 =	sadd.s32 $0x400, s8;
	v12 =	vld.idx.msk [tilespmem:v22+s1+$0x0], $0xffff  }
0x2af: {  	_ =	sdelay $0x3  }
0x2b0: {  	v16 =	vld.idx.msk [tilespmem:v16+s1+$0x0], $0xffff  }
0x2b1: {  	v17 =	vld.idx.msk [tilespmem:v17+s1+$0x0], $0xffff  }
0x2b2: {  	v18 =	vld.idx.msk [tilespmem:v18+s1+$0x0], $0xffff;
	v19 =	vand.u32 $0x7F, v9;
	[tilespmem:s26+$0x8000] =	vst v11  }
0x2b3: {  	v53 =	vand.u32 $0x7F, v6;
	v20 =	vand.u32 $0x7F, v4;
	v21 =	vand.u32 $0x7F, v8;
	[tilespmem:s26+$0x8070] =	vst v15  }
0x2b4: {  	v54 =	vsub.s32 v9, v1;
	v55 =	vand.u32 $0x7F, v7;
	v22 =	vand.u32 $0x7F, v5;
	[tilespmem:s26+$0x8010] =	vst v14  }
0x2b5: {  	v56 =	vsub.s32 v10, v1;
	v58 =	vsub.s32 v6, v1;
	v9 =	vand.u32 $0xFFFFFF80, v54;
	[tilespmem:s26+$0x8020] =	vst v13  }
0x2b6: {  	v57 =	vand.u32 $0x7F, v10;
	v6 =	vand.u32 $0xFFFFFF80, v58;
	v9 =	vor.u32 v19, v9;
	v13 =	vld [tilespmem:s25+$0x60]  }
0x2b7: {  	v4 =	vsub.s32 v4, v1;
	v14 =	vand.u32 $0xFFFFFF80, v56;
	v6 =	vor.u32 v53, v6;
	[tilespmem:s26+$0x8030] =	vst v12  }
0x2b8: {  	v59 =	vsub.s32 v8, v1;
	v4 =	vand.u32 $0xFFFFFF80, v4;
	v10 =	vor.u32 v57, v14;
	[tilespmem:s26+$0x8040] =	vst v16  }
0x2b9: {  	v60 =	vsub.s32 v7, v1;
	v8 =	vand.u32 $0xFFFFFF80, v59;
	v4 =	vor.u32 v20, v4;
	[tilespmem:s26+$0x8050] =	vst v17  }
0x2ba: {  	v5 =	vsub.s32 v5, v1;
	v7 =	vand.u32 $0xFFFFFF80, v60;
	v8 =	vor.u32 v21, v8;
	[tilespmem:s26+$0x8060] =	vst v18  }
0x2bb: {  	v5 =	vand.u32 $0xFFFFFF80, v5;
	v7 =	vor.u32 v55, v7;
	v9 =	vld.idx.msk [tilespmem:v9+s1+$0x0], $0xffff;
	v61 =	vsub.s32 v13, v1  }
0x2bc: {  	v5 =	vor.u32 v22, v5;
	v6 =	vld.idx.msk [tilespmem:v6+s1+$0x0], $0xffff;
	v63 =	vand.u32 $0x7F, v13;
	v62 =	vand.u32 $0xFFFFFF80, v61  }
0x2bd: {  	v10 =	vld.idx.msk [tilespmem:v10+s1+$0x0], $0xffff;
	v11 =	vor.u32 v63, v62  }
0x2be: {  	v4 =	vld.idx.msk [tilespmem:v4+s1+$0x0], $0xffff  }
0x2bf: {  	v8 =	vld.idx.msk [tilespmem:v8+s1+$0x0], $0xffff  }
0x2c0: {  	v7 =	vld.idx.msk [tilespmem:v7+s1+$0x0], $0xffff  }
0x2c1: {  	v5 =	vld.idx.msk [tilespmem:v5+s1+$0x0], $0xffff  }
0x2c2: {  	v11 =	vld.idx.msk [tilespmem:v11+s1+$0x0], $0xffff;
	[tilespmem:s25+$0x8070] =	vst v10  }
0x2c3: {  	[tilespmem:s25+$0x8000] =	vst v9  }
0x2c4: {  	[tilespmem:s25+$0x8010] =	vst v6  }
0x2c5: {  	[tilespmem:s25+$0x8020] =	vst v4  }
0x2c6: {  	[tilespmem:s25+$0x8030] =	vst v8  }
0x2c7: {  	[tilespmem:s25+$0x8040] =	vst v7  }
0x2c8: {  	s8 =	simm.s32 $0x0;
	s10 =	simm.s32 $0x8000;
	[tilespmem:s25+$0x8050] =	vst v5  }
0x2c9: {  	s11 =	simm.s32 $0x80;
	s20 =	sadd.s32 $0x0, s14;
	s16 =	simm.s32 $0x8100;
	[tilespmem:s25+$0x8060] =	vst v11  }
.LBB2_42:
0x2ca: {  	[hbm4b:s20+s8] =	stream.linear.scatter [tilespmem:s10], [sflag:$0x3], $0x80, $0x38;
	[tilespmem:$0x11F00] =	vst v63  }
0x2cb: {  	s0 =	smov.u32 s11;
	s10 =	smov.u32 s16;
	p0 =	sne.s32 s11, $0x3F80  }
.Ltmp20:
0x2cc: {  	s11 =	sadd.s32 $0x80, s11;
	(pc) =	sbr.rel @p0 .LBB2_42-.Ltmp20, $2  }
0x2cd: {  	_ =	sdelay $0x2  }
0x2ce: {  	s16 =	sadd.s32 $0x100, s16;
	s20 =	sadd.s32 s0, s14  }
0x2cf: {  	[hbm4b:s20+s8] =	stream.linear.scatter [tilespmem:s10], [sflag:$0x3], $0x80, $0x38;
	[tilespmem:$0x11F00] =	vst v63  }
0x2d0: {  	s10 =	simm.s32 $0x80;
	s16 =	sadd.s32 $0x0, s5;
	s11 =	simm.s32 $0x100  }
.LBB2_44:
0x2d1: {  	[tilespmem:s8], [sflag:$0x1] =	stream.linear.gather [hbm4b:s16+s2], $0x80, $0x38;
	[tilespmem:$0x11F00] =	vst v63  }
0x2d2: {  	s0 =	smov.u32 s10;
	s8 =	smov.u32 s11;
	p0 =	sne.s32 s10, $0x3F80  }
.Ltmp21:
0x2d3: {  	s10 =	sadd.s32 $0x80, s10;
	(pc) =	sbr.rel @p0 .LBB2_44-.Ltmp21, $2  }
0x2d4: {  	_ =	sdelay $0x2  }
0x2d5: {  	s11 =	sadd.s32 $0x100, s11;
	s16 =	sadd.s32 s0, s5  }
0x2d6: {  	[tilespmem:s8], [sflag:$0x1] =	stream.linear.gather [hbm4b:s16+s2], $0x80, $0x38;
	[tilespmem:$0x11F00] =	vst v63  }
0x2d7: {  	_ =	swait.ge [sflag:s30], $0x4000  }
0x2d8: {  	[sflag:s30] =	ssyncset.done $0x0  }
0x2d9: {  	s26 =	simm.s32 $0x0;
	[sflag:s30] =	ssyncadd.s32 $0xFFFFC000  }
0x2da: {  	v4 =	vld [tilespmem:s26+$0x80]  }
0x2db: {  	v5 =	vld [tilespmem:s26+$0x90]  }
0x2dc: {  	v8 =	vld [tilespmem:s26+$0xF0]  }
0x2dd: {  	v7 =	vld [tilespmem:s26+$0xA0]  }
0x2de: {  	v10 =	vld [tilespmem:s26+$0xB0]  }
0x2df: {  	v12 =	vld [tilespmem:s26+$0xC0]  }
0x2e0: {  	s25 =	simm.s32 $0x100;
	v13 =	vld [tilespmem:s26+$0xD0];
	v11 =	vand.u32 $0x7F, v4;
	v16 =	vsub.s32 v4, v1  }
0x2e1: {  	v9 =	vld [tilespmem:s25+$0x80];
	v14 =	vand.u32 $0x7F, v5;
	v17 =	vsub.s32 v8, v1;
	v16 =	vand.u32 $0xFFFFFF80, v16  }
0x2e2: {  	v6 =	vld [tilespmem:s25+$0x90];
	v18 =	vand.u32 $0x7F, v8;
	v11 =	vor.u32 v11, v16;
	v16 =	vand.u32 $0xFFFFFF80, v17  }
0x2e3: {  	v19 =	vld [tilespmem:s26+$0xE0];
	v15 =	vand.u32 $0x7F, v7;
	v17 =	vsub.s32 v7, v1;
	v16 =	vor.u32 v18, v16  }
0x2e4: {  	v4 =	vld [tilespmem:s25+$0xA0];
	v5 =	vsub.s32 v5, v1;
	v20 =	vand.u32 $0x7F, v10;
	v17 =	vand.u32 $0xFFFFFF80, v17  }
0x2e5: {  	v8 =	vld [tilespmem:s25+$0xB0];
	v21 =	vand.u32 $0x7F, v13;
	v5 =	vand.u32 $0xFFFFFF80, v5;
	v17 =	vor.u32 v15, v17  }
0x2e6: {  	v13 =	vsub.s32 v13, v1;
	v7 =	vld [tilespmem:s25+$0xC0];
	v14 =	vor.u32 v14, v5;
	v18 =	vsub.s32 v10, v1  }
0x2e7: {  	v5 =	vld [tilespmem:s25+$0xD0];
	v15 =	vand.u32 $0xFFFFFF80, v18;
	v18 =	vand.u32 $0x7F, v12;
	v12 =	vsub.s32 v12, v1  }
0x2e8: {  	v20 =	vor.u32 v20, v15;
	v12 =	vand.u32 $0xFFFFFF80, v12;
	v15 =	vld.idx.msk [tilespmem:v16+s1+$0x0], $0xffff;
	v16 =	vsub.s32 v19, v1  }
0x2e9: {  	v22 =	vand.u32 $0xFFFFFF80, v13;
	v10 =	vld [tilespmem:s25+$0xF0];
	v23 =	vand.u32 $0xFFFFFF80, v16;
	v16 =	vor.u32 v18, v12  }
0x2ea: {  	v19 =	vand.u32 $0x7F, v19;
	v13 =	vld.idx.msk [tilespmem:v17+s1+$0x0], $0xffff;
	v17 =	vor.u32 v21, v22  }
0x2eb: {  	v11 =	vld.idx.msk [tilespmem:v11+s1+$0x0], $0xffff;
	v18 =	vor.u32 v19, v23  }
0x2ec: {  	v14 =	vld.idx.msk [tilespmem:v14+s1+$0x0], $0xffff  }
0x2ed: {  	s8 =	simm.s32 $0x800;
	v12 =	vld.idx.msk [tilespmem:v20+s1+$0x0], $0xffff  }
.LBB2_46:
0x2ee: {  	p0 =	sne.s32 s8, $0x1FC00;
	v16 =	vld.idx.msk [tilespmem:v16+s1+$0x0], $0xffff  }
0x2ef: {  	v17 =	vld.idx.msk [tilespmem:v17+s1+$0x0], $0xffff  }
0x2f0: {  	s0 =	sshra.s32 s8, $0x2;
	v19 =	vand.u32 $0x7F, v9;
	v18 =	vld.idx.msk [tilespmem:v18+s1+$0x0], $0xffff;
	[tilespmem:s26+$0x80F0] =	vst v15  }
0x2f1: {  	v20 =	vand.u32 $0x7F, v6;
	v21 =	vand.u32 $0x7F, v4;
	v22 =	vand.u32 $0x7F, v8;
	v15 =	vld [tilespmem:s0+$0x80];
	[tilespmem:s26+$0x8080] =	vst v11  }
0x2f2: {  	v9 =	vsub.s32 v9, v1;
	v23 =	vand.u32 $0x7F, v7;
	v24 =	vand.u32 $0x7F, v5;
	v11 =	vld [tilespmem:s0+$0x90];
	[tilespmem:s26+$0x8090] =	vst v14  }
0x2f3: {  	v25 =	vsub.s32 v10, v1;
	v10 =	vand.u32 $0x7F, v10;
	v9 =	vand.u32 $0xFFFFFF80, v9;
	v14 =	vld [tilespmem:s0+$0xA0];
	[tilespmem:s26+$0x80A0] =	vst v13  }
0x2f4: {  	v6 =	vsub.s32 v6, v1;
	v27 =	vand.u32 $0xFFFFFF80, v25;
	v19 =	vor.u32 v19, v9;
	v13 =	vld [tilespmem:s25+$0xE0];
	[tilespmem:s26+$0x80B0] =	vst v12  }
0x2f5: {  	v4 =	vsub.s32 v4, v1;
	v28 =	vand.u32 $0xFFFFFF80, v6;
	v25 =	vor.u32 v10, v27;
	v12 =	vld [tilespmem:s0+$0xB0];
	[tilespmem:s26+$0x80C0] =	vst v16  }
0x2f6: {  	v8 =	vsub.s32 v8, v1;
	v20 =	vor.u32 v20, v28;
	v16 =	vand.u32 $0xFFFFFF80, v4;
	v26 =	vld [tilespmem:s0+$0xC0];
	[tilespmem:s26+$0x80D0] =	vst v17;
	v9 =	vmovc v15  }
0x2f7: {  	v7 =	vsub.s32 v7, v1;
	v8 =	vand.u32 $0xFFFFFF80, v8;
	v21 =	vor.u32 v21, v16;
	v27 =	vld [tilespmem:s0+$0xD0];
	[tilespmem:s26+$0x80E0] =	vst v18;
	v6 =	vmovc v11;
	s26 =	smov.u32 s25;
	s25 =	smov.u32 s0  }
0x2f8: {  	v5 =	vsub.s32 v5, v1;
	v7 =	vand.u32 $0xFFFFFF80, v7;
	v22 =	vor.u32 v22, v8;
	v10 =	vld [tilespmem:s25+$0xF0];
	v4 =	vmovc v14  }
.Ltmp22:
0x2f9: {  	v5 =	vand.u32 $0xFFFFFF80, v5;
	v16 =	vor.u32 v23, v7;
	v14 =	vsub.s32 v13, v1;
	v11 =	vld.idx.msk [tilespmem:v19+s1+$0x0], $0xffff;
	(pc) =	sbr.rel @p0 .LBB2_46-.Ltmp22, $4  }
0x2fa: {  	v17 =	vor.u32 v24, v5;
	v13 =	vand.u32 $0x7F, v13;
	v19 =	vand.u32 $0xFFFFFF80, v14;
	v15 =	vld.idx.msk [tilespmem:v25+s1+$0x0], $0xffff;
	v8 =	vmovc v12  }
0x2fb: {  	v14 =	vld.idx.msk [tilespmem:v20+s1+$0x0], $0xffff;
	v18 =	vor.u32 v13, v19;
	v7 =	vmov v26  }
0x2fc: {  	v13 =	vld.idx.msk [tilespmem:v21+s1+$0x0], $0xffff;
	v5 =	vmov v27  }
0x2fd: {  	s8 =	sadd.s32 $0x400, s8;
	v12 =	vld.idx.msk [tilespmem:v22+s1+$0x0], $0xffff  }
0x2fe: {  	_ =	sdelay $0x3  }
0x2ff: {  	v16 =	vld.idx.msk [tilespmem:v16+s1+$0x0], $0xffff  }
0x300: {  	v17 =	vld.idx.msk [tilespmem:v17+s1+$0x0], $0xffff  }
0x301: {  	v18 =	vld.idx.msk [tilespmem:v18+s1+$0x0], $0xffff;
	v19 =	vand.u32 $0x7F, v9;
	[tilespmem:s26+$0x8080] =	vst v11  }
0x302: {  	v53 =	vand.u32 $0x7F, v6;
	v20 =	vand.u32 $0x7F, v4;
	v21 =	vand.u32 $0x7F, v8;
	[tilespmem:s26+$0x80F0] =	vst v15  }
0x303: {  	v54 =	vsub.s32 v9, v1;
	v55 =	vand.u32 $0x7F, v7;
	v22 =	vand.u32 $0x7F, v5;
	[tilespmem:s26+$0x8090] =	vst v14  }
0x304: {  	v56 =	vsub.s32 v10, v1;
	v58 =	vsub.s32 v6, v1;
	v9 =	vand.u32 $0xFFFFFF80, v54;
	[tilespmem:s26+$0x80A0] =	vst v13  }
0x305: {  	v57 =	vand.u32 $0x7F, v10;
	v6 =	vand.u32 $0xFFFFFF80, v58;
	v9 =	vor.u32 v19, v9;
	v13 =	vld [tilespmem:s25+$0xE0]  }
0x306: {  	v4 =	vsub.s32 v4, v1;
	v14 =	vand.u32 $0xFFFFFF80, v56;
	v6 =	vor.u32 v53, v6;
	[tilespmem:s26+$0x80B0] =	vst v12  }
0x307: {  	v59 =	vsub.s32 v8, v1;
	v4 =	vand.u32 $0xFFFFFF80, v4;
	v10 =	vor.u32 v57, v14;
	[tilespmem:s26+$0x80C0] =	vst v16  }
0x308: {  	v60 =	vsub.s32 v7, v1;
	v8 =	vand.u32 $0xFFFFFF80, v59;
	v4 =	vor.u32 v20, v4;
	[tilespmem:s26+$0x80D0] =	vst v17  }
0x309: {  	v5 =	vsub.s32 v5, v1;
	v7 =	vand.u32 $0xFFFFFF80, v60;
	v8 =	vor.u32 v21, v8;
	[tilespmem:s26+$0x80E0] =	vst v18  }
0x30a: {  	v5 =	vand.u32 $0xFFFFFF80, v5;
	v7 =	vor.u32 v55, v7;
	v9 =	vld.idx.msk [tilespmem:v9+s1+$0x0], $0xffff;
	v61 =	vsub.s32 v13, v1  }
0x30b: {  	v5 =	vor.u32 v22, v5;
	v6 =	vld.idx.msk [tilespmem:v6+s1+$0x0], $0xffff;
	v63 =	vand.u32 $0x7F, v13;
	v62 =	vand.u32 $0xFFFFFF80, v61  }
0x30c: {  	v10 =	vld.idx.msk [tilespmem:v10+s1+$0x0], $0xffff;
	v11 =	vor.u32 v63, v62  }
0x30d: {  	v4 =	vld.idx.msk [tilespmem:v4+s1+$0x0], $0xffff  }
0x30e: {  	v8 =	vld.idx.msk [tilespmem:v8+s1+$0x0], $0xffff  }
0x30f: {  	v7 =	vld.idx.msk [tilespmem:v7+s1+$0x0], $0xffff  }
0x310: {  	v5 =	vld.idx.msk [tilespmem:v5+s1+$0x0], $0xffff  }
0x311: {  	v11 =	vld.idx.msk [tilespmem:v11+s1+$0x0], $0xffff;
	[tilespmem:s25+$0x80F0] =	vst v10  }
0x312: {  	[tilespmem:s25+$0x8080] =	vst v9  }
0x313: {  	[tilespmem:s25+$0x8090] =	vst v6  }
0x314: {  	[tilespmem:s25+$0x80A0] =	vst v4  }
0x315: {  	[tilespmem:s25+$0x80B0] =	vst v8  }
0x316: {  	[tilespmem:s25+$0x80C0] =	vst v7  }
0x317: {  	[tilespmem:s25+$0x80D0] =	vst v5  }
0x318: {  	s8 =	simm.s32 $0x0;
	s10 =	simm.s32 $0x8080;
	s11 =	simm.s32 $0x0;
	[tilespmem:s25+$0x80E0] =	vst v11  }
.LBB2_48:
0x319: {  	p0 =	sne.s32 s11, $0x3F80  }
.Ltmp23:
0x31a: {  	_ = 	snop;
	(pc) =	sbr.rel @p0 .LBB2_48-.Ltmp23, $4  }
0x31b: {  	_ = 	snop  }
0x31c: {  	s0 =	sadd.s32 s11, s15  }
0x31d: {  	[hbm4b:s0+s8] =	stream.linear.scatter [tilespmem:s10], [sflag:$0x4], $0x80, $0x38;
	[tilespmem:$0x11F00] =	vst v63  }
0x31e: {  	s11 =	sadd.s32 $0x80, s11;
	s10 =	sadd.s32 $0x100, s10  }
0x31f: {  	s8 =	simm.s32 $0x80  }
0x320: {  	s10 =	simm.s32 $0x80;
	s16 =	sadd.s32 $0x0, s6;
	s11 =	simm.s32 $0x180  }
.LBB2_50:
0x321: {  	[tilespmem:s8], [sflag:$0x2] =	stream.linear.gather [hbm4b:s16+s2], $0x80, $0x38;
	[tilespmem:$0x11F00] =	vst v63  }
0x322: {  	s0 =	smov.u32 s10;
	s8 =	smov.u32 s11;
	p0 =	sne.s32 s10, $0x3F80  }
.Ltmp24:
0x323: {  	s10 =	sadd.s32 $0x80, s10;
	(pc) =	sbr.rel @p0 .LBB2_50-.Ltmp24, $2  }
0x324: {  	_ =	sdelay $0x2  }
0x325: {  	s11 =	sadd.s32 $0x100, s11;
	s16 =	sadd.s32 s0, s6  }
0x326: {  	[tilespmem:s8], [sflag:$0x2] =	stream.linear.gather [hbm4b:s16+s2], $0x80, $0x38;
	[tilespmem:$0x11F00] =	vst v63  }
0x327: {  	_ =	swait.ge [sflag:s28], $0x4000  }
0x328: {  	[sflag:s28] =	ssyncset.done $0x0  }
0x329: {  	[sflag:s28] =	ssyncadd.s32 $0xFFFFC000  }
0x32a: {  	_ =	swait.ge [sflag:s31], $0x4000  }
0x32b: {  	[sflag:s31] =	ssyncset.done $0x0  }
0x32c: {  	s26 =	simm.s32 $0x0;
	[sflag:s31] =	ssyncadd.s32 $0xFFFFC000  }
0x32d: {  	v4 =	vld [tilespmem:s26+$0x0]  }
0x32e: {  	v5 =	vld [tilespmem:s26+$0x10]  }
0x32f: {  	v8 =	vld [tilespmem:s26+$0x70]  }
0x330: {  	v7 =	vld [tilespmem:s26+$0x20]  }
0x331: {  	v10 =	vld [tilespmem:s26+$0x30]  }
0x332: {  	v12 =	vld [tilespmem:s26+$0x40]  }
0x333: {  	s25 =	simm.s32 $0x100;
	v13 =	vld [tilespmem:s26+$0x50];
	v11 =	vand.u32 $0x7F, v4;
	v16 =	vsub.s32 v4, v1  }
0x334: {  	v9 =	vld [tilespmem:s25+$0x0];
	v14 =	vand.u32 $0x7F, v5;
	v17 =	vsub.s32 v8, v1;
	v16 =	vand.u32 $0xFFFFFF80, v16  }
0x335: {  	v6 =	vld [tilespmem:s25+$0x10];
	v18 =	vand.u32 $0x7F, v8;
	v11 =	vor.u32 v11, v16;
	v16 =	vand.u32 $0xFFFFFF80, v17  }
0x336: {  	v19 =	vld [tilespmem:s26+$0x60];
	v15 =	vand.u32 $0x7F, v7;
	v17 =	vsub.s32 v7, v1;
	v16 =	vor.u32 v18, v16  }
0x337: {  	v4 =	vld [tilespmem:s25+$0x20];
	v5 =	vsub.s32 v5, v1;
	v20 =	vand.u32 $0x7F, v10;
	v17 =	vand.u32 $0xFFFFFF80, v17  }
0x338: {  	v8 =	vld [tilespmem:s25+$0x30];
	v21 =	vand.u32 $0x7F, v13;
	v5 =	vand.u32 $0xFFFFFF80, v5;
	v17 =	vor.u32 v15, v17  }
0x339: {  	v13 =	vsub.s32 v13, v1;
	v7 =	vld [tilespmem:s25+$0x40];
	v14 =	vor.u32 v14, v5;
	v18 =	vsub.s32 v10, v1  }
0x33a: {  	v5 =	vld [tilespmem:s25+$0x50];
	v15 =	vand.u32 $0xFFFFFF80, v18;
	v18 =	vand.u32 $0x7F, v12;
	v12 =	vsub.s32 v12, v1  }
0x33b: {  	v20 =	vor.u32 v20, v15;
	v12 =	vand.u32 $0xFFFFFF80, v12;
	v15 =	vld.idx.msk [tilespmem:v16+s1+$0x0], $0xffff;
	v16 =	vsub.s32 v19, v1  }
0x33c: {  	v22 =	vand.u32 $0xFFFFFF80, v13;
	v10 =	vld [tilespmem:s25+$0x70];
	v23 =	vand.u32 $0xFFFFFF80, v16;
	v16 =	vor.u32 v18, v12  }
0x33d: {  	v19 =	vand.u32 $0x7F, v19;
	v13 =	vld.idx.msk [tilespmem:v17+s1+$0x0], $0xffff;
	v17 =	vor.u32 v21, v22  }
0x33e: {  	v11 =	vld.idx.msk [tilespmem:v11+s1+$0x0], $0xffff;
	v18 =	vor.u32 v19, v23  }
0x33f: {  	v14 =	vld.idx.msk [tilespmem:v14+s1+$0x0], $0xffff  }
0x340: {  	s8 =	simm.s32 $0x800;
	v12 =	vld.idx.msk [tilespmem:v20+s1+$0x0], $0xffff  }
.LBB2_52:
0x341: {  	p0 =	sne.s32 s8, $0x1FC00;
	v16 =	vld.idx.msk [tilespmem:v16+s1+$0x0], $0xffff  }
0x342: {  	v17 =	vld.idx.msk [tilespmem:v17+s1+$0x0], $0xffff  }
0x343: {  	s0 =	sshra.s32 s8, $0x2;
	v19 =	vand.u32 $0x7F, v9;
	v18 =	vld.idx.msk [tilespmem:v18+s1+$0x0], $0xffff;
	[tilespmem:s26+$0x8070] =	vst v15  }
0x344: {  	v20 =	vand.u32 $0x7F, v6;
	v21 =	vand.u32 $0x7F, v4;
	v22 =	vand.u32 $0x7F, v8;
	v15 =	vld [tilespmem:s0+$0x0];
	[tilespmem:s26+$0x8000] =	vst v11  }
0x345: {  	v9 =	vsub.s32 v9, v1;
	v23 =	vand.u32 $0x7F, v7;
	v24 =	vand.u32 $0x7F, v5;
	v11 =	vld [tilespmem:s0+$0x10];
	[tilespmem:s26+$0x8010] =	vst v14  }
0x346: {  	v25 =	vsub.s32 v10, v1;
	v10 =	vand.u32 $0x7F, v10;
	v9 =	vand.u32 $0xFFFFFF80, v9;
	v14 =	vld [tilespmem:s0+$0x20];
	[tilespmem:s26+$0x8020] =	vst v13  }
0x347: {  	v6 =	vsub.s32 v6, v1;
	v27 =	vand.u32 $0xFFFFFF80, v25;
	v19 =	vor.u32 v19, v9;
	v13 =	vld [tilespmem:s25+$0x60];
	[tilespmem:s26+$0x8030] =	vst v12  }
0x348: {  	v4 =	vsub.s32 v4, v1;
	v28 =	vand.u32 $0xFFFFFF80, v6;
	v25 =	vor.u32 v10, v27;
	v12 =	vld [tilespmem:s0+$0x30];
	[tilespmem:s26+$0x8040] =	vst v16  }
0x349: {  	v8 =	vsub.s32 v8, v1;
	v20 =	vor.u32 v20, v28;
	v16 =	vand.u32 $0xFFFFFF80, v4;
	v26 =	vld [tilespmem:s0+$0x40];
	[tilespmem:s26+$0x8050] =	vst v17;
	v9 =	vmovc v15  }
0x34a: {  	v7 =	vsub.s32 v7, v1;
	v8 =	vand.u32 $0xFFFFFF80, v8;
	v21 =	vor.u32 v21, v16;
	v27 =	vld [tilespmem:s0+$0x50];
	[tilespmem:s26+$0x8060] =	vst v18;
	v6 =	vmovc v11;
	s26 =	smov.u32 s25;
	s25 =	smov.u32 s0  }
0x34b: {  	v5 =	vsub.s32 v5, v1;
	v7 =	vand.u32 $0xFFFFFF80, v7;
	v22 =	vor.u32 v22, v8;
	v10 =	vld [tilespmem:s25+$0x70];
	v4 =	vmovc v14  }
.Ltmp25:
0x34c: {  	v5 =	vand.u32 $0xFFFFFF80, v5;
	v16 =	vor.u32 v23, v7;
	v14 =	vsub.s32 v13, v1;
	v11 =	vld.idx.msk [tilespmem:v19+s1+$0x0], $0xffff;
	(pc) =	sbr.rel @p0 .LBB2_52-.Ltmp25, $4  }
0x34d: {  	v17 =	vor.u32 v24, v5;
	v13 =	vand.u32 $0x7F, v13;
	v19 =	vand.u32 $0xFFFFFF80, v14;
	v15 =	vld.idx.msk [tilespmem:v25+s1+$0x0], $0xffff;
	v8 =	vmovc v12  }
0x34e: {  	v14 =	vld.idx.msk [tilespmem:v20+s1+$0x0], $0xffff;
	v18 =	vor.u32 v13, v19;
	v7 =	vmov v26  }
0x34f: {  	v13 =	vld.idx.msk [tilespmem:v21+s1+$0x0], $0xffff;
	v5 =	vmov v27  }
0x350: {  	s8 =	sadd.s32 $0x400, s8;
	v12 =	vld.idx.msk [tilespmem:v22+s1+$0x0], $0xffff  }
0x351: {  	_ =	sdelay $0x3  }
0x352: {  	v16 =	vld.idx.msk [tilespmem:v16+s1+$0x0], $0xffff  }
0x353: {  	v17 =	vld.idx.msk [tilespmem:v17+s1+$0x0], $0xffff  }
0x354: {  	v18 =	vld.idx.msk [tilespmem:v18+s1+$0x0], $0xffff;
	v19 =	vand.u32 $0x7F, v9;
	[tilespmem:s26+$0x8000] =	vst v11  }
0x355: {  	v53 =	vand.u32 $0x7F, v6;
	v20 =	vand.u32 $0x7F, v4;
	v21 =	vand.u32 $0x7F, v8;
	[tilespmem:s26+$0x8070] =	vst v15  }
0x356: {  	v54 =	vsub.s32 v9, v1;
	v55 =	vand.u32 $0x7F, v7;
	v22 =	vand.u32 $0x7F, v5;
	[tilespmem:s26+$0x8010] =	vst v14  }
0x357: {  	v56 =	vsub.s32 v10, v1;
	v58 =	vsub.s32 v6, v1;
	v9 =	vand.u32 $0xFFFFFF80, v54;
	[tilespmem:s26+$0x8020] =	vst v13  }
0x358: {  	v57 =	vand.u32 $0x7F, v10;
	v6 =	vand.u32 $0xFFFFFF80, v58;
	v9 =	vor.u32 v19, v9;
	v13 =	vld [tilespmem:s25+$0x60]  }
0x359: {  	v4 =	vsub.s32 v4, v1;
	v14 =	vand.u32 $0xFFFFFF80, v56;
	v6 =	vor.u32 v53, v6;
	[tilespmem:s26+$0x8030] =	vst v12  }
0x35a: {  	v59 =	vsub.s32 v8, v1;
	v4 =	vand.u32 $0xFFFFFF80, v4;
	v10 =	vor.u32 v57, v14;
	[tilespmem:s26+$0x8040] =	vst v16  }
0x35b: {  	v60 =	vsub.s32 v7, v1;
	v8 =	vand.u32 $0xFFFFFF80, v59;
	v4 =	vor.u32 v20, v4;
	[tilespmem:s26+$0x8050] =	vst v17  }
0x35c: {  	v5 =	vsub.s32 v5, v1;
	v7 =	vand.u32 $0xFFFFFF80, v60;
	v8 =	vor.u32 v21, v8;
	[tilespmem:s26+$0x8060] =	vst v18  }
0x35d: {  	v5 =	vand.u32 $0xFFFFFF80, v5;
	v7 =	vor.u32 v55, v7;
	v9 =	vld.idx.msk [tilespmem:v9+s1+$0x0], $0xffff;
	v61 =	vsub.s32 v13, v1  }
0x35e: {  	v5 =	vor.u32 v22, v5;
	v6 =	vld.idx.msk [tilespmem:v6+s1+$0x0], $0xffff;
	v63 =	vand.u32 $0x7F, v13;
	v62 =	vand.u32 $0xFFFFFF80, v61  }
0x35f: {  	v10 =	vld.idx.msk [tilespmem:v10+s1+$0x0], $0xffff;
	v11 =	vor.u32 v63, v62  }
0x360: {  	v4 =	vld.idx.msk [tilespmem:v4+s1+$0x0], $0xffff  }
0x361: {  	v8 =	vld.idx.msk [tilespmem:v8+s1+$0x0], $0xffff  }
0x362: {  	v7 =	vld.idx.msk [tilespmem:v7+s1+$0x0], $0xffff  }
0x363: {  	v5 =	vld.idx.msk [tilespmem:v5+s1+$0x0], $0xffff  }
0x364: {  	v11 =	vld.idx.msk [tilespmem:v11+s1+$0x0], $0xffff;
	[tilespmem:s25+$0x8070] =	vst v10  }
0x365: {  	[tilespmem:s25+$0x8000] =	vst v9  }
0x366: {  	[tilespmem:s25+$0x8010] =	vst v6  }
0x367: {  	[tilespmem:s25+$0x8020] =	vst v4  }
0x368: {  	[tilespmem:s25+$0x8030] =	vst v8  }
0x369: {  	[tilespmem:s25+$0x8040] =	vst v7  }
0x36a: {  	s8 =	simm.s32 $0x0;
	s10 =	simm.s32 $0x8000;
	[tilespmem:s25+$0x8050] =	vst v5  }
0x36b: {  	s11 =	simm.s32 $0x80;
	s20 =	sadd.s32 $0x0, s17;
	s16 =	simm.s32 $0x8100;
	[tilespmem:s25+$0x8060] =	vst v11  }
.LBB2_54:
0x36c: {  	[hbm4b:s20+s8] =	stream.linear.scatter [tilespmem:s10], [sflag:$0x3], $0x80, $0x38;
	[tilespmem:$0x11F00] =	vst v63  }
0x36d: {  	s0 =	smov.u32 s11;
	s10 =	smov.u32 s16;
	p0 =	sne.s32 s11, $0x3F80  }
.Ltmp26:
0x36e: {  	s11 =	sadd.s32 $0x80, s11;
	(pc) =	sbr.rel @p0 .LBB2_54-.Ltmp26, $2  }
0x36f: {  	_ =	sdelay $0x2  }
0x370: {  	s16 =	sadd.s32 $0x100, s16;
	s20 =	sadd.s32 s0, s17  }
0x371: {  	[hbm4b:s20+s8] =	stream.linear.scatter [tilespmem:s10], [sflag:$0x3], $0x80, $0x38;
	[tilespmem:$0x11F00] =	vst v63  }
0x372: {  	s10 =	simm.s32 $0x80;
	s16 =	sadd.s32 $0x0, s7;
	s11 =	simm.s32 $0x100  }
.LBB2_56:
0x373: {  	[tilespmem:s8], [sflag:$0x1] =	stream.linear.gather [hbm4b:s16+s2], $0x80, $0x38;
	[tilespmem:$0x11F00] =	vst v63  }
0x374: {  	s0 =	smov.u32 s10;
	s8 =	smov.u32 s11;
	p0 =	sne.s32 s10, $0x3F80  }
.Ltmp27:
0x375: {  	s10 =	sadd.s32 $0x80, s10;
	(pc) =	sbr.rel @p0 .LBB2_56-.Ltmp27, $2  }
0x376: {  	_ =	sdelay $0x2  }
0x377: {  	s11 =	sadd.s32 $0x100, s11;
	s16 =	sadd.s32 s0, s7  }
0x378: {  	[tilespmem:s8], [sflag:$0x1] =	stream.linear.gather [hbm4b:s16+s2], $0x80, $0x38;
	[tilespmem:$0x11F00] =	vst v63  }
0x379: {  	_ =	swait.ge [sflag:s30], $0x4000  }
0x37a: {  	[sflag:s30] =	ssyncset.done $0x0  }
0x37b: {  	s0 =	simm.s32 $0x4;
	[sflag:s30] =	ssyncadd.s32 $0xFFFFC000  }
0x37c: {  	_ =	swait.ge [sflag:s0], $0x4000  }
0x37d: {  	[sflag:s0] =	ssyncset.done $0x0  }
0x37e: {  	s26 =	simm.s32 $0x0;
	[sflag:s0] =	ssyncadd.s32 $0xFFFFC000  }
0x37f: {  	v4 =	vld [tilespmem:s26+$0x80]  }
0x380: {  	v5 =	vld [tilespmem:s26+$0x90]  }
0x381: {  	v8 =	vld [tilespmem:s26+$0xF0]  }
0x382: {  	v7 =	vld [tilespmem:s26+$0xA0]  }
0x383: {  	v10 =	vld [tilespmem:s26+$0xB0]  }
0x384: {  	v12 =	vld [tilespmem:s26+$0xC0]  }
0x385: {  	s25 =	simm.s32 $0x100;
	v13 =	vld [tilespmem:s26+$0xD0];
	v11 =	vand.u32 $0x7F, v4;
	v16 =	vsub.s32 v4, v1  }
0x386: {  	v9 =	vld [tilespmem:s25+$0x80];
	v14 =	vand.u32 $0x7F, v5;
	v17 =	vsub.s32 v8, v1;
	v16 =	vand.u32 $0xFFFFFF80, v16  }
0x387: {  	v6 =	vld [tilespmem:s25+$0x90];
	v18 =	vand.u32 $0x7F, v8;
	v11 =	vor.u32 v11, v16;
	v16 =	vand.u32 $0xFFFFFF80, v17  }
0x388: {  	v19 =	vld [tilespmem:s26+$0xE0];
	v15 =	vand.u32 $0x7F, v7;
	v17 =	vsub.s32 v7, v1;
	v16 =	vor.u32 v18, v16  }
0x389: {  	v4 =	vld [tilespmem:s25+$0xA0];
	v5 =	vsub.s32 v5, v1;
	v20 =	vand.u32 $0x7F, v10;
	v17 =	vand.u32 $0xFFFFFF80, v17  }
0x38a: {  	v8 =	vld [tilespmem:s25+$0xB0];
	v21 =	vand.u32 $0x7F, v13;
	v5 =	vand.u32 $0xFFFFFF80, v5;
	v17 =	vor.u32 v15, v17  }
0x38b: {  	v13 =	vsub.s32 v13, v1;
	v7 =	vld [tilespmem:s25+$0xC0];
	v14 =	vor.u32 v14, v5;
	v18 =	vsub.s32 v10, v1  }
0x38c: {  	v5 =	vld [tilespmem:s25+$0xD0];
	v15 =	vand.u32 $0xFFFFFF80, v18;
	v18 =	vand.u32 $0x7F, v12;
	v12 =	vsub.s32 v12, v1  }
0x38d: {  	v20 =	vor.u32 v20, v15;
	v12 =	vand.u32 $0xFFFFFF80, v12;
	v15 =	vld.idx.msk [tilespmem:v16+s1+$0x0], $0xffff;
	v16 =	vsub.s32 v19, v1  }
0x38e: {  	v22 =	vand.u32 $0xFFFFFF80, v13;
	v10 =	vld [tilespmem:s25+$0xF0];
	v23 =	vand.u32 $0xFFFFFF80, v16;
	v16 =	vor.u32 v18, v12  }
0x38f: {  	v19 =	vand.u32 $0x7F, v19;
	v13 =	vld.idx.msk [tilespmem:v17+s1+$0x0], $0xffff;
	v17 =	vor.u32 v21, v22  }
0x390: {  	v11 =	vld.idx.msk [tilespmem:v11+s1+$0x0], $0xffff;
	v18 =	vor.u32 v19, v23  }
0x391: {  	v14 =	vld.idx.msk [tilespmem:v14+s1+$0x0], $0xffff  }
0x392: {  	s8 =	simm.s32 $0x800;
	v12 =	vld.idx.msk [tilespmem:v20+s1+$0x0], $0xffff  }
.LBB2_58:
0x393: {  	p0 =	sne.s32 s8, $0x1FC00;
	v16 =	vld.idx.msk [tilespmem:v16+s1+$0x0], $0xffff  }
0x394: {  	v17 =	vld.idx.msk [tilespmem:v17+s1+$0x0], $0xffff  }
0x395: {  	s0 =	sshra.s32 s8, $0x2;
	v19 =	vand.u32 $0x7F, v9;
	v18 =	vld.idx.msk [tilespmem:v18+s1+$0x0], $0xffff;
	[tilespmem:s26+$0x80F0] =	vst v15  }
0x396: {  	v20 =	vand.u32 $0x7F, v6;
	v21 =	vand.u32 $0x7F, v4;
	v22 =	vand.u32 $0x7F, v8;
	v15 =	vld [tilespmem:s0+$0x80];
	[tilespmem:s26+$0x8080] =	vst v11  }
0x397: {  	v9 =	vsub.s32 v9, v1;
	v23 =	vand.u32 $0x7F, v7;
	v24 =	vand.u32 $0x7F, v5;
	v11 =	vld [tilespmem:s0+$0x90];
	[tilespmem:s26+$0x8090] =	vst v14  }
0x398: {  	v25 =	vsub.s32 v10, v1;
	v10 =	vand.u32 $0x7F, v10;
	v9 =	vand.u32 $0xFFFFFF80, v9;
	v14 =	vld [tilespmem:s0+$0xA0];
	[tilespmem:s26+$0x80A0] =	vst v13  }
0x399: {  	v6 =	vsub.s32 v6, v1;
	v27 =	vand.u32 $0xFFFFFF80, v25;
	v19 =	vor.u32 v19, v9;
	v13 =	vld [tilespmem:s25+$0xE0];
	[tilespmem:s26+$0x80B0] =	vst v12  }
0x39a: {  	v4 =	vsub.s32 v4, v1;
	v28 =	vand.u32 $0xFFFFFF80, v6;
	v25 =	vor.u32 v10, v27;
	v12 =	vld [tilespmem:s0+$0xB0];
	[tilespmem:s26+$0x80C0] =	vst v16  }
0x39b: {  	v8 =	vsub.s32 v8, v1;
	v20 =	vor.u32 v20, v28;
	v16 =	vand.u32 $0xFFFFFF80, v4;
	v26 =	vld [tilespmem:s0+$0xC0];
	[tilespmem:s26+$0x80D0] =	vst v17;
	v9 =	vmovc v15  }
0x39c: {  	v7 =	vsub.s32 v7, v1;
	v8 =	vand.u32 $0xFFFFFF80, v8;
	v21 =	vor.u32 v21, v16;
	v27 =	vld [tilespmem:s0+$0xD0];
	[tilespmem:s26+$0x80E0] =	vst v18;
	v6 =	vmovc v11;
	s26 =	smov.u32 s25;
	s25 =	smov.u32 s0  }
0x39d: {  	v5 =	vsub.s32 v5, v1;
	v7 =	vand.u32 $0xFFFFFF80, v7;
	v22 =	vor.u32 v22, v8;
	v10 =	vld [tilespmem:s25+$0xF0];
	v4 =	vmovc v14  }
.Ltmp28:
0x39e: {  	v5 =	vand.u32 $0xFFFFFF80, v5;
	v16 =	vor.u32 v23, v7;
	v14 =	vsub.s32 v13, v1;
	v11 =	vld.idx.msk [tilespmem:v19+s1+$0x0], $0xffff;
	(pc) =	sbr.rel @p0 .LBB2_58-.Ltmp28, $4  }
0x39f: {  	v17 =	vor.u32 v24, v5;
	v13 =	vand.u32 $0x7F, v13;
	v19 =	vand.u32 $0xFFFFFF80, v14;
	v15 =	vld.idx.msk [tilespmem:v25+s1+$0x0], $0xffff;
	v8 =	vmovc v12  }
0x3a0: {  	v14 =	vld.idx.msk [tilespmem:v20+s1+$0x0], $0xffff;
	v18 =	vor.u32 v13, v19;
	v7 =	vmov v26  }
0x3a1: {  	v13 =	vld.idx.msk [tilespmem:v21+s1+$0x0], $0xffff;
	v5 =	vmov v27  }
0x3a2: {  	s8 =	sadd.s32 $0x400, s8;
	v12 =	vld.idx.msk [tilespmem:v22+s1+$0x0], $0xffff  }
0x3a3: {  	_ =	sdelay $0x3  }
0x3a4: {  	v16 =	vld.idx.msk [tilespmem:v16+s1+$0x0], $0xffff  }
0x3a5: {  	v17 =	vld.idx.msk [tilespmem:v17+s1+$0x0], $0xffff  }
0x3a6: {  	v18 =	vld.idx.msk [tilespmem:v18+s1+$0x0], $0xffff;
	v19 =	vand.u32 $0x7F, v9;
	[tilespmem:s26+$0x8080] =	vst v11  }
0x3a7: {  	v53 =	vand.u32 $0x7F, v6;
	v20 =	vand.u32 $0x7F, v4;
	v21 =	vand.u32 $0x7F, v8;
	[tilespmem:s26+$0x80F0] =	vst v15  }
0x3a8: {  	v54 =	vsub.s32 v9, v1;
	v55 =	vand.u32 $0x7F, v7;
	v22 =	vand.u32 $0x7F, v5;
	[tilespmem:s26+$0x8090] =	vst v14  }
0x3a9: {  	v56 =	vsub.s32 v10, v1;
	v58 =	vsub.s32 v6, v1;
	v9 =	vand.u32 $0xFFFFFF80, v54;
	[tilespmem:s26+$0x80A0] =	vst v13  }
0x3aa: {  	v57 =	vand.u32 $0x7F, v10;
	v6 =	vand.u32 $0xFFFFFF80, v58;
	v9 =	vor.u32 v19, v9;
	v13 =	vld [tilespmem:s25+$0xE0]  }
0x3ab: {  	v4 =	vsub.s32 v4, v1;
	v14 =	vand.u32 $0xFFFFFF80, v56;
	v6 =	vor.u32 v53, v6;
	[tilespmem:s26+$0x80B0] =	vst v12  }
0x3ac: {  	v59 =	vsub.s32 v8, v1;
	v4 =	vand.u32 $0xFFFFFF80, v4;
	v10 =	vor.u32 v57, v14;
	[tilespmem:s26+$0x80C0] =	vst v16  }
0x3ad: {  	v60 =	vsub.s32 v7, v1;
	v8 =	vand.u32 $0xFFFFFF80, v59;
	v4 =	vor.u32 v20, v4;
	[tilespmem:s26+$0x80D0] =	vst v17  }
0x3ae: {  	v5 =	vsub.s32 v5, v1;
	v7 =	vand.u32 $0xFFFFFF80, v60;
	v8 =	vor.u32 v21, v8;
	[tilespmem:s26+$0x80E0] =	vst v18  }
0x3af: {  	v5 =	vand.u32 $0xFFFFFF80, v5;
	v7 =	vor.u32 v55, v7;
	v9 =	vld.idx.msk [tilespmem:v9+s1+$0x0], $0xffff;
	v61 =	vsub.s32 v13, v1  }
0x3b0: {  	v5 =	vor.u32 v22, v5;
	v6 =	vld.idx.msk [tilespmem:v6+s1+$0x0], $0xffff;
	v63 =	vand.u32 $0x7F, v13;
	v62 =	vand.u32 $0xFFFFFF80, v61  }
0x3b1: {  	v10 =	vld.idx.msk [tilespmem:v10+s1+$0x0], $0xffff;
	v11 =	vor.u32 v63, v62  }
0x3b2: {  	v4 =	vld.idx.msk [tilespmem:v4+s1+$0x0], $0xffff  }
0x3b3: {  	v8 =	vld.idx.msk [tilespmem:v8+s1+$0x0], $0xffff  }
0x3b4: {  	v7 =	vld.idx.msk [tilespmem:v7+s1+$0x0], $0xffff  }
0x3b5: {  	v5 =	vld.idx.msk [tilespmem:v5+s1+$0x0], $0xffff  }
0x3b6: {  	v11 =	vld.idx.msk [tilespmem:v11+s1+$0x0], $0xffff;
	[tilespmem:s25+$0x80F0] =	vst v10  }
0x3b7: {  	[tilespmem:s25+$0x8080] =	vst v9  }
0x3b8: {  	[tilespmem:s25+$0x8090] =	vst v6  }
0x3b9: {  	[tilespmem:s25+$0x80A0] =	vst v4  }
0x3ba: {  	[tilespmem:s25+$0x80B0] =	vst v8  }
0x3bb: {  	[tilespmem:s25+$0x80C0] =	vst v7  }
0x3bc: {  	[tilespmem:s25+$0x80D0] =	vst v5  }
0x3bd: {  	s8 =	simm.s32 $0x0;
	s10 =	simm.s32 $0x8080;
	s11 =	simm.s32 $0x0;
	[tilespmem:s25+$0x80E0] =	vst v11  }
.LBB2_60:
0x3be: {  	p0 =	sne.s32 s11, $0x3F80  }
.Ltmp29:
0x3bf: {  	_ = 	snop;
	(pc) =	sbr.rel @p0 .LBB2_60-.Ltmp29, $4  }
0x3c0: {  	_ = 	snop  }
0x3c1: {  	s0 =	sadd.s32 s11, s18  }
0x3c2: {  	[hbm4b:s0+s8] =	stream.linear.scatter [tilespmem:s10], [sflag:$0x4], $0x80, $0x38;
	[tilespmem:$0x11F00] =	vst v63  }
0x3c3: {  	s11 =	sadd.s32 $0x80, s11;
	s10 =	sadd.s32 $0x100, s10  }
0x3c4: {  	s8 =	simm.s32 $0x80  }
0x3c5: {  	s10 =	simm.s32 $0x80;
	s16 =	sadd.s32 $0x0, s9;
	s11 =	simm.s32 $0x180  }
.LBB2_62:
0x3c6: {  	[tilespmem:s8], [sflag:$0x2] =	stream.linear.gather [hbm4b:s16+s2], $0x80, $0x38;
	[tilespmem:$0x11F00] =	vst v63  }
0x3c7: {  	s0 =	smov.u32 s10;
	s8 =	smov.u32 s11;
	p0 =	sne.s32 s10, $0x3F80  }
.Ltmp30:
0x3c8: {  	s10 =	sadd.s32 $0x80, s10;
	(pc) =	sbr.rel @p0 .LBB2_62-.Ltmp30, $2  }
0x3c9: {  	_ =	sdelay $0x2  }
0x3ca: {  	s11 =	sadd.s32 $0x100, s11;
	s16 =	sadd.s32 s0, s9  }
0x3cb: {  	[tilespmem:s8], [sflag:$0x2] =	stream.linear.gather [hbm4b:s16+s2], $0x80, $0x38;
	[tilespmem:$0x11F00] =	vst v63  }
0x3cc: {  	_ =	swait.ge [sflag:s28], $0x4000  }
0x3cd: {  	[sflag:s28] =	ssyncset.done $0x0  }
0x3ce: {  	[sflag:s28] =	ssyncadd.s32 $0xFFFFC000  }
0x3cf: {  	_ =	swait.ge [sflag:s31], $0x4000  }
0x3d0: {  	[sflag:s31] =	ssyncset.done $0x0  }
0x3d1: {  	s26 =	simm.s32 $0x0;
	[sflag:s31] =	ssyncadd.s32 $0xFFFFC000  }
0x3d2: {  	v4 =	vld [tilespmem:s26+$0x0]  }
0x3d3: {  	v5 =	vld [tilespmem:s26+$0x10]  }
0x3d4: {  	v8 =	vld [tilespmem:s26+$0x70]  }
0x3d5: {  	v7 =	vld [tilespmem:s26+$0x20]  }
0x3d6: {  	v10 =	vld [tilespmem:s26+$0x30]  }
0x3d7: {  	v12 =	vld [tilespmem:s26+$0x40]  }
0x3d8: {  	s25 =	simm.s32 $0x100;
	v13 =	vld [tilespmem:s26+$0x50];
	v11 =	vand.u32 $0x7F, v4;
	v16 =	vsub.s32 v4, v1  }
0x3d9: {  	v9 =	vld [tilespmem:s25+$0x0];
	v14 =	vand.u32 $0x7F, v5;
	v17 =	vsub.s32 v8, v1;
	v16 =	vand.u32 $0xFFFFFF80, v16  }
0x3da: {  	v6 =	vld [tilespmem:s25+$0x10];
	v18 =	vand.u32 $0x7F, v8;
	v11 =	vor.u32 v11, v16;
	v16 =	vand.u32 $0xFFFFFF80, v17  }
0x3db: {  	v19 =	vld [tilespmem:s26+$0x60];
	v15 =	vand.u32 $0x7F, v7;
	v17 =	vsub.s32 v7, v1;
	v16 =	vor.u32 v18, v16  }
0x3dc: {  	v4 =	vld [tilespmem:s25+$0x20];
	v5 =	vsub.s32 v5, v1;
	v20 =	vand.u32 $0x7F, v10;
	v17 =	vand.u32 $0xFFFFFF80, v17  }
0x3dd: {  	v8 =	vld [tilespmem:s25+$0x30];
	v21 =	vand.u32 $0x7F, v13;
	v5 =	vand.u32 $0xFFFFFF80, v5;
	v17 =	vor.u32 v15, v17  }
0x3de: {  	v13 =	vsub.s32 v13, v1;
	v7 =	vld [tilespmem:s25+$0x40];
	v14 =	vor.u32 v14, v5;
	v18 =	vsub.s32 v10, v1  }
0x3df: {  	v5 =	vld [tilespmem:s25+$0x50];
	v15 =	vand.u32 $0xFFFFFF80, v18;
	v18 =	vand.u32 $0x7F, v12;
	v12 =	vsub.s32 v12, v1  }
0x3e0: {  	v20 =	vor.u32 v20, v15;
	v12 =	vand.u32 $0xFFFFFF80, v12;
	v15 =	vld.idx.msk [tilespmem:v16+s1+$0x0], $0xffff;
	v16 =	vsub.s32 v19, v1  }
0x3e1: {  	v22 =	vand.u32 $0xFFFFFF80, v13;
	v10 =	vld [tilespmem:s25+$0x70];
	v23 =	vand.u32 $0xFFFFFF80, v16;
	v16 =	vor.u32 v18, v12  }
0x3e2: {  	v19 =	vand.u32 $0x7F, v19;
	v13 =	vld.idx.msk [tilespmem:v17+s1+$0x0], $0xffff;
	v17 =	vor.u32 v21, v22  }
0x3e3: {  	v11 =	vld.idx.msk [tilespmem:v11+s1+$0x0], $0xffff;
	v18 =	vor.u32 v19, v23  }
0x3e4: {  	v14 =	vld.idx.msk [tilespmem:v14+s1+$0x0], $0xffff  }
0x3e5: {  	s8 =	simm.s32 $0x800;
	v12 =	vld.idx.msk [tilespmem:v20+s1+$0x0], $0xffff  }
.LBB2_64:
0x3e6: {  	p0 =	sne.s32 s8, $0x1FC00;
	v16 =	vld.idx.msk [tilespmem:v16+s1+$0x0], $0xffff  }
0x3e7: {  	v17 =	vld.idx.msk [tilespmem:v17+s1+$0x0], $0xffff  }
0x3e8: {  	s0 =	sshra.s32 s8, $0x2;
	v19 =	vand.u32 $0x7F, v9;
	v18 =	vld.idx.msk [tilespmem:v18+s1+$0x0], $0xffff;
	[tilespmem:s26+$0x8070] =	vst v15  }
0x3e9: {  	v20 =	vand.u32 $0x7F, v6;
	v21 =	vand.u32 $0x7F, v4;
	v22 =	vand.u32 $0x7F, v8;
	v15 =	vld [tilespmem:s0+$0x0];
	[tilespmem:s26+$0x8000] =	vst v11  }
0x3ea: {  	v9 =	vsub.s32 v9, v1;
	v23 =	vand.u32 $0x7F, v7;
	v24 =	vand.u32 $0x7F, v5;
	v11 =	vld [tilespmem:s0+$0x10];
	[tilespmem:s26+$0x8010] =	vst v14  }
0x3eb: {  	v25 =	vsub.s32 v10, v1;
	v10 =	vand.u32 $0x7F, v10;
	v9 =	vand.u32 $0xFFFFFF80, v9;
	v14 =	vld [tilespmem:s0+$0x20];
	[tilespmem:s26+$0x8020] =	vst v13  }
0x3ec: {  	v6 =	vsub.s32 v6, v1;
	v27 =	vand.u32 $0xFFFFFF80, v25;
	v19 =	vor.u32 v19, v9;
	v13 =	vld [tilespmem:s25+$0x60];
	[tilespmem:s26+$0x8030] =	vst v12  }
0x3ed: {  	v4 =	vsub.s32 v4, v1;
	v28 =	vand.u32 $0xFFFFFF80, v6;
	v25 =	vor.u32 v10, v27;
	v12 =	vld [tilespmem:s0+$0x30];
	[tilespmem:s26+$0x8040] =	vst v16  }
0x3ee: {  	v8 =	vsub.s32 v8, v1;
	v20 =	vor.u32 v20, v28;
	v16 =	vand.u32 $0xFFFFFF80, v4;
	v26 =	vld [tilespmem:s0+$0x40];
	[tilespmem:s26+$0x8050] =	vst v17;
	v9 =	vmovc v15  }
0x3ef: {  	v7 =	vsub.s32 v7, v1;
	v8 =	vand.u32 $0xFFFFFF80, v8;
	v21 =	vor.u32 v21, v16;
	v27 =	vld [tilespmem:s0+$0x50];
	[tilespmem:s26+$0x8060] =	vst v18;
	v6 =	vmovc v11;
	s26 =	smov.u32 s25;
	s25 =	smov.u32 s0  }
0x3f0: {  	v5 =	vsub.s32 v5, v1;
	v7 =	vand.u32 $0xFFFFFF80, v7;
	v22 =	vor.u32 v22, v8;
	v10 =	vld [tilespmem:s25+$0x70];
	v4 =	vmovc v14  }
.Ltmp31:
0x3f1: {  	v5 =	vand.u32 $0xFFFFFF80, v5;
	v16 =	vor.u32 v23, v7;
	v14 =	vsub.s32 v13, v1;
	v11 =	vld.idx.msk [tilespmem:v19+s1+$0x0], $0xffff;
	(pc) =	sbr.rel @p0 .LBB2_64-.Ltmp31, $4  }
0x3f2: {  	v17 =	vor.u32 v24, v5;
	v13 =	vand.u32 $0x7F, v13;
	v19 =	vand.u32 $0xFFFFFF80, v14;
	v15 =	vld.idx.msk [tilespmem:v25+s1+$0x0], $0xffff;
	v8 =	vmovc v12  }
0x3f3: {  	v14 =	vld.idx.msk [tilespmem:v20+s1+$0x0], $0xffff;
	v18 =	vor.u32 v13, v19;
	v7 =	vmov v26  }
0x3f4: {  	v13 =	vld.idx.msk [tilespmem:v21+s1+$0x0], $0xffff;
	v5 =	vmov v27  }
0x3f5: {  	s8 =	sadd.s32 $0x400, s8;
	v12 =	vld.idx.msk [tilespmem:v22+s1+$0x0], $0xffff  }
0x3f6: {  	_ =	sdelay $0x3  }
0x3f7: {  	v16 =	vld.idx.msk [tilespmem:v16+s1+$0x0], $0xffff  }
0x3f8: {  	v17 =	vld.idx.msk [tilespmem:v17+s1+$0x0], $0xffff  }
0x3f9: {  	v18 =	vld.idx.msk [tilespmem:v18+s1+$0x0], $0xffff;
	v19 =	vand.u32 $0x7F, v9;
	[tilespmem:s26+$0x8000] =	vst v11  }
0x3fa: {  	v53 =	vand.u32 $0x7F, v6;
	v20 =	vand.u32 $0x7F, v4;
	v21 =	vand.u32 $0x7F, v8;
	[tilespmem:s26+$0x8070] =	vst v15  }
0x3fb: {  	v54 =	vsub.s32 v9, v1;
	v55 =	vand.u32 $0x7F, v7;
	v22 =	vand.u32 $0x7F, v5;
	[tilespmem:s26+$0x8010] =	vst v14  }
0x3fc: {  	v56 =	vsub.s32 v10, v1;
	v58 =	vsub.s32 v6, v1;
	v9 =	vand.u32 $0xFFFFFF80, v54;
	[tilespmem:s26+$0x8020] =	vst v13  }
0x3fd: {  	v57 =	vand.u32 $0x7F, v10;
	v6 =	vand.u32 $0xFFFFFF80, v58;
	v9 =	vor.u32 v19, v9;
	v13 =	vld [tilespmem:s25+$0x60]  }
0x3fe: {  	v4 =	vsub.s32 v4, v1;
	v14 =	vand.u32 $0xFFFFFF80, v56;
	v6 =	vor.u32 v53, v6;
	[tilespmem:s26+$0x8030] =	vst v12  }
0x3ff: {  	v59 =	vsub.s32 v8, v1;
	v4 =	vand.u32 $0xFFFFFF80, v4;
	v10 =	vor.u32 v57, v14;
	[tilespmem:s26+$0x8040] =	vst v16  }
0x400: {  	v60 =	vsub.s32 v7, v1;
	v8 =	vand.u32 $0xFFFFFF80, v59;
	v4 =	vor.u32 v20, v4;
	[tilespmem:s26+$0x8050] =	vst v17  }
0x401: {  	v5 =	vsub.s32 v5, v1;
	v7 =	vand.u32 $0xFFFFFF80, v60;
	v8 =	vor.u32 v21, v8;
	[tilespmem:s26+$0x8060] =	vst v18  }
0x402: {  	v5 =	vand.u32 $0xFFFFFF80, v5;
	v7 =	vor.u32 v55, v7;
	v9 =	vld.idx.msk [tilespmem:v9+s1+$0x0], $0xffff;
	v61 =	vsub.s32 v13, v1  }
0x403: {  	v5 =	vor.u32 v22, v5;
	v6 =	vld.idx.msk [tilespmem:v6+s1+$0x0], $0xffff;
	v63 =	vand.u32 $0x7F, v13;
	v62 =	vand.u32 $0xFFFFFF80, v61  }
0x404: {  	v10 =	vld.idx.msk [tilespmem:v10+s1+$0x0], $0xffff;
	v11 =	vor.u32 v63, v62  }
0x405: {  	v4 =	vld.idx.msk [tilespmem:v4+s1+$0x0], $0xffff  }
0x406: {  	v8 =	vld.idx.msk [tilespmem:v8+s1+$0x0], $0xffff  }
0x407: {  	v7 =	vld.idx.msk [tilespmem:v7+s1+$0x0], $0xffff  }
0x408: {  	v5 =	vld.idx.msk [tilespmem:v5+s1+$0x0], $0xffff  }
0x409: {  	v11 =	vld.idx.msk [tilespmem:v11+s1+$0x0], $0xffff;
	[tilespmem:s25+$0x8070] =	vst v10  }
0x40a: {  	[tilespmem:s25+$0x8000] =	vst v9  }
0x40b: {  	[tilespmem:s25+$0x8010] =	vst v6  }
0x40c: {  	[tilespmem:s25+$0x8020] =	vst v4  }
0x40d: {  	[tilespmem:s25+$0x8030] =	vst v8  }
0x40e: {  	[tilespmem:s25+$0x8040] =	vst v7  }
0x40f: {  	s8 =	simm.s32 $0x0;
	s10 =	simm.s32 $0x8000;
	[tilespmem:s25+$0x8050] =	vst v5  }
0x410: {  	s11 =	simm.s32 $0x80;
	s20 =	sadd.s32 $0x0, s19;
	s16 =	simm.s32 $0x8100;
	[tilespmem:s25+$0x8060] =	vst v11  }
.LBB2_66:
0x411: {  	[hbm4b:s20+s8] =	stream.linear.scatter [tilespmem:s10], [sflag:$0x3], $0x80, $0x38;
	[tilespmem:$0x11F00] =	vst v63  }
0x412: {  	s0 =	smov.u32 s11;
	s10 =	smov.u32 s16;
	p0 =	sne.s32 s11, $0x3F80  }
.Ltmp32:
0x413: {  	s11 =	sadd.s32 $0x80, s11;
	(pc) =	sbr.rel @p0 .LBB2_66-.Ltmp32, $2  }
0x414: {  	_ =	sdelay $0x2  }
0x415: {  	s16 =	sadd.s32 $0x100, s16;
	s20 =	sadd.s32 s0, s19  }
0x416: {  	[hbm4b:s20+s8] =	stream.linear.scatter [tilespmem:s10], [sflag:$0x3], $0x80, $0x38;
	[tilespmem:$0x11F00] =	vst v63  }
0x417: {  	s10 =	simm.s32 $0x80;
	s16 =	sadd.s32 $0x0, s12;
	s11 =	simm.s32 $0x100  }
.LBB2_68:
0x418: {  	[tilespmem:s8], [sflag:$0x1] =	stream.linear.gather [hbm4b:s16+s2], $0x80, $0x38;
	[tilespmem:$0x11F00] =	vst v63  }
0x419: {  	s0 =	smov.u32 s10;
	s8 =	smov.u32 s11;
	p0 =	sne.s32 s10, $0x3F80  }
.Ltmp33:
0x41a: {  	s10 =	sadd.s32 $0x80, s10;
	(pc) =	sbr.rel @p0 .LBB2_68-.Ltmp33, $2  }
0x41b: {  	_ =	sdelay $0x2  }
0x41c: {  	s11 =	sadd.s32 $0x100, s11;
	s16 =	sadd.s32 s0, s12  }
0x41d: {  	[tilespmem:s8], [sflag:$0x1] =	stream.linear.gather [hbm4b:s16+s2], $0x80, $0x38;
	[tilespmem:$0x11F00] =	vst v63  }
0x41e: {  	_ =	swait.ge [sflag:s30], $0x4000  }
0x41f: {  	[sflag:s30] =	ssyncset.done $0x0  }
0x420: {  	s20 =	simm.s32 $0x4;
	[sflag:s30] =	ssyncadd.s32 $0xFFFFC000  }
0x421: {  	_ =	swait.ge [sflag:s20], $0x4000  }
0x422: {  	[sflag:s20] =	ssyncset.done $0x0  }
0x423: {  	s26 =	simm.s32 $0x0;
	[sflag:s20] =	ssyncadd.s32 $0xFFFFC000  }
0x424: {  	v4 =	vld [tilespmem:s26+$0x80]  }
0x425: {  	v5 =	vld [tilespmem:s26+$0x90]  }
0x426: {  	v8 =	vld [tilespmem:s26+$0xF0]  }
0x427: {  	v7 =	vld [tilespmem:s26+$0xA0]  }
0x428: {  	v10 =	vld [tilespmem:s26+$0xB0]  }
0x429: {  	v12 =	vld [tilespmem:s26+$0xC0]  }
0x42a: {  	s25 =	simm.s32 $0x100;
	v13 =	vld [tilespmem:s26+$0xD0];
	v11 =	vand.u32 $0x7F, v4;
	v16 =	vsub.s32 v4, v1  }
0x42b: {  	v9 =	vld [tilespmem:s25+$0x80];
	v14 =	vand.u32 $0x7F, v5;
	v17 =	vsub.s32 v8, v1;
	v16 =	vand.u32 $0xFFFFFF80, v16  }
0x42c: {  	v6 =	vld [tilespmem:s25+$0x90];
	v18 =	vand.u32 $0x7F, v8;
	v11 =	vor.u32 v11, v16;
	v16 =	vand.u32 $0xFFFFFF80, v17  }
0x42d: {  	v19 =	vld [tilespmem:s26+$0xE0];
	v15 =	vand.u32 $0x7F, v7;
	v17 =	vsub.s32 v7, v1;
	v16 =	vor.u32 v18, v16  }
0x42e: {  	v4 =	vld [tilespmem:s25+$0xA0];
	v5 =	vsub.s32 v5, v1;
	v20 =	vand.u32 $0x7F, v10;
	v17 =	vand.u32 $0xFFFFFF80, v17  }
0x42f: {  	v8 =	vld [tilespmem:s25+$0xB0];
	v21 =	vand.u32 $0x7F, v13;
	v5 =	vand.u32 $0xFFFFFF80, v5;
	v17 =	vor.u32 v15, v17  }
0x430: {  	v13 =	vsub.s32 v13, v1;
	v7 =	vld [tilespmem:s25+$0xC0];
	v14 =	vor.u32 v14, v5;
	v18 =	vsub.s32 v10, v1  }
0x431: {  	v5 =	vld [tilespmem:s25+$0xD0];
	v15 =	vand.u32 $0xFFFFFF80, v18;
	v18 =	vand.u32 $0x7F, v12;
	v12 =	vsub.s32 v12, v1  }
0x432: {  	v20 =	vor.u32 v20, v15;
	v12 =	vand.u32 $0xFFFFFF80, v12;
	v15 =	vld.idx.msk [tilespmem:v16+s1+$0x0], $0xffff;
	v16 =	vsub.s32 v19, v1  }
0x433: {  	v22 =	vand.u32 $0xFFFFFF80, v13;
	v10 =	vld [tilespmem:s25+$0xF0];
	v23 =	vand.u32 $0xFFFFFF80, v16;
	v16 =	vor.u32 v18, v12  }
0x434: {  	v19 =	vand.u32 $0x7F, v19;
	v13 =	vld.idx.msk [tilespmem:v17+s1+$0x0], $0xffff;
	v17 =	vor.u32 v21, v22  }
0x435: {  	v11 =	vld.idx.msk [tilespmem:v11+s1+$0x0], $0xffff;
	v18 =	vor.u32 v19, v23  }
0x436: {  	v14 =	vld.idx.msk [tilespmem:v14+s1+$0x0], $0xffff  }
0x437: {  	s8 =	simm.s32 $0x800;
	v12 =	vld.idx.msk [tilespmem:v20+s1+$0x0], $0xffff  }
.LBB2_70:
0x438: {  	p0 =	sne.s32 s8, $0x1FC00;
	v16 =	vld.idx.msk [tilespmem:v16+s1+$0x0], $0xffff  }
0x439: {  	v17 =	vld.idx.msk [tilespmem:v17+s1+$0x0], $0xffff  }
0x43a: {  	s0 =	sshra.s32 s8, $0x2;
	v19 =	vand.u32 $0x7F, v9;
	v18 =	vld.idx.msk [tilespmem:v18+s1+$0x0], $0xffff;
	[tilespmem:s26+$0x80F0] =	vst v15  }
0x43b: {  	v20 =	vand.u32 $0x7F, v6;
	v21 =	vand.u32 $0x7F, v4;
	v22 =	vand.u32 $0x7F, v8;
	v15 =	vld [tilespmem:s0+$0x80];
	[tilespmem:s26+$0x8080] =	vst v11  }
0x43c: {  	v9 =	vsub.s32 v9, v1;
	v23 =	vand.u32 $0x7F, v7;
	v24 =	vand.u32 $0x7F, v5;
	v11 =	vld [tilespmem:s0+$0x90];
	[tilespmem:s26+$0x8090] =	vst v14  }
0x43d: {  	v25 =	vsub.s32 v10, v1;
	v10 =	vand.u32 $0x7F, v10;
	v9 =	vand.u32 $0xFFFFFF80, v9;
	v14 =	vld [tilespmem:s0+$0xA0];
	[tilespmem:s26+$0x80A0] =	vst v13  }
0x43e: {  	v6 =	vsub.s32 v6, v1;
	v27 =	vand.u32 $0xFFFFFF80, v25;
	v19 =	vor.u32 v19, v9;
	v13 =	vld [tilespmem:s25+$0xE0];
	[tilespmem:s26+$0x80B0] =	vst v12  }
0x43f: {  	v4 =	vsub.s32 v4, v1;
	v28 =	vand.u32 $0xFFFFFF80, v6;
	v25 =	vor.u32 v10, v27;
	v12 =	vld [tilespmem:s0+$0xB0];
	[tilespmem:s26+$0x80C0] =	vst v16  }
0x440: {  	v8 =	vsub.s32 v8, v1;
	v20 =	vor.u32 v20, v28;
	v16 =	vand.u32 $0xFFFFFF80, v4;
	v26 =	vld [tilespmem:s0+$0xC0];
	[tilespmem:s26+$0x80D0] =	vst v17;
	v9 =	vmovc v15  }
0x441: {  	v7 =	vsub.s32 v7, v1;
	v8 =	vand.u32 $0xFFFFFF80, v8;
	v21 =	vor.u32 v21, v16;
	v27 =	vld [tilespmem:s0+$0xD0];
	[tilespmem:s26+$0x80E0] =	vst v18;
	v6 =	vmovc v11;
	s26 =	smov.u32 s25;
	s25 =	smov.u32 s0  }
0x442: {  	v5 =	vsub.s32 v5, v1;
	v7 =	vand.u32 $0xFFFFFF80, v7;
	v22 =	vor.u32 v22, v8;
	v10 =	vld [tilespmem:s25+$0xF0];
	v4 =	vmovc v14  }
.Ltmp34:
0x443: {  	v5 =	vand.u32 $0xFFFFFF80, v5;
	v16 =	vor.u32 v23, v7;
	v14 =	vsub.s32 v13, v1;
	v11 =	vld.idx.msk [tilespmem:v19+s1+$0x0], $0xffff;
	(pc) =	sbr.rel @p0 .LBB2_70-.Ltmp34, $4  }
0x444: {  	v17 =	vor.u32 v24, v5;
	v13 =	vand.u32 $0x7F, v13;
	v19 =	vand.u32 $0xFFFFFF80, v14;
	v15 =	vld.idx.msk [tilespmem:v25+s1+$0x0], $0xffff;
	v8 =	vmovc v12  }
0x445: {  	v14 =	vld.idx.msk [tilespmem:v20+s1+$0x0], $0xffff;
	v18 =	vor.u32 v13, v19;
	v7 =	vmov v26  }
0x446: {  	v13 =	vld.idx.msk [tilespmem:v21+s1+$0x0], $0xffff;
	v5 =	vmov v27  }
0x447: {  	s8 =	sadd.s32 $0x400, s8;
	v12 =	vld.idx.msk [tilespmem:v22+s1+$0x0], $0xffff  }
0x448: {  	_ =	sdelay $0x3  }
0x449: {  	v16 =	vld.idx.msk [tilespmem:v16+s1+$0x0], $0xffff  }
0x44a: {  	v17 =	vld.idx.msk [tilespmem:v17+s1+$0x0], $0xffff  }
0x44b: {  	v18 =	vld.idx.msk [tilespmem:v18+s1+$0x0], $0xffff;
	v19 =	vand.u32 $0x7F, v9;
	[tilespmem:s26+$0x8080] =	vst v11  }
0x44c: {  	v53 =	vand.u32 $0x7F, v6;
	v20 =	vand.u32 $0x7F, v4;
	v21 =	vand.u32 $0x7F, v8;
	[tilespmem:s26+$0x80F0] =	vst v15  }
0x44d: {  	v54 =	vsub.s32 v9, v1;
	v55 =	vand.u32 $0x7F, v7;
	v22 =	vand.u32 $0x7F, v5;
	[tilespmem:s26+$0x8090] =	vst v14  }
0x44e: {  	v56 =	vsub.s32 v10, v1;
	v58 =	vsub.s32 v6, v1;
	v9 =	vand.u32 $0xFFFFFF80, v54;
	[tilespmem:s26+$0x80A0] =	vst v13  }
0x44f: {  	v57 =	vand.u32 $0x7F, v10;
	v6 =	vand.u32 $0xFFFFFF80, v58;
	v9 =	vor.u32 v19, v9;
	v13 =	vld [tilespmem:s25+$0xE0]  }
0x450: {  	v4 =	vsub.s32 v4, v1;
	v14 =	vand.u32 $0xFFFFFF80, v56;
	v6 =	vor.u32 v53, v6;
	[tilespmem:s26+$0x80B0] =	vst v12  }
0x451: {  	v59 =	vsub.s32 v8, v1;
	v4 =	vand.u32 $0xFFFFFF80, v4;
	v10 =	vor.u32 v57, v14;
	[tilespmem:s26+$0x80C0] =	vst v16  }
0x452: {  	v60 =	vsub.s32 v7, v1;
	v8 =	vand.u32 $0xFFFFFF80, v59;
	v4 =	vor.u32 v20, v4;
	[tilespmem:s26+$0x80D0] =	vst v17  }
0x453: {  	v5 =	vsub.s32 v5, v1;
	v7 =	vand.u32 $0xFFFFFF80, v60;
	v8 =	vor.u32 v21, v8;
	[tilespmem:s26+$0x80E0] =	vst v18  }
0x454: {  	v5 =	vand.u32 $0xFFFFFF80, v5;
	v7 =	vor.u32 v55, v7;
	v9 =	vld.idx.msk [tilespmem:v9+s1+$0x0], $0xffff;
	v61 =	vsub.s32 v13, v1  }
0x455: {  	v5 =	vor.u32 v22, v5;
	v6 =	vld.idx.msk [tilespmem:v6+s1+$0x0], $0xffff;
	v63 =	vand.u32 $0x7F, v13;
	v62 =	vand.u32 $0xFFFFFF80, v61  }
0x456: {  	v10 =	vld.idx.msk [tilespmem:v10+s1+$0x0], $0xffff;
	v11 =	vor.u32 v63, v62  }
0x457: {  	v4 =	vld.idx.msk [tilespmem:v4+s1+$0x0], $0xffff  }
0x458: {  	v8 =	vld.idx.msk [tilespmem:v8+s1+$0x0], $0xffff  }
0x459: {  	v7 =	vld.idx.msk [tilespmem:v7+s1+$0x0], $0xffff  }
0x45a: {  	v5 =	vld.idx.msk [tilespmem:v5+s1+$0x0], $0xffff  }
0x45b: {  	v11 =	vld.idx.msk [tilespmem:v11+s1+$0x0], $0xffff;
	[tilespmem:s25+$0x80F0] =	vst v10  }
0x45c: {  	[tilespmem:s25+$0x8080] =	vst v9  }
0x45d: {  	[tilespmem:s25+$0x8090] =	vst v6  }
0x45e: {  	[tilespmem:s25+$0x80A0] =	vst v4  }
0x45f: {  	[tilespmem:s25+$0x80B0] =	vst v8  }
0x460: {  	[tilespmem:s25+$0x80C0] =	vst v7  }
0x461: {  	[tilespmem:s25+$0x80D0] =	vst v5  }
0x462: {  	s8 =	simm.s32 $0x0;
	s10 =	simm.s32 $0x8080;
	s11 =	simm.s32 $0x0;
	[tilespmem:s25+$0x80E0] =	vst v11  }
.LBB2_72:
0x463: {  	p0 =	sne.s32 s11, $0x3F80  }
.Ltmp35:
0x464: {  	_ = 	snop;
	(pc) =	sbr.rel @p0 .LBB2_72-.Ltmp35, $4  }
0x465: {  	_ = 	snop  }
0x466: {  	s0 =	sadd.s32 s11, s21  }
0x467: {  	[hbm4b:s0+s8] =	stream.linear.scatter [tilespmem:s10], [sflag:$0x4], $0x80, $0x38;
	[tilespmem:$0x11F00] =	vst v63  }
0x468: {  	s11 =	sadd.s32 $0x80, s11;
	s10 =	sadd.s32 $0x100, s10  }
0x469: {  	s8 =	simm.s32 $0x80  }
0x46a: {  	s10 =	simm.s32 $0x80;
	s16 =	sadd.s32 $0x0, s13;
	s11 =	simm.s32 $0x180  }
.LBB2_74:
0x46b: {  	[tilespmem:s8], [sflag:$0x2] =	stream.linear.gather [hbm4b:s16+s2], $0x80, $0x38;
	[tilespmem:$0x11F00] =	vst v63  }
0x46c: {  	s0 =	smov.u32 s10;
	s8 =	smov.u32 s11;
	p0 =	sne.s32 s10, $0x3F80  }
.Ltmp36:
0x46d: {  	s10 =	sadd.s32 $0x80, s10;
	(pc) =	sbr.rel @p0 .LBB2_74-.Ltmp36, $2  }
0x46e: {  	_ =	sdelay $0x2  }
0x46f: {  	s11 =	sadd.s32 $0x100, s11;
	s16 =	sadd.s32 s0, s13  }
0x470: {  	[tilespmem:s8], [sflag:$0x2] =	stream.linear.gather [hbm4b:s16+s2], $0x80, $0x38;
	[tilespmem:$0x11F00] =	vst v63  }
0x471: {  	_ =	swait.ge [sflag:s28], $0x4000  }
0x472: {  	[sflag:s28] =	ssyncset.done $0x0  }
0x473: {  	[sflag:s28] =	ssyncadd.s32 $0xFFFFC000  }
0x474: {  	_ =	swait.ge [sflag:s31], $0x4000  }
0x475: {  	[sflag:s31] =	ssyncset.done $0x0  }
0x476: {  	s26 =	simm.s32 $0x0;
	[sflag:s31] =	ssyncadd.s32 $0xFFFFC000  }
0x477: {  	v4 =	vld [tilespmem:s26+$0x0]  }
0x478: {  	v5 =	vld [tilespmem:s26+$0x10]  }
0x479: {  	v8 =	vld [tilespmem:s26+$0x70]  }
0x47a: {  	v7 =	vld [tilespmem:s26+$0x20]  }
0x47b: {  	v10 =	vld [tilespmem:s26+$0x30]  }
0x47c: {  	v12 =	vld [tilespmem:s26+$0x40]  }
0x47d: {  	s25 =	simm.s32 $0x100;
	v13 =	vld [tilespmem:s26+$0x50];
	v11 =	vand.u32 $0x7F, v4;
	v16 =	vsub.s32 v4, v1  }
0x47e: {  	v9 =	vld [tilespmem:s25+$0x0];
	v14 =	vand.u32 $0x7F, v5;
	v17 =	vsub.s32 v8, v1;
	v16 =	vand.u32 $0xFFFFFF80, v16  }
0x47f: {  	v6 =	vld [tilespmem:s25+$0x10];
	v18 =	vand.u32 $0x7F, v8;
	v11 =	vor.u32 v11, v16;
	v16 =	vand.u32 $0xFFFFFF80, v17  }
0x480: {  	v19 =	vld [tilespmem:s26+$0x60];
	v15 =	vand.u32 $0x7F, v7;
	v17 =	vsub.s32 v7, v1;
	v16 =	vor.u32 v18, v16  }
0x481: {  	v4 =	vld [tilespmem:s25+$0x20];
	v5 =	vsub.s32 v5, v1;
	v20 =	vand.u32 $0x7F, v10;
	v17 =	vand.u32 $0xFFFFFF80, v17  }
0x482: {  	v8 =	vld [tilespmem:s25+$0x30];
	v21 =	vand.u32 $0x7F, v13;
	v5 =	vand.u32 $0xFFFFFF80, v5;
	v17 =	vor.u32 v15, v17  }
0x483: {  	v13 =	vsub.s32 v13, v1;
	v7 =	vld [tilespmem:s25+$0x40];
	v14 =	vor.u32 v14, v5;
	v18 =	vsub.s32 v10, v1  }
0x484: {  	v5 =	vld [tilespmem:s25+$0x50];
	v15 =	vand.u32 $0xFFFFFF80, v18;
	v18 =	vand.u32 $0x7F, v12;
	v12 =	vsub.s32 v12, v1  }
0x485: {  	v20 =	vor.u32 v20, v15;
	v12 =	vand.u32 $0xFFFFFF80, v12;
	v15 =	vld.idx.msk [tilespmem:v16+s1+$0x0], $0xffff;
	v16 =	vsub.s32 v19, v1  }
0x486: {  	v22 =	vand.u32 $0xFFFFFF80, v13;
	v10 =	vld [tilespmem:s25+$0x70];
	v23 =	vand.u32 $0xFFFFFF80, v16;
	v16 =	vor.u32 v18, v12  }
0x487: {  	v19 =	vand.u32 $0x7F, v19;
	v13 =	vld.idx.msk [tilespmem:v17+s1+$0x0], $0xffff;
	v17 =	vor.u32 v21, v22  }
0x488: {  	v11 =	vld.idx.msk [tilespmem:v11+s1+$0x0], $0xffff;
	v18 =	vor.u32 v19, v23  }
0x489: {  	v14 =	vld.idx.msk [tilespmem:v14+s1+$0x0], $0xffff  }
0x48a: {  	s8 =	simm.s32 $0x800;
	v12 =	vld.idx.msk [tilespmem:v20+s1+$0x0], $0xffff  }
.LBB2_76:
0x48b: {  	p0 =	sne.s32 s8, $0x1FC00;
	v16 =	vld.idx.msk [tilespmem:v16+s1+$0x0], $0xffff  }
0x48c: {  	v17 =	vld.idx.msk [tilespmem:v17+s1+$0x0], $0xffff  }
0x48d: {  	s0 =	sshra.s32 s8, $0x2;
	v19 =	vand.u32 $0x7F, v9;
	v18 =	vld.idx.msk [tilespmem:v18+s1+$0x0], $0xffff;
	[tilespmem:s26+$0x8070] =	vst v15  }
0x48e: {  	v20 =	vand.u32 $0x7F, v6;
	v21 =	vand.u32 $0x7F, v4;
	v22 =	vand.u32 $0x7F, v8;
	v15 =	vld [tilespmem:s0+$0x0];
	[tilespmem:s26+$0x8000] =	vst v11  }
0x48f: {  	v9 =	vsub.s32 v9, v1;
	v23 =	vand.u32 $0x7F, v7;
	v24 =	vand.u32 $0x7F, v5;
	v11 =	vld [tilespmem:s0+$0x10];
	[tilespmem:s26+$0x8010] =	vst v14  }
0x490: {  	v25 =	vsub.s32 v10, v1;
	v10 =	vand.u32 $0x7F, v10;
	v9 =	vand.u32 $0xFFFFFF80, v9;
	v14 =	vld [tilespmem:s0+$0x20];
	[tilespmem:s26+$0x8020] =	vst v13  }
0x491: {  	v6 =	vsub.s32 v6, v1;
	v27 =	vand.u32 $0xFFFFFF80, v25;
	v19 =	vor.u32 v19, v9;
	v13 =	vld [tilespmem:s25+$0x60];
	[tilespmem:s26+$0x8030] =	vst v12  }
0x492: {  	v4 =	vsub.s32 v4, v1;
	v28 =	vand.u32 $0xFFFFFF80, v6;
	v25 =	vor.u32 v10, v27;
	v12 =	vld [tilespmem:s0+$0x30];
	[tilespmem:s26+$0x8040] =	vst v16  }
0x493: {  	v8 =	vsub.s32 v8, v1;
	v20 =	vor.u32 v20, v28;
	v16 =	vand.u32 $0xFFFFFF80, v4;
	v26 =	vld [tilespmem:s0+$0x40];
	[tilespmem:s26+$0x8050] =	vst v17;
	v9 =	vmovc v15  }
0x494: {  	v7 =	vsub.s32 v7, v1;
	v8 =	vand.u32 $0xFFFFFF80, v8;
	v21 =	vor.u32 v21, v16;
	v27 =	vld [tilespmem:s0+$0x50];
	[tilespmem:s26+$0x8060] =	vst v18;
	v6 =	vmovc v11;
	s26 =	smov.u32 s25;
	s25 =	smov.u32 s0  }
0x495: {  	v5 =	vsub.s32 v5, v1;
	v7 =	vand.u32 $0xFFFFFF80, v7;
	v22 =	vor.u32 v22, v8;
	v10 =	vld [tilespmem:s25+$0x70];
	v4 =	vmovc v14  }
.Ltmp37:
0x496: {  	v5 =	vand.u32 $0xFFFFFF80, v5;
	v16 =	vor.u32 v23, v7;
	v14 =	vsub.s32 v13, v1;
	v11 =	vld.idx.msk [tilespmem:v19+s1+$0x0], $0xffff;
	(pc) =	sbr.rel @p0 .LBB2_76-.Ltmp37, $4  }
0x497: {  	v17 =	vor.u32 v24, v5;
	v13 =	vand.u32 $0x7F, v13;
	v19 =	vand.u32 $0xFFFFFF80, v14;
	v15 =	vld.idx.msk [tilespmem:v25+s1+$0x0], $0xffff;
	v8 =	vmovc v12  }
0x498: {  	v14 =	vld.idx.msk [tilespmem:v20+s1+$0x0], $0xffff;
	v18 =	vor.u32 v13, v19;
	v7 =	vmov v26  }
0x499: {  	v13 =	vld.idx.msk [tilespmem:v21+s1+$0x0], $0xffff;
	v5 =	vmov v27  }
0x49a: {  	s8 =	sadd.s32 $0x400, s8;
	v12 =	vld.idx.msk [tilespmem:v22+s1+$0x0], $0xffff  }
0x49b: {  	_ =	sdelay $0x3  }
0x49c: {  	v16 =	vld.idx.msk [tilespmem:v16+s1+$0x0], $0xffff  }
0x49d: {  	v17 =	vld.idx.msk [tilespmem:v17+s1+$0x0], $0xffff  }
0x49e: {  	v18 =	vld.idx.msk [tilespmem:v18+s1+$0x0], $0xffff;
	v19 =	vand.u32 $0x7F, v9;
	[tilespmem:s26+$0x8000] =	vst v11  }
0x49f: {  	v53 =	vand.u32 $0x7F, v6;
	v20 =	vand.u32 $0x7F, v4;
	v21 =	vand.u32 $0x7F, v8;
	[tilespmem:s26+$0x8070] =	vst v15  }
0x4a0: {  	v54 =	vsub.s32 v9, v1;
	v55 =	vand.u32 $0x7F, v7;
	v22 =	vand.u32 $0x7F, v5;
	[tilespmem:s26+$0x8010] =	vst v14  }
0x4a1: {  	v56 =	vsub.s32 v10, v1;
	v58 =	vsub.s32 v6, v1;
	v9 =	vand.u32 $0xFFFFFF80, v54;
	[tilespmem:s26+$0x8020] =	vst v13  }
0x4a2: {  	v57 =	vand.u32 $0x7F, v10;
	v6 =	vand.u32 $0xFFFFFF80, v58;
	v9 =	vor.u32 v19, v9;
	v13 =	vld [tilespmem:s25+$0x60]  }
0x4a3: {  	v4 =	vsub.s32 v4, v1;
	v14 =	vand.u32 $0xFFFFFF80, v56;
	v6 =	vor.u32 v53, v6;
	[tilespmem:s26+$0x8030] =	vst v12  }
0x4a4: {  	v59 =	vsub.s32 v8, v1;
	v4 =	vand.u32 $0xFFFFFF80, v4;
	v10 =	vor.u32 v57, v14;
	[tilespmem:s26+$0x8040] =	vst v16  }
0x4a5: {  	v60 =	vsub.s32 v7, v1;
	v8 =	vand.u32 $0xFFFFFF80, v59;
	v4 =	vor.u32 v20, v4;
	[tilespmem:s26+$0x8050] =	vst v17  }
0x4a6: {  	v5 =	vsub.s32 v5, v1;
	v7 =	vand.u32 $0xFFFFFF80, v60;
	v8 =	vor.u32 v21, v8;
	[tilespmem:s26+$0x8060] =	vst v18  }
0x4a7: {  	v5 =	vand.u32 $0xFFFFFF80, v5;
	v7 =	vor.u32 v55, v7;
	v9 =	vld.idx.msk [tilespmem:v9+s1+$0x0], $0xffff;
	v61 =	vsub.s32 v13, v1  }
0x4a8: {  	v5 =	vor.u32 v22, v5;
	v6 =	vld.idx.msk [tilespmem:v6+s1+$0x0], $0xffff;
	v63 =	vand.u32 $0x7F, v13;
	v62 =	vand.u32 $0xFFFFFF80, v61  }
0x4a9: {  	v10 =	vld.idx.msk [tilespmem:v10+s1+$0x0], $0xffff;
	v11 =	vor.u32 v63, v62  }
0x4aa: {  	v4 =	vld.idx.msk [tilespmem:v4+s1+$0x0], $0xffff  }
0x4ab: {  	v8 =	vld.idx.msk [tilespmem:v8+s1+$0x0], $0xffff  }
0x4ac: {  	v7 =	vld.idx.msk [tilespmem:v7+s1+$0x0], $0xffff  }
0x4ad: {  	v5 =	vld.idx.msk [tilespmem:v5+s1+$0x0], $0xffff  }
0x4ae: {  	v11 =	vld.idx.msk [tilespmem:v11+s1+$0x0], $0xffff;
	[tilespmem:s25+$0x8070] =	vst v10  }
0x4af: {  	[tilespmem:s25+$0x8000] =	vst v9  }
0x4b0: {  	[tilespmem:s25+$0x8010] =	vst v6  }
0x4b1: {  	[tilespmem:s25+$0x8020] =	vst v4  }
0x4b2: {  	[tilespmem:s25+$0x8030] =	vst v8  }
0x4b3: {  	[tilespmem:s25+$0x8040] =	vst v7  }
0x4b4: {  	s8 =	simm.s32 $0x8000;
	[tilespmem:s25+$0x8050] =	vst v5  }
0x4b5: {  	s10 =	simm.s32 $0x80;
	s16 =	sadd.s32 $0x0, s22;
	s11 =	simm.s32 $0x8100;
	[tilespmem:s25+$0x8060] =	vst v11  }
.LBB2_78:
0x4b6: {  	[hbm4b:s16+s2] =	stream.linear.scatter [tilespmem:s8], [sflag:$0x3], $0x80, $0x38;
	[tilespmem:$0x11F00] =	vst v63  }
0x4b7: {  	s0 =	smov.u32 s10;
	s8 =	smov.u32 s11;
	p0 =	sne.s32 s10, $0x3F80  }
.Ltmp38:
0x4b8: {  	s10 =	sadd.s32 $0x80, s10;
	(pc) =	sbr.rel @p0 .LBB2_78-.Ltmp38, $2  }
0x4b9: {  	_ =	sdelay $0x2  }
0x4ba: {  	s11 =	sadd.s32 $0x100, s11;
	s16 =	sadd.s32 s0, s22  }
0x4bb: {  	[hbm4b:s16+s2] =	stream.linear.scatter [tilespmem:s8], [sflag:$0x3], $0x80, $0x38;
	[tilespmem:$0x11F00] =	vst v63  }
0x4bc: {  	_ =	swait.ge [sflag:s30], $0x4000  }
0x4bd: {  	[sflag:s30] =	ssyncset.done $0x0  }
0x4be: {  	[sflag:s30] =	ssyncadd.s32 $0xFFFFC000  }
0x4bf: {  	_ =	swait.ge [sflag:s20], $0x4000  }
0x4c0: {  	[sflag:s20] =	ssyncset.done $0x0  }
0x4c1: {  	s26 =	simm.s32 $0x0;
	[sflag:s20] =	ssyncadd.s32 $0xFFFFC000  }
0x4c2: {  	v4 =	vld [tilespmem:s26+$0x80]  }
0x4c3: {  	v5 =	vld [tilespmem:s26+$0x90]  }
0x4c4: {  	v8 =	vld [tilespmem:s26+$0xF0]  }
0x4c5: {  	v7 =	vld [tilespmem:s26+$0xA0]  }
0x4c6: {  	v10 =	vld [tilespmem:s26+$0xB0]  }
0x4c7: {  	v12 =	vld [tilespmem:s26+$0xC0]  }
0x4c8: {  	s25 =	simm.s32 $0x100;
	v13 =	vld [tilespmem:s26+$0xD0];
	v11 =	vand.u32 $0x7F, v4;
	v16 =	vsub.s32 v4, v1  }
0x4c9: {  	v9 =	vld [tilespmem:s25+$0x80];
	v14 =	vand.u32 $0x7F, v5;
	v17 =	vsub.s32 v8, v1;
	v16 =	vand.u32 $0xFFFFFF80, v16  }
0x4ca: {  	v6 =	vld [tilespmem:s25+$0x90];
	v18 =	vand.u32 $0x7F, v8;
	v11 =	vor.u32 v11, v16;
	v16 =	vand.u32 $0xFFFFFF80, v17  }
0x4cb: {  	v19 =	vld [tilespmem:s26+$0xE0];
	v15 =	vand.u32 $0x7F, v7;
	v17 =	vsub.s32 v7, v1;
	v16 =	vor.u32 v18, v16  }
0x4cc: {  	v4 =	vld [tilespmem:s25+$0xA0];
	v5 =	vsub.s32 v5, v1;
	v20 =	vand.u32 $0x7F, v10;
	v17 =	vand.u32 $0xFFFFFF80, v17  }
0x4cd: {  	v8 =	vld [tilespmem:s25+$0xB0];
	v21 =	vand.u32 $0x7F, v13;
	v5 =	vand.u32 $0xFFFFFF80, v5;
	v17 =	vor.u32 v15, v17  }
0x4ce: {  	v13 =	vsub.s32 v13, v1;
	v7 =	vld [tilespmem:s25+$0xC0];
	v14 =	vor.u32 v14, v5;
	v18 =	vsub.s32 v10, v1  }
0x4cf: {  	v5 =	vld [tilespmem:s25+$0xD0];
	v15 =	vand.u32 $0xFFFFFF80, v18;
	v18 =	vand.u32 $0x7F, v12;
	v12 =	vsub.s32 v12, v1  }
0x4d0: {  	v20 =	vor.u32 v20, v15;
	v12 =	vand.u32 $0xFFFFFF80, v12;
	v15 =	vld.idx.msk [tilespmem:v16+s1+$0x0], $0xffff;
	v16 =	vsub.s32 v19, v1  }
0x4d1: {  	v22 =	vand.u32 $0xFFFFFF80, v13;
	v10 =	vld [tilespmem:s25+$0xF0];
	v23 =	vand.u32 $0xFFFFFF80, v16;
	v16 =	vor.u32 v18, v12  }
0x4d2: {  	v19 =	vand.u32 $0x7F, v19;
	v13 =	vld.idx.msk [tilespmem:v17+s1+$0x0], $0xffff;
	v17 =	vor.u32 v21, v22  }
0x4d3: {  	v11 =	vld.idx.msk [tilespmem:v11+s1+$0x0], $0xffff;
	v18 =	vor.u32 v19, v23  }
0x4d4: {  	v14 =	vld.idx.msk [tilespmem:v14+s1+$0x0], $0xffff  }
0x4d5: {  	s8 =	simm.s32 $0x800;
	v12 =	vld.idx.msk [tilespmem:v20+s1+$0x0], $0xffff  }
.LBB2_80:
0x4d6: {  	p0 =	sne.s32 s8, $0x1FC00;
	v16 =	vld.idx.msk [tilespmem:v16+s1+$0x0], $0xffff  }
0x4d7: {  	v17 =	vld.idx.msk [tilespmem:v17+s1+$0x0], $0xffff  }
0x4d8: {  	s0 =	sshra.s32 s8, $0x2;
	v19 =	vand.u32 $0x7F, v9;
	v18 =	vld.idx.msk [tilespmem:v18+s1+$0x0], $0xffff;
	[tilespmem:s26+$0x80F0] =	vst v15  }
0x4d9: {  	v20 =	vand.u32 $0x7F, v6;
	v21 =	vand.u32 $0x7F, v4;
	v22 =	vand.u32 $0x7F, v8;
	v15 =	vld [tilespmem:s0+$0x80];
	[tilespmem:s26+$0x8080] =	vst v11  }
0x4da: {  	v9 =	vsub.s32 v9, v1;
	v23 =	vand.u32 $0x7F, v7;
	v24 =	vand.u32 $0x7F, v5;
	v11 =	vld [tilespmem:s0+$0x90];
	[tilespmem:s26+$0x8090] =	vst v14  }
0x4db: {  	v25 =	vsub.s32 v10, v1;
	v10 =	vand.u32 $0x7F, v10;
	v9 =	vand.u32 $0xFFFFFF80, v9;
	v14 =	vld [tilespmem:s0+$0xA0];
	[tilespmem:s26+$0x80A0] =	vst v13  }
0x4dc: {  	v6 =	vsub.s32 v6, v1;
	v27 =	vand.u32 $0xFFFFFF80, v25;
	v19 =	vor.u32 v19, v9;
	v13 =	vld [tilespmem:s25+$0xE0];
	[tilespmem:s26+$0x80B0] =	vst v12  }
0x4dd: {  	v4 =	vsub.s32 v4, v1;
	v28 =	vand.u32 $0xFFFFFF80, v6;
	v25 =	vor.u32 v10, v27;
	v12 =	vld [tilespmem:s0+$0xB0];
	[tilespmem:s26+$0x80C0] =	vst v16  }
0x4de: {  	v8 =	vsub.s32 v8, v1;
	v20 =	vor.u32 v20, v28;
	v16 =	vand.u32 $0xFFFFFF80, v4;
	v26 =	vld [tilespmem:s0+$0xC0];
	[tilespmem:s26+$0x80D0] =	vst v17;
	v9 =	vmovc v15  }
0x4df: {  	v7 =	vsub.s32 v7, v1;
	v8 =	vand.u32 $0xFFFFFF80, v8;
	v21 =	vor.u32 v21, v16;
	v27 =	vld [tilespmem:s0+$0xD0];
	[tilespmem:s26+$0x80E0] =	vst v18;
	v6 =	vmovc v11;
	s26 =	smov.u32 s25;
	s25 =	smov.u32 s0  }
0x4e0: {  	v5 =	vsub.s32 v5, v1;
	v7 =	vand.u32 $0xFFFFFF80, v7;
	v22 =	vor.u32 v22, v8;
	v10 =	vld [tilespmem:s25+$0xF0];
	v4 =	vmovc v14  }
.Ltmp39:
0x4e1: {  	v5 =	vand.u32 $0xFFFFFF80, v5;
	v16 =	vor.u32 v23, v7;
	v14 =	vsub.s32 v13, v1;
	v11 =	vld.idx.msk [tilespmem:v19+s1+$0x0], $0xffff;
	(pc) =	sbr.rel @p0 .LBB2_80-.Ltmp39, $4  }
0x4e2: {  	v17 =	vor.u32 v24, v5;
	v13 =	vand.u32 $0x7F, v13;
	v19 =	vand.u32 $0xFFFFFF80, v14;
	v15 =	vld.idx.msk [tilespmem:v25+s1+$0x0], $0xffff;
	v8 =	vmovc v12  }
0x4e3: {  	v14 =	vld.idx.msk [tilespmem:v20+s1+$0x0], $0xffff;
	v18 =	vor.u32 v13, v19;
	v7 =	vmov v26  }
0x4e4: {  	v13 =	vld.idx.msk [tilespmem:v21+s1+$0x0], $0xffff;
	v5 =	vmov v27  }
0x4e5: {  	s8 =	sadd.s32 $0x400, s8;
	v12 =	vld.idx.msk [tilespmem:v22+s1+$0x0], $0xffff  }
0x4e6: {  	_ =	sdelay $0x3  }
0x4e7: {  	v16 =	vld.idx.msk [tilespmem:v16+s1+$0x0], $0xffff  }
0x4e8: {  	v17 =	vld.idx.msk [tilespmem:v17+s1+$0x0], $0xffff  }
0x4e9: {  	v18 =	vld.idx.msk [tilespmem:v18+s1+$0x0], $0xffff;
	v19 =	vand.u32 $0x7F, v9;
	[tilespmem:s26+$0x8080] =	vst v11  }
0x4ea: {  	v53 =	vand.u32 $0x7F, v6;
	v20 =	vand.u32 $0x7F, v4;
	v21 =	vand.u32 $0x7F, v8;
	[tilespmem:s26+$0x80F0] =	vst v15  }
0x4eb: {  	v54 =	vsub.s32 v9, v1;
	v55 =	vand.u32 $0x7F, v7;
	v22 =	vand.u32 $0x7F, v5;
	[tilespmem:s26+$0x8090] =	vst v14  }
0x4ec: {  	v56 =	vsub.s32 v10, v1;
	v58 =	vsub.s32 v6, v1;
	v9 =	vand.u32 $0xFFFFFF80, v54;
	[tilespmem:s26+$0x80A0] =	vst v13  }
0x4ed: {  	v57 =	vand.u32 $0x7F, v10;
	v6 =	vand.u32 $0xFFFFFF80, v58;
	v9 =	vor.u32 v19, v9;
	v13 =	vld [tilespmem:s25+$0xE0]  }
0x4ee: {  	v4 =	vsub.s32 v4, v1;
	v14 =	vand.u32 $0xFFFFFF80, v56;
	v6 =	vor.u32 v53, v6;
	[tilespmem:s26+$0x80B0] =	vst v12  }
0x4ef: {  	v59 =	vsub.s32 v8, v1;
	v4 =	vand.u32 $0xFFFFFF80, v4;
	v10 =	vor.u32 v57, v14;
	[tilespmem:s26+$0x80C0] =	vst v16  }
0x4f0: {  	v60 =	vsub.s32 v7, v1;
	v8 =	vand.u32 $0xFFFFFF80, v59;
	v4 =	vor.u32 v20, v4;
	[tilespmem:s26+$0x80D0] =	vst v17  }
0x4f1: {  	v5 =	vsub.s32 v5, v1;
	v7 =	vand.u32 $0xFFFFFF80, v60;
	v8 =	vor.u32 v21, v8;
	[tilespmem:s26+$0x80E0] =	vst v18  }
0x4f2: {  	v5 =	vand.u32 $0xFFFFFF80, v5;
	v7 =	vor.u32 v55, v7;
	v9 =	vld.idx.msk [tilespmem:v9+s1+$0x0], $0xffff;
	v61 =	vsub.s32 v13, v1  }
0x4f3: {  	v5 =	vor.u32 v22, v5;
	v6 =	vld.idx.msk [tilespmem:v6+s1+$0x0], $0xffff;
	v63 =	vand.u32 $0x7F, v13;
	v62 =	vand.u32 $0xFFFFFF80, v61  }
0x4f4: {  	v10 =	vld.idx.msk [tilespmem:v10+s1+$0x0], $0xffff;
	v11 =	vor.u32 v63, v62  }
0x4f5: {  	v4 =	vld.idx.msk [tilespmem:v4+s1+$0x0], $0xffff  }
0x4f6: {  	v8 =	vld.idx.msk [tilespmem:v8+s1+$0x0], $0xffff  }
0x4f7: {  	v7 =	vld.idx.msk [tilespmem:v7+s1+$0x0], $0xffff  }
0x4f8: {  	v5 =	vld.idx.msk [tilespmem:v5+s1+$0x0], $0xffff  }
0x4f9: {  	v11 =	vld.idx.msk [tilespmem:v11+s1+$0x0], $0xffff;
	[tilespmem:s25+$0x80F0] =	vst v10  }
0x4fa: {  	[tilespmem:s25+$0x8080] =	vst v9  }
0x4fb: {  	[tilespmem:s25+$0x8090] =	vst v6  }
0x4fc: {  	[tilespmem:s25+$0x80A0] =	vst v4  }
0x4fd: {  	[tilespmem:s25+$0x80B0] =	vst v8  }
0x4fe: {  	[tilespmem:s25+$0x80C0] =	vst v7  }
0x4ff: {  	s8 =	simm.s32 $0x8080;
	[tilespmem:s25+$0x80D0] =	vst v5  }
0x500: {  	s10 =	simm.s32 $0x80;
	s16 =	sadd.s32 $0x0, s23;
	s11 =	simm.s32 $0x8180;
	[tilespmem:s25+$0x80E0] =	vst v11  }
.LBB2_82:
0x501: {  	[hbm4b:s16+s2] =	stream.linear.scatter [tilespmem:s8], [sflag:$0x4], $0x80, $0x38;
	[tilespmem:$0x11F00] =	vst v63  }
0x502: {  	s0 =	smov.u32 s10;
	s8 =	smov.u32 s11;
	p0 =	sne.s32 s10, $0x3F80  }
.Ltmp40:
0x503: {  	s10 =	sadd.s32 $0x80, s10;
	(pc) =	sbr.rel @p0 .LBB2_82-.Ltmp40, $2  }
0x504: {  	_ =	sdelay $0x2  }
0x505: {  	s11 =	sadd.s32 $0x100, s11;
	s16 =	sadd.s32 s0, s23  }
0x506: {  	[hbm4b:s16+s2] =	stream.linear.scatter [tilespmem:s8], [sflag:$0x4], $0x80, $0x38;
	[tilespmem:$0x11F00] =	vst v63  }
0x507: {  	_ =	swait.ge [sflag:s31], $0x4000  }
0x508: {  	[sflag:s31] =	ssyncset.done $0x0  }
0x509: {  	[sflag:s31] =	ssyncadd.s32 $0xFFFFC000  }
0x50a: {  	_ =	swait.ge [sflag:s20], $0x4000  }
0x50b: {  	s31 =	rddreg [dreg:$0xb]  }
0x50c: {  	s0 =	rddreg [dreg:$0x9];
	s8 =	sadd.s32 $0x1, s31  }
0x50d: {  	p0 =	sne.s32 s8, s0  }
.Ltmp41:
0x50e: {  	_ = 	snop;
	(pc) =	sbr.rel @p0 .LBB2_1-.Ltmp41, $3  }
0x50f: {  	_ =	sdelay $0x1  }
0x510: {  	[sflag:s20] =	ssyncset.done $0x0  }
0x511: {  	[sflag:s20] =	ssyncadd.s32 $0xFFFFC000  }
0x512: {  	_ =	sfence.sel $0x180000  }
0x513: {  	[bflag:$0x0] =	sbarrier.arrive $0xFFFF  }
0x514: {  	_ =	strace $0x90000047  }
0x515: {  	s0 =	stileid.u32;
	[bflag:$0x2] =	sbarrier.arrive $0xFFFF  }
0x516: {  	p0 =	sne.s32 s0, $0x0;
	s0 =	rddreg [dreg:$0x5]  }
0x517: {  	s0 =	sadd.s32 @!p0 $0x100000, s0  }
0x518: {  	[sflag:s0] =	ssyncadd.tile.s32 @!p0 $0x1;
	_ =	shalt  }
.Lfunc_end2:
_tile_overlayer_lowered:
.L_overlay_start_2:
0x519: {  	(tag) =	ssettag $0x2  }
0x51a: {  	s0 =	rddreg [dreg:$0x0];
	s2 =	stileid.u32  }
0x51b: {  	s1 =	rddreg [dreg:$0x1];
	p0 =	sne.s32 s2, $0x0  }
0x51c: {  	s3 =	rddreg [dreg:$0x2];
	[bflag:$0x3] =	sbarrier.arrive $0xFFFF;
	s2 =	simm.s32 @!p0 $0x1C06  }
0x51d: {  	[timem:s3], [sflag:s2] =	dma.local @!p0 [hbm:s0], s1  }
0x51e: {  	s0 =	simm.s32 @!p0 $0x6  }
0x51f: {  	_ =	swait.ge @!p0 [sflag:s0], s1  }
0x520: {  	s1 =	ssub.s32 @!p0 $0x0, s1;
	[sflag:s0] =	ssyncset.done @!p0 $0x0  }
0x521: {  	[sflag:s0] =	ssyncadd.s32 @!p0 s1  }
0x522: {  	[bflag:$0x3] =	sbarrier.arrive $0xFFFF  }
0x523: {  	_ =	shalt  }

</sc_bundles>
